<compile_context>
chip_gen: v7x
topology: tpu7x:2x2x1
jax: 0.10.2.dev20260603
libtpu: 0.0.44.dev20260713+nightly
codegen_flags: <defaults>
</compile_context>

<pallas_src>
import jax
import jax.numpy as jnp
from jax import lax
from jax.experimental import pallas as pl
from jax.experimental.pallas import tpu as pltpu
from jax.experimental.pallas import tpu_sc as plsc

N, E, D, H, B, L, C = 10000, 320000, 128, 128, 32, 3, 6
NC, NS = 2, 16
NW = NC * NS
EPT = E // NW
CH = 80
NCHUNK = EPT // CH
NSEG = 5
CSEG = NCHUNK // NSEG
CP = 624
CPL = N - (NS - 1) * CP

_mesh = plsc.VectorSubcoreMesh(
    core_axis_name="c", subcore_axis_name="s", num_cores=NC, num_subcores=NS
)


def _zero_spmem(z2_hbm, agg_sh, s):
    @pl.when(s < NS - 1)
    def _():
        pltpu.sync_copy(z2_hbm.at[pl.ds(0, CP)], agg_sh.at[pl.ds(s * CP, CP)])
    @pl.when(s == NS - 1)
    def _():
        pltpu.sync_copy(z2_hbm, agg_sh.at[pl.ds((NS - 1) * CP, CPL)])


def _copy_out(agg_sh, agg_out, c, s):
    @pl.when(s < NS - 1)
    def _():
        pltpu.sync_copy(agg_sh.at[pl.ds(s * CP, CP)],
                        agg_out.at[c, pl.ds(s * CP, CP)])
    @pl.when(s == NS - 1)
    def _():
        pltpu.sync_copy(agg_sh.at[pl.ds((NS - 1) * CP, CPL)],
                        agg_out.at[c, pl.ds((NS - 1) * CP, CPL)])


def _sc_agg_body(h_hbm, src_hbm, dst_hbm, z2_hbm, agg_out,
                 sall, dall, r0, r1, r2, r3, agg_sh,
                 gs0, gs1, gs2, gs3, ss0, ss1, ss2, ss3):
    c = lax.axis_index("c")
    s = lax.axis_index("s")
    _zero_spmem(z2_hbm, agg_sh, s)
    wid = s * NC + c
    plsc.subcore_barrier()

    rbufs = (r0, r1, r2, r3)
    gss = (gs0, gs1, gs2, gs3)
    sss = (ss0, ss1, ss2, ss3)

    def gather(j, rbuf, sem):
        return pltpu.async_copy(h_hbm.at[sall.at[j]], rbuf, sem)

    def gwait(j, rbuf, sem):
        pltpu.make_async_copy(h_hbm.at[sall.at[j]], rbuf, sem).wait()

    def seg_loop(g, carry):
        pltpu.sync_copy(src_hbm.at[wid, g], sall)
        pltpu.sync_copy(dst_hbm.at[wid, g], dall)

        def quad(i, c2):
            j = 4 * i
            for k in range(4):
                gather(j + k, rbufs[k], gss[k])
            for k in range(4):
                gwait(j + k, rbufs[k], gss[k])
                pltpu.async_copy(
                    rbufs[k], agg_sh.at[dall.at[j + k]], sss[k], add=True)
            for k in range(4):
                pltpu.make_async_copy(
                    rbufs[k], agg_sh.at[dall.at[j + k]], sss[k]).wait()
            return c2

        lax.fori_loop(0, CSEG // 4, quad, 0)
        je = CSEG - 1
        gather(je, r0, gs0)
        gwait(je, r0, gs0)
        pltpu.sync_copy(r0, agg_sh.at[dall.at[je]], add=True)
        return carry

    lax.fori_loop(0, NSEG, seg_loop, 0)
    plsc.subcore_barrier()
    _copy_out(agg_sh, agg_out, c, s)


def _sc_deg_body(dst_hbm, ones_hbm, z2_hbm,
                 deg_out, dall, ones_v, agg_sh, ss0, ss1, ss2, ss3):
    c = lax.axis_index("c")
    s = lax.axis_index("s")
    _zero_spmem(z2_hbm, agg_sh, s)
    pltpu.sync_copy(ones_hbm, ones_v)
    wid = s * NC + c
    pltpu.sync_copy(dst_hbm.at[wid], dall)
    plsc.subcore_barrier()

    sss = (ss0, ss1, ss2, ss3)

    def quad(i, carry):
        j = 4 * i
        for k in range(4):
            pltpu.async_copy(ones_v, agg_sh.at[dall.at[j + k]],
                             sss[k], add=True)
        for k in range(4):
            pltpu.make_async_copy(ones_v, agg_sh.at[dall.at[j + k]],
                                  sss[k]).wait()
        return carry

    lax.fori_loop(0, NCHUNK // 4, quad, 0)
    pltpu.sync_copy(ones_v, agg_sh.at[dall.at[NCHUNK - 1]], add=True)
    plsc.subcore_barrier()
    _copy_out(agg_sh, deg_out, c, s)


_sc_agg = pl.kernel(
    _sc_agg_body,
    out_type=jax.ShapeDtypeStruct((NC, N, H), jnp.float32),
    mesh=_mesh,
    scratch_types=[
        pltpu.VMEM((CSEG, CH), jnp.int32),
        pltpu.VMEM((CSEG, CH), jnp.int32),
        pltpu.VMEM((CH, H), jnp.float32),
        pltpu.VMEM((CH, H), jnp.float32),
        pltpu.VMEM((CH, H), jnp.float32),
        pltpu.VMEM((CH, H), jnp.float32),
        pltpu.VMEM_SHARED((N, H), jnp.float32),
        pltpu.SemaphoreType.DMA,
        pltpu.SemaphoreType.DMA,
        pltpu.SemaphoreType.DMA,
        pltpu.SemaphoreType.DMA,
        pltpu.SemaphoreType.DMA,
        pltpu.SemaphoreType.DMA,
        pltpu.SemaphoreType.DMA,
        pltpu.SemaphoreType.DMA,
    ],
)

_sc_deg = pl.kernel(
    _sc_deg_body,
    out_type=jax.ShapeDtypeStruct((NC, N, H), jnp.float32),
    mesh=_mesh,
    scratch_types=[
        pltpu.VMEM((NCHUNK, CH), jnp.int32),
        pltpu.VMEM((CH, H), jnp.float32),
        pltpu.VMEM_SHARED((N, H), jnp.float32),
        pltpu.SemaphoreType.DMA,
        pltpu.SemaphoreType.DMA,
        pltpu.SemaphoreType.DMA,
        pltpu.SemaphoreType.DMA,
    ],
)



RB = 1000


def _proj_body(x_ref, w_ref, b_ref, o_ref):
    o_ref[...] = jnp.maximum(
        jnp.dot(x_ref[...], w_ref[...], preferred_element_type=jnp.float32)
        + b_ref[...], 0.0)


_proj = pl.pallas_call(
    _proj_body,
    grid=(N // RB,),
    in_specs=[
        pl.BlockSpec((RB, D), lambda i: (i, 0)),
        pl.BlockSpec((D, H), lambda i: (0, 0)),
        pl.BlockSpec((1, H), lambda i: (0, 0)),
    ],
    out_specs=pl.BlockSpec((RB, H), lambda i: (i, 0)),
    out_shape=jax.ShapeDtypeStruct((N, H), jnp.float32),
)


def _layer_body(p_ref, d_ref, h_ref, wl_ref, wr_ref, bb_ref, g_ref, be_ref,
                o_ref):
    p = p_ref[...]
    d = d_ref[...]
    deg = jnp.maximum(d[0, :, :1] + d[1, :, :1], 1.0)
    agg = (p[0] + p[1]) / deg
    hh = h_ref[...]
    y = (jnp.dot(agg, wl_ref[...], preferred_element_type=jnp.float32)
         + jnp.dot(hh, wr_ref[...], preferred_element_type=jnp.float32)
         + bb_ref[...])
    mu = jnp.mean(y, axis=-1, keepdims=True)
    var = jnp.mean((y - mu) ** 2, axis=-1, keepdims=True)
    y = (y - mu) / jnp.sqrt(var + 1e-5) * g_ref[...] + be_ref[...]
    y = jnp.where(y > 0, y, jnp.exp(jnp.minimum(y, 0.0)) - 1.0)
    o_ref[...] = y + hh


_layer = pl.pallas_call(
    _layer_body,
    grid=(N // RB,),
    in_specs=[
        pl.BlockSpec((NC, RB, H), lambda i: (0, i, 0)),
        pl.BlockSpec((NC, RB, H), lambda i: (0, i, 0)),
        pl.BlockSpec((RB, H), lambda i: (i, 0)),
        pl.BlockSpec((H, H), lambda i: (0, 0)),
        pl.BlockSpec((H, H), lambda i: (0, 0)),
        pl.BlockSpec((1, H), lambda i: (0, 0)),
        pl.BlockSpec((1, H), lambda i: (0, 0)),
        pl.BlockSpec((1, H), lambda i: (0, 0)),
    ],
    out_specs=pl.BlockSpec((RB, H), lambda i: (i, 0)),
    out_shape=jax.ShapeDtypeStruct((N, H), jnp.float32),
)


def _pool_body(h_ref, batch_ref, wg1_ref, bg1_ref, wg2_ref, bg2_ref,
               wc1_ref, bc1_ref, wc2_ref, bc2_ref, o_ref):
    h = h_ref[...]
    onehot = (batch_ref[...] ==
              lax.broadcasted_iota(jnp.int32, (1, B), 1)).astype(jnp.float32)
    g1 = jnp.maximum(
        jnp.dot(h, wg1_ref[...], preferred_element_type=jnp.float32)
        + bg1_ref[...], 0.0)
    gate = (jnp.dot(g1, wg2_ref[...], preferred_element_type=jnp.float32)
            + bg2_ref[...])
    m = jnp.max(jnp.where(onehot > 0, gate, -1e30), axis=0, keepdims=True)
    mb = jnp.sum(onehot * m, axis=1, keepdims=True)
    e = jnp.exp(gate - mb)
    dn = (((0,), (0,)), ((), ()))
    ssum = lax.dot_general(onehot, e, dn,
                           preferred_element_type=jnp.float32)
    pnum = lax.dot_general(onehot, e * h, dn,
                           preferred_element_type=jnp.float32)
    pooled = pnum / (ssum + 1e-16)
    z = jnp.maximum(
        jnp.dot(pooled, wc1_ref[...], preferred_element_type=jnp.float32)
        + bc1_ref[...], 0.0)
    o_ref[...] = (jnp.dot(z, wc2_ref[...], preferred_element_type=jnp.float32)
                  + bc2_ref[...])


_pool = pl.pallas_call(
    _pool_body,
    in_specs=[
        pl.BlockSpec((N, H), lambda: (0, 0)),
        pl.BlockSpec((N, 1), lambda: (0, 0)),
        pl.BlockSpec((H, H // 2), lambda: (0, 0)),
        pl.BlockSpec((1, H // 2), lambda: (0, 0)),
        pl.BlockSpec((H // 2, 1), lambda: (0, 0)),
        pl.BlockSpec((1, 1), lambda: (0, 0)),
        pl.BlockSpec((H, H // 2), lambda: (0, 0)),
        pl.BlockSpec((1, H // 2), lambda: (0, 0)),
        pl.BlockSpec((H // 2, C), lambda: (0, 0)),
        pl.BlockSpec((1, C), lambda: (0, 0)),
    ],
    out_specs=pl.BlockSpec((B, C), lambda: (0, 0)),
    out_shape=jax.ShapeDtypeStruct((B, C), jnp.float32),
)


def kernel(x, edge_index, batch, Wp, bp, Wl, bl, Wr, br, gamma, beta,
           Wg1, bg1, Wg2, bg2, Wc1, bc1, Wc2, bc2):
    src = edge_index[0].reshape(NW, NSEG, CSEG, CH)
    dst = edge_index[1].reshape(NW, NSEG, CSEG, CH)
    dst3 = edge_index[1].reshape(NW, NCHUNK, CH)
    z2 = jnp.zeros((CPL, H), jnp.float32)
    ones2 = jnp.ones((CH, H), jnp.float32)

    h = _proj(x, Wp, bp.reshape(1, H))
    deg = _sc_deg(dst3, ones2, z2)

    for l in range(L):
        parts = _sc_agg(h, src, dst, z2)
        bb = (bl[l] + br[l]).reshape(1, H)
        h = _layer(parts, deg, h, Wl[l], Wr[l], bb,
                   gamma[l].reshape(1, H), beta[l].reshape(1, H))

    return _pool(h, batch.reshape(N, 1), Wg1, bg1.reshape(1, H // 2),
                 Wg2, bg2.reshape(1, 1), Wc1, bc1.reshape(1, H // 2),
                 Wc2, bc2.reshape(1, C))

# --- scband reference (transcript-rebuilt; emitter-appended) ---
"""Pipeline reference for scband-graph-sagemodel-39676907888759 (READ-ONLY COPY).

The authoritative reference and input builder live on the scoring server;
editing this copy changes nothing except your own understanding.
"""

import jax, jax.numpy as jnp
import numpy as np

N, E, D, H, B, L, C = 10000, 320000, 128, 128, 32, 3, 6


def setup_inputs(seed: int = 0) -> dict:
    key = jax.random.key(seed)
    ks = jax.random.split(key, 16)
    s = 1.0 / np.sqrt(H)
    inp = dict(
        x=jax.random.normal(ks[0], (N, D), jnp.float32),
        edge_index=jax.random.randint(ks[1], (2, E), 0, N, jnp.int32),
        batch=jnp.sort(jax.random.randint(ks[2], (N,), 0, B, jnp.int32)),
        Wp=jax.random.normal(ks[3], (D, H), jnp.float32) * (1.0 / np.sqrt(D)),
        bp=jnp.zeros((H,), jnp.float32),
        Wl=jax.random.normal(ks[4], (L, H, H), jnp.float32) * s,
        bl=jnp.zeros((L, H), jnp.float32),
        Wr=jax.random.normal(ks[5], (L, H, H), jnp.float32) * s,
        br=jnp.zeros((L, H), jnp.float32),
        gamma=jnp.ones((L, H), jnp.float32),
        beta=jnp.zeros((L, H), jnp.float32),
        Wg1=jax.random.normal(ks[6], (H, H // 2), jnp.float32) * s,
        bg1=jnp.zeros((H // 2,), jnp.float32),
        Wg2=jax.random.normal(ks[7], (H // 2, 1), jnp.float32) * (1.0 / np.sqrt(H // 2)),
        bg2=jnp.zeros((1,), jnp.float32),
        Wc1=jax.random.normal(ks[8], (H, H // 2), jnp.float32) * s,
        bc1=jnp.zeros((H // 2,), jnp.float32),
        Wc2=jax.random.normal(ks[9], (H // 2, C), jnp.float32) * (1.0 / np.sqrt(H // 2)),
        bc2=jnp.zeros((C,), jnp.float32),
    )
    return inp


def _layernorm(x, g, b, eps=1e-5):
    mu = x.mean(-1, keepdims=True)
    var = ((x - mu) ** 2).mean(-1, keepdims=True)
    return (x - mu) / jnp.sqrt(var + eps) * g + b


def reference(x, edge_index, batch, Wp, bp, Wl, bl, Wr, br, gamma, beta,
              Wg1, bg1, Wg2, bg2, Wc1, bc1, Wc2, bc2):
    src, dst = edge_index[0], edge_index[1]
    h = jax.nn.relu(x @ Wp + bp)
    for l in range(L):
        r = h
        # SAGEConv (mean aggregation): lin_l(mean_{j->i} x_j) + lin_r(x_i)
        agg = jax.ops.segment_sum(h[src], dst, num_segments=N)
        deg = jax.ops.segment_sum(jnp.ones((E,), h.dtype), dst, num_segments=N)
        agg = agg / jnp.clip(deg, 1.0)[:, None]
        h = agg @ Wl[l] + bl[l] + h @ Wr[l] + br[l]
        h = _layernorm(h, gamma[l], beta[l])
        h = jax.nn.elu(h)
        # dropout inactive in eval mode
        h = h + r
    # GlobalAttention pooling: softmax(gate_nn(h)) per graph segment
    gate = (jax.nn.relu(h @ Wg1 + bg1) @ Wg2 + bg2)[:, 0]
    m = jax.ops.segment_max(gate, batch, num_segments=B)
    e = jnp.exp(gate - m[batch])
    ssum = jax.ops.segment_sum(e, batch, num_segments=B)
    alpha = e / (ssum[batch] + 1e-16)
    pooled = jax.ops.segment_sum(alpha[:, None] * h, batch, num_segments=B)
    out = jax.nn.relu(pooled @ Wc1 + bc1) @ Wc2 + bc2
    return out

if __name__ == "__main__":
    import jax
    _d = setup_inputs()
    print(jax.jit(kernel)(*tuple(_d.values())))

</pallas_src>

<mosaic_0001>
#map = affine_map<(d0, d1) -> (0, 0)>
#map1 = affine_map<(d0, d1) -> (0, 0, 0, 0)>
#map2 = affine_map<(d0, d1) -> (0, 0, 0)>
module attributes {stable_mosaic.version = 14 : i64} {
  func.func @_sc_agg_body(%arg0: i32, %arg1: i32, %arg2: memref<10000x128xf32, #tpu.memory_space<hbm>>, %arg3: memref<32x5x25x80xi32, #tpu.memory_space<hbm>>, %arg4: memref<32x5x25x80xi32, #tpu.memory_space<hbm>>, %arg5: memref<640x128xf32, #tpu.memory_space<hbm>>, %arg6: memref<2x10000x128xf32, #tpu.memory_space<hbm>>, %arg7: memref<25x80xi32, #tpu.memory_space<vmem>>, %arg8: memref<25x80xi32, #tpu.memory_space<vmem>>, %arg9: memref<80x128xf32, #tpu.memory_space<vmem>>, %arg10: memref<80x128xf32, #tpu.memory_space<vmem>>, %arg11: memref<80x128xf32, #tpu.memory_space<vmem>>, %arg12: memref<80x128xf32, #tpu.memory_space<vmem>>, %arg13: memref<10000x128xf32, #tpu.memory_space<vmem_shared>>, %arg14: memref<!tpu.dma_semaphore, #tpu.memory_space<semaphore_mem>>, %arg15: memref<!tpu.dma_semaphore, #tpu.memory_space<semaphore_mem>>, %arg16: memref<!tpu.dma_semaphore, #tpu.memory_space<semaphore_mem>>, %arg17: memref<!tpu.dma_semaphore, #tpu.memory_space<semaphore_mem>>, %arg18: memref<!tpu.dma_semaphore, #tpu.memory_space<semaphore_mem>>, %arg19: memref<!tpu.dma_semaphore, #tpu.memory_space<semaphore_mem>>, %arg20: memref<!tpu.dma_semaphore, #tpu.memory_space<semaphore_mem>>, %arg21: memref<!tpu.dma_semaphore, #tpu.memory_space<semaphore_mem>>) attributes {dimension_semantics = [#tpu.dimension_semantics<core_parallel>, #tpu.dimension_semantics<subcore_parallel>], iteration_bounds = array<i64: 2, 16>, scalar_prefetch = 0 : i64, scratch_operands = 15 : i64, tpu.core_type = #tpu.core_type<sc_vector_subcore>, window_params = [{transform_indices = #map}, {transform_indices = #map1}, {transform_indices = #map1}, {transform_indices = #map}, {transform_indices = #map2}]} {
    %lt3A = arith.constant 15 : i32
    %lt3A_0 = arith.cmpi slt, %arg1, %lt3A : i32
    %convert_element_type3A = arith.extui %lt3A_0 : i1 to i32
    %cond3A = arith.constant 0 : i32
    %cond3A_1 = arith.cmpi ne, %convert_element_type3A, %cond3A : i32
    scf.if %cond3A_1 {
      %mul3A_23 = arith.constant 624 : i32
      %mul3A_24 = arith.muli %arg1, %mul3A_23 : i32
      "tpu.region"() ({
        %run_scoped3A = tpu.sem_alloc : memref<!tpu.dma_semaphore, #tpu.memory_space<semaphore_mem>>
        %dma_start3A = arith.constant 0 : i32
        %dma_start3A_25 = tpu.memref_slice %arg13[%mul3A_24, %dma_start3A] : memref<10000x128xf32, #tpu.memory_space<vmem_shared>> -> memref<624x128xf32, #tpu.memory_space<vmem_shared>>
        %dma_start3A_26 = arith.constant 0 : i32
        %dma_start3A_27 = arith.constant 0 : i32
        %dma_start3A_28 = tpu.memref_slice %arg5[%dma_start3A_26, %dma_start3A_27] : memref<640x128xf32, #tpu.memory_space<hbm>> -> memref<624x128xf32, #tpu.memory_space<hbm>>
        tpu.enqueue_dma source(%dma_start3A_28 : memref<624x128xf32, #tpu.memory_space<hbm>>) target(%dma_start3A_25 : memref<624x128xf32, #tpu.memory_space<vmem_shared>>) target_semaphore(%run_scoped3A : memref<!tpu.dma_semaphore, #tpu.memory_space<semaphore_mem>>)
        %dma_wait3A = arith.constant 0 : i32
        %dma_wait3A_29 = tpu.memref_slice %arg13[%mul3A_24, %dma_wait3A] : memref<10000x128xf32, #tpu.memory_space<vmem_shared>> -> memref<624x128xf32, #tpu.memory_space<vmem_shared>>
        %dma_wait3A_30 = arith.constant 0 : i32
        %dma_wait3A_31 = arith.constant 0 : i32
        %dma_wait3A_32 = tpu.memref_slice %arg5[%dma_wait3A_30, %dma_wait3A_31] : memref<640x128xf32, #tpu.memory_space<hbm>> -> memref<624x128xf32, #tpu.memory_space<hbm>>
        tpu.wait_dma2 semaphore(%run_scoped3A : memref<!tpu.dma_semaphore, #tpu.memory_space<semaphore_mem>>) src(%dma_wait3A_32 : memref<624x128xf32, #tpu.memory_space<hbm>>) dst(%dma_wait3A_29 : memref<624x128xf32, #tpu.memory_space<vmem_shared>>)
        tpu.yield
      }) : () -> ()
    } else {
    }
    %eq3A = arith.constant 15 : i32
    %eq3A_2 = arith.cmpi eq, %arg1, %eq3A : i32
    %convert_element_type3A_3 = arith.extui %eq3A_2 : i1 to i32
    %cond3A_4 = arith.constant 0 : i32
    %cond3A_5 = arith.cmpi ne, %convert_element_type3A_3, %cond3A_4 : i32
    scf.if %cond3A_5 {
      "tpu.region"() ({
        %run_scoped3A = tpu.sem_alloc : memref<!tpu.dma_semaphore, #tpu.memory_space<semaphore_mem>>
        %dma_start3A = arith.constant 9360 : i32
        %dma_start3A_23 = arith.constant 0 : i32
        %dma_start3A_24 = tpu.memref_slice %arg13[%dma_start3A, %dma_start3A_23] : memref<10000x128xf32, #tpu.memory_space<vmem_shared>> -> memref<640x128xf32, #tpu.memory_space<vmem_shared>>
        tpu.enqueue_dma source(%arg5 : memref<640x128xf32, #tpu.memory_space<hbm>>) target(%dma_start3A_24 : memref<640x128xf32, #tpu.memory_space<vmem_shared>>) target_semaphore(%run_scoped3A : memref<!tpu.dma_semaphore, #tpu.memory_space<semaphore_mem>>)
        %dma_wait3A = arith.constant 9360 : i32
        %dma_wait3A_25 = arith.constant 0 : i32
        %dma_wait3A_26 = tpu.memref_slice %arg13[%dma_wait3A, %dma_wait3A_25] : memref<10000x128xf32, #tpu.memory_space<vmem_shared>> -> memref<640x128xf32, #tpu.memory_space<vmem_shared>>
        tpu.wait_dma2 semaphore(%run_scoped3A : memref<!tpu.dma_semaphore, #tpu.memory_space<semaphore_mem>>) src(%arg5 : memref<640x128xf32, #tpu.memory_space<hbm>>) dst(%dma_wait3A_26 : memref<640x128xf32, #tpu.memory_space<vmem_shared>>)
        tpu.yield
      }) : () -> ()
    } else {
    }
    %mul3A = arith.constant 2 : i32
    %mul3A_6 = arith.muli %arg1, %mul3A : i32
    %add3A = arith.addi %mul3A_6, %arg0 : i32
    %barrier3A = arith.constant 0 : index
    tpu.barrier barrier_id(%barrier3A)
    %scan3A = arith.constant 0 : i32
    %scan3A_7 = arith.constant 0 : i32
    %scan3A_8 = arith.constant 5 : i32
    %scan3A_9 = arith.addi %scan3A_7, %scan3A_8 : i32
    %scan3A_10 = arith.constant 1 : i32
    scf.for %scan3A_23 = %scan3A_7 to %scan3A_9 step %scan3A_10  : i32 {
      "tpu.region"() ({
        %run_scoped3A_42 = tpu.sem_alloc : memref<!tpu.dma_semaphore, #tpu.memory_space<semaphore_mem>>
        %dma_start3A_43 = arith.constant 0 : i32
        %dma_start3A_44 = arith.constant 0 : i32
        %dma_start3A_45 = tpu.memref_slice %arg3[%add3A, %scan3A_23, %dma_start3A_43, %dma_start3A_44] : memref<32x5x25x80xi32, #tpu.memory_space<hbm>> -> memref<1x1x25x80xi32, #tpu.memory_space<hbm>>
        %dma_start3A_46 = tpu.memref_squeeze %dma_start3A_45 : memref<1x1x25x80xi32, #tpu.memory_space<hbm>> -> memref<25x80xi32, #tpu.memory_space<hbm>>
        %dma_start3A_47 = arith.constant 0 : i32
        %dma_start3A_48 = arith.constant 0 : i32
        %dma_start3A_49 = tpu.memref_slice %arg3[%add3A, %scan3A_23, %dma_start3A_47, %dma_start3A_48] : memref<32x5x25x80xi32, #tpu.memory_space<hbm>> -> memref<1x1x25x80xi32, #tpu.memory_space<hbm>>
        %dma_start3A_50 = tpu.memref_squeeze %dma_start3A_49 : memref<1x1x25x80xi32, #tpu.memory_space<hbm>> -> memref<25x80xi32, #tpu.memory_space<hbm>>
        tpu.enqueue_dma source(%dma_start3A_50 : memref<25x80xi32, #tpu.memory_space<hbm>>) target(%arg7 : memref<25x80xi32, #tpu.memory_space<vmem>>) target_semaphore(%run_scoped3A_42 : memref<!tpu.dma_semaphore, #tpu.memory_space<semaphore_mem>>)
        %dma_wait3A_51 = arith.constant 0 : i32
        %dma_wait3A_52 = arith.constant 0 : i32
        %dma_wait3A_53 = tpu.memref_slice %arg3[%add3A, %scan3A_23, %dma_wait3A_51, %dma_wait3A_52] : memref<32x5x25x80xi32, #tpu.memory_space<hbm>> -> memref<1x1x25x80xi32, #tpu.memory_space<hbm>>
        %dma_wait3A_54 = tpu.memref_squeeze %dma_wait3A_53 : memref<1x1x25x80xi32, #tpu.memory_space<hbm>> -> memref<25x80xi32, #tpu.memory_space<hbm>>
        %dma_wait3A_55 = arith.constant 0 : i32
        %dma_wait3A_56 = arith.constant 0 : i32
        %dma_wait3A_57 = tpu.memref_slice %arg3[%add3A, %scan3A_23, %dma_wait3A_55, %dma_wait3A_56] : memref<32x5x25x80xi32, #tpu.memory_space<hbm>> -> memref<1x1x25x80xi32, #tpu.memory_space<hbm>>
        %dma_wait3A_58 = tpu.memref_squeeze %dma_wait3A_57 : memref<1x1x25x80xi32, #tpu.memory_space<hbm>> -> memref<25x80xi32, #tpu.memory_space<hbm>>
        tpu.wait_dma2 semaphore(%run_scoped3A_42 : memref<!tpu.dma_semaphore, #tpu.memory_space<semaphore_mem>>) src(%dma_wait3A_58 : memref<25x80xi32, #tpu.memory_space<hbm>>) dst(%arg7 : memref<25x80xi32, #tpu.memory_space<vmem>>)
        tpu.yield
      }) : () -> ()
      "tpu.region"() ({
        %run_scoped3A_42 = tpu.sem_alloc : memref<!tpu.dma_semaphore, #tpu.memory_space<semaphore_mem>>
        %dma_start3A_43 = arith.constant 0 : i32
        %dma_start3A_44 = arith.constant 0 : i32
        %dma_start3A_45 = tpu.memref_slice %arg4[%add3A, %scan3A_23, %dma_start3A_43, %dma_start3A_44] : memref<32x5x25x80xi32, #tpu.memory_space<hbm>> -> memref<1x1x25x80xi32, #tpu.memory_space<hbm>>
        %dma_start3A_46 = tpu.memref_squeeze %dma_start3A_45 : memref<1x1x25x80xi32, #tpu.memory_space<hbm>> -> memref<25x80xi32, #tpu.memory_space<hbm>>
        %dma_start3A_47 = arith.constant 0 : i32
        %dma_start3A_48 = arith.constant 0 : i32
        %dma_start3A_49 = tpu.memref_slice %arg4[%add3A, %scan3A_23, %dma_start3A_47, %dma_start3A_48] : memref<32x5x25x80xi32, #tpu.memory_space<hbm>> -> memref<1x1x25x80xi32, #tpu.memory_space<hbm>>
        %dma_start3A_50 = tpu.memref_squeeze %dma_start3A_49 : memref<1x1x25x80xi32, #tpu.memory_space<hbm>> -> memref<25x80xi32, #tpu.memory_space<hbm>>
        tpu.enqueue_dma source(%dma_start3A_50 : memref<25x80xi32, #tpu.memory_space<hbm>>) target(%arg8 : memref<25x80xi32, #tpu.memory_space<vmem>>) target_semaphore(%run_scoped3A_42 : memref<!tpu.dma_semaphore, #tpu.memory_space<semaphore_mem>>)
        %dma_wait3A_51 = arith.constant 0 : i32
        %dma_wait3A_52 = arith.constant 0 : i32
        %dma_wait3A_53 = tpu.memref_slice %arg4[%add3A, %scan3A_23, %dma_wait3A_51, %dma_wait3A_52] : memref<32x5x25x80xi32, #tpu.memory_space<hbm>> -> memref<1x1x25x80xi32, #tpu.memory_space<hbm>>
        %dma_wait3A_54 = tpu.memref_squeeze %dma_wait3A_53 : memref<1x1x25x80xi32, #tpu.memory_space<hbm>> -> memref<25x80xi32, #tpu.memory_space<hbm>>
        %dma_wait3A_55 = arith.constant 0 : i32
        %dma_wait3A_56 = arith.constant 0 : i32
        %dma_wait3A_57 = tpu.memref_slice %arg4[%add3A, %scan3A_23, %dma_wait3A_55, %dma_wait3A_56] : memref<32x5x25x80xi32, #tpu.memory_space<hbm>> -> memref<1x1x25x80xi32, #tpu.memory_space<hbm>>
        %dma_wait3A_58 = tpu.memref_squeeze %dma_wait3A_57 : memref<1x1x25x80xi32, #tpu.memory_space<hbm>> -> memref<25x80xi32, #tpu.memory_space<hbm>>
        tpu.wait_dma2 semaphore(%run_scoped3A_42 : memref<!tpu.dma_semaphore, #tpu.memory_space<semaphore_mem>>) src(%dma_wait3A_58 : memref<25x80xi32, #tpu.memory_space<hbm>>) dst(%arg8 : memref<25x80xi32, #tpu.memory_space<vmem>>)
        tpu.yield
      }) : () -> ()
      %scan3A_24 = arith.constant 0 : i32
      %scan3A_25 = arith.constant 0 : i32
      %scan3A_26 = arith.constant 6 : i32
      %scan3A_27 = arith.addi %scan3A_25, %scan3A_26 : i32
      %scan3A_28 = arith.constant 1 : i32
      scf.for %scan3A_42 = %scan3A_25 to %scan3A_27 step %scan3A_28  : i32 {
        %mul3A_43 = arith.constant 4 : i32
        %mul3A_44 = arith.muli %mul3A_43, %scan3A_42 : i32
        %add3A_45 = arith.constant 0 : i32
        %add3A_46 = arith.addi %mul3A_44, %add3A_45 : i32
        %dma_start3A_47 = arith.constant 0 : i32
        %dma_start3A_48 = tpu.memref_slice %arg7[%add3A_46, %dma_start3A_47] : memref<25x80xi32, #tpu.memory_space<vmem>> -> memref<1x80xi32, #tpu.memory_space<vmem>>
        %dma_start3A_49 = tpu.memref_squeeze %dma_start3A_48 : memref<1x80xi32, #tpu.memory_space<vmem>> -> memref<80xi32, #tpu.memory_space<vmem>>
        %dma_start3A_50 = arith.constant 0 : i32
        %dma_start3A_51 = arith.constant 0 : i32
        %dma_start3A_52 = tpu.memref_slice %arg2[%dma_start3A_50, %dma_start3A_51] : memref<10000x128xf32, #tpu.memory_space<hbm>> -> memref<10000x128xf32, #tpu.memory_space<hbm>>
        tpu.enqueue_indirect_dma source(%dma_start3A_52 : memref<10000x128xf32, #tpu.memory_space<hbm>>) target(%arg9 : memref<80x128xf32, #tpu.memory_space<vmem>>) offsets(%dma_start3A_49 : memref<80xi32, #tpu.memory_space<vmem>>) semaphore(%arg14 : memref<!tpu.dma_semaphore, #tpu.memory_space<semaphore_mem>>)
        %add3A_53 = arith.constant 1 : i32
        %add3A_54 = arith.addi %mul3A_44, %add3A_53 : i32
        %dma_start3A_55 = arith.constant 0 : i32
        %dma_start3A_56 = tpu.memref_slice %arg7[%add3A_54, %dma_start3A_55] : memref<25x80xi32, #tpu.memory_space<vmem>> -> memref<1x80xi32, #tpu.memory_space<vmem>>
        %dma_start3A_57 = tpu.memref_squeeze %dma_start3A_56 : memref<1x80xi32, #tpu.memory_space<vmem>> -> memref<80xi32, #tpu.memory_space<vmem>>
        %dma_start3A_58 = arith.constant 0 : i32
        %dma_start3A_59 = arith.constant 0 : i32
        %dma_start3A_60 = tpu.memref_slice %arg2[%dma_start3A_58, %dma_start3A_59] : memref<10000x128xf32, #tpu.memory_space<hbm>> -> memref<10000x128xf32, #tpu.memory_space<hbm>>
        tpu.enqueue_indirect_dma source(%dma_start3A_60 : memref<10000x128xf32, #tpu.memory_space<hbm>>) target(%arg10 : memref<80x128xf32, #tpu.memory_space<vmem>>) offsets(%dma_start3A_57 : memref<80xi32, #tpu.memory_space<vmem>>) semaphore(%arg15 : memref<!tpu.dma_semaphore, #tpu.memory_space<semaphore_mem>>)
        %add3A_61 = arith.constant 2 : i32
        %add3A_62 = arith.addi %mul3A_44, %add3A_61 : i32
        %dma_start3A_63 = arith.constant 0 : i32
        %dma_start3A_64 = tpu.memref_slice %arg7[%add3A_62, %dma_start3A_63] : memref<25x80xi32, #tpu.memory_space<vmem>> -> memref<1x80xi32, #tpu.memory_space<vmem>>
        %dma_start3A_65 = tpu.memref_squeeze %dma_start3A_64 : memref<1x80xi32, #tpu.memory_space<vmem>> -> memref<80xi32, #tpu.memory_space<vmem>>
        %dma_start3A_66 = arith.constant 0 : i32
        %dma_start3A_67 = arith.constant 0 : i32
        %dma_start3A_68 = tpu.memref_slice %arg2[%dma_start3A_66, %dma_start3A_67] : memref<10000x128xf32, #tpu.memory_space<hbm>> -> memref<10000x128xf32, #tpu.memory_space<hbm>>
        tpu.enqueue_indirect_dma source(%dma_start3A_68 : memref<10000x128xf32, #tpu.memory_space<hbm>>) target(%arg11 : memref<80x128xf32, #tpu.memory_space<vmem>>) offsets(%dma_start3A_65 : memref<80xi32, #tpu.memory_space<vmem>>) semaphore(%arg16 : memref<!tpu.dma_semaphore, #tpu.memory_space<semaphore_mem>>)
        %add3A_69 = arith.constant 3 : i32
        %add3A_70 = arith.addi %mul3A_44, %add3A_69 : i32
        %dma_start3A_71 = arith.constant 0 : i32
        %dma_start3A_72 = tpu.memref_slice %arg7[%add3A_70, %dma_start3A_71] : memref<25x80xi32, #tpu.memory_space<vmem>> -> memref<1x80xi32, #tpu.memory_space<vmem>>
        %dma_start3A_73 = tpu.memref_squeeze %dma_start3A_72 : memref<1x80xi32, #tpu.memory_space<vmem>> -> memref<80xi32, #tpu.memory_space<vmem>>
        %dma_start3A_74 = arith.constant 0 : i32
        %dma_start3A_75 = arith.constant 0 : i32
        %dma_start3A_76 = tpu.memref_slice %arg2[%dma_start3A_74, %dma_start3A_75] : memref<10000x128xf32, #tpu.memory_space<hbm>> -> memref<10000x128xf32, #tpu.memory_space<hbm>>
        tpu.enqueue_indirect_dma source(%dma_start3A_76 : memref<10000x128xf32, #tpu.memory_space<hbm>>) target(%arg12 : memref<80x128xf32, #tpu.memory_space<vmem>>) offsets(%dma_start3A_73 : memref<80xi32, #tpu.memory_space<vmem>>) semaphore(%arg17 : memref<!tpu.dma_semaphore, #tpu.memory_space<semaphore_mem>>)
        %add3A_77 = arith.constant 0 : i32
        %add3A_78 = arith.addi %mul3A_44, %add3A_77 : i32
        %dma_wait3A_79 = arith.constant 0 : i32
        %dma_wait3A_80 = tpu.memref_slice %arg7[%add3A_78, %dma_wait3A_79] : memref<25x80xi32, #tpu.memory_space<vmem>> -> memref<1x80xi32, #tpu.memory_space<vmem>>
        %dma_wait3A_81 = tpu.memref_squeeze %dma_wait3A_80 : memref<1x80xi32, #tpu.memory_space<vmem>> -> memref<80xi32, #tpu.memory_space<vmem>>
        %dma_wait3A_82 = arith.constant 0 : i32
        %dma_wait3A_83 = arith.constant 0 : i32
        %dma_wait3A_84 = tpu.memref_slice %arg2[%dma_wait3A_82, %dma_wait3A_83] : memref<10000x128xf32, #tpu.memory_space<hbm>> -> memref<10000x128xf32, #tpu.memory_space<hbm>>
        tpu.wait_indirect_dma semaphore(%arg14 : memref<!tpu.dma_semaphore, #tpu.memory_space<semaphore_mem>>) src(%dma_wait3A_84 : memref<10000x128xf32, #tpu.memory_space<hbm>>) dst(%arg9 : memref<80x128xf32, #tpu.memory_space<vmem>>)
        %add3A_85 = arith.constant 0 : i32
        %add3A_86 = arith.addi %mul3A_44, %add3A_85 : i32
        %dma_start3A_87 = arith.constant 0 : i32
        %dma_start3A_88 = tpu.memref_slice %arg8[%add3A_86, %dma_start3A_87] : memref<25x80xi32, #tpu.memory_space<vmem>> -> memref<1x80xi32, #tpu.memory_space<vmem>>
        %dma_start3A_89 = tpu.memref_squeeze %dma_start3A_88 : memref<1x80xi32, #tpu.memory_space<vmem>> -> memref<80xi32, #tpu.memory_space<vmem>>
        %dma_start3A_90 = arith.constant 0 : i32
        %dma_start3A_91 = arith.constant 0 : i32
        %dma_start3A_92 = tpu.memref_slice %arg13[%dma_start3A_90, %dma_start3A_91] : memref<10000x128xf32, #tpu.memory_space<vmem_shared>> -> memref<10000x128xf32, #tpu.memory_space<vmem_shared>>
        tpu.enqueue_indirect_dma source(%arg9 : memref<80x128xf32, #tpu.memory_space<vmem>>) target(%dma_start3A_92 : memref<10000x128xf32, #tpu.memory_space<vmem_shared>>) offsets(%dma_start3A_89 : memref<80xi32, #tpu.memory_space<vmem>>) semaphore(%arg18 : memref<!tpu.dma_semaphore, #tpu.memory_space<semaphore_mem>>) {add = true}
        %add3A_93 = arith.constant 1 : i32
        %add3A_94 = arith.addi %mul3A_44, %add3A_93 : i32
        %dma_wait3A_95 = arith.constant 0 : i32
        %dma_wait3A_96 = tpu.memref_slice %arg7[%add3A_94, %dma_wait3A_95] : memref<25x80xi32, #tpu.memory_space<vmem>> -> memref<1x80xi32, #tpu.memory_space<vmem>>
        %dma_wait3A_97 = tpu.memref_squeeze %dma_wait3A_96 : memref<1x80xi32, #tpu.memory_space<vmem>> -> memref<80xi32, #tpu.memory_space<vmem>>
        %dma_wait3A_98 = arith.constant 0 : i32
        %dma_wait3A_99 = arith.constant 0 : i32
        %dma_wait3A_100 = tpu.memref_slice %arg2[%dma_wait3A_98, %dma_wait3A_99] : memref<10000x128xf32, #tpu.memory_space<hbm>> -> memref<10000x128xf32, #tpu.memory_space<hbm>>
        tpu.wait_indirect_dma semaphore(%arg15 : memref<!tpu.dma_semaphore, #tpu.memory_space<semaphore_mem>>) src(%dma_wait3A_100 : memref<10000x128xf32, #tpu.memory_space<hbm>>) dst(%arg10 : memref<80x128xf32, #tpu.memory_space<vmem>>)
        %add3A_101 = arith.constant 1 : i32
        %add3A_102 = arith.addi %mul3A_44, %add3A_101 : i32
        %dma_start3A_103 = arith.constant 0 : i32
        %dma_start3A_104 = tpu.memref_slice %arg8[%add3A_102, %dma_start3A_103] : memref<25x80xi32, #tpu.memory_space<vmem>> -> memref<1x80xi32, #tpu.memory_space<vmem>>
        %dma_start3A_105 = tpu.memref_squeeze %dma_start3A_104 : memref<1x80xi32, #tpu.memory_space<vmem>> -> memref<80xi32, #tpu.memory_space<vmem>>
        %dma_start3A_106 = arith.constant 0 : i32
        %dma_start3A_107 = arith.constant 0 : i32
        %dma_start3A_108 = tpu.memref_slice %arg13[%dma_start3A_106, %dma_start3A_107] : memref<10000x128xf32, #tpu.memory_space<vmem_shared>> -> memref<10000x128xf32, #tpu.memory_space<vmem_shared>>
        tpu.enqueue_indirect_dma source(%arg10 : memref<80x128xf32, #tpu.memory_space<vmem>>) target(%dma_start3A_108 : memref<10000x128xf32, #tpu.memory_space<vmem_shared>>) offsets(%dma_start3A_105 : memref<80xi32, #tpu.memory_space<vmem>>) semaphore(%arg19 : memref<!tpu.dma_semaphore, #tpu.memory_space<semaphore_mem>>) {add = true}
        %add3A_109 = arith.constant 2 : i32
        %add3A_110 = arith.addi %mul3A_44, %add3A_109 : i32
        %dma_wait3A_111 = arith.constant 0 : i32
        %dma_wait3A_112 = tpu.memref_slice %arg7[%add3A_110, %dma_wait3A_111] : memref<25x80xi32, #tpu.memory_space<vmem>> -> memref<1x80xi32, #tpu.memory_space<vmem>>
        %dma_wait3A_113 = tpu.memref_squeeze %dma_wait3A_112 : memref<1x80xi32, #tpu.memory_space<vmem>> -> memref<80xi32, #tpu.memory_space<vmem>>
        %dma_wait3A_114 = arith.constant 0 : i32
        %dma_wait3A_115 = arith.constant 0 : i32
        %dma_wait3A_116 = tpu.memref_slice %arg2[%dma_wait3A_114, %dma_wait3A_115] : memref<10000x128xf32, #tpu.memory_space<hbm>> -> memref<10000x128xf32, #tpu.memory_space<hbm>>
        tpu.wait_indirect_dma semaphore(%arg16 : memref<!tpu.dma_semaphore, #tpu.memory_space<semaphore_mem>>) src(%dma_wait3A_116 : memref<10000x128xf32, #tpu.memory_space<hbm>>) dst(%arg11 : memref<80x128xf32, #tpu.memory_space<vmem>>)
        %add3A_117 = arith.constant 2 : i32
        %add3A_118 = arith.addi %mul3A_44, %add3A_117 : i32
        %dma_start3A_119 = arith.constant 0 : i32
        %dma_start3A_120 = tpu.memref_slice %arg8[%add3A_118, %dma_start3A_119] : memref<25x80xi32, #tpu.memory_space<vmem>> -> memref<1x80xi32, #tpu.memory_space<vmem>>
        %dma_start3A_121 = tpu.memref_squeeze %dma_start3A_120 : memref<1x80xi32, #tpu.memory_space<vmem>> -> memref<80xi32, #tpu.memory_space<vmem>>
        %dma_start3A_122 = arith.constant 0 : i32
        %dma_start3A_123 = arith.constant 0 : i32
        %dma_start3A_124 = tpu.memref_slice %arg13[%dma_start3A_122, %dma_start3A_123] : memref<10000x128xf32, #tpu.memory_space<vmem_shared>> -> memref<10000x128xf32, #tpu.memory_space<vmem_shared>>
        tpu.enqueue_indirect_dma source(%arg11 : memref<80x128xf32, #tpu.memory_space<vmem>>) target(%dma_start3A_124 : memref<10000x128xf32, #tpu.memory_space<vmem_shared>>) offsets(%dma_start3A_121 : memref<80xi32, #tpu.memory_space<vmem>>) semaphore(%arg20 : memref<!tpu.dma_semaphore, #tpu.memory_space<semaphore_mem>>) {add = true}
        %add3A_125 = arith.constant 3 : i32
        %add3A_126 = arith.addi %mul3A_44, %add3A_125 : i32
        %dma_wait3A_127 = arith.constant 0 : i32
        %dma_wait3A_128 = tpu.memref_slice %arg7[%add3A_126, %dma_wait3A_127] : memref<25x80xi32, #tpu.memory_space<vmem>> -> memref<1x80xi32, #tpu.memory_space<vmem>>
        %dma_wait3A_129 = tpu.memref_squeeze %dma_wait3A_128 : memref<1x80xi32, #tpu.memory_space<vmem>> -> memref<80xi32, #tpu.memory_space<vmem>>
        %dma_wait3A_130 = arith.constant 0 : i32
        %dma_wait3A_131 = arith.constant 0 : i32
        %dma_wait3A_132 = tpu.memref_slice %arg2[%dma_wait3A_130, %dma_wait3A_131] : memref<10000x128xf32, #tpu.memory_space<hbm>> -> memref<10000x128xf32, #tpu.memory_space<hbm>>
        tpu.wait_indirect_dma semaphore(%arg17 : memref<!tpu.dma_semaphore, #tpu.memory_space<semaphore_mem>>) src(%dma_wait3A_132 : memref<10000x128xf32, #tpu.memory_space<hbm>>) dst(%arg12 : memref<80x128xf32, #tpu.memory_space<vmem>>)
        %add3A_133 = arith.constant 3 : i32
        %add3A_134 = arith.addi %mul3A_44, %add3A_133 : i32
        %dma_start3A_135 = arith.constant 0 : i32
        %dma_start3A_136 = tpu.memref_slice %arg8[%add3A_134, %dma_start3A_135] : memref<25x80xi32, #tpu.memory_space<vmem>> -> memref<1x80xi32, #tpu.memory_space<vmem>>
        %dma_start3A_137 = tpu.memref_squeeze %dma_start3A_136 : memref<1x80xi32, #tpu.memory_space<vmem>> -> memref<80xi32, #tpu.memory_space<vmem>>
        %dma_start3A_138 = arith.constant 0 : i32
        %dma_start3A_139 = arith.constant 0 : i32
        %dma_start3A_140 = tpu.memref_slice %arg13[%dma_start3A_138, %dma_start3A_139] : memref<10000x128xf32, #tpu.memory_space<vmem_shared>> -> memref<10000x128xf32, #tpu.memory_space<vmem_shared>>
        tpu.enqueue_indirect_dma source(%arg12 : memref<80x128xf32, #tpu.memory_space<vmem>>) target(%dma_start3A_140 : memref<10000x128xf32, #tpu.memory_space<vmem_shared>>) offsets(%dma_start3A_137 : memref<80xi32, #tpu.memory_space<vmem>>) semaphore(%arg21 : memref<!tpu.dma_semaphore, #tpu.memory_space<semaphore_mem>>) {add = true}
        %add3A_141 = arith.constant 0 : i32
        %add3A_142 = arith.addi %mul3A_44, %add3A_141 : i32
        %dma_wait3A_143 = arith.constant 0 : i32
        %dma_wait3A_144 = tpu.memref_slice %arg8[%add3A_142, %dma_wait3A_143] : memref<25x80xi32, #tpu.memory_space<vmem>> -> memref<1x80xi32, #tpu.memory_space<vmem>>
        %dma_wait3A_145 = tpu.memref_squeeze %dma_wait3A_144 : memref<1x80xi32, #tpu.memory_space<vmem>> -> memref<80xi32, #tpu.memory_space<vmem>>
        %dma_wait3A_146 = arith.constant 0 : i32
        %dma_wait3A_147 = arith.constant 0 : i32
        %dma_wait3A_148 = tpu.memref_slice %arg13[%dma_wait3A_146, %dma_wait3A_147] : memref<10000x128xf32, #tpu.memory_space<vmem_shared>> -> memref<10000x128xf32, #tpu.memory_space<vmem_shared>>
        tpu.wait_indirect_dma semaphore(%arg18 : memref<!tpu.dma_semaphore, #tpu.memory_space<semaphore_mem>>) src(%arg9 : memref<80x128xf32, #tpu.memory_space<vmem>>) dst(%dma_wait3A_148 : memref<10000x128xf32, #tpu.memory_space<vmem_shared>>)
        %add3A_149 = arith.constant 1 : i32
        %add3A_150 = arith.addi %mul3A_44, %add3A_149 : i32
        %dma_wait3A_151 = arith.constant 0 : i32
        %dma_wait3A_152 = tpu.memref_slice %arg8[%add3A_150, %dma_wait3A_151] : memref<25x80xi32, #tpu.memory_space<vmem>> -> memref<1x80xi32, #tpu.memory_space<vmem>>
        %dma_wait3A_153 = tpu.memref_squeeze %dma_wait3A_152 : memref<1x80xi32, #tpu.memory_space<vmem>> -> memref<80xi32, #tpu.memory_space<vmem>>
        %dma_wait3A_154 = arith.constant 0 : i32
        %dma_wait3A_155 = arith.constant 0 : i32
        %dma_wait3A_156 = tpu.memref_slice %arg13[%dma_wait3A_154, %dma_wait3A_155] : memref<10000x128xf32, #tpu.memory_space<vmem_shared>> -> memref<10000x128xf32, #tpu.memory_space<vmem_shared>>
        tpu.wait_indirect_dma semaphore(%arg19 : memref<!tpu.dma_semaphore, #tpu.memory_space<semaphore_mem>>) src(%arg10 : memref<80x128xf32, #tpu.memory_space<vmem>>) dst(%dma_wait3A_156 : memref<10000x128xf32, #tpu.memory_space<vmem_shared>>)
        %add3A_157 = arith.constant 2 : i32
        %add3A_158 = arith.addi %mul3A_44, %add3A_157 : i32
        %dma_wait3A_159 = arith.constant 0 : i32
        %dma_wait3A_160 = tpu.memref_slice %arg8[%add3A_158, %dma_wait3A_159] : memref<25x80xi32, #tpu.memory_space<vmem>> -> memref<1x80xi32, #tpu.memory_space<vmem>>
        %dma_wait3A_161 = tpu.memref_squeeze %dma_wait3A_160 : memref<1x80xi32, #tpu.memory_space<vmem>> -> memref<80xi32, #tpu.memory_space<vmem>>
        %dma_wait3A_162 = arith.constant 0 : i32
        %dma_wait3A_163 = arith.constant 0 : i32
        %dma_wait3A_164 = tpu.memref_slice %arg13[%dma_wait3A_162, %dma_wait3A_163] : memref<10000x128xf32, #tpu.memory_space<vmem_shared>> -> memref<10000x128xf32, #tpu.memory_space<vmem_shared>>
        tpu.wait_indirect_dma semaphore(%arg20 : memref<!tpu.dma_semaphore, #tpu.memory_space<semaphore_mem>>) src(%arg11 : memref<80x128xf32, #tpu.memory_space<vmem>>) dst(%dma_wait3A_164 : memref<10000x128xf32, #tpu.memory_space<vmem_shared>>)
        %add3A_165 = arith.constant 3 : i32
        %add3A_166 = arith.addi %mul3A_44, %add3A_165 : i32
        %dma_wait3A_167 = arith.constant 0 : i32
        %dma_wait3A_168 = tpu.memref_slice %arg8[%add3A_166, %dma_wait3A_167] : memref<25x80xi32, #tpu.memory_space<vmem>> -> memref<1x80xi32, #tpu.memory_space<vmem>>
        %dma_wait3A_169 = tpu.memref_squeeze %dma_wait3A_168 : memref<1x80xi32, #tpu.memory_space<vmem>> -> memref<80xi32, #tpu.memory_space<vmem>>
        %dma_wait3A_170 = arith.constant 0 : i32
        %dma_wait3A_171 = arith.constant 0 : i32
        %dma_wait3A_172 = tpu.memref_slice %arg13[%dma_wait3A_170, %dma_wait3A_171] : memref<10000x128xf32, #tpu.memory_space<vmem_shared>> -> memref<10000x128xf32, #tpu.memory_space<vmem_shared>>
        tpu.wait_indirect_dma semaphore(%arg21 : memref<!tpu.dma_semaphore, #tpu.memory_space<semaphore_mem>>) src(%arg12 : memref<80x128xf32, #tpu.memory_space<vmem>>) dst(%dma_wait3A_172 : memref<10000x128xf32, #tpu.memory_space<vmem_shared>>)
      }
      %scan3A_29 = arith.constant 6 : i32
      %dma_start3A = arith.constant 24 : i32
      %dma_start3A_30 = arith.constant 0 : i32
      %dma_start3A_31 = tpu.memref_slice %arg7[%dma_start3A, %dma_start3A_30] : memref<25x80xi32, #tpu.memory_space<vmem>> -> memref<1x80xi32, #tpu.memory_space<vmem>>
      %dma_start3A_32 = tpu.memref_squeeze %dma_start3A_31 : memref<1x80xi32, #tpu.memory_space<vmem>> -> memref<80xi32, #tpu.memory_space<vmem>>
      %dma_start3A_33 = arith.constant 0 : i32
      %dma_start3A_34 = arith.constant 0 : i32
      %dma_start3A_35 = tpu.memref_slice %arg2[%dma_start3A_33, %dma_start3A_34] : memref<10000x128xf32, #tpu.memory_space<hbm>> -> memref<10000x128xf32, #tpu.memory_space<hbm>>
      tpu.enqueue_indirect_dma source(%dma_start3A_35 : memref<10000x128xf32, #tpu.memory_space<hbm>>) target(%arg9 : memref<80x128xf32, #tpu.memory_space<vmem>>) offsets(%dma_start3A_32 : memref<80xi32, #tpu.memory_space<vmem>>) semaphore(%arg14 : memref<!tpu.dma_semaphore, #tpu.memory_space<semaphore_mem>>)
      %dma_wait3A = arith.constant 24 : i32
      %dma_wait3A_36 = arith.constant 0 : i32
      %dma_wait3A_37 = tpu.memref_slice %arg7[%dma_wait3A, %dma_wait3A_36] : memref<25x80xi32, #tpu.memory_space<vmem>> -> memref<1x80xi32, #tpu.memory_space<vmem>>
      %dma_wait3A_38 = tpu.memref_squeeze %dma_wait3A_37 : memref<1x80xi32, #tpu.memory_space<vmem>> -> memref<80xi32, #tpu.memory_space<vmem>>
      %dma_wait3A_39 = arith.constant 0 : i32
      %dma_wait3A_40 = arith.constant 0 : i32
      %dma_wait3A_41 = tpu.memref_slice %arg2[%dma_wait3A_39, %dma_wait3A_40] : memref<10000x128xf32, #tpu.memory_space<hbm>> -> memref<10000x128xf32, #tpu.memory_space<hbm>>
      tpu.wait_indirect_dma semaphore(%arg14 : memref<!tpu.dma_semaphore, #tpu.memory_space<semaphore_mem>>) src(%dma_wait3A_41 : memref<10000x128xf32, #tpu.memory_space<hbm>>) dst(%arg9 : memref<80x128xf32, #tpu.memory_space<vmem>>)
      %run_scoped3A = arith.constant 24 : i32
      "tpu.region"() ({
        %run_scoped3A_42 = tpu.sem_alloc : memref<!tpu.dma_semaphore, #tpu.memory_space<semaphore_mem>>
        %dma_start3A_43 = arith.constant 0 : i32
        %dma_start3A_44 = tpu.memref_slice %arg8[%run_scoped3A, %dma_start3A_43] : memref<25x80xi32, #tpu.memory_space<vmem>> -> memref<1x80xi32, #tpu.memory_space<vmem>>
        %dma_start3A_45 = tpu.memref_squeeze %dma_start3A_44 : memref<1x80xi32, #tpu.memory_space<vmem>> -> memref<80xi32, #tpu.memory_space<vmem>>
        %dma_start3A_46 = arith.constant 0 : i32
        %dma_start3A_47 = arith.constant 0 : i32
        %dma_start3A_48 = tpu.memref_slice %arg13[%dma_start3A_46, %dma_start3A_47] : memref<10000x128xf32, #tpu.memory_space<vmem_shared>> -> memref<10000x128xf32, #tpu.memory_space<vmem_shared>>
        tpu.enqueue_indirect_dma source(%arg9 : memref<80x128xf32, #tpu.memory_space<vmem>>) target(%dma_start3A_48 : memref<10000x128xf32, #tpu.memory_space<vmem_shared>>) offsets(%dma_start3A_45 : memref<80xi32, #tpu.memory_space<vmem>>) semaphore(%run_scoped3A_42 : memref<!tpu.dma_semaphore, #tpu.memory_space<semaphore_mem>>) {add = true}
        %dma_wait3A_49 = arith.constant 0 : i32
        %dma_wait3A_50 = tpu.memref_slice %arg8[%run_scoped3A, %dma_wait3A_49] : memref<25x80xi32, #tpu.memory_space<vmem>> -> memref<1x80xi32, #tpu.memory_space<vmem>>
        %dma_wait3A_51 = tpu.memref_squeeze %dma_wait3A_50 : memref<1x80xi32, #tpu.memory_space<vmem>> -> memref<80xi32, #tpu.memory_space<vmem>>
        %dma_wait3A_52 = arith.constant 0 : i32
        %dma_wait3A_53 = arith.constant 0 : i32
        %dma_wait3A_54 = tpu.memref_slice %arg13[%dma_wait3A_52, %dma_wait3A_53] : memref<10000x128xf32, #tpu.memory_space<vmem_shared>> -> memref<10000x128xf32, #tpu.memory_space<vmem_shared>>
        tpu.wait_indirect_dma semaphore(%run_scoped3A_42 : memref<!tpu.dma_semaphore, #tpu.memory_space<semaphore_mem>>) src(%arg9 : memref<80x128xf32, #tpu.memory_space<vmem>>) dst(%dma_wait3A_54 : memref<10000x128xf32, #tpu.memory_space<vmem_shared>>)
        tpu.yield
      }) : () -> ()
    }
    %scan3A_11 = arith.constant 5 : i32
    %barrier3A_12 = arith.constant 0 : index
    tpu.barrier barrier_id(%barrier3A_12)
    %lt3A_13 = arith.constant 15 : i32
    %lt3A_14 = arith.cmpi slt, %arg1, %lt3A_13 : i32
    %convert_element_type3A_15 = arith.extui %lt3A_14 : i1 to i32
    %cond3A_16 = arith.constant 0 : i32
    %cond3A_17 = arith.cmpi ne, %convert_element_type3A_15, %cond3A_16 : i32
    scf.if %cond3A_17 {
      %mul3A_23 = arith.constant 624 : i32
      %mul3A_24 = arith.muli %arg1, %mul3A_23 : i32
      %mul3A_25 = arith.constant 624 : i32
      %mul3A_26 = arith.muli %arg1, %mul3A_25 : i32
      "tpu.region"() ({
        %run_scoped3A = tpu.sem_alloc : memref<!tpu.dma_semaphore, #tpu.memory_space<semaphore_mem>>
        %dma_start3A = arith.constant 0 : i32
        %dma_start3A_27 = tpu.memref_slice %arg6[%arg0, %mul3A_26, %dma_start3A] : memref<2x10000x128xf32, #tpu.memory_space<hbm>> -> memref<1x624x128xf32, #tpu.memory_space<hbm>>
        %dma_start3A_28 = tpu.memref_squeeze %dma_start3A_27 : memref<1x624x128xf32, #tpu.memory_space<hbm>> -> memref<624x128xf32, #tpu.memory_space<hbm>>
        %dma_start3A_29 = arith.constant 0 : i32
        %dma_start3A_30 = tpu.memref_slice %arg13[%mul3A_24, %dma_start3A_29] : memref<10000x128xf32, #tpu.memory_space<vmem_shared>> -> memref<624x128xf32, #tpu.memory_space<vmem_shared>>
        tpu.enqueue_dma source(%dma_start3A_30 : memref<624x128xf32, #tpu.memory_space<vmem_shared>>) target(%dma_start3A_28 : memref<624x128xf32, #tpu.memory_space<hbm>>) target_semaphore(%run_scoped3A : memref<!tpu.dma_semaphore, #tpu.memory_space<semaphore_mem>>)
        %dma_wait3A = arith.constant 0 : i32
        %dma_wait3A_31 = tpu.memref_slice %arg6[%arg0, %mul3A_26, %dma_wait3A] : memref<2x10000x128xf32, #tpu.memory_space<hbm>> -> memref<1x624x128xf32, #tpu.memory_space<hbm>>
        %dma_wait3A_32 = tpu.memref_squeeze %dma_wait3A_31 : memref<1x624x128xf32, #tpu.memory_space<hbm>> -> memref<624x128xf32, #tpu.memory_space<hbm>>
        %dma_wait3A_33 = arith.constant 0 : i32
        %dma_wait3A_34 = tpu.memref_slice %arg13[%mul3A_24, %dma_wait3A_33] : memref<10000x128xf32, #tpu.memory_space<vmem_shared>> -> memref<624x128xf32, #tpu.memory_space<vmem_shared>>
        tpu.wait_dma2 semaphore(%run_scoped3A : memref<!tpu.dma_semaphore, #tpu.memory_space<semaphore_mem>>) src(%dma_wait3A_34 : memref<624x128xf32, #tpu.memory_space<vmem_shared>>) dst(%dma_wait3A_32 : memref<624x128xf32, #tpu.memory_space<hbm>>)
        tpu.yield
      }) : () -> ()
    } else {
    }
    %eq3A_18 = arith.constant 15 : i32
    %eq3A_19 = arith.cmpi eq, %arg1, %eq3A_18 : i32
    %convert_element_type3A_20 = arith.extui %eq3A_19 : i1 to i32
    %cond3A_21 = arith.constant 0 : i32
    %cond3A_22 = arith.cmpi ne, %convert_element_type3A_20, %cond3A_21 : i32
    scf.if %cond3A_22 {
      "tpu.region"() ({
        %run_scoped3A = tpu.sem_alloc : memref<!tpu.dma_semaphore, #tpu.memory_space<semaphore_mem>>
        %dma_start3A = arith.constant 9360 : i32
        %dma_start3A_23 = arith.constant 0 : i32
        %dma_start3A_24 = tpu.memref_slice %arg6[%arg0, %dma_start3A, %dma_start3A_23] : memref<2x10000x128xf32, #tpu.memory_space<hbm>> -> memref<1x640x128xf32, #tpu.memory_space<hbm>>
        %dma_start3A_25 = tpu.memref_squeeze %dma_start3A_24 : memref<1x640x128xf32, #tpu.memory_space<hbm>> -> memref<640x128xf32, #tpu.memory_space<hbm>>
        %dma_start3A_26 = arith.constant 9360 : i32
        %dma_start3A_27 = arith.constant 0 : i32
        %dma_start3A_28 = tpu.memref_slice %arg13[%dma_start3A_26, %dma_start3A_27] : memref<10000x128xf32, #tpu.memory_space<vmem_shared>> -> memref<640x128xf32, #tpu.memory_space<vmem_shared>>
        tpu.enqueue_dma source(%dma_start3A_28 : memref<640x128xf32, #tpu.memory_space<vmem_shared>>) target(%dma_start3A_25 : memref<640x128xf32, #tpu.memory_space<hbm>>) target_semaphore(%run_scoped3A : memref<!tpu.dma_semaphore, #tpu.memory_space<semaphore_mem>>)
        %dma_wait3A = arith.constant 9360 : i32
        %dma_wait3A_29 = arith.constant 0 : i32
        %dma_wait3A_30 = tpu.memref_slice %arg6[%arg0, %dma_wait3A, %dma_wait3A_29] : memref<2x10000x128xf32, #tpu.memory_space<hbm>> -> memref<1x640x128xf32, #tpu.memory_space<hbm>>
        %dma_wait3A_31 = tpu.memref_squeeze %dma_wait3A_30 : memref<1x640x128xf32, #tpu.memory_space<hbm>> -> memref<640x128xf32, #tpu.memory_space<hbm>>
        %dma_wait3A_32 = arith.constant 9360 : i32
        %dma_wait3A_33 = arith.constant 0 : i32
        %dma_wait3A_34 = tpu.memref_slice %arg13[%dma_wait3A_32, %dma_wait3A_33] : memref<10000x128xf32, #tpu.memory_space<vmem_shared>> -> memref<640x128xf32, #tpu.memory_space<vmem_shared>>
        tpu.wait_dma2 semaphore(%run_scoped3A : memref<!tpu.dma_semaphore, #tpu.memory_space<semaphore_mem>>) src(%dma_wait3A_34 : memref<640x128xf32, #tpu.memory_space<vmem_shared>>) dst(%dma_wait3A_31 : memref<640x128xf32, #tpu.memory_space<hbm>>)
        tpu.yield
      }) : () -> ()
    } else {
    }
    return
  }
}

#map = affine_map<(d0, d1) -> (0, 0)>
#map1 = affine_map<(d0, d1) -> (0, 0, 0, 0)>
#map2 = affine_map<(d0, d1) -> (0, 0, 0)>
module attributes {stable_mosaic.version = 14 : i64} {
  func.func @_sc_agg_body(%arg0: i32, %arg1: i32, %arg2: memref<10000x128xf32, #tpu.memory_space<hbm>>, %arg3: memref<32x5x25x80xi32, #tpu.memory_space<hbm>>, %arg4: memref<32x5x25x80xi32, #tpu.memory_space<hbm>>, %arg5: memref<640x128xf32, #tpu.memory_space<hbm>>, %arg6: memref<2x10000x128xf32, #tpu.memory_space<hbm>>, %arg7: memref<25x80xi32, #tpu.memory_space<vmem>>, %arg8: memref<25x80xi32, #tpu.memory_space<vmem>>, %arg9: memref<80x128xf32, #tpu.memory_space<vmem>>, %arg10: memref<80x128xf32, #tpu.memory_space<vmem>>, %arg11: memref<80x128xf32, #tpu.memory_space<vmem>>, %arg12: memref<80x128xf32, #tpu.memory_space<vmem>>, %arg13: memref<10000x128xf32, #tpu.memory_space<vmem_shared>>, %arg14: memref<!tpu.dma_semaphore, #tpu.memory_space<semaphore_mem>>, %arg15: memref<!tpu.dma_semaphore, #tpu.memory_space<semaphore_mem>>, %arg16: memref<!tpu.dma_semaphore, #tpu.memory_space<semaphore_mem>>, %arg17: memref<!tpu.dma_semaphore, #tpu.memory_space<semaphore_mem>>, %arg18: memref<!tpu.dma_semaphore, #tpu.memory_space<semaphore_mem>>, %arg19: memref<!tpu.dma_semaphore, #tpu.memory_space<semaphore_mem>>, %arg20: memref<!tpu.dma_semaphore, #tpu.memory_space<semaphore_mem>>, %arg21: memref<!tpu.dma_semaphore, #tpu.memory_space<semaphore_mem>>) attributes {dimension_semantics = [#tpu.dimension_semantics<core_parallel>, #tpu.dimension_semantics<subcore_parallel>], iteration_bounds = array<i64: 2, 16>, scalar_prefetch = 0 : i64, scratch_operands = 15 : i64, tpu.core_type = #tpu.core_type<sc_vector_subcore>, window_params = [{transform_indices = #map}, {transform_indices = #map1}, {transform_indices = #map1}, {transform_indices = #map}, {transform_indices = #map2}]} {
    %lt3A = arith.constant 15 : i32
    %lt3A_0 = arith.cmpi slt, %arg1, %lt3A : i32
    %convert_element_type3A = arith.extui %lt3A_0 : i1 to i32
    %cond3A = arith.constant 0 : i32
    %cond3A_1 = arith.cmpi ne, %convert_element_type3A, %cond3A : i32
    scf.if %cond3A_1 {
      %mul3A_23 = arith.constant 624 : i32
      %mul3A_24 = arith.muli %arg1, %mul3A_23 : i32
      "tpu.region"() ({
        %run_scoped3A = tpu.sem_alloc : memref<!tpu.dma_semaphore, #tpu.memory_space<semaphore_mem>>
        %dma_start3A = arith.constant 0 : i32
        %dma_start3A_25 = tpu.memref_slice %arg13[%mul3A_24, %dma_start3A] : memref<10000x128xf32, #tpu.memory_space<vmem_shared>> -> memref<624x128xf32, #tpu.memory_space<vmem_shared>>
        %dma_start3A_26 = arith.constant 0 : i32
        %dma_start3A_27 = arith.constant 0 : i32
        %dma_start3A_28 = tpu.memref_slice %arg5[%dma_start3A_26, %dma_start3A_27] : memref<640x128xf32, #tpu.memory_space<hbm>> -> memref<624x128xf32, #tpu.memory_space<hbm>>
        tpu.enqueue_dma source(%dma_start3A_28 : memref<624x128xf32, #tpu.memory_space<hbm>>) target(%dma_start3A_25 : memref<624x128xf32, #tpu.memory_space<vmem_shared>>) target_semaphore(%run_scoped3A : memref<!tpu.dma_semaphore, #tpu.memory_space<semaphore_mem>>)
        %dma_wait3A = arith.constant 0 : i32
        %dma_wait3A_29 = tpu.memref_slice %arg13[%mul3A_24, %dma_wait3A] : memref<10000x128xf32, #tpu.memory_space<vmem_shared>> -> memref<624x128xf32, #tpu.memory_space<vmem_shared>>
        %dma_wait3A_30 = arith.constant 0 : i32
        %dma_wait3A_31 = arith.constant 0 : i32
        %dma_wait3A_32 = tpu.memref_slice %arg5[%dma_wait3A_30, %dma_wait3A_31] : memref<640x128xf32, #tpu.memory_space<hbm>> -> memref<624x128xf32, #tpu.memory_space<hbm>>
        tpu.wait_dma2 semaphore(%run_scoped3A : memref<!tpu.dma_semaphore, #tpu.memory_space<semaphore_mem>>) src(%dma_wait3A_32 : memref<624x128xf32, #tpu.memory_space<hbm>>) dst(%dma_wait3A_29 : memref<624x128xf32, #tpu.memory_space<vmem_shared>>)
        tpu.yield
      }) : () -> ()
    } else {
    }
    %eq3A = arith.constant 15 : i32
    %eq3A_2 = arith.cmpi eq, %arg1, %eq3A : i32
    %convert_element_type3A_3 = arith.extui %eq3A_2 : i1 to i32
    %cond3A_4 = arith.constant 0 : i32
    %cond3A_5 = arith.cmpi ne, %convert_element_type3A_3, %cond3A_4 : i32
    scf.if %cond3A_5 {
      "tpu.region"() ({
        %run_scoped3A = tpu.sem_alloc : memref<!tpu.dma_semaphore, #tpu.memory_space<semaphore_mem>>
        %dma_start3A = arith.constant 9360 : i32
        %dma_start3A_23 = arith.constant 0 : i32
        %dma_start3A_24 = tpu.memref_slice %arg13[%dma_start3A, %dma_start3A_23] : memref<10000x128xf32, #tpu.memory_space<vmem_shared>> -> memref<640x128xf32, #tpu.memory_space<vmem_shared>>
        tpu.enqueue_dma source(%arg5 : memref<640x128xf32, #tpu.memory_space<hbm>>) target(%dma_start3A_24 : memref<640x128xf32, #tpu.memory_space<vmem_shared>>) target_semaphore(%run_scoped3A : memref<!tpu.dma_semaphore, #tpu.memory_space<semaphore_mem>>)
        %dma_wait3A = arith.constant 9360 : i32
        %dma_wait3A_25 = arith.constant 0 : i32
        %dma_wait3A_26 = tpu.memref_slice %arg13[%dma_wait3A, %dma_wait3A_25] : memref<10000x128xf32, #tpu.memory_space<vmem_shared>> -> memref<640x128xf32, #tpu.memory_space<vmem_shared>>
        tpu.wait_dma2 semaphore(%run_scoped3A : memref<!tpu.dma_semaphore, #tpu.memory_space<semaphore_mem>>) src(%arg5 : memref<640x128xf32, #tpu.memory_space<hbm>>) dst(%dma_wait3A_26 : memref<640x128xf32, #tpu.memory_space<vmem_shared>>)
        tpu.yield
      }) : () -> ()
    } else {
    }
    %mul3A = arith.constant 2 : i32
    %mul3A_6 = arith.muli %arg1, %mul3A : i32
    %add3A = arith.addi %mul3A_6, %arg0 : i32
    %barrier3A = arith.constant 0 : index
    tpu.barrier barrier_id(%barrier3A)
    %scan3A = arith.constant 0 : i32
    %scan3A_7 = arith.constant 0 : i32
    %scan3A_8 = arith.constant 5 : i32
    %scan3A_9 = arith.addi %scan3A_7, %scan3A_8 : i32
    %scan3A_10 = arith.constant 1 : i32
    scf.for %scan3A_23 = %scan3A_7 to %scan3A_9 step %scan3A_10  : i32 {
      "tpu.region"() ({
        %run_scoped3A_42 = tpu.sem_alloc : memref<!tpu.dma_semaphore, #tpu.memory_space<semaphore_mem>>
        %dma_start3A_43 = arith.constant 0 : i32
        %dma_start3A_44 = arith.constant 0 : i32
        %dma_start3A_45 = tpu.memref_slice %arg3[%add3A, %scan3A_23, %dma_start3A_43, %dma_start3A_44] : memref<32x5x25x80xi32, #tpu.memory_space<hbm>> -> memref<1x1x25x80xi32, #tpu.memory_space<hbm>>
        %dma_start3A_46 = tpu.memref_squeeze %dma_start3A_45 : memref<1x1x25x80xi32, #tpu.memory_space<hbm>> -> memref<25x80xi32, #tpu.memory_space<hbm>>
        %dma_start3A_47 = arith.constant 0 : i32
        %dma_start3A_48 = arith.constant 0 : i32
        %dma_start3A_49 = tpu.memref_slice %arg3[%add3A, %scan3A_23, %dma_start3A_47, %dma_start3A_48] : memref<32x5x25x80xi32, #tpu.memory_space<hbm>> -> memref<1x1x25x80xi32, #tpu.memory_space<hbm>>
        %dma_start3A_50 = tpu.memref_squeeze %dma_start3A_49 : memref<1x1x25x80xi32, #tpu.memory_space<hbm>> -> memref<25x80xi32, #tpu.memory_space<hbm>>
        tpu.enqueue_dma source(%dma_start3A_50 : memref<25x80xi32, #tpu.memory_space<hbm>>) target(%arg7 : memref<25x80xi32, #tpu.memory_space<vmem>>) target_semaphore(%run_scoped3A_42 : memref<!tpu.dma_semaphore, #tpu.memory_space<semaphore_mem>>)
        %dma_wait3A_51 = arith.constant 0 : i32
        %dma_wait3A_52 = arith.constant 0 : i32
        %dma_wait3A_53 = tpu.memref_slice %arg3[%add3A, %scan3A_23, %dma_wait3A_51, %dma_wait3A_52] : memref<32x5x25x80xi32, #tpu.memory_space<hbm>> -> memref<1x1x25x80xi32, #tpu.memory_space<hbm>>
        %dma_wait3A_54 = tpu.memref_squeeze %dma_wait3A_53 : memref<1x1x25x80xi32, #tpu.memory_space<hbm>> -> memref<25x80xi32, #tpu.memory_space<hbm>>
        %dma_wait3A_55 = arith.constant 0 : i32
        %dma_wait3A_56 = arith.constant 0 : i32
        %dma_wait3A_57 = tpu.memref_slice %arg3[%add3A, %scan3A_23, %dma_wait3A_55, %dma_wait3A_56] : memref<32x5x25x80xi32, #tpu.memory_space<hbm>> -> memref<1x1x25x80xi32, #tpu.memory_space<hbm>>
        %dma_wait3A_58 = tpu.memref_squeeze %dma_wait3A_57 : memref<1x1x25x80xi32, #tpu.memory_space<hbm>> -> memref<25x80xi32, #tpu.memory_space<hbm>>
        tpu.wait_dma2 semaphore(%run_scoped3A_42 : memref<!tpu.dma_semaphore, #tpu.memory_space<semaphore_mem>>) src(%dma_wait3A_58 : memref<25x80xi32, #tpu.memory_space<hbm>>) dst(%arg7 : memref<25x80xi32, #tpu.memory_space<vmem>>)
        tpu.yield
      }) : () -> ()
      "tpu.region"() ({
        %run_scoped3A_42 = tpu.sem_alloc : memref<!tpu.dma_semaphore, #tpu.memory_space<semaphore_mem>>
        %dma_start3A_43 = arith.constant 0 : i32
        %dma_start3A_44 = arith.constant 0 : i32
        %dma_start3A_45 = tpu.memref_slice %arg4[%add3A, %scan3A_23, %dma_start3A_43, %dma_start3A_44] : memref<32x5x25x80xi32, #tpu.memory_space<hbm>> -> memref<1x1x25x80xi32, #tpu.memory_space<hbm>>
        %dma_start3A_46 = tpu.memref_squeeze %dma_start3A_45 : memref<1x1x25x80xi32, #tpu.memory_space<hbm>> -> memref<25x80xi32, #tpu.memory_space<hbm>>
        %dma_start3A_47 = arith.constant 0 : i32
        %dma_start3A_48 = arith.constant 0 : i32
        %dma_start3A_49 = tpu.memref_slice %arg4[%add3A, %scan3A_23, %dma_start3A_47, %dma_start3A_48] : memref<32x5x25x80xi32, #tpu.memory_space<hbm>> -> memref<1x1x25x80xi32, #tpu.memory_space<hbm>>
        %dma_start3A_50 = tpu.memref_squeeze %dma_start3A_49 : memref<1x1x25x80xi32, #tpu.memory_space<hbm>> -> memref<25x80xi32, #tpu.memory_space<hbm>>
        tpu.enqueue_dma source(%dma_start3A_50 : memref<25x80xi32, #tpu.memory_space<hbm>>) target(%arg8 : memref<25x80xi32, #tpu.memory_space<vmem>>) target_semaphore(%run_scoped3A_42 : memref<!tpu.dma_semaphore, #tpu.memory_space<semaphore_mem>>)
        %dma_wait3A_51 = arith.constant 0 : i32
        %dma_wait3A_52 = arith.constant 0 : i32
        %dma_wait3A_53 = tpu.memref_slice %arg4[%add3A, %scan3A_23, %dma_wait3A_51, %dma_wait3A_52] : memref<32x5x25x80xi32, #tpu.memory_space<hbm>> -> memref<1x1x25x80xi32, #tpu.memory_space<hbm>>
        %dma_wait3A_54 = tpu.memref_squeeze %dma_wait3A_53 : memref<1x1x25x80xi32, #tpu.memory_space<hbm>> -> memref<25x80xi32, #tpu.memory_space<hbm>>
        %dma_wait3A_55 = arith.constant 0 : i32
        %dma_wait3A_56 = arith.constant 0 : i32
        %dma_wait3A_57 = tpu.memref_slice %arg4[%add3A, %scan3A_23, %dma_wait3A_55, %dma_wait3A_56] : memref<32x5x25x80xi32, #tpu.memory_space<hbm>> -> memref<1x1x25x80xi32, #tpu.memory_space<hbm>>
        %dma_wait3A_58 = tpu.memref_squeeze %dma_wait3A_57 : memref<1x1x25x80xi32, #tpu.memory_space<hbm>> -> memref<25x80xi32, #tpu.memory_space<hbm>>
        tpu.wait_dma2 semaphore(%run_scoped3A_42 : memref<!tpu.dma_semaphore, #tpu.memory_space<semaphore_mem>>) src(%dma_wait3A_58 : memref<25x80xi32, #tpu.memory_space<hbm>>) dst(%arg8 : memref<25x80xi32, #tpu.memory_space<vmem>>)
        tpu.yield
      }) : () -> ()
      %scan3A_24 = arith.constant 0 : i32
      %scan3A_25 = arith.constant 0 : i32
      %scan3A_26 = arith.constant 6 : i32
      %scan3A_27 = arith.addi %scan3A_25, %scan3A_26 : i32
      %scan3A_28 = arith.constant 1 : i32
      scf.for %scan3A_42 = %scan3A_25 to %scan3A_27 step %scan3A_28  : i32 {
        %mul3A_43 = arith.constant 4 : i32
        %mul3A_44 = arith.muli %mul3A_43, %scan3A_42 : i32
        %add3A_45 = arith.constant 0 : i32
        %add3A_46 = arith.addi %mul3A_44, %add3A_45 : i32
        %dma_start3A_47 = arith.constant 0 : i32
        %dma_start3A_48 = tpu.memref_slice %arg7[%add3A_46, %dma_start3A_47] : memref<25x80xi32, #tpu.memory_space<vmem>> -> memref<1x80xi32, #tpu.memory_space<vmem>>
        %dma_start3A_49 = tpu.memref_squeeze %dma_start3A_48 : memref<1x80xi32, #tpu.memory_space<vmem>> -> memref<80xi32, #tpu.memory_space<vmem>>
        %dma_start3A_50 = arith.constant 0 : i32
        %dma_start3A_51 = arith.constant 0 : i32
        %dma_start3A_52 = tpu.memref_slice %arg2[%dma_start3A_50, %dma_start3A_51] : memref<10000x128xf32, #tpu.memory_space<hbm>> -> memref<10000x128xf32, #tpu.memory_space<hbm>>
        tpu.enqueue_indirect_dma source(%dma_start3A_52 : memref<10000x128xf32, #tpu.memory_space<hbm>>) target(%arg9 : memref<80x128xf32, #tpu.memory_space<vmem>>) offsets(%dma_start3A_49 : memref<80xi32, #tpu.memory_space<vmem>>) semaphore(%arg14 : memref<!tpu.dma_semaphore, #tpu.memory_space<semaphore_mem>>)
        %add3A_53 = arith.constant 1 : i32
        %add3A_54 = arith.addi %mul3A_44, %add3A_53 : i32
        %dma_start3A_55 = arith.constant 0 : i32
        %dma_start3A_56 = tpu.memref_slice %arg7[%add3A_54, %dma_start3A_55] : memref<25x80xi32, #tpu.memory_space<vmem>> -> memref<1x80xi32, #tpu.memory_space<vmem>>
        %dma_start3A_57 = tpu.memref_squeeze %dma_start3A_56 : memref<1x80xi32, #tpu.memory_space<vmem>> -> memref<80xi32, #tpu.memory_space<vmem>>
        %dma_start3A_58 = arith.constant 0 : i32
        %dma_start3A_59 = arith.constant 0 : i32
        %dma_start3A_60 = tpu.memref_slice %arg2[%dma_start3A_58, %dma_start3A_59] : memref<10000x128xf32, #tpu.memory_space<hbm>> -> memref<10000x128xf32, #tpu.memory_space<hbm>>
        tpu.enqueue_indirect_dma source(%dma_start3A_60 : memref<10000x128xf32, #tpu.memory_space<hbm>>) target(%arg10 : memref<80x128xf32, #tpu.memory_space<vmem>>) offsets(%dma_start3A_57 : memref<80xi32, #tpu.memory_space<vmem>>) semaphore(%arg15 : memref<!tpu.dma_semaphore, #tpu.memory_space<semaphore_mem>>)
        %add3A_61 = arith.constant 2 : i32
        %add3A_62 = arith.addi %mul3A_44, %add3A_61 : i32
        %dma_start3A_63 = arith.constant 0 : i32
        %dma_start3A_64 = tpu.memref_slice %arg7[%add3A_62, %dma_start3A_63] : memref<25x80xi32, #tpu.memory_space<vmem>> -> memref<1x80xi32, #tpu.memory_space<vmem>>
        %dma_start3A_65 = tpu.memref_squeeze %dma_start3A_64 : memref<1x80xi32, #tpu.memory_space<vmem>> -> memref<80xi32, #tpu.memory_space<vmem>>
        %dma_start3A_66 = arith.constant 0 : i32
        %dma_start3A_67 = arith.constant 0 : i32
        %dma_start3A_68 = tpu.memref_slice %arg2[%dma_start3A_66, %dma_start3A_67] : memref<10000x128xf32, #tpu.memory_space<hbm>> -> memref<10000x128xf32, #tpu.memory_space<hbm>>
        tpu.enqueue_indirect_dma source(%dma_start3A_68 : memref<10000x128xf32, #tpu.memory_space<hbm>>) target(%arg11 : memref<80x128xf32, #tpu.memory_space<vmem>>) offsets(%dma_start3A_65 : memref<80xi32, #tpu.memory_space<vmem>>) semaphore(%arg16 : memref<!tpu.dma_semaphore, #tpu.memory_space<semaphore_mem>>)
        %add3A_69 = arith.constant 3 : i32
        %add3A_70 = arith.addi %mul3A_44, %add3A_69 : i32
        %dma_start3A_71 = arith.constant 0 : i32
        %dma_start3A_72 = tpu.memref_slice %arg7[%add3A_70, %dma_start3A_71] : memref<25x80xi32, #tpu.memory_space<vmem>> -> memref<1x80xi32, #tpu.memory_space<vmem>>
        %dma_start3A_73 = tpu.memref_squeeze %dma_start3A_72 : memref<1x80xi32, #tpu.memory_space<vmem>> -> memref<80xi32, #tpu.memory_space<vmem>>
        %dma_start3A_74 = arith.constant 0 : i32
        %dma_start3A_75 = arith.constant 0 : i32
        %dma_start3A_76 = tpu.memref_slice %arg2[%dma_start3A_74, %dma_start3A_75] : memref<10000x128xf32, #tpu.memory_space<hbm>> -> memref<10000x128xf32, #tpu.memory_space<hbm>>
        tpu.enqueue_indirect_dma source(%dma_start3A_76 : memref<10000x128xf32, #tpu.memory_space<hbm>>) target(%arg12 : memref<80x128xf32, #tpu.memory_space<vmem>>) offsets(%dma_start3A_73 : memref<80xi32, #tpu.memory_space<vmem>>) semaphore(%arg17 : memref<!tpu.dma_semaphore, #tpu.memory_space<semaphore_mem>>)
        %add3A_77 = arith.constant 0 : i32
        %add3A_78 = arith.addi %mul3A_44, %add3A_77 : i32
        %dma_wait3A_79 = arith.constant 0 : i32
        %dma_wait3A_80 = tpu.memref_slice %arg7[%add3A_78, %dma_wait3A_79] : memref<25x80xi32, #tpu.memory_space<vmem>> -> memref<1x80xi32, #tpu.memory_space<vmem>>
        %dma_wait3A_81 = tpu.memref_squeeze %dma_wait3A_80 : memref<1x80xi32, #tpu.memory_space<vmem>> -> memref<80xi32, #tpu.memory_space<vmem>>
        %dma_wait3A_82 = arith.constant 0 : i32
        %dma_wait3A_83 = arith.constant 0 : i32
        %dma_wait3A_84 = tpu.memref_slice %arg2[%dma_wait3A_82, %dma_wait3A_83] : memref<10000x128xf32, #tpu.memory_space<hbm>> -> memref<10000x128xf32, #tpu.memory_space<hbm>>
        tpu.wait_indirect_dma semaphore(%arg14 : memref<!tpu.dma_semaphore, #tpu.memory_space<semaphore_mem>>) src(%dma_wait3A_84 : memref<10000x128xf32, #tpu.memory_space<hbm>>) dst(%arg9 : memref<80x128xf32, #tpu.memory_space<vmem>>)
        %add3A_85 = arith.constant 0 : i32
        %add3A_86 = arith.addi %mul3A_44, %add3A_85 : i32
        %dma_start3A_87 = arith.constant 0 : i32
        %dma_start3A_88 = tpu.memref_slice %arg8[%add3A_86, %dma_start3A_87] : memref<25x80xi32, #tpu.memory_space<vmem>> -> memref<1x80xi32, #tpu.memory_space<vmem>>
        %dma_start3A_89 = tpu.memref_squeeze %dma_start3A_88 : memref<1x80xi32, #tpu.memory_space<vmem>> -> memref<80xi32, #tpu.memory_space<vmem>>
        %dma_start3A_90 = arith.constant 0 : i32
        %dma_start3A_91 = arith.constant 0 : i32
        %dma_start3A_92 = tpu.memref_slice %arg13[%dma_start3A_90, %dma_start3A_91] : memref<10000x128xf32, #tpu.memory_space<vmem_shared>> -> memref<10000x128xf32, #tpu.memory_space<vmem_shared>>
        tpu.enqueue_indirect_dma source(%arg9 : memref<80x128xf32, #tpu.memory_space<vmem>>) target(%dma_start3A_92 : memref<10000x128xf32, #tpu.memory_space<vmem_shared>>) offsets(%dma_start3A_89 : memref<80xi32, #tpu.memory_space<vmem>>) semaphore(%arg18 : memref<!tpu.dma_semaphore, #tpu.memory_space<semaphore_mem>>) {add = true}
        %add3A_93 = arith.constant 1 : i32
        %add3A_94 = arith.addi %mul3A_44, %add3A_93 : i32
        %dma_wait3A_95 = arith.constant 0 : i32
        %dma_wait3A_96 = tpu.memref_slice %arg7[%add3A_94, %dma_wait3A_95] : memref<25x80xi32, #tpu.memory_space<vmem>> -> memref<1x80xi32, #tpu.memory_space<vmem>>
        %dma_wait3A_97 = tpu.memref_squeeze %dma_wait3A_96 : memref<1x80xi32, #tpu.memory_space<vmem>> -> memref<80xi32, #tpu.memory_space<vmem>>
        %dma_wait3A_98 = arith.constant 0 : i32
        %dma_wait3A_99 = arith.constant 0 : i32
        %dma_wait3A_100 = tpu.memref_slice %arg2[%dma_wait3A_98, %dma_wait3A_99] : memref<10000x128xf32, #tpu.memory_space<hbm>> -> memref<10000x128xf32, #tpu.memory_space<hbm>>
        tpu.wait_indirect_dma semaphore(%arg15 : memref<!tpu.dma_semaphore, #tpu.memory_space<semaphore_mem>>) src(%dma_wait3A_100 : memref<10000x128xf32, #tpu.memory_space<hbm>>) dst(%arg10 : memref<80x128xf32, #tpu.memory_space<vmem>>)
        %add3A_101 = arith.constant 1 : i32
        %add3A_102 = arith.addi %mul3A_44, %add3A_101 : i32
        %dma_start3A_103 = arith.constant 0 : i32
        %dma_start3A_104 = tpu.memref_slice %arg8[%add3A_102, %dma_start3A_103] : memref<25x80xi32, #tpu.memory_space<vmem>> -> memref<1x80xi32, #tpu.memory_space<vmem>>
        %dma_start3A_105 = tpu.memref_squeeze %dma_start3A_104 : memref<1x80xi32, #tpu.memory_space<vmem>> -> memref<80xi32, #tpu.memory_space<vmem>>
        %dma_start3A_106 = arith.constant 0 : i32
        %dma_start3A_107 = arith.constant 0 : i32
        %dma_start3A_108 = tpu.memref_slice %arg13[%dma_start3A_106, %dma_start3A_107] : memref<10000x128xf32, #tpu.memory_space<vmem_shared>> -> memref<10000x128xf32, #tpu.memory_space<vmem_shared>>
        tpu.enqueue_indirect_dma source(%arg10 : memref<80x128xf32, #tpu.memory_space<vmem>>) target(%dma_start3A_108 : memref<10000x128xf32, #tpu.memory_space<vmem_shared>>) offsets(%dma_start3A_105 : memref<80xi32, #tpu.memory_space<vmem>>) semaphore(%arg19 : memref<!tpu.dma_semaphore, #tpu.memory_space<semaphore_mem>>) {add = true}
        %add3A_109 = arith.constant 2 : i32
        %add3A_110 = arith.addi %mul3A_44, %add3A_109 : i32
        %dma_wait3A_111 = arith.constant 0 : i32
        %dma_wait3A_112 = tpu.memref_slice %arg7[%add3A_110, %dma_wait3A_111] : memref<25x80xi32, #tpu.memory_space<vmem>> -> memref<1x80xi32, #tpu.memory_space<vmem>>
        %dma_wait3A_113 = tpu.memref_squeeze %dma_wait3A_112 : memref<1x80xi32, #tpu.memory_space<vmem>> -> memref<80xi32, #tpu.memory_space<vmem>>
        %dma_wait3A_114 = arith.constant 0 : i32
        %dma_wait3A_115 = arith.constant 0 : i32
        %dma_wait3A_116 = tpu.memref_slice %arg2[%dma_wait3A_114, %dma_wait3A_115] : memref<10000x128xf32, #tpu.memory_space<hbm>> -> memref<10000x128xf32, #tpu.memory_space<hbm>>
        tpu.wait_indirect_dma semaphore(%arg16 : memref<!tpu.dma_semaphore, #tpu.memory_space<semaphore_mem>>) src(%dma_wait3A_116 : memref<10000x128xf32, #tpu.memory_space<hbm>>) dst(%arg11 : memref<80x128xf32, #tpu.memory_space<vmem>>)
        %add3A_117 = arith.constant 2 : i32
        %add3A_118 = arith.addi %mul3A_44, %add3A_117 : i32
        %dma_start3A_119 = arith.constant 0 : i32
        %dma_start3A_120 = tpu.memref_slice %arg8[%add3A_118, %dma_start3A_119] : memref<25x80xi32, #tpu.memory_space<vmem>> -> memref<1x80xi32, #tpu.memory_space<vmem>>
        %dma_start3A_121 = tpu.memref_squeeze %dma_start3A_120 : memref<1x80xi32, #tpu.memory_space<vmem>> -> memref<80xi32, #tpu.memory_space<vmem>>
        %dma_start3A_122 = arith.constant 0 : i32
        %dma_start3A_123 = arith.constant 0 : i32
        %dma_start3A_124 = tpu.memref_slice %arg13[%dma_start3A_122, %dma_start3A_123] : memref<10000x128xf32, #tpu.memory_space<vmem_shared>> -> memref<10000x128xf32, #tpu.memory_space<vmem_shared>>
        tpu.enqueue_indirect_dma source(%arg11 : memref<80x128xf32, #tpu.memory_space<vmem>>) target(%dma_start3A_124 : memref<10000x128xf32, #tpu.memory_space<vmem_shared>>) offsets(%dma_start3A_121 : memref<80xi32, #tpu.memory_space<vmem>>) semaphore(%arg20 : memref<!tpu.dma_semaphore, #tpu.memory_space<semaphore_mem>>) {add = true}
        %add3A_125 = arith.constant 3 : i32
        %add3A_126 = arith.addi %mul3A_44, %add3A_125 : i32
        %dma_wait3A_127 = arith.constant 0 : i32
        %dma_wait3A_128 = tpu.memref_slice %arg7[%add3A_126, %dma_wait3A_127] : memref<25x80xi32, #tpu.memory_space<vmem>> -> memref<1x80xi32, #tpu.memory_space<vmem>>
        %dma_wait3A_129 = tpu.memref_squeeze %dma_wait3A_128 : memref<1x80xi32, #tpu.memory_space<vmem>> -> memref<80xi32, #tpu.memory_space<vmem>>
        %dma_wait3A_130 = arith.constant 0 : i32
        %dma_wait3A_131 = arith.constant 0 : i32
        %dma_wait3A_132 = tpu.memref_slice %arg2[%dma_wait3A_130, %dma_wait3A_131] : memref<10000x128xf32, #tpu.memory_space<hbm>> -> memref<10000x128xf32, #tpu.memory_space<hbm>>
        tpu.wait_indirect_dma semaphore(%arg17 : memref<!tpu.dma_semaphore, #tpu.memory_space<semaphore_mem>>) src(%dma_wait3A_132 : memref<10000x128xf32, #tpu.memory_space<hbm>>) dst(%arg12 : memref<80x128xf32, #tpu.memory_space<vmem>>)
        %add3A_133 = arith.constant 3 : i32
        %add3A_134 = arith.addi %mul3A_44, %add3A_133 : i32
        %dma_start3A_135 = arith.constant 0 : i32
        %dma_start3A_136 = tpu.memref_slice %arg8[%add3A_134, %dma_start3A_135] : memref<25x80xi32, #tpu.memory_space<vmem>> -> memref<1x80xi32, #tpu.memory_space<vmem>>
        %dma_start3A_137 = tpu.memref_squeeze %dma_start3A_136 : memref<1x80xi32, #tpu.memory_space<vmem>> -> memref<80xi32, #tpu.memory_space<vmem>>
        %dma_start3A_138 = arith.constant 0 : i32
        %dma_start3A_139 = arith.constant 0 : i32
        %dma_start3A_140 = tpu.memref_slice %arg13[%dma_start3A_138, %dma_start3A_139] : memref<10000x128xf32, #tpu.memory_space<vmem_shared>> -> memref<10000x128xf32, #tpu.memory_space<vmem_shared>>
        tpu.enqueue_indirect_dma source(%arg12 : memref<80x128xf32, #tpu.memory_space<vmem>>) target(%dma_start3A_140 : memref<10000x128xf32, #tpu.memory_space<vmem_shared>>) offsets(%dma_start3A_137 : memref<80xi32, #tpu.memory_space<vmem>>) semaphore(%arg21 : memref<!tpu.dma_semaphore, #tpu.memory_space<semaphore_mem>>) {add = true}
        %add3A_141 = arith.constant 0 : i32
        %add3A_142 = arith.addi %mul3A_44, %add3A_141 : i32
        %dma_wait3A_143 = arith.constant 0 : i32
        %dma_wait3A_144 = tpu.memref_slice %arg8[%add3A_142, %dma_wait3A_143] : memref<25x80xi32, #tpu.memory_space<vmem>> -> memref<1x80xi32, #tpu.memory_space<vmem>>
        %dma_wait3A_145 = tpu.memref_squeeze %dma_wait3A_144 : memref<1x80xi32, #tpu.memory_space<vmem>> -> memref<80xi32, #tpu.memory_space<vmem>>
        %dma_wait3A_146 = arith.constant 0 : i32
        %dma_wait3A_147 = arith.constant 0 : i32
        %dma_wait3A_148 = tpu.memref_slice %arg13[%dma_wait3A_146, %dma_wait3A_147] : memref<10000x128xf32, #tpu.memory_space<vmem_shared>> -> memref<10000x128xf32, #tpu.memory_space<vmem_shared>>
        tpu.wait_indirect_dma semaphore(%arg18 : memref<!tpu.dma_semaphore, #tpu.memory_space<semaphore_mem>>) src(%arg9 : memref<80x128xf32, #tpu.memory_space<vmem>>) dst(%dma_wait3A_148 : memref<10000x128xf32, #tpu.memory_space<vmem_shared>>)
        %add3A_149 = arith.constant 1 : i32
        %add3A_150 = arith.addi %mul3A_44, %add3A_149 : i32
        %dma_wait3A_151 = arith.constant 0 : i32
        %dma_wait3A_152 = tpu.memref_slice %arg8[%add3A_150, %dma_wait3A_151] : memref<25x80xi32, #tpu.memory_space<vmem>> -> memref<1x80xi32, #tpu.memory_space<vmem>>
        %dma_wait3A_153 = tpu.memref_squeeze %dma_wait3A_152 : memref<1x80xi32, #tpu.memory_space<vmem>> -> memref<80xi32, #tpu.memory_space<vmem>>
        %dma_wait3A_154 = arith.constant 0 : i32
        %dma_wait3A_155 = arith.constant 0 : i32
        %dma_wait3A_156 = tpu.memref_slice %arg13[%dma_wait3A_154, %dma_wait3A_155] : memref<10000x128xf32, #tpu.memory_space<vmem_shared>> -> memref<10000x128xf32, #tpu.memory_space<vmem_shared>>
        tpu.wait_indirect_dma semaphore(%arg19 : memref<!tpu.dma_semaphore, #tpu.memory_space<semaphore_mem>>) src(%arg10 : memref<80x128xf32, #tpu.memory_space<vmem>>) dst(%dma_wait3A_156 : memref<10000x128xf32, #tpu.memory_space<vmem_shared>>)
        %add3A_157 = arith.constant 2 : i32
        %add3A_158 = arith.addi %mul3A_44, %add3A_157 : i32
        %dma_wait3A_159 = arith.constant 0 : i32
        %dma_wait3A_160 = tpu.memref_slice %arg8[%add3A_158, %dma_wait3A_159] : memref<25x80xi32, #tpu.memory_space<vmem>> -> memref<1x80xi32, #tpu.memory_space<vmem>>
        %dma_wait3A_161 = tpu.memref_squeeze %dma_wait3A_160 : memref<1x80xi32, #tpu.memory_space<vmem>> -> memref<80xi32, #tpu.memory_space<vmem>>
        %dma_wait3A_162 = arith.constant 0 : i32
        %dma_wait3A_163 = arith.constant 0 : i32
        %dma_wait3A_164 = tpu.memref_slice %arg13[%dma_wait3A_162, %dma_wait3A_163] : memref<10000x128xf32, #tpu.memory_space<vmem_shared>> -> memref<10000x128xf32, #tpu.memory_space<vmem_shared>>
        tpu.wait_indirect_dma semaphore(%arg20 : memref<!tpu.dma_semaphore, #tpu.memory_space<semaphore_mem>>) src(%arg11 : memref<80x128xf32, #tpu.memory_space<vmem>>) dst(%dma_wait3A_164 : memref<10000x128xf32, #tpu.memory_space<vmem_shared>>)
        %add3A_165 = arith.constant 3 : i32
        %add3A_166 = arith.addi %mul3A_44, %add3A_165 : i32
        %dma_wait3A_167 = arith.constant 0 : i32
        %dma_wait3A_168 = tpu.memref_slice %arg8[%add3A_166, %dma_wait3A_167] : memref<25x80xi32, #tpu.memory_space<vmem>> -> memref<1x80xi32, #tpu.memory_space<vmem>>
        %dma_wait3A_169 = tpu.memref_squeeze %dma_wait3A_168 : memref<1x80xi32, #tpu.memory_space<vmem>> -> memref<80xi32, #tpu.memory_space<vmem>>
        %dma_wait3A_170 = arith.constant 0 : i32
        %dma_wait3A_171 = arith.constant 0 : i32
        %dma_wait3A_172 = tpu.memref_slice %arg13[%dma_wait3A_170, %dma_wait3A_171] : memref<10000x128xf32, #tpu.memory_space<vmem_shared>> -> memref<10000x128xf32, #tpu.memory_space<vmem_shared>>
        tpu.wait_indirect_dma semaphore(%arg21 : memref<!tpu.dma_semaphore, #tpu.memory_space<semaphore_mem>>) src(%arg12 : memref<80x128xf32, #tpu.memory_space<vmem>>) dst(%dma_wait3A_172 : memref<10000x128xf32, #tpu.memory_space<vmem_shared>>)
      }
      %scan3A_29 = arith.constant 6 : i32
      %dma_start3A = arith.constant 24 : i32
      %dma_start3A_30 = arith.constant 0 : i32
      %dma_start3A_31 = tpu.memref_slice %arg7[%dma_start3A, %dma_start3A_30] : memref<25x80xi32, #tpu.memory_space<vmem>> -> memref<1x80xi32, #tpu.memory_space<vmem>>
      %dma_start3A_32 = tpu.memref_squeeze %dma_start3A_31 : memref<1x80xi32, #tpu.memory_space<vmem>> -> memref<80xi32, #tpu.memory_space<vmem>>
      %dma_start3A_33 = arith.constant 0 : i32
      %dma_start3A_34 = arith.constant 0 : i32
      %dma_start3A_35 = tpu.memref_slice %arg2[%dma_start3A_33, %dma_start3A_34] : memref<10000x128xf32, #tpu.memory_space<hbm>> -> memref<10000x128xf32, #tpu.memory_space<hbm>>
      tpu.enqueue_indirect_dma source(%dma_start3A_35 : memref<10000x128xf32, #tpu.memory_space<hbm>>) target(%arg9 : memref<80x128xf32, #tpu.memory_space<vmem>>) offsets(%dma_start3A_32 : memref<80xi32, #tpu.memory_space<vmem>>) semaphore(%arg14 : memref<!tpu.dma_semaphore, #tpu.memory_space<semaphore_mem>>)
      %dma_wait3A = arith.constant 24 : i32
      %dma_wait3A_36 = arith.constant 0 : i32
      %dma_wait3A_37 = tpu.memref_slice %arg7[%dma_wait3A, %dma_wait3A_36] : memref<25x80xi32, #tpu.memory_space<vmem>> -> memref<1x80xi32, #tpu.memory_space<vmem>>
      %dma_wait3A_38 = tpu.memref_squeeze %dma_wait3A_37 : memref<1x80xi32, #tpu.memory_space<vmem>> -> memref<80xi32, #tpu.memory_space<vmem>>
      %dma_wait3A_39 = arith.constant 0 : i32
      %dma_wait3A_40 = arith.constant 0 : i32
      %dma_wait3A_41 = tpu.memref_slice %arg2[%dma_wait3A_39, %dma_wait3A_40] : memref<10000x128xf32, #tpu.memory_space<hbm>> -> memref<10000x128xf32, #tpu.memory_space<hbm>>
      tpu.wait_indirect_dma semaphore(%arg14 : memref<!tpu.dma_semaphore, #tpu.memory_space<semaphore_mem>>) src(%dma_wait3A_41 : memref<10000x128xf32, #tpu.memory_space<hbm>>) dst(%arg9 : memref<80x128xf32, #tpu.memory_space<vmem>>)
      %run_scoped3A = arith.constant 24 : i32
      "tpu.region"() ({
        %run_scoped3A_42 = tpu.sem_alloc : memref<!tpu.dma_semaphore, #tpu.memory_space<semaphore_mem>>
        %dma_start3A_43 = arith.constant 0 : i32
        %dma_start3A_44 = tpu.memref_slice %arg8[%run_scoped3A, %dma_start3A_43] : memref<25x80xi32, #tpu.memory_space<vmem>> -> memref<1x80xi32, #tpu.memory_space<vmem>>
        %dma_start3A_45 = tpu.memref_squeeze %dma_start3A_44 : memref<1x80xi32, #tpu.memory_space<vmem>> -> memref<80xi32, #tpu.memory_space<vmem>>
        %dma_start3A_46 = arith.constant 0 : i32
        %dma_start3A_47 = arith.constant 0 : i32
        %dma_start3A_48 = tpu.memref_slice %arg13[%dma_start3A_46, %dma_start3A_47] : memref<10000x128xf32, #tpu.memory_space<vmem_shared>> -> memref<10000x128xf32, #tpu.memory_space<vmem_shared>>
        tpu.enqueue_indirect_dma source(%arg9 : memref<80x128xf32, #tpu.memory_space<vmem>>) target(%dma_start3A_48 : memref<10000x128xf32, #tpu.memory_space<vmem_shared>>) offsets(%dma_start3A_45 : memref<80xi32, #tpu.memory_space<vmem>>) semaphore(%run_scoped3A_42 : memref<!tpu.dma_semaphore, #tpu.memory_space<semaphore_mem>>) {add = true}
        %dma_wait3A_49 = arith.constant 0 : i32
        %dma_wait3A_50 = tpu.memref_slice %arg8[%run_scoped3A, %dma_wait3A_49] : memref<25x80xi32, #tpu.memory_space<vmem>> -> memref<1x80xi32, #tpu.memory_space<vmem>>
        %dma_wait3A_51 = tpu.memref_squeeze %dma_wait3A_50 : memref<1x80xi32, #tpu.memory_space<vmem>> -> memref<80xi32, #tpu.memory_space<vmem>>
        %dma_wait3A_52 = arith.constant 0 : i32
        %dma_wait3A_53 = arith.constant 0 : i32
        %dma_wait3A_54 = tpu.memref_slice %arg13[%dma_wait3A_52, %dma_wait3A_53] : memref<10000x128xf32, #tpu.memory_space<vmem_shared>> -> memref<10000x128xf32, #tpu.memory_space<vmem_shared>>
        tpu.wait_indirect_dma semaphore(%run_scoped3A_42 : memref<!tpu.dma_semaphore, #tpu.memory_space<semaphore_mem>>) src(%arg9 : memref<80x128xf32, #tpu.memory_space<vmem>>) dst(%dma_wait3A_54 : memref<10000x128xf32, #tpu.memory_space<vmem_shared>>)
        tpu.yield
      }) : () -> ()
    }
    %scan3A_11 = arith.constant 5 : i32
    %barrier3A_12 = arith.constant 0 : index
    tpu.barrier barrier_id(%barrier3A_12)
    %lt3A_13 = arith.constant 15 : i32
    %lt3A_14 = arith.cmpi slt, %arg1, %lt3A_13 : i32
    %convert_element_type3A_15 = arith.extui %lt3A_14 : i1 to i32
    %cond3A_16 = arith.constant 0 : i32
    %cond3A_17 = arith.cmpi ne, %convert_element_type3A_15, %cond3A_16 : i32
    scf.if %cond3A_17 {
      %mul3A_23 = arith.constant 624 : i32
      %mul3A_24 = arith.muli %arg1, %mul3A_23 : i32
      %mul3A_25 = arith.constant 624 : i32
      %mul3A_26 = arith.muli %arg1, %mul3A_25 : i32
      "tpu.region"() ({
        %run_scoped3A = tpu.sem_alloc : memref<!tpu.dma_semaphore, #tpu.memory_space<semaphore_mem>>
        %dma_start3A = arith.constant 0 : i32
        %dma_start3A_27 = tpu.memref_slice %arg6[%arg0, %mul3A_26, %dma_start3A] : memref<2x10000x128xf32, #tpu.memory_space<hbm>> -> memref<1x624x128xf32, #tpu.memory_space<hbm>>
        %dma_start3A_28 = tpu.memref_squeeze %dma_start3A_27 : memref<1x624x128xf32, #tpu.memory_space<hbm>> -> memref<624x128xf32, #tpu.memory_space<hbm>>
        %dma_start3A_29 = arith.constant 0 : i32
        %dma_start3A_30 = tpu.memref_slice %arg13[%mul3A_24, %dma_start3A_29] : memref<10000x128xf32, #tpu.memory_space<vmem_shared>> -> memref<624x128xf32, #tpu.memory_space<vmem_shared>>
        tpu.enqueue_dma source(%dma_start3A_30 : memref<624x128xf32, #tpu.memory_space<vmem_shared>>) target(%dma_start3A_28 : memref<624x128xf32, #tpu.memory_space<hbm>>) target_semaphore(%run_scoped3A : memref<!tpu.dma_semaphore, #tpu.memory_space<semaphore_mem>>)
        %dma_wait3A = arith.constant 0 : i32
        %dma_wait3A_31 = tpu.memref_slice %arg6[%arg0, %mul3A_26, %dma_wait3A] : memref<2x10000x128xf32, #tpu.memory_space<hbm>> -> memref<1x624x128xf32, #tpu.memory_space<hbm>>
        %dma_wait3A_32 = tpu.memref_squeeze %dma_wait3A_31 : memref<1x624x128xf32, #tpu.memory_space<hbm>> -> memref<624x128xf32, #tpu.memory_space<hbm>>
        %dma_wait3A_33 = arith.constant 0 : i32
        %dma_wait3A_34 = tpu.memref_slice %arg13[%mul3A_24, %dma_wait3A_33] : memref<10000x128xf32, #tpu.memory_space<vmem_shared>> -> memref<624x128xf32, #tpu.memory_space<vmem_shared>>
        tpu.wait_dma2 semaphore(%run_scoped3A : memref<!tpu.dma_semaphore, #tpu.memory_space<semaphore_mem>>) src(%dma_wait3A_34 : memref<624x128xf32, #tpu.memory_space<vmem_shared>>) dst(%dma_wait3A_32 : memref<624x128xf32, #tpu.memory_space<hbm>>)
        tpu.yield
      }) : () -> ()
    } else {
    }
    %eq3A_18 = arith.constant 15 : i32
    %eq3A_19 = arith.cmpi eq, %arg1, %eq3A_18 : i32
    %convert_element_type3A_20 = arith.extui %eq3A_19 : i1 to i32
    %cond3A_21 = arith.constant 0 : i32
    %cond3A_22 = arith.cmpi ne, %convert_element_type3A_20, %cond3A_21 : i32
    scf.if %cond3A_22 {
      "tpu.region"() ({
        %run_scoped3A = tpu.sem_alloc : memref<!tpu.dma_semaphore, #tpu.memory_space<semaphore_mem>>
        %dma_start3A = arith.constant 9360 : i32
        %dma_start3A_23 = arith.constant 0 : i32
        %dma_start3A_24 = tpu.memref_slice %arg6[%arg0, %dma_start3A, %dma_start3A_23] : memref<2x10000x128xf32, #tpu.memory_space<hbm>> -> memref<1x640x128xf32, #tpu.memory_space<hbm>>
        %dma_start3A_25 = tpu.memref_squeeze %dma_start3A_24 : memref<1x640x128xf32, #tpu.memory_space<hbm>> -> memref<640x128xf32, #tpu.memory_space<hbm>>
        %dma_start3A_26 = arith.constant 9360 : i32
        %dma_start3A_27 = arith.constant 0 : i32
        %dma_start3A_28 = tpu.memref_slice %arg13[%dma_start3A_26, %dma_start3A_27] : memref<10000x128xf32, #tpu.memory_space<vmem_shared>> -> memref<640x128xf32, #tpu.memory_space<vmem_shared>>
        tpu.enqueue_dma source(%dma_start3A_28 : memref<640x128xf32, #tpu.memory_space<vmem_shared>>) target(%dma_start3A_25 : memref<640x128xf32, #tpu.memory_space<hbm>>) target_semaphore(%run_scoped3A : memref<!tpu.dma_semaphore, #tpu.memory_space<semaphore_mem>>)
        %dma_wait3A = arith.constant 9360 : i32
        %dma_wait3A_29 = arith.constant 0 : i32
        %dma_wait3A_30 = tpu.memref_slice %arg6[%arg0, %dma_wait3A, %dma_wait3A_29] : memref<2x10000x128xf32, #tpu.memory_space<hbm>> -> memref<1x640x128xf32, #tpu.memory_space<hbm>>
        %dma_wait3A_31 = tpu.memref_squeeze %dma_wait3A_30 : memref<1x640x128xf32, #tpu.memory_space<hbm>> -> memref<640x128xf32, #tpu.memory_space<hbm>>
        %dma_wait3A_32 = arith.constant 9360 : i32
        %dma_wait3A_33 = arith.constant 0 : i32
        %dma_wait3A_34 = tpu.memref_slice %arg13[%dma_wait3A_32, %dma_wait3A_33] : memref<10000x128xf32, #tpu.memory_space<vmem_shared>> -> memref<640x128xf32, #tpu.memory_space<vmem_shared>>
        tpu.wait_dma2 semaphore(%run_scoped3A : memref<!tpu.dma_semaphore, #tpu.memory_space<semaphore_mem>>) src(%dma_wait3A_34 : memref<640x128xf32, #tpu.memory_space<vmem_shared>>) dst(%dma_wait3A_31 : memref<640x128xf32, #tpu.memory_space<hbm>>)
        tpu.yield
      }) : () -> ()
    } else {
    }
    return
  }
}

#map = affine_map<(d0, d1) -> (0, 0)>
#map1 = affine_map<(d0, d1) -> (0, 0, 0, 0)>
#map2 = affine_map<(d0, d1) -> (0, 0, 0)>
module attributes {stable_mosaic.version = 14 : i64} {
  func.func @_sc_agg_body(%arg0: i32, %arg1: i32, %arg2: memref<10000x128xf32, #tpu.memory_space<hbm>>, %arg3: memref<32x5x25x80xi32, #tpu.memory_space<hbm>>, %arg4: memref<32x5x25x80xi32, #tpu.memory_space<hbm>>, %arg5: memref<640x128xf32, #tpu.memory_space<hbm>>, %arg6: memref<2x10000x128xf32, #tpu.memory_space<hbm>>, %arg7: memref<25x80xi32, #tpu.memory_space<vmem>>, %arg8: memref<25x80xi32, #tpu.memory_space<vmem>>, %arg9: memref<80x128xf32, #tpu.memory_space<vmem>>, %arg10: memref<80x128xf32, #tpu.memory_space<vmem>>, %arg11: memref<80x128xf32, #tpu.memory_space<vmem>>, %arg12: memref<80x128xf32, #tpu.memory_space<vmem>>, %arg13: memref<10000x128xf32, #tpu.memory_space<vmem_shared>>, %arg14: memref<!tpu.dma_semaphore, #tpu.memory_space<semaphore_mem>>, %arg15: memref<!tpu.dma_semaphore, #tpu.memory_space<semaphore_mem>>, %arg16: memref<!tpu.dma_semaphore, #tpu.memory_space<semaphore_mem>>, %arg17: memref<!tpu.dma_semaphore, #tpu.memory_space<semaphore_mem>>, %arg18: memref<!tpu.dma_semaphore, #tpu.memory_space<semaphore_mem>>, %arg19: memref<!tpu.dma_semaphore, #tpu.memory_space<semaphore_mem>>, %arg20: memref<!tpu.dma_semaphore, #tpu.memory_space<semaphore_mem>>, %arg21: memref<!tpu.dma_semaphore, #tpu.memory_space<semaphore_mem>>) attributes {dimension_semantics = [#tpu.dimension_semantics<core_parallel>, #tpu.dimension_semantics<subcore_parallel>], iteration_bounds = array<i64: 2, 16>, scalar_prefetch = 0 : i64, scratch_operands = 15 : i64, tpu.core_type = #tpu.core_type<sc_vector_subcore>, window_params = [{transform_indices = #map}, {transform_indices = #map1}, {transform_indices = #map1}, {transform_indices = #map}, {transform_indices = #map2}]} {
    %lt3A = arith.constant 15 : i32
    %lt3A_0 = arith.cmpi slt, %arg1, %lt3A : i32
    %convert_element_type3A = arith.extui %lt3A_0 : i1 to i32
    %cond3A = arith.constant 0 : i32
    %cond3A_1 = arith.cmpi ne, %convert_element_type3A, %cond3A : i32
    scf.if %cond3A_1 {
      %mul3A_23 = arith.constant 624 : i32
      %mul3A_24 = arith.muli %arg1, %mul3A_23 : i32
      "tpu.region"() ({
        %run_scoped3A = tpu.sem_alloc : memref<!tpu.dma_semaphore, #tpu.memory_space<semaphore_mem>>
        %dma_start3A = arith.constant 0 : i32
        %dma_start3A_25 = tpu.memref_slice %arg13[%mul3A_24, %dma_start3A] : memref<10000x128xf32, #tpu.memory_space<vmem_shared>> -> memref<624x128xf32, #tpu.memory_space<vmem_shared>>
        %dma_start3A_26 = arith.constant 0 : i32
        %dma_start3A_27 = arith.constant 0 : i32
        %dma_start3A_28 = tpu.memref_slice %arg5[%dma_start3A_26, %dma_start3A_27] : memref<640x128xf32, #tpu.memory_space<hbm>> -> memref<624x128xf32, #tpu.memory_space<hbm>>
        tpu.enqueue_dma source(%dma_start3A_28 : memref<624x128xf32, #tpu.memory_space<hbm>>) target(%dma_start3A_25 : memref<624x128xf32, #tpu.memory_space<vmem_shared>>) target_semaphore(%run_scoped3A : memref<!tpu.dma_semaphore, #tpu.memory_space<semaphore_mem>>)
        %dma_wait3A = arith.constant 0 : i32
        %dma_wait3A_29 = tpu.memref_slice %arg13[%mul3A_24, %dma_wait3A] : memref<10000x128xf32, #tpu.memory_space<vmem_shared>> -> memref<624x128xf32, #tpu.memory_space<vmem_shared>>
        %dma_wait3A_30 = arith.constant 0 : i32
        %dma_wait3A_31 = arith.constant 0 : i32
        %dma_wait3A_32 = tpu.memref_slice %arg5[%dma_wait3A_30, %dma_wait3A_31] : memref<640x128xf32, #tpu.memory_space<hbm>> -> memref<624x128xf32, #tpu.memory_space<hbm>>
        tpu.wait_dma2 semaphore(%run_scoped3A : memref<!tpu.dma_semaphore, #tpu.memory_space<semaphore_mem>>) src(%dma_wait3A_32 : memref<624x128xf32, #tpu.memory_space<hbm>>) dst(%dma_wait3A_29 : memref<624x128xf32, #tpu.memory_space<vmem_shared>>)
        tpu.yield
      }) : () -> ()
    } else {
    }
    %eq3A = arith.constant 15 : i32
    %eq3A_2 = arith.cmpi eq, %arg1, %eq3A : i32
    %convert_element_type3A_3 = arith.extui %eq3A_2 : i1 to i32
    %cond3A_4 = arith.constant 0 : i32
    %cond3A_5 = arith.cmpi ne, %convert_element_type3A_3, %cond3A_4 : i32
    scf.if %cond3A_5 {
      "tpu.region"() ({
        %run_scoped3A = tpu.sem_alloc : memref<!tpu.dma_semaphore, #tpu.memory_space<semaphore_mem>>
        %dma_start3A = arith.constant 9360 : i32
        %dma_start3A_23 = arith.constant 0 : i32
        %dma_start3A_24 = tpu.memref_slice %arg13[%dma_start3A, %dma_start3A_23] : memref<10000x128xf32, #tpu.memory_space<vmem_shared>> -> memref<640x128xf32, #tpu.memory_space<vmem_shared>>
        tpu.enqueue_dma source(%arg5 : memref<640x128xf32, #tpu.memory_space<hbm>>) target(%dma_start3A_24 : memref<640x128xf32, #tpu.memory_space<vmem_shared>>) target_semaphore(%run_scoped3A : memref<!tpu.dma_semaphore, #tpu.memory_space<semaphore_mem>>)
        %dma_wait3A = arith.constant 9360 : i32
        %dma_wait3A_25 = arith.constant 0 : i32
        %dma_wait3A_26 = tpu.memref_slice %arg13[%dma_wait3A, %dma_wait3A_25] : memref<10000x128xf32, #tpu.memory_space<vmem_shared>> -> memref<640x128xf32, #tpu.memory_space<vmem_shared>>
        tpu.wait_dma2 semaphore(%run_scoped3A : memref<!tpu.dma_semaphore, #tpu.memory_space<semaphore_mem>>) src(%arg5 : memref<640x128xf32, #tpu.memory_space<hbm>>) dst(%dma_wait3A_26 : memref<640x128xf32, #tpu.memory_space<vmem_shared>>)
        tpu.yield
      }) : () -> ()
    } else {
    }
    %mul3A = arith.constant 2 : i32
    %mul3A_6 = arith.muli %arg1, %mul3A : i32
    %add3A = arith.addi %mul3A_6, %arg0 : i32
    %barrier3A = arith.constant 0 : index
    tpu.barrier barrier_id(%barrier3A)
    %scan3A = arith.constant 0 : i32
    %scan3A_7 = arith.constant 0 : i32
    %scan3A_8 = arith.constant 5 : i32
    %scan3A_9 = arith.addi %scan3A_7, %scan3A_8 : i32
    %scan3A_10 = arith.constant 1 : i32
    scf.for %scan3A_23 = %scan3A_7 to %scan3A_9 step %scan3A_10  : i32 {
      "tpu.region"() ({
        %run_scoped3A_42 = tpu.sem_alloc : memref<!tpu.dma_semaphore, #tpu.memory_space<semaphore_mem>>
        %dma_start3A_43 = arith.constant 0 : i32
        %dma_start3A_44 = arith.constant 0 : i32
        %dma_start3A_45 = tpu.memref_slice %arg3[%add3A, %scan3A_23, %dma_start3A_43, %dma_start3A_44] : memref<32x5x25x80xi32, #tpu.memory_space<hbm>> -> memref<1x1x25x80xi32, #tpu.memory_space<hbm>>
        %dma_start3A_46 = tpu.memref_squeeze %dma_start3A_45 : memref<1x1x25x80xi32, #tpu.memory_space<hbm>> -> memref<25x80xi32, #tpu.memory_space<hbm>>
        %dma_start3A_47 = arith.constant 0 : i32
        %dma_start3A_48 = arith.constant 0 : i32
        %dma_start3A_49 = tpu.memref_slice %arg3[%add3A, %scan3A_23, %dma_start3A_47, %dma_start3A_48] : memref<32x5x25x80xi32, #tpu.memory_space<hbm>> -> memref<1x1x25x80xi32, #tpu.memory_space<hbm>>
        %dma_start3A_50 = tpu.memref_squeeze %dma_start3A_49 : memref<1x1x25x80xi32, #tpu.memory_space<hbm>> -> memref<25x80xi32, #tpu.memory_space<hbm>>
        tpu.enqueue_dma source(%dma_start3A_50 : memref<25x80xi32, #tpu.memory_space<hbm>>) target(%arg7 : memref<25x80xi32, #tpu.memory_space<vmem>>) target_semaphore(%run_scoped3A_42 : memref<!tpu.dma_semaphore, #tpu.memory_space<semaphore_mem>>)
        %dma_wait3A_51 = arith.constant 0 : i32
        %dma_wait3A_52 = arith.constant 0 : i32
        %dma_wait3A_53 = tpu.memref_slice %arg3[%add3A, %scan3A_23, %dma_wait3A_51, %dma_wait3A_52] : memref<32x5x25x80xi32, #tpu.memory_space<hbm>> -> memref<1x1x25x80xi32, #tpu.memory_space<hbm>>
        %dma_wait3A_54 = tpu.memref_squeeze %dma_wait3A_53 : memref<1x1x25x80xi32, #tpu.memory_space<hbm>> -> memref<25x80xi32, #tpu.memory_space<hbm>>
        %dma_wait3A_55 = arith.constant 0 : i32
        %dma_wait3A_56 = arith.constant 0 : i32
        %dma_wait3A_57 = tpu.memref_slice %arg3[%add3A, %scan3A_23, %dma_wait3A_55, %dma_wait3A_56] : memref<32x5x25x80xi32, #tpu.memory_space<hbm>> -> memref<1x1x25x80xi32, #tpu.memory_space<hbm>>
        %dma_wait3A_58 = tpu.memref_squeeze %dma_wait3A_57 : memref<1x1x25x80xi32, #tpu.memory_space<hbm>> -> memref<25x80xi32, #tpu.memory_space<hbm>>
        tpu.wait_dma2 semaphore(%run_scoped3A_42 : memref<!tpu.dma_semaphore, #tpu.memory_space<semaphore_mem>>) src(%dma_wait3A_58 : memref<25x80xi32, #tpu.memory_space<hbm>>) dst(%arg7 : memref<25x80xi32, #tpu.memory_space<vmem>>)
        tpu.yield
      }) : () -> ()
      "tpu.region"() ({
        %run_scoped3A_42 = tpu.sem_alloc : memref<!tpu.dma_semaphore, #tpu.memory_space<semaphore_mem>>
        %dma_start3A_43 = arith.constant 0 : i32
        %dma_start3A_44 = arith.constant 0 : i32
        %dma_start3A_45 = tpu.memref_slice %arg4[%add3A, %scan3A_23, %dma_start3A_43, %dma_start3A_44] : memref<32x5x25x80xi32, #tpu.memory_space<hbm>> -> memref<1x1x25x80xi32, #tpu.memory_space<hbm>>
        %dma_start3A_46 = tpu.memref_squeeze %dma_start3A_45 : memref<1x1x25x80xi32, #tpu.memory_space<hbm>> -> memref<25x80xi32, #tpu.memory_space<hbm>>
        %dma_start3A_47 = arith.constant 0 : i32
        %dma_start3A_48 = arith.constant 0 : i32
        %dma_start3A_49 = tpu.memref_slice %arg4[%add3A, %scan3A_23, %dma_start3A_47, %dma_start3A_48] : memref<32x5x25x80xi32, #tpu.memory_space<hbm>> -> memref<1x1x25x80xi32, #tpu.memory_space<hbm>>
        %dma_start3A_50 = tpu.memref_squeeze %dma_start3A_49 : memref<1x1x25x80xi32, #tpu.memory_space<hbm>> -> memref<25x80xi32, #tpu.memory_space<hbm>>
        tpu.enqueue_dma source(%dma_start3A_50 : memref<25x80xi32, #tpu.memory_space<hbm>>) target(%arg8 : memref<25x80xi32, #tpu.memory_space<vmem>>) target_semaphore(%run_scoped3A_42 : memref<!tpu.dma_semaphore, #tpu.memory_space<semaphore_mem>>)
        %dma_wait3A_51 = arith.constant 0 : i32
        %dma_wait3A_52 = arith.constant 0 : i32
        %dma_wait3A_53 = tpu.memref_slice %arg4[%add3A, %scan3A_23, %dma_wait3A_51, %dma_wait3A_52] : memref<32x5x25x80xi32, #tpu.memory_space<hbm>> -> memref<1x1x25x80xi32, #tpu.memory_space<hbm>>
        %dma_wait3A_54 = tpu.memref_squeeze %dma_wait3A_53 : memref<1x1x25x80xi32, #tpu.memory_space<hbm>> -> memref<25x80xi32, #tpu.memory_space<hbm>>
        %dma_wait3A_55 = arith.constant 0 : i32
        %dma_wait3A_56 = arith.constant 0 : i32
        %dma_wait3A_57 = tpu.memref_slice %arg4[%add3A, %scan3A_23, %dma_wait3A_55, %dma_wait3A_56] : memref<32x5x25x80xi32, #tpu.memory_space<hbm>> -> memref<1x1x25x80xi32, #tpu.memory_space<hbm>>
        %dma_wait3A_58 = tpu.memref_squeeze %dma_wait3A_57 : memref<1x1x25x80xi32, #tpu.memory_space<hbm>> -> memref<25x80xi32, #tpu.memory_space<hbm>>
        tpu.wait_dma2 semaphore(%run_scoped3A_42 : memref<!tpu.dma_semaphore, #tpu.memory_space<semaphore_mem>>) src(%dma_wait3A_58 : memref<25x80xi32, #tpu.memory_space<hbm>>) dst(%arg8 : memref<25x80xi32, #tpu.memory_space<vmem>>)
        tpu.yield
      }) : () -> ()
      %scan3A_24 = arith.constant 0 : i32
      %scan3A_25 = arith.constant 0 : i32
      %scan3A_26 = arith.constant 6 : i32
      %scan3A_27 = arith.addi %scan3A_25, %scan3A_26 : i32
      %scan3A_28 = arith.constant 1 : i32
      scf.for %scan3A_42 = %scan3A_25 to %scan3A_27 step %scan3A_28  : i32 {
        %mul3A_43 = arith.constant 4 : i32
        %mul3A_44 = arith.muli %mul3A_43, %scan3A_42 : i32
        %add3A_45 = arith.constant 0 : i32
        %add3A_46 = arith.addi %mul3A_44, %add3A_45 : i32
        %dma_start3A_47 = arith.constant 0 : i32
        %dma_start3A_48 = tpu.memref_slice %arg7[%add3A_46, %dma_start3A_47] : memref<25x80xi32, #tpu.memory_space<vmem>> -> memref<1x80xi32, #tpu.memory_space<vmem>>
        %dma_start3A_49 = tpu.memref_squeeze %dma_start3A_48 : memref<1x80xi32, #tpu.memory_space<vmem>> -> memref<80xi32, #tpu.memory_space<vmem>>
        %dma_start3A_50 = arith.constant 0 : i32
        %dma_start3A_51 = arith.constant 0 : i32
        %dma_start3A_52 = tpu.memref_slice %arg2[%dma_start3A_50, %dma_start3A_51] : memref<10000x128xf32, #tpu.memory_space<hbm>> -> memref<10000x128xf32, #tpu.memory_space<hbm>>
        tpu.enqueue_indirect_dma source(%dma_start3A_52 : memref<10000x128xf32, #tpu.memory_space<hbm>>) target(%arg9 : memref<80x128xf32, #tpu.memory_space<vmem>>) offsets(%dma_start3A_49 : memref<80xi32, #tpu.memory_space<vmem>>) semaphore(%arg14 : memref<!tpu.dma_semaphore, #tpu.memory_space<semaphore_mem>>)
        %add3A_53 = arith.constant 1 : i32
        %add3A_54 = arith.addi %mul3A_44, %add3A_53 : i32
        %dma_start3A_55 = arith.constant 0 : i32
        %dma_start3A_56 = tpu.memref_slice %arg7[%add3A_54, %dma_start3A_55] : memref<25x80xi32, #tpu.memory_space<vmem>> -> memref<1x80xi32, #tpu.memory_space<vmem>>
        %dma_start3A_57 = tpu.memref_squeeze %dma_start3A_56 : memref<1x80xi32, #tpu.memory_space<vmem>> -> memref<80xi32, #tpu.memory_space<vmem>>
        %dma_start3A_58 = arith.constant 0 : i32
        %dma_start3A_59 = arith.constant 0 : i32
        %dma_start3A_60 = tpu.memref_slice %arg2[%dma_start3A_58, %dma_start3A_59] : memref<10000x128xf32, #tpu.memory_space<hbm>> -> memref<10000x128xf32, #tpu.memory_space<hbm>>
        tpu.enqueue_indirect_dma source(%dma_start3A_60 : memref<10000x128xf32, #tpu.memory_space<hbm>>) target(%arg10 : memref<80x128xf32, #tpu.memory_space<vmem>>) offsets(%dma_start3A_57 : memref<80xi32, #tpu.memory_space<vmem>>) semaphore(%arg15 : memref<!tpu.dma_semaphore, #tpu.memory_space<semaphore_mem>>)
        %add3A_61 = arith.constant 2 : i32
        %add3A_62 = arith.addi %mul3A_44, %add3A_61 : i32
        %dma_start3A_63 = arith.constant 0 : i32
        %dma_start3A_64 = tpu.memref_slice %arg7[%add3A_62, %dma_start3A_63] : memref<25x80xi32, #tpu.memory_space<vmem>> -> memref<1x80xi32, #tpu.memory_space<vmem>>
        %dma_start3A_65 = tpu.memref_squeeze %dma_start3A_64 : memref<1x80xi32, #tpu.memory_space<vmem>> -> memref<80xi32, #tpu.memory_space<vmem>>
        %dma_start3A_66 = arith.constant 0 : i32
        %dma_start3A_67 = arith.constant 0 : i32
        %dma_start3A_68 = tpu.memref_slice %arg2[%dma_start3A_66, %dma_start3A_67] : memref<10000x128xf32, #tpu.memory_space<hbm>> -> memref<10000x128xf32, #tpu.memory_space<hbm>>
        tpu.enqueue_indirect_dma source(%dma_start3A_68 : memref<10000x128xf32, #tpu.memory_space<hbm>>) target(%arg11 : memref<80x128xf32, #tpu.memory_space<vmem>>) offsets(%dma_start3A_65 : memref<80xi32, #tpu.memory_space<vmem>>) semaphore(%arg16 : memref<!tpu.dma_semaphore, #tpu.memory_space<semaphore_mem>>)
        %add3A_69 = arith.constant 3 : i32
        %add3A_70 = arith.addi %mul3A_44, %add3A_69 : i32
        %dma_start3A_71 = arith.constant 0 : i32
        %dma_start3A_72 = tpu.memref_slice %arg7[%add3A_70, %dma_start3A_71] : memref<25x80xi32, #tpu.memory_space<vmem>> -> memref<1x80xi32, #tpu.memory_space<vmem>>
        %dma_start3A_73 = tpu.memref_squeeze %dma_start3A_72 : memref<1x80xi32, #tpu.memory_space<vmem>> -> memref<80xi32, #tpu.memory_space<vmem>>
        %dma_start3A_74 = arith.constant 0 : i32
        %dma_start3A_75 = arith.constant 0 : i32
        %dma_start3A_76 = tpu.memref_slice %arg2[%dma_start3A_74, %dma_start3A_75] : memref<10000x128xf32, #tpu.memory_space<hbm>> -> memref<10000x128xf32, #tpu.memory_space<hbm>>
        tpu.enqueue_indirect_dma source(%dma_start3A_76 : memref<10000x128xf32, #tpu.memory_space<hbm>>) target(%arg12 : memref<80x128xf32, #tpu.memory_space<vmem>>) offsets(%dma_start3A_73 : memref<80xi32, #tpu.memory_space<vmem>>) semaphore(%arg17 : memref<!tpu.dma_semaphore, #tpu.memory_space<semaphore_mem>>)
        %add3A_77 = arith.constant 0 : i32
        %add3A_78 = arith.addi %mul3A_44, %add3A_77 : i32
        %dma_wait3A_79 = arith.constant 0 : i32
        %dma_wait3A_80 = tpu.memref_slice %arg7[%add3A_78, %dma_wait3A_79] : memref<25x80xi32, #tpu.memory_space<vmem>> -> memref<1x80xi32, #tpu.memory_space<vmem>>
        %dma_wait3A_81 = tpu.memref_squeeze %dma_wait3A_80 : memref<1x80xi32, #tpu.memory_space<vmem>> -> memref<80xi32, #tpu.memory_space<vmem>>
        %dma_wait3A_82 = arith.constant 0 : i32
        %dma_wait3A_83 = arith.constant 0 : i32
        %dma_wait3A_84 = tpu.memref_slice %arg2[%dma_wait3A_82, %dma_wait3A_83] : memref<10000x128xf32, #tpu.memory_space<hbm>> -> memref<10000x128xf32, #tpu.memory_space<hbm>>
        tpu.wait_indirect_dma semaphore(%arg14 : memref<!tpu.dma_semaphore, #tpu.memory_space<semaphore_mem>>) src(%dma_wait3A_84 : memref<10000x128xf32, #tpu.memory_space<hbm>>) dst(%arg9 : memref<80x128xf32, #tpu.memory_space<vmem>>)
        %add3A_85 = arith.constant 0 : i32
        %add3A_86 = arith.addi %mul3A_44, %add3A_85 : i32
        %dma_start3A_87 = arith.constant 0 : i32
        %dma_start3A_88 = tpu.memref_slice %arg8[%add3A_86, %dma_start3A_87] : memref<25x80xi32, #tpu.memory_space<vmem>> -> memref<1x80xi32, #tpu.memory_space<vmem>>
        %dma_start3A_89 = tpu.memref_squeeze %dma_start3A_88 : memref<1x80xi32, #tpu.memory_space<vmem>> -> memref<80xi32, #tpu.memory_space<vmem>>
        %dma_start3A_90 = arith.constant 0 : i32
        %dma_start3A_91 = arith.constant 0 : i32
        %dma_start3A_92 = tpu.memref_slice %arg13[%dma_start3A_90, %dma_start3A_91] : memref<10000x128xf32, #tpu.memory_space<vmem_shared>> -> memref<10000x128xf32, #tpu.memory_space<vmem_shared>>
        tpu.enqueue_indirect_dma source(%arg9 : memref<80x128xf32, #tpu.memory_space<vmem>>) target(%dma_start3A_92 : memref<10000x128xf32, #tpu.memory_space<vmem_shared>>) offsets(%dma_start3A_89 : memref<80xi32, #tpu.memory_space<vmem>>) semaphore(%arg18 : memref<!tpu.dma_semaphore, #tpu.memory_space<semaphore_mem>>) {add = true}
        %add3A_93 = arith.constant 1 : i32
        %add3A_94 = arith.addi %mul3A_44, %add3A_93 : i32
        %dma_wait3A_95 = arith.constant 0 : i32
        %dma_wait3A_96 = tpu.memref_slice %arg7[%add3A_94, %dma_wait3A_95] : memref<25x80xi32, #tpu.memory_space<vmem>> -> memref<1x80xi32, #tpu.memory_space<vmem>>
        %dma_wait3A_97 = tpu.memref_squeeze %dma_wait3A_96 : memref<1x80xi32, #tpu.memory_space<vmem>> -> memref<80xi32, #tpu.memory_space<vmem>>
        %dma_wait3A_98 = arith.constant 0 : i32
        %dma_wait3A_99 = arith.constant 0 : i32
        %dma_wait3A_100 = tpu.memref_slice %arg2[%dma_wait3A_98, %dma_wait3A_99] : memref<10000x128xf32, #tpu.memory_space<hbm>> -> memref<10000x128xf32, #tpu.memory_space<hbm>>
        tpu.wait_indirect_dma semaphore(%arg15 : memref<!tpu.dma_semaphore, #tpu.memory_space<semaphore_mem>>) src(%dma_wait3A_100 : memref<10000x128xf32, #tpu.memory_space<hbm>>) dst(%arg10 : memref<80x128xf32, #tpu.memory_space<vmem>>)
        %add3A_101 = arith.constant 1 : i32
        %add3A_102 = arith.addi %mul3A_44, %add3A_101 : i32
        %dma_start3A_103 = arith.constant 0 : i32
        %dma_start3A_104 = tpu.memref_slice %arg8[%add3A_102, %dma_start3A_103] : memref<25x80xi32, #tpu.memory_space<vmem>> -> memref<1x80xi32, #tpu.memory_space<vmem>>
        %dma_start3A_105 = tpu.memref_squeeze %dma_start3A_104 : memref<1x80xi32, #tpu.memory_space<vmem>> -> memref<80xi32, #tpu.memory_space<vmem>>
        %dma_start3A_106 = arith.constant 0 : i32
        %dma_start3A_107 = arith.constant 0 : i32
        %dma_start3A_108 = tpu.memref_slice %arg13[%dma_start3A_106, %dma_start3A_107] : memref<10000x128xf32, #tpu.memory_space<vmem_shared>> -> memref<10000x128xf32, #tpu.memory_space<vmem_shared>>
        tpu.enqueue_indirect_dma source(%arg10 : memref<80x128xf32, #tpu.memory_space<vmem>>) target(%dma_start3A_108 : memref<10000x128xf32, #tpu.memory_space<vmem_shared>>) offsets(%dma_start3A_105 : memref<80xi32, #tpu.memory_space<vmem>>) semaphore(%arg19 : memref<!tpu.dma_semaphore, #tpu.memory_space<semaphore_mem>>) {add = true}
        %add3A_109 = arith.constant 2 : i32
        %add3A_110 = arith.addi %mul3A_44, %add3A_109 : i32
        %dma_wait3A_111 = arith.constant 0 : i32
        %dma_wait3A_112 = tpu.memref_slice %arg7[%add3A_110, %dma_wait3A_111] : memref<25x80xi32, #tpu.memory_space<vmem>> -> memref<1x80xi32, #tpu.memory_space<vmem>>
        %dma_wait3A_113 = tpu.memref_squeeze %dma_wait3A_112 : memref<1x80xi32, #tpu.memory_space<vmem>> -> memref<80xi32, #tpu.memory_space<vmem>>
        %dma_wait3A_114 = arith.constant 0 : i32
        %dma_wait3A_115 = arith.constant 0 : i32
        %dma_wait3A_116 = tpu.memref_slice %arg2[%dma_wait3A_114, %dma_wait3A_115] : memref<10000x128xf32, #tpu.memory_space<hbm>> -> memref<10000x128xf32, #tpu.memory_space<hbm>>
        tpu.wait_indirect_dma semaphore(%arg16 : memref<!tpu.dma_semaphore, #tpu.memory_space<semaphore_mem>>) src(%dma_wait3A_116 : memref<10000x128xf32, #tpu.memory_space<hbm>>) dst(%arg11 : memref<80x128xf32, #tpu.memory_space<vmem>>)
        %add3A_117 = arith.constant 2 : i32
        %add3A_118 = arith.addi %mul3A_44, %add3A_117 : i32
        %dma_start3A_119 = arith.constant 0 : i32
        %dma_start3A_120 = tpu.memref_slice %arg8[%add3A_118, %dma_start3A_119] : memref<25x80xi32, #tpu.memory_space<vmem>> -> memref<1x80xi32, #tpu.memory_space<vmem>>
        %dma_start3A_121 = tpu.memref_squeeze %dma_start3A_120 : memref<1x80xi32, #tpu.memory_space<vmem>> -> memref<80xi32, #tpu.memory_space<vmem>>
        %dma_start3A_122 = arith.constant 0 : i32
        %dma_start3A_123 = arith.constant 0 : i32
        %dma_start3A_124 = tpu.memref_slice %arg13[%dma_start3A_122, %dma_start3A_123] : memref<10000x128xf32, #tpu.memory_space<vmem_shared>> -> memref<10000x128xf32, #tpu.memory_space<vmem_shared>>
        tpu.enqueue_indirect_dma source(%arg11 : memref<80x128xf32, #tpu.memory_space<vmem>>) target(%dma_start3A_124 : memref<10000x128xf32, #tpu.memory_space<vmem_shared>>) offsets(%dma_start3A_121 : memref<80xi32, #tpu.memory_space<vmem>>) semaphore(%arg20 : memref<!tpu.dma_semaphore, #tpu.memory_space<semaphore_mem>>) {add = true}
        %add3A_125 = arith.constant 3 : i32
        %add3A_126 = arith.addi %mul3A_44, %add3A_125 : i32
        %dma_wait3A_127 = arith.constant 0 : i32
        %dma_wait3A_128 = tpu.memref_slice %arg7[%add3A_126, %dma_wait3A_127] : memref<25x80xi32, #tpu.memory_space<vmem>> -> memref<1x80xi32, #tpu.memory_space<vmem>>
        %dma_wait3A_129 = tpu.memref_squeeze %dma_wait3A_128 : memref<1x80xi32, #tpu.memory_space<vmem>> -> memref<80xi32, #tpu.memory_space<vmem>>
        %dma_wait3A_130 = arith.constant 0 : i32
        %dma_wait3A_131 = arith.constant 0 : i32
        %dma_wait3A_132 = tpu.memref_slice %arg2[%dma_wait3A_130, %dma_wait3A_131] : memref<10000x128xf32, #tpu.memory_space<hbm>> -> memref<10000x128xf32, #tpu.memory_space<hbm>>
        tpu.wait_indirect_dma semaphore(%arg17 : memref<!tpu.dma_semaphore, #tpu.memory_space<semaphore_mem>>) src(%dma_wait3A_132 : memref<10000x128xf32, #tpu.memory_space<hbm>>) dst(%arg12 : memref<80x128xf32, #tpu.memory_space<vmem>>)
        %add3A_133 = arith.constant 3 : i32
        %add3A_134 = arith.addi %mul3A_44, %add3A_133 : i32
        %dma_start3A_135 = arith.constant 0 : i32
        %dma_start3A_136 = tpu.memref_slice %arg8[%add3A_134, %dma_start3A_135] : memref<25x80xi32, #tpu.memory_space<vmem>> -> memref<1x80xi32, #tpu.memory_space<vmem>>
        %dma_start3A_137 = tpu.memref_squeeze %dma_start3A_136 : memref<1x80xi32, #tpu.memory_space<vmem>> -> memref<80xi32, #tpu.memory_space<vmem>>
        %dma_start3A_138 = arith.constant 0 : i32
        %dma_start3A_139 = arith.constant 0 : i32
        %dma_start3A_140 = tpu.memref_slice %arg13[%dma_start3A_138, %dma_start3A_139] : memref<10000x128xf32, #tpu.memory_space<vmem_shared>> -> memref<10000x128xf32, #tpu.memory_space<vmem_shared>>
        tpu.enqueue_indirect_dma source(%arg12 : memref<80x128xf32, #tpu.memory_space<vmem>>) target(%dma_start3A_140 : memref<10000x128xf32, #tpu.memory_space<vmem_shared>>) offsets(%dma_start3A_137 : memref<80xi32, #tpu.memory_space<vmem>>) semaphore(%arg21 : memref<!tpu.dma_semaphore, #tpu.memory_space<semaphore_mem>>) {add = true}
        %add3A_141 = arith.constant 0 : i32
        %add3A_142 = arith.addi %mul3A_44, %add3A_141 : i32
        %dma_wait3A_143 = arith.constant 0 : i32
        %dma_wait3A_144 = tpu.memref_slice %arg8[%add3A_142, %dma_wait3A_143] : memref<25x80xi32, #tpu.memory_space<vmem>> -> memref<1x80xi32, #tpu.memory_space<vmem>>
        %dma_wait3A_145 = tpu.memref_squeeze %dma_wait3A_144 : memref<1x80xi32, #tpu.memory_space<vmem>> -> memref<80xi32, #tpu.memory_space<vmem>>
        %dma_wait3A_146 = arith.constant 0 : i32
        %dma_wait3A_147 = arith.constant 0 : i32
        %dma_wait3A_148 = tpu.memref_slice %arg13[%dma_wait3A_146, %dma_wait3A_147] : memref<10000x128xf32, #tpu.memory_space<vmem_shared>> -> memref<10000x128xf32, #tpu.memory_space<vmem_shared>>
        tpu.wait_indirect_dma semaphore(%arg18 : memref<!tpu.dma_semaphore, #tpu.memory_space<semaphore_mem>>) src(%arg9 : memref<80x128xf32, #tpu.memory_space<vmem>>) dst(%dma_wait3A_148 : memref<10000x128xf32, #tpu.memory_space<vmem_shared>>)
        %add3A_149 = arith.constant 1 : i32
        %add3A_150 = arith.addi %mul3A_44, %add3A_149 : i32
        %dma_wait3A_151 = arith.constant 0 : i32
        %dma_wait3A_152 = tpu.memref_slice %arg8[%add3A_150, %dma_wait3A_151] : memref<25x80xi32, #tpu.memory_space<vmem>> -> memref<1x80xi32, #tpu.memory_space<vmem>>
        %dma_wait3A_153 = tpu.memref_squeeze %dma_wait3A_152 : memref<1x80xi32, #tpu.memory_space<vmem>> -> memref<80xi32, #tpu.memory_space<vmem>>
        %dma_wait3A_154 = arith.constant 0 : i32
        %dma_wait3A_155 = arith.constant 0 : i32
        %dma_wait3A_156 = tpu.memref_slice %arg13[%dma_wait3A_154, %dma_wait3A_155] : memref<10000x128xf32, #tpu.memory_space<vmem_shared>> -> memref<10000x128xf32, #tpu.memory_space<vmem_shared>>
        tpu.wait_indirect_dma semaphore(%arg19 : memref<!tpu.dma_semaphore, #tpu.memory_space<semaphore_mem>>) src(%arg10 : memref<80x128xf32, #tpu.memory_space<vmem>>) dst(%dma_wait3A_156 : memref<10000x128xf32, #tpu.memory_space<vmem_shared>>)
        %add3A_157 = arith.constant 2 : i32
        %add3A_158 = arith.addi %mul3A_44, %add3A_157 : i32
        %dma_wait3A_159 = arith.constant 0 : i32
        %dma_wait3A_160 = tpu.memref_slice %arg8[%add3A_158, %dma_wait3A_159] : memref<25x80xi32, #tpu.memory_space<vmem>> -> memref<1x80xi32, #tpu.memory_space<vmem>>
        %dma_wait3A_161 = tpu.memref_squeeze %dma_wait3A_160 : memref<1x80xi32, #tpu.memory_space<vmem>> -> memref<80xi32, #tpu.memory_space<vmem>>
        %dma_wait3A_162 = arith.constant 0 : i32
        %dma_wait3A_163 = arith.constant 0 : i32
        %dma_wait3A_164 = tpu.memref_slice %arg13[%dma_wait3A_162, %dma_wait3A_163] : memref<10000x128xf32, #tpu.memory_space<vmem_shared>> -> memref<10000x128xf32, #tpu.memory_space<vmem_shared>>
        tpu.wait_indirect_dma semaphore(%arg20 : memref<!tpu.dma_semaphore, #tpu.memory_space<semaphore_mem>>) src(%arg11 : memref<80x128xf32, #tpu.memory_space<vmem>>) dst(%dma_wait3A_164 : memref<10000x128xf32, #tpu.memory_space<vmem_shared>>)
        %add3A_165 = arith.constant 3 : i32
        %add3A_166 = arith.addi %mul3A_44, %add3A_165 : i32
        %dma_wait3A_167 = arith.constant 0 : i32
        %dma_wait3A_168 = tpu.memref_slice %arg8[%add3A_166, %dma_wait3A_167] : memref<25x80xi32, #tpu.memory_space<vmem>> -> memref<1x80xi32, #tpu.memory_space<vmem>>
        %dma_wait3A_169 = tpu.memref_squeeze %dma_wait3A_168 : memref<1x80xi32, #tpu.memory_space<vmem>> -> memref<80xi32, #tpu.memory_space<vmem>>
        %dma_wait3A_170 = arith.constant 0 : i32
        %dma_wait3A_171 = arith.constant 0 : i32
        %dma_wait3A_172 = tpu.memref_slice %arg13[%dma_wait3A_170, %dma_wait3A_171] : memref<10000x128xf32, #tpu.memory_space<vmem_shared>> -> memref<10000x128xf32, #tpu.memory_space<vmem_shared>>
        tpu.wait_indirect_dma semaphore(%arg21 : memref<!tpu.dma_semaphore, #tpu.memory_space<semaphore_mem>>) src(%arg12 : memref<80x128xf32, #tpu.memory_space<vmem>>) dst(%dma_wait3A_172 : memref<10000x128xf32, #tpu.memory_space<vmem_shared>>)
      }
      %scan3A_29 = arith.constant 6 : i32
      %dma_start3A = arith.constant 24 : i32
      %dma_start3A_30 = arith.constant 0 : i32
      %dma_start3A_31 = tpu.memref_slice %arg7[%dma_start3A, %dma_start3A_30] : memref<25x80xi32, #tpu.memory_space<vmem>> -> memref<1x80xi32, #tpu.memory_space<vmem>>
      %dma_start3A_32 = tpu.memref_squeeze %dma_start3A_31 : memref<1x80xi32, #tpu.memory_space<vmem>> -> memref<80xi32, #tpu.memory_space<vmem>>
      %dma_start3A_33 = arith.constant 0 : i32
      %dma_start3A_34 = arith.constant 0 : i32
      %dma_start3A_35 = tpu.memref_slice %arg2[%dma_start3A_33, %dma_start3A_34] : memref<10000x128xf32, #tpu.memory_space<hbm>> -> memref<10000x128xf32, #tpu.memory_space<hbm>>
      tpu.enqueue_indirect_dma source(%dma_start3A_35 : memref<10000x128xf32, #tpu.memory_space<hbm>>) target(%arg9 : memref<80x128xf32, #tpu.memory_space<vmem>>) offsets(%dma_start3A_32 : memref<80xi32, #tpu.memory_space<vmem>>) semaphore(%arg14 : memref<!tpu.dma_semaphore, #tpu.memory_space<semaphore_mem>>)
      %dma_wait3A = arith.constant 24 : i32
      %dma_wait3A_36 = arith.constant 0 : i32
      %dma_wait3A_37 = tpu.memref_slice %arg7[%dma_wait3A, %dma_wait3A_36] : memref<25x80xi32, #tpu.memory_space<vmem>> -> memref<1x80xi32, #tpu.memory_space<vmem>>
      %dma_wait3A_38 = tpu.memref_squeeze %dma_wait3A_37 : memref<1x80xi32, #tpu.memory_space<vmem>> -> memref<80xi32, #tpu.memory_space<vmem>>
      %dma_wait3A_39 = arith.constant 0 : i32
      %dma_wait3A_40 = arith.constant 0 : i32
      %dma_wait3A_41 = tpu.memref_slice %arg2[%dma_wait3A_39, %dma_wait3A_40] : memref<10000x128xf32, #tpu.memory_space<hbm>> -> memref<10000x128xf32, #tpu.memory_space<hbm>>
      tpu.wait_indirect_dma semaphore(%arg14 : memref<!tpu.dma_semaphore, #tpu.memory_space<semaphore_mem>>) src(%dma_wait3A_41 : memref<10000x128xf32, #tpu.memory_space<hbm>>) dst(%arg9 : memref<80x128xf32, #tpu.memory_space<vmem>>)
      %run_scoped3A = arith.constant 24 : i32
      "tpu.region"() ({
        %run_scoped3A_42 = tpu.sem_alloc : memref<!tpu.dma_semaphore, #tpu.memory_space<semaphore_mem>>
        %dma_start3A_43 = arith.constant 0 : i32
        %dma_start3A_44 = tpu.memref_slice %arg8[%run_scoped3A, %dma_start3A_43] : memref<25x80xi32, #tpu.memory_space<vmem>> -> memref<1x80xi32, #tpu.memory_space<vmem>>
        %dma_start3A_45 = tpu.memref_squeeze %dma_start3A_44 : memref<1x80xi32, #tpu.memory_space<vmem>> -> memref<80xi32, #tpu.memory_space<vmem>>
        %dma_start3A_46 = arith.constant 0 : i32
        %dma_start3A_47 = arith.constant 0 : i32
        %dma_start3A_48 = tpu.memref_slice %arg13[%dma_start3A_46, %dma_start3A_47] : memref<10000x128xf32, #tpu.memory_space<vmem_shared>> -> memref<10000x128xf32, #tpu.memory_space<vmem_shared>>
        tpu.enqueue_indirect_dma source(%arg9 : memref<80x128xf32, #tpu.memory_space<vmem>>) target(%dma_start3A_48 : memref<10000x128xf32, #tpu.memory_space<vmem_shared>>) offsets(%dma_start3A_45 : memref<80xi32, #tpu.memory_space<vmem>>) semaphore(%run_scoped3A_42 : memref<!tpu.dma_semaphore, #tpu.memory_space<semaphore_mem>>) {add = true}
        %dma_wait3A_49 = arith.constant 0 : i32
        %dma_wait3A_50 = tpu.memref_slice %arg8[%run_scoped3A, %dma_wait3A_49] : memref<25x80xi32, #tpu.memory_space<vmem>> -> memref<1x80xi32, #tpu.memory_space<vmem>>
        %dma_wait3A_51 = tpu.memref_squeeze %dma_wait3A_50 : memref<1x80xi32, #tpu.memory_space<vmem>> -> memref<80xi32, #tpu.memory_space<vmem>>
        %dma_wait3A_52 = arith.constant 0 : i32
        %dma_wait3A_53 = arith.constant 0 : i32
        %dma_wait3A_54 = tpu.memref_slice %arg13[%dma_wait3A_52, %dma_wait3A_53] : memref<10000x128xf32, #tpu.memory_space<vmem_shared>> -> memref<10000x128xf32, #tpu.memory_space<vmem_shared>>
        tpu.wait_indirect_dma semaphore(%run_scoped3A_42 : memref<!tpu.dma_semaphore, #tpu.memory_space<semaphore_mem>>) src(%arg9 : memref<80x128xf32, #tpu.memory_space<vmem>>) dst(%dma_wait3A_54 : memref<10000x128xf32, #tpu.memory_space<vmem_shared>>)
        tpu.yield
      }) : () -> ()
    }
    %scan3A_11 = arith.constant 5 : i32
    %barrier3A_12 = arith.constant 0 : index
    tpu.barrier barrier_id(%barrier3A_12)
    %lt3A_13 = arith.constant 15 : i32
    %lt3A_14 = arith.cmpi slt, %arg1, %lt3A_13 : i32
    %convert_element_type3A_15 = arith.extui %lt3A_14 : i1 to i32
    %cond3A_16 = arith.constant 0 : i32
    %cond3A_17 = arith.cmpi ne, %convert_element_type3A_15, %cond3A_16 : i32
    scf.if %cond3A_17 {
      %mul3A_23 = arith.constant 624 : i32
      %mul3A_24 = arith.muli %arg1, %mul3A_23 : i32
      %mul3A_25 = arith.constant 624 : i32
      %mul3A_26 = arith.muli %arg1, %mul3A_25 : i32
      "tpu.region"() ({
        %run_scoped3A = tpu.sem_alloc : memref<!tpu.dma_semaphore, #tpu.memory_space<semaphore_mem>>
        %dma_start3A = arith.constant 0 : i32
        %dma_start3A_27 = tpu.memref_slice %arg6[%arg0, %mul3A_26, %dma_start3A] : memref<2x10000x128xf32, #tpu.memory_space<hbm>> -> memref<1x624x128xf32, #tpu.memory_space<hbm>>
        %dma_start3A_28 = tpu.memref_squeeze %dma_start3A_27 : memref<1x624x128xf32, #tpu.memory_space<hbm>> -> memref<624x128xf32, #tpu.memory_space<hbm>>
        %dma_start3A_29 = arith.constant 0 : i32
        %dma_start3A_30 = tpu.memref_slice %arg13[%mul3A_24, %dma_start3A_29] : memref<10000x128xf32, #tpu.memory_space<vmem_shared>> -> memref<624x128xf32, #tpu.memory_space<vmem_shared>>
        tpu.enqueue_dma source(%dma_start3A_30 : memref<624x128xf32, #tpu.memory_space<vmem_shared>>) target(%dma_start3A_28 : memref<624x128xf32, #tpu.memory_space<hbm>>) target_semaphore(%run_scoped3A : memref<!tpu.dma_semaphore, #tpu.memory_space<semaphore_mem>>)
        %dma_wait3A = arith.constant 0 : i32
        %dma_wait3A_31 = tpu.memref_slice %arg6[%arg0, %mul3A_26, %dma_wait3A] : memref<2x10000x128xf32, #tpu.memory_space<hbm>> -> memref<1x624x128xf32, #tpu.memory_space<hbm>>
        %dma_wait3A_32 = tpu.memref_squeeze %dma_wait3A_31 : memref<1x624x128xf32, #tpu.memory_space<hbm>> -> memref<624x128xf32, #tpu.memory_space<hbm>>
        %dma_wait3A_33 = arith.constant 0 : i32
        %dma_wait3A_34 = tpu.memref_slice %arg13[%mul3A_24, %dma_wait3A_33] : memref<10000x128xf32, #tpu.memory_space<vmem_shared>> -> memref<624x128xf32, #tpu.memory_space<vmem_shared>>
        tpu.wait_dma2 semaphore(%run_scoped3A : memref<!tpu.dma_semaphore, #tpu.memory_space<semaphore_mem>>) src(%dma_wait3A_34 : memref<624x128xf32, #tpu.memory_space<vmem_shared>>) dst(%dma_wait3A_32 : memref<624x128xf32, #tpu.memory_space<hbm>>)
        tpu.yield
      }) : () -> ()
    } else {
    }
    %eq3A_18 = arith.constant 15 : i32
    %eq3A_19 = arith.cmpi eq, %arg1, %eq3A_18 : i32
    %convert_element_type3A_20 = arith.extui %eq3A_19 : i1 to i32
    %cond3A_21 = arith.constant 0 : i32
    %cond3A_22 = arith.cmpi ne, %convert_element_type3A_20, %cond3A_21 : i32
    scf.if %cond3A_22 {
      "tpu.region"() ({
        %run_scoped3A = tpu.sem_alloc : memref<!tpu.dma_semaphore, #tpu.memory_space<semaphore_mem>>
        %dma_start3A = arith.constant 9360 : i32
        %dma_start3A_23 = arith.constant 0 : i32
        %dma_start3A_24 = tpu.memref_slice %arg6[%arg0, %dma_start3A, %dma_start3A_23] : memref<2x10000x128xf32, #tpu.memory_space<hbm>> -> memref<1x640x128xf32, #tpu.memory_space<hbm>>
        %dma_start3A_25 = tpu.memref_squeeze %dma_start3A_24 : memref<1x640x128xf32, #tpu.memory_space<hbm>> -> memref<640x128xf32, #tpu.memory_space<hbm>>
        %dma_start3A_26 = arith.constant 9360 : i32
        %dma_start3A_27 = arith.constant 0 : i32
        %dma_start3A_28 = tpu.memref_slice %arg13[%dma_start3A_26, %dma_start3A_27] : memref<10000x128xf32, #tpu.memory_space<vmem_shared>> -> memref<640x128xf32, #tpu.memory_space<vmem_shared>>
        tpu.enqueue_dma source(%dma_start3A_28 : memref<640x128xf32, #tpu.memory_space<vmem_shared>>) target(%dma_start3A_25 : memref<640x128xf32, #tpu.memory_space<hbm>>) target_semaphore(%run_scoped3A : memref<!tpu.dma_semaphore, #tpu.memory_space<semaphore_mem>>)
        %dma_wait3A = arith.constant 9360 : i32
        %dma_wait3A_29 = arith.constant 0 : i32
        %dma_wait3A_30 = tpu.memref_slice %arg6[%arg0, %dma_wait3A, %dma_wait3A_29] : memref<2x10000x128xf32, #tpu.memory_space<hbm>> -> memref<1x640x128xf32, #tpu.memory_space<hbm>>
        %dma_wait3A_31 = tpu.memref_squeeze %dma_wait3A_30 : memref<1x640x128xf32, #tpu.memory_space<hbm>> -> memref<640x128xf32, #tpu.memory_space<hbm>>
        %dma_wait3A_32 = arith.constant 9360 : i32
        %dma_wait3A_33 = arith.constant 0 : i32
        %dma_wait3A_34 = tpu.memref_slice %arg13[%dma_wait3A_32, %dma_wait3A_33] : memref<10000x128xf32, #tpu.memory_space<vmem_shared>> -> memref<640x128xf32, #tpu.memory_space<vmem_shared>>
        tpu.wait_dma2 semaphore(%run_scoped3A : memref<!tpu.dma_semaphore, #tpu.memory_space<semaphore_mem>>) src(%dma_wait3A_34 : memref<640x128xf32, #tpu.memory_space<vmem_shared>>) dst(%dma_wait3A_31 : memref<640x128xf32, #tpu.memory_space<hbm>>)
        tpu.yield
      }) : () -> ()
    } else {
    }
    return
  }
}

#map = affine_map<(d0, d1) -> (0, 0, 0)>
#map1 = affine_map<(d0, d1) -> (0, 0)>
module attributes {stable_mosaic.version = 14 : i64} {
  func.func @_sc_deg_body(%arg0: i32, %arg1: i32, %arg2: memref<32x125x80xi32, #tpu.memory_space<hbm>>, %arg3: memref<80x128xf32, #tpu.memory_space<hbm>>, %arg4: memref<640x128xf32, #tpu.memory_space<hbm>>, %arg5: memref<2x10000x128xf32, #tpu.memory_space<hbm>>, %arg6: memref<125x80xi32, #tpu.memory_space<vmem>>, %arg7: memref<80x128xf32, #tpu.memory_space<vmem>>, %arg8: memref<10000x128xf32, #tpu.memory_space<vmem_shared>>, %arg9: memref<!tpu.dma_semaphore, #tpu.memory_space<semaphore_mem>>, %arg10: memref<!tpu.dma_semaphore, #tpu.memory_space<semaphore_mem>>, %arg11: memref<!tpu.dma_semaphore, #tpu.memory_space<semaphore_mem>>, %arg12: memref<!tpu.dma_semaphore, #tpu.memory_space<semaphore_mem>>) attributes {dimension_semantics = [#tpu.dimension_semantics<core_parallel>, #tpu.dimension_semantics<subcore_parallel>], iteration_bounds = array<i64: 2, 16>, scalar_prefetch = 0 : i64, scratch_operands = 7 : i64, tpu.core_type = #tpu.core_type<sc_vector_subcore>, window_params = [{transform_indices = #map}, {transform_indices = #map1}, {transform_indices = #map1}, {transform_indices = #map}]} {
    %lt3A = arith.constant 15 : i32
    %lt3A_0 = arith.cmpi slt, %arg1, %lt3A : i32
    %convert_element_type3A = arith.extui %lt3A_0 : i1 to i32
    %cond3A = arith.constant 0 : i32
    %cond3A_1 = arith.cmpi ne, %convert_element_type3A, %cond3A : i32
    scf.if %cond3A_1 {
      %mul3A_23 = arith.constant 624 : i32
      %mul3A_24 = arith.muli %arg1, %mul3A_23 : i32
      "tpu.region"() ({
        %run_scoped3A_25 = tpu.sem_alloc : memref<!tpu.dma_semaphore, #tpu.memory_space<semaphore_mem>>
        %dma_start3A = arith.constant 0 : i32
        %dma_start3A_26 = tpu.memref_slice %arg8[%mul3A_24, %dma_start3A] : memref<10000x128xf32, #tpu.memory_space<vmem_shared>> -> memref<624x128xf32, #tpu.memory_space<vmem_shared>>
        %dma_start3A_27 = arith.constant 0 : i32
        %dma_start3A_28 = arith.constant 0 : i32
        %dma_start3A_29 = tpu.memref_slice %arg4[%dma_start3A_27, %dma_start3A_28] : memref<640x128xf32, #tpu.memory_space<hbm>> -> memref<624x128xf32, #tpu.memory_space<hbm>>
        tpu.enqueue_dma source(%dma_start3A_29 : memref<624x128xf32, #tpu.memory_space<hbm>>) target(%dma_start3A_26 : memref<624x128xf32, #tpu.memory_space<vmem_shared>>) target_semaphore(%run_scoped3A_25 : memref<!tpu.dma_semaphore, #tpu.memory_space<semaphore_mem>>)
        %dma_wait3A = arith.constant 0 : i32
        %dma_wait3A_30 = tpu.memref_slice %arg8[%mul3A_24, %dma_wait3A] : memref<10000x128xf32, #tpu.memory_space<vmem_shared>> -> memref<624x128xf32, #tpu.memory_space<vmem_shared>>
        %dma_wait3A_31 = arith.constant 0 : i32
        %dma_wait3A_32 = arith.constant 0 : i32
        %dma_wait3A_33 = tpu.memref_slice %arg4[%dma_wait3A_31, %dma_wait3A_32] : memref<640x128xf32, #tpu.memory_space<hbm>> -> memref<624x128xf32, #tpu.memory_space<hbm>>
        tpu.wait_dma2 semaphore(%run_scoped3A_25 : memref<!tpu.dma_semaphore, #tpu.memory_space<semaphore_mem>>) src(%dma_wait3A_33 : memref<624x128xf32, #tpu.memory_space<hbm>>) dst(%dma_wait3A_30 : memref<624x128xf32, #tpu.memory_space<vmem_shared>>)
        tpu.yield
      }) : () -> ()
    } else {
    }
    %eq3A = arith.constant 15 : i32
    %eq3A_2 = arith.cmpi eq, %arg1, %eq3A : i32
    %convert_element_type3A_3 = arith.extui %eq3A_2 : i1 to i32
    %cond3A_4 = arith.constant 0 : i32
    %cond3A_5 = arith.cmpi ne, %convert_element_type3A_3, %cond3A_4 : i32
    scf.if %cond3A_5 {
      "tpu.region"() ({
        %run_scoped3A_23 = tpu.sem_alloc : memref<!tpu.dma_semaphore, #tpu.memory_space<semaphore_mem>>
        %dma_start3A = arith.constant 9360 : i32
        %dma_start3A_24 = arith.constant 0 : i32
        %dma_start3A_25 = tpu.memref_slice %arg8[%dma_start3A, %dma_start3A_24] : memref<10000x128xf32, #tpu.memory_space<vmem_shared>> -> memref<640x128xf32, #tpu.memory_space<vmem_shared>>
        tpu.enqueue_dma source(%arg4 : memref<640x128xf32, #tpu.memory_space<hbm>>) target(%dma_start3A_25 : memref<640x128xf32, #tpu.memory_space<vmem_shared>>) target_semaphore(%run_scoped3A_23 : memref<!tpu.dma_semaphore, #tpu.memory_space<semaphore_mem>>)
        %dma_wait3A = arith.constant 9360 : i32
        %dma_wait3A_26 = arith.constant 0 : i32
        %dma_wait3A_27 = tpu.memref_slice %arg8[%dma_wait3A, %dma_wait3A_26] : memref<10000x128xf32, #tpu.memory_space<vmem_shared>> -> memref<640x128xf32, #tpu.memory_space<vmem_shared>>
        tpu.wait_dma2 semaphore(%run_scoped3A_23 : memref<!tpu.dma_semaphore, #tpu.memory_space<semaphore_mem>>) src(%arg4 : memref<640x128xf32, #tpu.memory_space<hbm>>) dst(%dma_wait3A_27 : memref<640x128xf32, #tpu.memory_space<vmem_shared>>)
        tpu.yield
      }) : () -> ()
    } else {
    }
    "tpu.region"() ({
      %run_scoped3A_23 = tpu.sem_alloc : memref<!tpu.dma_semaphore, #tpu.memory_space<semaphore_mem>>
      tpu.enqueue_dma source(%arg3 : memref<80x128xf32, #tpu.memory_space<hbm>>) target(%arg7 : memref<80x128xf32, #tpu.memory_space<vmem>>) target_semaphore(%run_scoped3A_23 : memref<!tpu.dma_semaphore, #tpu.memory_space<semaphore_mem>>)
      tpu.wait_dma2 semaphore(%run_scoped3A_23 : memref<!tpu.dma_semaphore, #tpu.memory_space<semaphore_mem>>) src(%arg3 : memref<80x128xf32, #tpu.memory_space<hbm>>) dst(%arg7 : memref<80x128xf32, #tpu.memory_space<vmem>>)
      tpu.yield
    }) : () -> ()
    %mul3A = arith.constant 2 : i32
    %mul3A_6 = arith.muli %arg1, %mul3A : i32
    %add3A = arith.addi %mul3A_6, %arg0 : i32
    "tpu.region"() ({
      %run_scoped3A_23 = tpu.sem_alloc : memref<!tpu.dma_semaphore, #tpu.memory_space<semaphore_mem>>
      %dma_start3A = arith.constant 0 : i32
      %dma_start3A_24 = arith.constant 0 : i32
      %dma_start3A_25 = tpu.memref_slice %arg2[%add3A, %dma_start3A, %dma_start3A_24] : memref<32x125x80xi32, #tpu.memory_space<hbm>> -> memref<1x125x80xi32, #tpu.memory_space<hbm>>
      %dma_start3A_26 = tpu.memref_squeeze %dma_start3A_25 : memref<1x125x80xi32, #tpu.memory_space<hbm>> -> memref<125x80xi32, #tpu.memory_space<hbm>>
      %dma_start3A_27 = arith.constant 0 : i32
      %dma_start3A_28 = arith.constant 0 : i32
      %dma_start3A_29 = tpu.memref_slice %arg2[%add3A, %dma_start3A_27, %dma_start3A_28] : memref<32x125x80xi32, #tpu.memory_space<hbm>> -> memref<1x125x80xi32, #tpu.memory_space<hbm>>
      %dma_start3A_30 = tpu.memref_squeeze %dma_start3A_29 : memref<1x125x80xi32, #tpu.memory_space<hbm>> -> memref<125x80xi32, #tpu.memory_space<hbm>>
      tpu.enqueue_dma source(%dma_start3A_30 : memref<125x80xi32, #tpu.memory_space<hbm>>) target(%arg6 : memref<125x80xi32, #tpu.memory_space<vmem>>) target_semaphore(%run_scoped3A_23 : memref<!tpu.dma_semaphore, #tpu.memory_space<semaphore_mem>>)
      %dma_wait3A = arith.constant 0 : i32
      %dma_wait3A_31 = arith.constant 0 : i32
      %dma_wait3A_32 = tpu.memref_slice %arg2[%add3A, %dma_wait3A, %dma_wait3A_31] : memref<32x125x80xi32, #tpu.memory_space<hbm>> -> memref<1x125x80xi32, #tpu.memory_space<hbm>>
      %dma_wait3A_33 = tpu.memref_squeeze %dma_wait3A_32 : memref<1x125x80xi32, #tpu.memory_space<hbm>> -> memref<125x80xi32, #tpu.memory_space<hbm>>
      %dma_wait3A_34 = arith.constant 0 : i32
      %dma_wait3A_35 = arith.constant 0 : i32
      %dma_wait3A_36 = tpu.memref_slice %arg2[%add3A, %dma_wait3A_34, %dma_wait3A_35] : memref<32x125x80xi32, #tpu.memory_space<hbm>> -> memref<1x125x80xi32, #tpu.memory_space<hbm>>
      %dma_wait3A_37 = tpu.memref_squeeze %dma_wait3A_36 : memref<1x125x80xi32, #tpu.memory_space<hbm>> -> memref<125x80xi32, #tpu.memory_space<hbm>>
      tpu.wait_dma2 semaphore(%run_scoped3A_23 : memref<!tpu.dma_semaphore, #tpu.memory_space<semaphore_mem>>) src(%dma_wait3A_37 : memref<125x80xi32, #tpu.memory_space<hbm>>) dst(%arg6 : memref<125x80xi32, #tpu.memory_space<vmem>>)
      tpu.yield
    }) : () -> ()
    %barrier3A = arith.constant 0 : index
    tpu.barrier barrier_id(%barrier3A)
    %scan3A = arith.constant 0 : i32
    %scan3A_7 = arith.constant 0 : i32
    %scan3A_8 = arith.constant 31 : i32
    %scan3A_9 = arith.addi %scan3A_7, %scan3A_8 : i32
    %scan3A_10 = arith.constant 1 : i32
    scf.for %scan3A_23 = %scan3A_7 to %scan3A_9 step %scan3A_10  : i32 {
      %mul3A_24 = arith.constant 4 : i32
      %mul3A_25 = arith.muli %mul3A_24, %scan3A_23 : i32
      %add3A_26 = arith.constant 0 : i32
      %add3A_27 = arith.addi %mul3A_25, %add3A_26 : i32
      %dma_start3A = arith.constant 0 : i32
      %dma_start3A_28 = tpu.memref_slice %arg6[%add3A_27, %dma_start3A] : memref<125x80xi32, #tpu.memory_space<vmem>> -> memref<1x80xi32, #tpu.memory_space<vmem>>
      %dma_start3A_29 = tpu.memref_squeeze %dma_start3A_28 : memref<1x80xi32, #tpu.memory_space<vmem>> -> memref<80xi32, #tpu.memory_space<vmem>>
      %dma_start3A_30 = arith.constant 0 : i32
      %dma_start3A_31 = arith.constant 0 : i32
      %dma_start3A_32 = tpu.memref_slice %arg8[%dma_start3A_30, %dma_start3A_31] : memref<10000x128xf32, #tpu.memory_space<vmem_shared>> -> memref<10000x128xf32, #tpu.memory_space<vmem_shared>>
      tpu.enqueue_indirect_dma source(%arg7 : memref<80x128xf32, #tpu.memory_space<vmem>>) target(%dma_start3A_32 : memref<10000x128xf32, #tpu.memory_space<vmem_shared>>) offsets(%dma_start3A_29 : memref<80xi32, #tpu.memory_space<vmem>>) semaphore(%arg9 : memref<!tpu.dma_semaphore, #tpu.memory_space<semaphore_mem>>) {add = true}
      %add3A_33 = arith.constant 1 : i32
      %add3A_34 = arith.addi %mul3A_25, %add3A_33 : i32
      %dma_start3A_35 = arith.constant 0 : i32
      %dma_start3A_36 = tpu.memref_slice %arg6[%add3A_34, %dma_start3A_35] : memref<125x80xi32, #tpu.memory_space<vmem>> -> memref<1x80xi32, #tpu.memory_space<vmem>>
      %dma_start3A_37 = tpu.memref_squeeze %dma_start3A_36 : memref<1x80xi32, #tpu.memory_space<vmem>> -> memref<80xi32, #tpu.memory_space<vmem>>
      %dma_start3A_38 = arith.constant 0 : i32
      %dma_start3A_39 = arith.constant 0 : i32
      %dma_start3A_40 = tpu.memref_slice %arg8[%dma_start3A_38, %dma_start3A_39] : memref<10000x128xf32, #tpu.memory_space<vmem_shared>> -> memref<10000x128xf32, #tpu.memory_space<vmem_shared>>
      tpu.enqueue_indirect_dma source(%arg7 : memref<80x128xf32, #tpu.memory_space<vmem>>) target(%dma_start3A_40 : memref<10000x128xf32, #tpu.memory_space<vmem_shared>>) offsets(%dma_start3A_37 : memref<80xi32, #tpu.memory_space<vmem>>) semaphore(%arg10 : memref<!tpu.dma_semaphore, #tpu.memory_space<semaphore_mem>>) {add = true}
      %add3A_41 = arith.constant 2 : i32
      %add3A_42 = arith.addi %mul3A_25, %add3A_41 : i32
      %dma_start3A_43 = arith.constant 0 : i32
      %dma_start3A_44 = tpu.memref_slice %arg6[%add3A_42, %dma_start3A_43] : memref<125x80xi32, #tpu.memory_space<vmem>> -> memref<1x80xi32, #tpu.memory_space<vmem>>
      %dma_start3A_45 = tpu.memref_squeeze %dma_start3A_44 : memref<1x80xi32, #tpu.memory_space<vmem>> -> memref<80xi32, #tpu.memory_space<vmem>>
      %dma_start3A_46 = arith.constant 0 : i32
      %dma_start3A_47 = arith.constant 0 : i32
      %dma_start3A_48 = tpu.memref_slice %arg8[%dma_start3A_46, %dma_start3A_47] : memref<10000x128xf32, #tpu.memory_space<vmem_shared>> -> memref<10000x128xf32, #tpu.memory_space<vmem_shared>>
      tpu.enqueue_indirect_dma source(%arg7 : memref<80x128xf32, #tpu.memory_space<vmem>>) target(%dma_start3A_48 : memref<10000x128xf32, #tpu.memory_space<vmem_shared>>) offsets(%dma_start3A_45 : memref<80xi32, #tpu.memory_space<vmem>>) semaphore(%arg11 : memref<!tpu.dma_semaphore, #tpu.memory_space<semaphore_mem>>) {add = true}
      %add3A_49 = arith.constant 3 : i32
      %add3A_50 = arith.addi %mul3A_25, %add3A_49 : i32
      %dma_start3A_51 = arith.constant 0 : i32
      %dma_start3A_52 = tpu.memref_slice %arg6[%add3A_50, %dma_start3A_51] : memref<125x80xi32, #tpu.memory_space<vmem>> -> memref<1x80xi32, #tpu.memory_space<vmem>>
      %dma_start3A_53 = tpu.memref_squeeze %dma_start3A_52 : memref<1x80xi32, #tpu.memory_space<vmem>> -> memref<80xi32, #tpu.memory_space<vmem>>
      %dma_start3A_54 = arith.constant 0 : i32
      %dma_start3A_55 = arith.constant 0 : i32
      %dma_start3A_56 = tpu.memref_slice %arg8[%dma_start3A_54, %dma_start3A_55] : memref<10000x128xf32, #tpu.memory_space<vmem_shared>> -> memref<10000x128xf32, #tpu.memory_space<vmem_shared>>
      tpu.enqueue_indirect_dma source(%arg7 : memref<80x128xf32, #tpu.memory_space<vmem>>) target(%dma_start3A_56 : memref<10000x128xf32, #tpu.memory_space<vmem_shared>>) offsets(%dma_start3A_53 : memref<80xi32, #tpu.memory_space<vmem>>) semaphore(%arg12 : memref<!tpu.dma_semaphore, #tpu.memory_space<semaphore_mem>>) {add = true}
      %add3A_57 = arith.constant 0 : i32
      %add3A_58 = arith.addi %mul3A_25, %add3A_57 : i32
      %dma_wait3A = arith.constant 0 : i32
      %dma_wait3A_59 = tpu.memref_slice %arg6[%add3A_58, %dma_wait3A] : memref<125x80xi32, #tpu.memory_space<vmem>> -> memref<1x80xi32, #tpu.memory_space<vmem>>
      %dma_wait3A_60 = tpu.memref_squeeze %dma_wait3A_59 : memref<1x80xi32, #tpu.memory_space<vmem>> -> memref<80xi32, #tpu.memory_space<vmem>>
      %dma_wait3A_61 = arith.constant 0 : i32
      %dma_wait3A_62 = arith.constant 0 : i32
      %dma_wait3A_63 = tpu.memref_slice %arg8[%dma_wait3A_61, %dma_wait3A_62] : memref<10000x128xf32, #tpu.memory_space<vmem_shared>> -> memref<10000x128xf32, #tpu.memory_space<vmem_shared>>
      tpu.wait_indirect_dma semaphore(%arg9 : memref<!tpu.dma_semaphore, #tpu.memory_space<semaphore_mem>>) src(%arg7 : memref<80x128xf32, #tpu.memory_space<vmem>>) dst(%dma_wait3A_63 : memref<10000x128xf32, #tpu.memory_space<vmem_shared>>)
      %add3A_64 = arith.constant 1 : i32
      %add3A_65 = arith.addi %mul3A_25, %add3A_64 : i32
      %dma_wait3A_66 = arith.constant 0 : i32
      %dma_wait3A_67 = tpu.memref_slice %arg6[%add3A_65, %dma_wait3A_66] : memref<125x80xi32, #tpu.memory_space<vmem>> -> memref<1x80xi32, #tpu.memory_space<vmem>>
      %dma_wait3A_68 = tpu.memref_squeeze %dma_wait3A_67 : memref<1x80xi32, #tpu.memory_space<vmem>> -> memref<80xi32, #tpu.memory_space<vmem>>
      %dma_wait3A_69 = arith.constant 0 : i32
      %dma_wait3A_70 = arith.constant 0 : i32
      %dma_wait3A_71 = tpu.memref_slice %arg8[%dma_wait3A_69, %dma_wait3A_70] : memref<10000x128xf32, #tpu.memory_space<vmem_shared>> -> memref<10000x128xf32, #tpu.memory_space<vmem_shared>>
      tpu.wait_indirect_dma semaphore(%arg10 : memref<!tpu.dma_semaphore, #tpu.memory_space<semaphore_mem>>) src(%arg7 : memref<80x128xf32, #tpu.memory_space<vmem>>) dst(%dma_wait3A_71 : memref<10000x128xf32, #tpu.memory_space<vmem_shared>>)
      %add3A_72 = arith.constant 2 : i32
      %add3A_73 = arith.addi %mul3A_25, %add3A_72 : i32
      %dma_wait3A_74 = arith.constant 0 : i32
      %dma_wait3A_75 = tpu.memref_slice %arg6[%add3A_73, %dma_wait3A_74] : memref<125x80xi32, #tpu.memory_space<vmem>> -> memref<1x80xi32, #tpu.memory_space<vmem>>
      %dma_wait3A_76 = tpu.memref_squeeze %dma_wait3A_75 : memref<1x80xi32, #tpu.memory_space<vmem>> -> memref<80xi32, #tpu.memory_space<vmem>>
      %dma_wait3A_77 = arith.constant 0 : i32
      %dma_wait3A_78 = arith.constant 0 : i32
      %dma_wait3A_79 = tpu.memref_slice %arg8[%dma_wait3A_77, %dma_wait3A_78] : memref<10000x128xf32, #tpu.memory_space<vmem_shared>> -> memref<10000x128xf32, #tpu.memory_space<vmem_shared>>
      tpu.wait_indirect_dma semaphore(%arg11 : memref<!tpu.dma_semaphore, #tpu.memory_space<semaphore_mem>>) src(%arg7 : memref<80x128xf32, #tpu.memory_space<vmem>>) dst(%dma_wait3A_79 : memref<10000x128xf32, #tpu.memory_space<vmem_shared>>)
      %add3A_80 = arith.constant 3 : i32
      %add3A_81 = arith.addi %mul3A_25, %add3A_80 : i32
      %dma_wait3A_82 = arith.constant 0 : i32
      %dma_wait3A_83 = tpu.memref_slice %arg6[%add3A_81, %dma_wait3A_82] : memref<125x80xi32, #tpu.memory_space<vmem>> -> memref<1x80xi32, #tpu.memory_space<vmem>>
      %dma_wait3A_84 = tpu.memref_squeeze %dma_wait3A_83 : memref<1x80xi32, #tpu.memory_space<vmem>> -> memref<80xi32, #tpu.memory_space<vmem>>
      %dma_wait3A_85 = arith.constant 0 : i32
      %dma_wait3A_86 = arith.constant 0 : i32
      %dma_wait3A_87 = tpu.memref_slice %arg8[%dma_wait3A_85, %dma_wait3A_86] : memref<10000x128xf32, #tpu.memory_space<vmem_shared>> -> memref<10000x128xf32, #tpu.memory_space<vmem_shared>>
      tpu.wait_indirect_dma semaphore(%arg12 : memref<!tpu.dma_semaphore, #tpu.memory_space<semaphore_mem>>) src(%arg7 : memref<80x128xf32, #tpu.memory_space<vmem>>) dst(%dma_wait3A_87 : memref<10000x128xf32, #tpu.memory_space<vmem_shared>>)
    }
    %scan3A_11 = arith.constant 31 : i32
    %run_scoped3A = arith.constant 124 : i32
    "tpu.region"() ({
      %run_scoped3A_23 = tpu.sem_alloc : memref<!tpu.dma_semaphore, #tpu.memory_space<semaphore_mem>>
      %dma_start3A = arith.constant 0 : i32
      %dma_start3A_24 = tpu.memref_slice %arg6[%run_scoped3A, %dma_start3A] : memref<125x80xi32, #tpu.memory_space<vmem>> -> memref<1x80xi32, #tpu.memory_space<vmem>>
      %dma_start3A_25 = tpu.memref_squeeze %dma_start3A_24 : memref<1x80xi32, #tpu.memory_space<vmem>> -> memref<80xi32, #tpu.memory_space<vmem>>
      %dma_start3A_26 = arith.constant 0 : i32
      %dma_start3A_27 = arith.constant 0 : i32
      %dma_start3A_28 = tpu.memref_slice %arg8[%dma_start3A_26, %dma_start3A_27] : memref<10000x128xf32, #tpu.memory_space<vmem_shared>> -> memref<10000x128xf32, #tpu.memory_space<vmem_shared>>
      tpu.enqueue_indirect_dma source(%arg7 : memref<80x128xf32, #tpu.memory_space<vmem>>) target(%dma_start3A_28 : memref<10000x128xf32, #tpu.memory_space<vmem_shared>>) offsets(%dma_start3A_25 : memref<80xi32, #tpu.memory_space<vmem>>) semaphore(%run_scoped3A_23 : memref<!tpu.dma_semaphore, #tpu.memory_space<semaphore_mem>>) {add = true}
      %dma_wait3A = arith.constant 0 : i32
      %dma_wait3A_29 = tpu.memref_slice %arg6[%run_scoped3A, %dma_wait3A] : memref<125x80xi32, #tpu.memory_space<vmem>> -> memref<1x80xi32, #tpu.memory_space<vmem>>
      %dma_wait3A_30 = tpu.memref_squeeze %dma_wait3A_29 : memref<1x80xi32, #tpu.memory_space<vmem>> -> memref<80xi32, #tpu.memory_space<vmem>>
      %dma_wait3A_31 = arith.constant 0 : i32
      %dma_wait3A_32 = arith.constant 0 : i32
      %dma_wait3A_33 = tpu.memref_slice %arg8[%dma_wait3A_31, %dma_wait3A_32] : memref<10000x128xf32, #tpu.memory_space<vmem_shared>> -> memref<10000x128xf32, #tpu.memory_space<vmem_shared>>
      tpu.wait_indirect_dma semaphore(%run_scoped3A_23 : memref<!tpu.dma_semaphore, #tpu.memory_space<semaphore_mem>>) src(%arg7 : memref<80x128xf32, #tpu.memory_space<vmem>>) dst(%dma_wait3A_33 : memref<10000x128xf32, #tpu.memory_space<vmem_shared>>)
      tpu.yield
    }) : () -> ()
    %barrier3A_12 = arith.constant 0 : index
    tpu.barrier barrier_id(%barrier3A_12)
    %lt3A_13 = arith.constant 15 : i32
    %lt3A_14 = arith.cmpi slt, %arg1, %lt3A_13 : i32
    %convert_element_type3A_15 = arith.extui %lt3A_14 : i1 to i32
    %cond3A_16 = arith.constant 0 : i32
    %cond3A_17 = arith.cmpi ne, %convert_element_type3A_15, %cond3A_16 : i32
    scf.if %cond3A_17 {
      %mul3A_23 = arith.constant 624 : i32
      %mul3A_24 = arith.muli %arg1, %mul3A_23 : i32
      %mul3A_25 = arith.constant 624 : i32
      %mul3A_26 = arith.muli %arg1, %mul3A_25 : i32
      "tpu.region"() ({
        %run_scoped3A_27 = tpu.sem_alloc : memref<!tpu.dma_semaphore, #tpu.memory_space<semaphore_mem>>
        %dma_start3A = arith.constant 0 : i32
        %dma_start3A_28 = tpu.memref_slice %arg5[%arg0, %mul3A_26, %dma_start3A] : memref<2x10000x128xf32, #tpu.memory_space<hbm>> -> memref<1x624x128xf32, #tpu.memory_space<hbm>>
        %dma_start3A_29 = tpu.memref_squeeze %dma_start3A_28 : memref<1x624x128xf32, #tpu.memory_space<hbm>> -> memref<624x128xf32, #tpu.memory_space<hbm>>
        %dma_start3A_30 = arith.constant 0 : i32
        %dma_start3A_31 = tpu.memref_slice %arg8[%mul3A_24, %dma_start3A_30] : memref<10000x128xf32, #tpu.memory_space<vmem_shared>> -> memref<624x128xf32, #tpu.memory_space<vmem_shared>>
        tpu.enqueue_dma source(%dma_start3A_31 : memref<624x128xf32, #tpu.memory_space<vmem_shared>>) target(%dma_start3A_29 : memref<624x128xf32, #tpu.memory_space<hbm>>) target_semaphore(%run_scoped3A_27 : memref<!tpu.dma_semaphore, #tpu.memory_space<semaphore_mem>>)
        %dma_wait3A = arith.constant 0 : i32
        %dma_wait3A_32 = tpu.memref_slice %arg5[%arg0, %mul3A_26, %dma_wait3A] : memref<2x10000x128xf32, #tpu.memory_space<hbm>> -> memref<1x624x128xf32, #tpu.memory_space<hbm>>
        %dma_wait3A_33 = tpu.memref_squeeze %dma_wait3A_32 : memref<1x624x128xf32, #tpu.memory_space<hbm>> -> memref<624x128xf32, #tpu.memory_space<hbm>>
        %dma_wait3A_34 = arith.constant 0 : i32
        %dma_wait3A_35 = tpu.memref_slice %arg8[%mul3A_24, %dma_wait3A_34] : memref<10000x128xf32, #tpu.memory_space<vmem_shared>> -> memref<624x128xf32, #tpu.memory_space<vmem_shared>>
        tpu.wait_dma2 semaphore(%run_scoped3A_27 : memref<!tpu.dma_semaphore, #tpu.memory_space<semaphore_mem>>) src(%dma_wait3A_35 : memref<624x128xf32, #tpu.memory_space<vmem_shared>>) dst(%dma_wait3A_33 : memref<624x128xf32, #tpu.memory_space<hbm>>)
        tpu.yield
      }) : () -> ()
    } else {
    }
    %eq3A_18 = arith.constant 15 : i32
    %eq3A_19 = arith.cmpi eq, %arg1, %eq3A_18 : i32
    %convert_element_type3A_20 = arith.extui %eq3A_19 : i1 to i32
    %cond3A_21 = arith.constant 0 : i32
    %cond3A_22 = arith.cmpi ne, %convert_element_type3A_20, %cond3A_21 : i32
    scf.if %cond3A_22 {
      "tpu.region"() ({
        %run_scoped3A_23 = tpu.sem_alloc : memref<!tpu.dma_semaphore, #tpu.memory_space<semaphore_mem>>
        %dma_start3A = arith.constant 9360 : i32
        %dma_start3A_24 = arith.constant 0 : i32
        %dma_start3A_25 = tpu.memref_slice %arg5[%arg0, %dma_start3A, %dma_start3A_24] : memref<2x10000x128xf32, #tpu.memory_space<hbm>> -> memref<1x640x128xf32, #tpu.memory_space<hbm>>
        %dma_start3A_26 = tpu.memref_squeeze %dma_start3A_25 : memref<1x640x128xf32, #tpu.memory_space<hbm>> -> memref<640x128xf32, #tpu.memory_space<hbm>>
        %dma_start3A_27 = arith.constant 9360 : i32
        %dma_start3A_28 = arith.constant 0 : i32
        %dma_start3A_29 = tpu.memref_slice %arg8[%dma_start3A_27, %dma_start3A_28] : memref<10000x128xf32, #tpu.memory_space<vmem_shared>> -> memref<640x128xf32, #tpu.memory_space<vmem_shared>>
        tpu.enqueue_dma source(%dma_start3A_29 : memref<640x128xf32, #tpu.memory_space<vmem_shared>>) target(%dma_start3A_26 : memref<640x128xf32, #tpu.memory_space<hbm>>) target_semaphore(%run_scoped3A_23 : memref<!tpu.dma_semaphore, #tpu.memory_space<semaphore_mem>>)
        %dma_wait3A = arith.constant 9360 : i32
        %dma_wait3A_30 = arith.constant 0 : i32
        %dma_wait3A_31 = tpu.memref_slice %arg5[%arg0, %dma_wait3A, %dma_wait3A_30] : memref<2x10000x128xf32, #tpu.memory_space<hbm>> -> memref<1x640x128xf32, #tpu.memory_space<hbm>>
        %dma_wait3A_32 = tpu.memref_squeeze %dma_wait3A_31 : memref<1x640x128xf32, #tpu.memory_space<hbm>> -> memref<640x128xf32, #tpu.memory_space<hbm>>
        %dma_wait3A_33 = arith.constant 9360 : i32
        %dma_wait3A_34 = arith.constant 0 : i32
        %dma_wait3A_35 = tpu.memref_slice %arg8[%dma_wait3A_33, %dma_wait3A_34] : memref<10000x128xf32, #tpu.memory_space<vmem_shared>> -> memref<640x128xf32, #tpu.memory_space<vmem_shared>>
        tpu.wait_dma2 semaphore(%run_scoped3A_23 : memref<!tpu.dma_semaphore, #tpu.memory_space<semaphore_mem>>) src(%dma_wait3A_35 : memref<640x128xf32, #tpu.memory_space<vmem_shared>>) dst(%dma_wait3A_32 : memref<640x128xf32, #tpu.memory_space<hbm>>)
        tpu.yield
      }) : () -> ()
    } else {
    }
    return
  }
}

module attributes {stable_mosaic.version = 14 : i64} {
  func.func @_proj_body(%arg0: i32, %arg1: memref<1000x128xf32, #tpu.memory_space<vmem>>, %arg2: memref<128x128xf32, #tpu.memory_space<vmem>>, %arg3: memref<1x128xf32, #tpu.memory_space<vmem>>, %arg4: memref<1000x128xf32, #tpu.memory_space<vmem>>) attributes {dimension_semantics = [#tpu.dimension_semantics<arbitrary>], iteration_bounds = array<i64: 10>, scalar_prefetch = 0 : i64, scratch_operands = 0 : i64, tpu.core_type = #tpu.core_type<tc>, window_params = [{transform_indices = @transform_0, window_bounds = array<i64: 1000, 128>}, {pipeline_mode = #tpu.pipeline_mode<synchronous>, transform_indices = @transform_1, window_bounds = array<i64: 128, 128>}, {pipeline_mode = #tpu.pipeline_mode<synchronous>, transform_indices = @transform_2, window_bounds = array<i64: 1, 128>}, {transform_indices = @transform_3, window_bounds = array<i64: 1000, 128>}]} {
    %get3A = arith.constant 0 : index
    %get3A_0 = arith.constant 0 : index
    %get3A_1 = vector.load %arg1[%get3A, %get3A_0] : memref<1000x128xf32, #tpu.memory_space<vmem>>, vector<1000x128xf32>
    %get3A_2 = arith.constant 0 : index
    %get3A_3 = arith.constant 0 : index
    %get3A_4 = vector.load %arg2[%get3A_2, %get3A_3] : memref<128x128xf32, #tpu.memory_space<vmem>>, vector<128x128xf32>
    %dot_general3A = arith.constant dense<0.000000e+00> : vector<1000x128xf32>
    %dot_general3A_5 = tpu.matmul %get3A_1, %get3A_4, %dot_general3A {dimension_numbers = #tpu.dot_dimension_numbers<[1], [0], [0], [1], [0, 0, 1, 1], [], []>, transpose_lhs_hint = false} : vector<1000x128xf32>, vector<128x128xf32>, vector<1000x128xf32> -> vector<1000x128xf32>
    %get3A_6 = arith.constant 0 : index
    %get3A_7 = arith.constant 0 : index
    %get3A_8 = vector.load %arg3[%get3A_6, %get3A_7] : memref<1x128xf32, #tpu.memory_space<vmem>>, vector<1x128xf32>
    %add3A = vector.broadcast %get3A_8 : vector<1x128xf32> to vector<1000x128xf32>
    %add3A_9 = arith.addf %dot_general3A_5, %add3A : vector<1000x128xf32>
    %max3A = arith.constant 0.000000e+00 : f32
    %max3A_10 = vector.broadcast %max3A : f32 to vector<1000x128xf32>
    %max3A_11 = arith.maximumf %add3A_9, %max3A_10 : vector<1000x128xf32>
    %swap3A = arith.constant 0 : index
    %swap3A_12 = arith.constant 0 : index
    %swap3A_13 = vector.load %arg4[%swap3A, %swap3A_12] : memref<1000x128xf32, #tpu.memory_space<vmem>>, vector<1000x128xf32>
    tpu.vector_store %arg4[%swap3A, %swap3A_12], %max3A_11 {strides = array<i32>} : memref<1000x128xf32, #tpu.memory_space<vmem>>, vector<1000x128xf32>,
    return
  }
  func.func @transform_0(%arg0: i32) -> (i32, i32) {
    %c0_i32 = arith.constant 0 : i32
    %c0_i32_0 = arith.constant 0 : i32
    return %arg0, %c0_i32 : i32, i32
  }
  func.func @transform_1(%arg0: i32) -> (i32, i32) {
    %c0_i32 = arith.constant 0 : i32
    %c0_i32_0 = arith.constant 0 : i32
    %c0_i32_1 = arith.constant 0 : i32
    return %c0_i32, %c0_i32_0 : i32, i32
  }
  func.func @transform_2(%arg0: i32) -> (i32, i32) {
    %c0_i32 = arith.constant 0 : i32
    %c0_i32_0 = arith.constant 0 : i32
    %c0_i32_1 = arith.constant 0 : i32
    return %c0_i32, %c0_i32_0 : i32, i32
  }
  func.func @transform_3(%arg0: i32) -> (i32, i32) {
    %c0_i32 = arith.constant 0 : i32
    %c0_i32_0 = arith.constant 0 : i32
    return %arg0, %c0_i32 : i32, i32
  }
}

module attributes {stable_mosaic.version = 14 : i64} {
  func.func @_layer_body(%arg0: i32, %arg1: memref<2x1000x128xf32, #tpu.memory_space<vmem>>, %arg2: memref<2x1000x128xf32, #tpu.memory_space<vmem>>, %arg3: memref<1000x128xf32, #tpu.memory_space<vmem>>, %arg4: memref<128x128xf32, #tpu.memory_space<vmem>>, %arg5: memref<128x128xf32, #tpu.memory_space<vmem>>, %arg6: memref<1x128xf32, #tpu.memory_space<vmem>>, %arg7: memref<1x128xf32, #tpu.memory_space<vmem>>, %arg8: memref<1x128xf32, #tpu.memory_space<vmem>>, %arg9: memref<1000x128xf32, #tpu.memory_space<vmem>>) attributes {dimension_semantics = [#tpu.dimension_semantics<arbitrary>], iteration_bounds = array<i64: 10>, scalar_prefetch = 0 : i64, scratch_operands = 0 : i64, tpu.core_type = #tpu.core_type<tc>, window_params = [{transform_indices = @transform_0, window_bounds = array<i64: 2, 1000, 128>}, {transform_indices = @transform_1, window_bounds = array<i64: 2, 1000, 128>}, {transform_indices = @transform_2, window_bounds = array<i64: 1000, 128>}, {pipeline_mode = #tpu.pipeline_mode<synchronous>, transform_indices = @transform_3, window_bounds = array<i64: 128, 128>}, {pipeline_mode = #tpu.pipeline_mode<synchronous>, transform_indices = @transform_4, window_bounds = array<i64: 128, 128>}, {pipeline_mode = #tpu.pipeline_mode<synchronous>, transform_indices = @transform_5, window_bounds = array<i64: 1, 128>}, {pipeline_mode = #tpu.pipeline_mode<synchronous>, transform_indices = @transform_6, window_bounds = array<i64: 1, 128>}, {pipeline_mode = #tpu.pipeline_mode<synchronous>, transform_indices = @transform_7, window_bounds = array<i64: 1, 128>}, {transform_indices = @transform_8, window_bounds = array<i64: 1000, 128>}]} {
    %get3A = arith.constant 0 : index
    %get3A_0 = arith.constant 0 : index
    %get3A_1 = arith.constant 0 : index
    %get3A_2 = vector.load %arg1[%get3A, %get3A_0, %get3A_1] : memref<2x1000x128xf32, #tpu.memory_space<vmem>>, vector<2x1000x128xf32>
    %get3A_3 = arith.constant 0 : index
    %get3A_4 = arith.constant 0 : index
    %get3A_5 = arith.constant 0 : index
    %get3A_6 = vector.load %arg2[%get3A_3, %get3A_4, %get3A_5] : memref<2x1000x128xf32, #tpu.memory_space<vmem>>, vector<2x1000x128xf32>
    %slice3A = vector.extract_strided_slice %get3A_6 {offsets = [0, 0, 0], sizes = [1, 1000, 1], strides = [1, 1, 1]} : vector<2x1000x128xf32> to vector<1x1000x1xf32>
    %squeeze3A = vector.shape_cast %slice3A : vector<1x1000x1xf32> to vector<1000x1xf32>
    %slice3A_7 = vector.extract_strided_slice %get3A_6 {offsets = [1, 0, 0], sizes = [1, 1000, 1], strides = [1, 1, 1]} : vector<2x1000x128xf32> to vector<1x1000x1xf32>
    %squeeze3A_8 = vector.shape_cast %slice3A_7 : vector<1x1000x1xf32> to vector<1000x1xf32>
    %add3A = arith.addf %squeeze3A, %squeeze3A_8 : vector<1000x1xf32>
    %max3A = arith.constant 1.000000e+00 : f32
    %max3A_9 = vector.broadcast %max3A : f32 to vector<1000x1xf32>
    %max3A_10 = arith.maximumf %add3A, %max3A_9 : vector<1000x1xf32>
    %slice3A_11 = vector.extract_strided_slice %get3A_2 {offsets = [0, 0, 0], sizes = [1, 1000, 128], strides = [1, 1, 1]} : vector<2x1000x128xf32> to vector<1x1000x128xf32>
    %squeeze3A_12 = vector.shape_cast %slice3A_11 : vector<1x1000x128xf32> to vector<1000x128xf32>
    %slice3A_13 = vector.extract_strided_slice %get3A_2 {offsets = [1, 0, 0], sizes = [1, 1000, 128], strides = [1, 1, 1]} : vector<2x1000x128xf32> to vector<1x1000x128xf32>
    %squeeze3A_14 = vector.shape_cast %slice3A_13 : vector<1x1000x128xf32> to vector<1000x128xf32>
    %add3A_15 = arith.addf %squeeze3A_12, %squeeze3A_14 : vector<1000x128xf32>
    %div3A = vector.broadcast %max3A_10 : vector<1000x1xf32> to vector<1000x128xf32>
    %div3A_16 = arith.divf %add3A_15, %div3A : vector<1000x128xf32>
    %get3A_17 = arith.constant 0 : index
    %get3A_18 = arith.constant 0 : index
    %get3A_19 = vector.load %arg3[%get3A_17, %get3A_18] : memref<1000x128xf32, #tpu.memory_space<vmem>>, vector<1000x128xf32>
    %get3A_20 = arith.constant 0 : index
    %get3A_21 = arith.constant 0 : index
    %get3A_22 = vector.load %arg4[%get3A_20, %get3A_21] : memref<128x128xf32, #tpu.memory_space<vmem>>, vector<128x128xf32>
    %dot_general3A = arith.constant dense<0.000000e+00> : vector<1000x128xf32>
    %dot_general3A_23 = tpu.matmul %div3A_16, %get3A_22, %dot_general3A {dimension_numbers = #tpu.dot_dimension_numbers<[1], [0], [0], [1], [0, 0, 1, 1], [], []>, transpose_lhs_hint = false} : vector<1000x128xf32>, vector<128x128xf32>, vector<1000x128xf32> -> vector<1000x128xf32>
    %get3A_24 = arith.constant 0 : index
    %get3A_25 = arith.constant 0 : index
    %get3A_26 = vector.load %arg5[%get3A_24, %get3A_25] : memref<128x128xf32, #tpu.memory_space<vmem>>, vector<128x128xf32>
    %dot_general3A_27 = arith.constant dense<0.000000e+00> : vector<1000x128xf32>
    %dot_general3A_28 = tpu.matmul %get3A_19, %get3A_26, %dot_general3A_27 {dimension_numbers = #tpu.dot_dimension_numbers<[1], [0], [0], [1], [0, 0, 1, 1], [], []>, transpose_lhs_hint = false} : vector<1000x128xf32>, vector<128x128xf32>, vector<1000x128xf32> -> vector<1000x128xf32>
    %add3A_29 = arith.addf %dot_general3A_23, %dot_general3A_28 : vector<1000x128xf32>
    %get3A_30 = arith.constant 0 : index
    %get3A_31 = arith.constant 0 : index
    %get3A_32 = vector.load %arg6[%get3A_30, %get3A_31] : memref<1x128xf32, #tpu.memory_space<vmem>>, vector<1x128xf32>
    %add3A_33 = vector.broadcast %get3A_32 : vector<1x128xf32> to vector<1000x128xf32>
    %add3A_34 = arith.addf %add3A_29, %add3A_33 : vector<1000x128xf32>
    %reduce_sum3A = arith.constant dense<0.000000e+00> : vector<1000xf32>
    %reduce_sum3A_35 = vector.multi_reduction <add>, %add3A_34, %reduce_sum3A [1] : vector<1000x128xf32> to vector<1000xf32>
    %broadcast_in_dim3A = vector.shape_cast %reduce_sum3A_35 : vector<1000xf32> to vector<1000x1xf32>
    %div3A_36 = arith.constant 1.280000e+02 : f32
    %div3A_37 = vector.broadcast %div3A_36 : f32 to vector<1000x1xf32>
    %div3A_38 = arith.divf %broadcast_in_dim3A, %div3A_37 : vector<1000x1xf32>
    %sub3A = vector.broadcast %div3A_38 : vector<1000x1xf32> to vector<1000x128xf32>
    %sub3A_39 = arith.subf %add3A_34, %sub3A : vector<1000x128xf32>
    %integer_pow3A = arith.mulf %sub3A_39, %sub3A_39 : vector<1000x128xf32>
    %reduce_sum3A_40 = arith.constant dense<0.000000e+00> : vector<1000xf32>
    %reduce_sum3A_41 = vector.multi_reduction <add>, %integer_pow3A, %reduce_sum3A_40 [1] : vector<1000x128xf32> to vector<1000xf32>
    %broadcast_in_dim3A_42 = vector.shape_cast %reduce_sum3A_41 : vector<1000xf32> to vector<1000x1xf32>
    %div3A_43 = arith.constant 1.280000e+02 : f32
    %div3A_44 = vector.broadcast %div3A_43 : f32 to vector<1000x1xf32>
    %div3A_45 = arith.divf %broadcast_in_dim3A_42, %div3A_44 : vector<1000x1xf32>
    %sub3A_46 = vector.broadcast %div3A_38 : vector<1000x1xf32> to vector<1000x128xf32>
    %sub3A_47 = arith.subf %add3A_34, %sub3A_46 : vector<1000x128xf32>
    %add3A_48 = arith.constant 9.99999974E-6 : f32
    %add3A_49 = vector.broadcast %add3A_48 : f32 to vector<1000x1xf32>
    %add3A_50 = arith.addf %div3A_45, %add3A_49 : vector<1000x1xf32>
    %sqrt3A = math.sqrt %add3A_50 : vector<1000x1xf32>
    %div3A_51 = vector.broadcast %sqrt3A : vector<1000x1xf32> to vector<1000x128xf32>
    %div3A_52 = arith.divf %sub3A_47, %div3A_51 : vector<1000x128xf32>
    %get3A_53 = arith.constant 0 : index
    %get3A_54 = arith.constant 0 : index
    %get3A_55 = vector.load %arg7[%get3A_53, %get3A_54] : memref<1x128xf32, #tpu.memory_space<vmem>>, vector<1x128xf32>
    %mul3A = vector.broadcast %get3A_55 : vector<1x128xf32> to vector<1000x128xf32>
    %mul3A_56 = arith.mulf %div3A_52, %mul3A : vector<1000x128xf32>
    %get3A_57 = arith.constant 0 : index
    %get3A_58 = arith.constant 0 : index
    %get3A_59 = vector.load %arg8[%get3A_57, %get3A_58] : memref<1x128xf32, #tpu.memory_space<vmem>>, vector<1x128xf32>
    %add3A_60 = vector.broadcast %get3A_59 : vector<1x128xf32> to vector<1000x128xf32>
    %add3A_61 = arith.addf %mul3A_56, %add3A_60 : vector<1000x128xf32>
    %gt3A = arith.constant 0.000000e+00 : f32
    %gt3A_62 = vector.broadcast %gt3A : f32 to vector<1000x128xf32>
    %gt3A_63 = arith.cmpf ogt, %add3A_61, %gt3A_62 : vector<1000x128xf32>
    %min3A = arith.constant 0.000000e+00 : f32
    %min3A_64 = vector.broadcast %min3A : f32 to vector<1000x128xf32>
    %min3A_65 = arith.minimumf %add3A_61, %min3A_64 : vector<1000x128xf32>
    %exp3A = math.exp %min3A_65 : vector<1000x128xf32>
    %sub3A_66 = arith.constant 1.000000e+00 : f32
    %sub3A_67 = vector.broadcast %sub3A_66 : f32 to vector<1000x128xf32>
    %sub3A_68 = arith.subf %exp3A, %sub3A_67 : vector<1000x128xf32>
    %select_n3A = arith.select %gt3A_63, %add3A_61, %sub3A_68 : vector<1000x128xi1>, vector<1000x128xf32>
    %add3A_69 = arith.addf %select_n3A, %get3A_19 : vector<1000x128xf32>
    %swap3A = arith.constant 0 : index
    %swap3A_70 = arith.constant 0 : index
    %swap3A_71 = vector.load %arg9[%swap3A, %swap3A_70] : memref<1000x128xf32, #tpu.memory_space<vmem>>, vector<1000x128xf32>
    tpu.vector_store %arg9[%swap3A, %swap3A_70], %add3A_69 {strides = array<i32>} : memref<1000x128xf32, #tpu.memory_space<vmem>>, vector<1000x128xf32>,
    return
  }
  func.func @transform_0(%arg0: i32) -> (i32, i32, i32) {
    %c0_i32 = arith.constant 0 : i32
    %c0_i32_0 = arith.constant 0 : i32
    %c0_i32_1 = arith.constant 0 : i32
    return %c0_i32, %arg0, %c0_i32_0 : i32, i32, i32
  }
  func.func @transform_1(%arg0: i32) -> (i32, i32, i32) {
    %c0_i32 = arith.constant 0 : i32
    %c0_i32_0 = arith.constant 0 : i32
    %c0_i32_1 = arith.constant 0 : i32
    return %c0_i32, %arg0, %c0_i32_0 : i32, i32, i32
  }
  func.func @transform_2(%arg0: i32) -> (i32, i32) {
    %c0_i32 = arith.constant 0 : i32
    %c0_i32_0 = arith.constant 0 : i32
    return %arg0, %c0_i32 : i32, i32
  }
  func.func @transform_3(%arg0: i32) -> (i32, i32) {
    %c0_i32 = arith.constant 0 : i32
    %c0_i32_0 = arith.constant 0 : i32
    %c0_i32_1 = arith.constant 0 : i32
    return %c0_i32, %c0_i32_0 : i32, i32
  }
  func.func @transform_4(%arg0: i32) -> (i32, i32) {
    %c0_i32 = arith.constant 0 : i32
    %c0_i32_0 = arith.constant 0 : i32
    %c0_i32_1 = arith.constant 0 : i32
    return %c0_i32, %c0_i32_0 : i32, i32
  }
  func.func @transform_5(%arg0: i32) -> (i32, i32) {
    %c0_i32 = arith.constant 0 : i32
    %c0_i32_0 = arith.constant 0 : i32
    %c0_i32_1 = arith.constant 0 : i32
    return %c0_i32, %c0_i32_0 : i32, i32
  }
  func.func @transform_6(%arg0: i32) -> (i32, i32) {
    %c0_i32 = arith.constant 0 : i32
    %c0_i32_0 = arith.constant 0 : i32
    %c0_i32_1 = arith.constant 0 : i32
    return %c0_i32, %c0_i32_0 : i32, i32
  }
  func.func @transform_7(%arg0: i32) -> (i32, i32) {
    %c0_i32 = arith.constant 0 : i32
    %c0_i32_0 = arith.constant 0 : i32
    %c0_i32_1 = arith.constant 0 : i32
    return %c0_i32, %c0_i32_0 : i32, i32
  }
  func.func @transform_8(%arg0: i32) -> (i32, i32) {
    %c0_i32 = arith.constant 0 : i32
    %c0_i32_0 = arith.constant 0 : i32
    return %arg0, %c0_i32 : i32, i32
  }
}

module attributes {stable_mosaic.version = 14 : i64} {
  func.func @_pool_body(%arg0: memref<10000x128xf32, #tpu.memory_space<vmem>>, %arg1: memref<10000x1xi32, #tpu.memory_space<vmem>>, %arg2: memref<128x64xf32, #tpu.memory_space<vmem>>, %arg3: memref<1x64xf32, #tpu.memory_space<vmem>>, %arg4: memref<64x1xf32, #tpu.memory_space<vmem>>, %arg5: memref<1x1xf32, #tpu.memory_space<vmem>>, %arg6: memref<128x64xf32, #tpu.memory_space<vmem>>, %arg7: memref<1x64xf32, #tpu.memory_space<vmem>>, %arg8: memref<64x6xf32, #tpu.memory_space<vmem>>, %arg9: memref<1x6xf32, #tpu.memory_space<vmem>>, %arg10: memref<32x6xf32, #tpu.memory_space<vmem>>) attributes {dimension_semantics = [], scalar_prefetch = 0 : i64, scratch_operands = 0 : i64, tpu.core_type = #tpu.core_type<tc>} {
    %get3A = arith.constant 0 : index
    %get3A_0 = arith.constant 0 : index
    %get3A_1 = vector.load %arg0[%get3A, %get3A_0] : memref<10000x128xf32, #tpu.memory_space<vmem>>, vector<10000x128xf32>
    %get3A_2 = arith.constant 0 : index
    %get3A_3 = arith.constant 0 : index
    %get3A_4 = vector.load %arg1[%get3A_2, %get3A_3] : memref<10000x1xi32, #tpu.memory_space<vmem>>, vector<10000x1xi32>
    %iota3A = tpu.iota {dimensions = array<i32: 1>} : vector<1x32xi32>
    %eq3A = vector.broadcast %get3A_4 : vector<10000x1xi32> to vector<10000x32xi32>
    %eq3A_5 = vector.broadcast %iota3A : vector<1x32xi32> to vector<10000x32xi32>
    %eq3A_6 = arith.cmpi eq, %eq3A, %eq3A_5 : vector<10000x32xi32>
    %convert_element_type3A = arith.extui %eq3A_6 : vector<10000x32xi1> to vector<10000x32xi32>
    %convert_element_type3A_7 = arith.sitofp %convert_element_type3A : vector<10000x32xi32> to vector<10000x32xf32>
    %get3A_8 = arith.constant 0 : index
    %get3A_9 = arith.constant 0 : index
    %get3A_10 = vector.load %arg2[%get3A_8, %get3A_9] : memref<128x64xf32, #tpu.memory_space<vmem>>, vector<128x64xf32>
    %dot_general3A = arith.constant dense<0.000000e+00> : vector<10000x64xf32>
    %dot_general3A_11 = tpu.matmul %get3A_1, %get3A_10, %dot_general3A {dimension_numbers = #tpu.dot_dimension_numbers<[1], [0], [0], [1], [0, 0, 1, 1], [], []>, transpose_lhs_hint = false} : vector<10000x128xf32>, vector<128x64xf32>, vector<10000x64xf32> -> vector<10000x64xf32>
    %get3A_12 = arith.constant 0 : index
    %get3A_13 = arith.constant 0 : index
    %get3A_14 = vector.load %arg3[%get3A_12, %get3A_13] : memref<1x64xf32, #tpu.memory_space<vmem>>, vector<1x64xf32>
    %add3A = vector.broadcast %get3A_14 : vector<1x64xf32> to vector<10000x64xf32>
    %add3A_15 = arith.addf %dot_general3A_11, %add3A : vector<10000x64xf32>
    %max3A = arith.constant 0.000000e+00 : f32
    %max3A_16 = vector.broadcast %max3A : f32 to vector<10000x64xf32>
    %max3A_17 = arith.maximumf %add3A_15, %max3A_16 : vector<10000x64xf32>
    %get3A_18 = arith.constant 0 : index
    %get3A_19 = arith.constant 0 : index
    %get3A_20 = vector.load %arg4[%get3A_18, %get3A_19] : memref<64x1xf32, #tpu.memory_space<vmem>>, vector<64x1xf32>
    %dot_general3A_21 = arith.constant dense<0.000000e+00> : vector<10000x1xf32>
    %dot_general3A_22 = tpu.matmul %max3A_17, %get3A_20, %dot_general3A_21 {dimension_numbers = #tpu.dot_dimension_numbers<[1], [0], [0], [1], [0, 0, 1, 1], [], []>, transpose_lhs_hint = false} : vector<10000x64xf32>, vector<64x1xf32>, vector<10000x1xf32> -> vector<10000x1xf32>
    %get3A_23 = arith.constant 0 : index
    %get3A_24 = arith.constant 0 : index
    %get3A_25 = vector.load %arg5[%get3A_23, %get3A_24] : memref<1x1xf32, #tpu.memory_space<vmem>>, vector<1x1xf32>
    %add3A_26 = vector.broadcast %get3A_25 : vector<1x1xf32> to vector<10000x1xf32>
    %add3A_27 = arith.addf %dot_general3A_22, %add3A_26 : vector<10000x1xf32>
    %gt3A = arith.constant 0.000000e+00 : f32
    %gt3A_28 = vector.broadcast %gt3A : f32 to vector<10000x32xf32>
    %gt3A_29 = arith.cmpf ogt, %convert_element_type3A_7, %gt3A_28 : vector<10000x32xf32>
    %jit3A = arith.constant -1.000000e+30 : f32
    %broadcast_in_dim3A = vector.shape_cast %add3A_27 : vector<10000x1xf32> to vector<10000x1xf32>
    %broadcast_in_dim3A_30 = vector.broadcast %broadcast_in_dim3A : vector<10000x1xf32> to vector<10000x32xf32>
    %broadcast_in_dim3A_31 = vector.broadcast %jit3A : f32 to vector<10000x32xf32>
    %select_n3A = arith.select %gt3A_29, %broadcast_in_dim3A_30, %broadcast_in_dim3A_31 : vector<10000x32xi1>, vector<10000x32xf32>
    %reduce_max3A = arith.constant dense<0xFF800000> : vector<32xf32>
    %reduce_max3A_32 = vector.multi_reduction <maximumf>, %select_n3A, %reduce_max3A [0] : vector<10000x32xf32> to vector<32xf32>
    %broadcast_in_dim3A_33 = vector.shape_cast %reduce_max3A_32 : vector<32xf32> to vector<1x32xf32>
    %mul3A = vector.broadcast %broadcast_in_dim3A_33 : vector<1x32xf32> to vector<10000x32xf32>
    %mul3A_34 = arith.mulf %convert_element_type3A_7, %mul3A : vector<10000x32xf32>
    %reduce_sum3A = arith.constant dense<0.000000e+00> : vector<10000xf32>
    %reduce_sum3A_35 = vector.multi_reduction <add>, %mul3A_34, %reduce_sum3A [1] : vector<10000x32xf32> to vector<10000xf32>
    %broadcast_in_dim3A_36 = vector.shape_cast %reduce_sum3A_35 : vector<10000xf32> to vector<10000x1xf32>
    %sub3A = arith.subf %add3A_27, %broadcast_in_dim3A_36 : vector<10000x1xf32>
    %exp3A = math.exp %sub3A : vector<10000x1xf32>
    %dot_general3A_37 = arith.constant dense<0.000000e+00> : vector<32x1xf32>
    %dot_general3A_38 = tpu.matmul %convert_element_type3A_7, %exp3A, %dot_general3A_37 {dimension_numbers = #tpu.dot_dimension_numbers<[0], [0], [1], [1], [0, 1, 1, 1], [], []>, transpose_lhs_hint = false} : vector<10000x32xf32>, vector<10000x1xf32>, vector<32x1xf32> -> vector<32x1xf32>
    %mul3A_39 = vector.broadcast %exp3A : vector<10000x1xf32> to vector<10000x128xf32>
    %mul3A_40 = arith.mulf %mul3A_39, %get3A_1 : vector<10000x128xf32>
    %dot_general3A_41 = arith.constant dense<0.000000e+00> : vector<32x128xf32>
    %dot_general3A_42 = tpu.matmul %convert_element_type3A_7, %mul3A_40, %dot_general3A_41 {dimension_numbers = #tpu.dot_dimension_numbers<[0], [0], [1], [1], [0, 1, 1, 1], [], []>, transpose_lhs_hint = false} : vector<10000x32xf32>, vector<10000x128xf32>, vector<32x128xf32> -> vector<32x128xf32>
    %add3A_43 = arith.constant 1.000000e-16 : f32
    %add3A_44 = vector.broadcast %add3A_43 : f32 to vector<32x1xf32>
    %add3A_45 = arith.addf %dot_general3A_38, %add3A_44 : vector<32x1xf32>
    %div3A = vector.broadcast %add3A_45 : vector<32x1xf32> to vector<32x128xf32>
    %div3A_46 = arith.divf %dot_general3A_42, %div3A : vector<32x128xf32>
    %get3A_47 = arith.constant 0 : index
    %get3A_48 = arith.constant 0 : index
    %get3A_49 = vector.load %arg6[%get3A_47, %get3A_48] : memref<128x64xf32, #tpu.memory_space<vmem>>, vector<128x64xf32>
    %dot_general3A_50 = arith.constant dense<0.000000e+00> : vector<32x64xf32>
    %dot_general3A_51 = tpu.matmul %div3A_46, %get3A_49, %dot_general3A_50 {dimension_numbers = #tpu.dot_dimension_numbers<[1], [0], [0], [1], [0, 0, 1, 1], [], []>, transpose_lhs_hint = false} : vector<32x128xf32>, vector<128x64xf32>, vector<32x64xf32> -> vector<32x64xf32>
    %get3A_52 = arith.constant 0 : index
    %get3A_53 = arith.constant 0 : index
    %get3A_54 = vector.load %arg7[%get3A_52, %get3A_53] : memref<1x64xf32, #tpu.memory_space<vmem>>, vector<1x64xf32>
    %add3A_55 = vector.broadcast %get3A_54 : vector<1x64xf32> to vector<32x64xf32>
    %add3A_56 = arith.addf %dot_general3A_51, %add3A_55 : vector<32x64xf32>
    %max3A_57 = arith.constant 0.000000e+00 : f32
    %max3A_58 = vector.broadcast %max3A_57 : f32 to vector<32x64xf32>
    %max3A_59 = arith.maximumf %add3A_56, %max3A_58 : vector<32x64xf32>
    %get3A_60 = arith.constant 0 : index
    %get3A_61 = arith.constant 0 : index
    %get3A_62 = vector.load %arg8[%get3A_60, %get3A_61] : memref<64x6xf32, #tpu.memory_space<vmem>>, vector<64x6xf32>
    %dot_general3A_63 = arith.constant dense<0.000000e+00> : vector<32x6xf32>
    %dot_general3A_64 = tpu.matmul %max3A_59, %get3A_62, %dot_general3A_63 {dimension_numbers = #tpu.dot_dimension_numbers<[1], [0], [0], [1], [0, 0, 1, 1], [], []>, transpose_lhs_hint = false} : vector<32x64xf32>, vector<64x6xf32>, vector<32x6xf32> -> vector<32x6xf32>
    %get3A_65 = arith.constant 0 : index
    %get3A_66 = arith.constant 0 : index
    %get3A_67 = vector.load %arg9[%get3A_65, %get3A_66] : memref<1x6xf32, #tpu.memory_space<vmem>>, vector<1x6xf32>
    %add3A_68 = vector.broadcast %get3A_67 : vector<1x6xf32> to vector<32x6xf32>
    %add3A_69 = arith.addf %dot_general3A_64, %add3A_68 : vector<32x6xf32>
    %swap3A = arith.constant 0 : index
    %swap3A_70 = arith.constant 0 : index
    %swap3A_71 = vector.load %arg10[%swap3A, %swap3A_70] : memref<32x6xf32, #tpu.memory_space<vmem>>, vector<32x6xf32>
    tpu.vector_store %arg10[%swap3A, %swap3A_70], %add3A_69 {strides = array<i32>} : memref<32x6xf32, #tpu.memory_space<vmem>>, vector<32x6xf32>,
    return
  }
}

</mosaic_0001>

<sc_bundles>
// kernel: kernel.11.cloned.1.call-start
scs
__scs_entry_jumppad:
0x0: {  	(pc) =	sbr.rel $0x88, $3  }
0x1: {  	(tag) =	ssettag $0x0;
	lr =	simm.s32 $0x1  }
0x2: {  	[smem:$0x3F8E] =	sst lr;
	_ =	strace $0xD0000000  }
0x3: {  	_ = 	snop  }
0x4: {  	_ = 	snop  }
0x5: {  	_ = 	snop  }
0x6: {  	_ = 	snop  }
0x7: {  	_ = 	snop  }
__scs_overlays_trampoline_lowered:
0x8: {  	[smem:$0x3F9D] =	sst s0  }
0x9: {  	[smem:$0x3F9E] =	sst s1  }
0xa: {  	[smem:$0x3F9F] =	sst s2  }
0xb: {  	[smem:$0x3FA0] =	sst s3  }
0xc: {  	[smem:$0x3FA1] =	sst s4  }
0xd: {  	[smem:$0x3FA2] =	sst s5  }
0xe: {  	[smem:$0x3FA3] =	sst s6  }
0xf: {  	[smem:$0x3FA4] =	sst s7  }
0x10: {  	[smem:$0x3FA5] =	sst s8  }
0x11: {  	[smem:$0x3FA6] =	sst s9;
	s0 =	simm.s32 @!p0 $0x0  }
0x12: {  	s1 =	sld [smem:$0x3F8C];
	s0 =	simm.s32 @p0 $0x1  }
0x13: {  	[smem:$0x3FA7] =	sst s0;
	s0 =	simm.s32 @!p1 $0x0  }
0x14: {  	s2 =	sld [smem:$0x3F8B];
	s0 =	simm.s32 @p1 $0x1  }
0x15: {  	[smem:$0x3FA8] =	sst s0;
	s0 =	simm.s32 @!p2 $0x0  }
0x16: {  	s3 =	sld [smem:$0x3FDB];
	s0 =	simm.s32 @p2 $0x1  }
0x17: {  	s4 =	simm.s32 $0x1BF5;
	[smem:$0x3FAA] =	sst s0  }
0x18: {  	s0 =	sld [smem:$0x3F8D];
	_ =	swait.ge [sflag:s4], $0x0  }
0x19: {  	s7 =	sld [smem:$0x3F8E]  }
0x1a: {  	s8 =	sadd.s32 $0xFFFFE003, lr  }
0x1b: {  	s9 =	sadd.s32 $0xFFFFFEF7, lr;
	s5 =	simm.s32 $0xFFFFFFFF;
	p2 =	slt.u32 s8, $0xFFFFF086  }
0x1c: {  	p1 =	slt.u32 s9, $0xF7A;
	s5 =	simm.s32 @!p2 $0x0  }
0x1d: {  	s5 =	simm.s32 @p1 $0x1;
	p0 =	seq.s32 s7, s2  }
0x1e: {  	s7 =	smul.u32 @!p0 $0xF7A, s2;
	p2 =	seq.s32 @!p0 s5, $0x0  }
0x1f: {  	s9 =	smul.u32 $0xF7A, s1;
	s8 =	simm.s32 @!p0 $0x1BF5;
	p2 =	por !p2, p0  }
0x20: {  	[sflag:s8] =	ssyncset.s32 @!p0 $0xFFFFF086;
	s6 =	sadd.s32 @!p0 s3, s7;
	s7 =	simm.s32 @!p0 $0x108  }
0x21: {  	s3 =	sadd.s32 s3, s9;
	s6 =	sadd.s32 @!p0 $0x88, s6;
	s7 =	simm.s32 @p2 $0x1082  }
0x22: {  	[simem:s7], [sflag:s8] =	dma.local @!p0 [hbm:s6], $0xF7A  }
0x23: {  	s9 =	sor.u32 $0xD0000000, s2;
	s6 =	simm.s32 $0x108;
	_ =	swait.ge @!p0 [sflag:s8], $0x0  }
0x24: {  	s3 =	sadd.s32 $0x88, s3;
	s6 =	simm.s32 @!p1 $0x1082;
	[sflag:s4] =	ssyncset.s32 $0xFFFFF086  }
0x25: {  	[simem:s6], [sflag:s4] =	dma.local [hbm:s3], $0xF7A  }
0x26: {  	[smem:$0x3F8E] =	sst s1;
	(tag) =	ssettag s2;
	_ =	strace s9  }
0x27: {  	s1 =	sld [smem:$0x3F9E]  }
0x28: {  	s2 =	sld [smem:$0x3F9F]  }
0x29: {  	s4 =	sld [smem:$0x3FA1]  }
0x2a: {  	p0 =	seq.s32 s5, $0x0;
	s5 =	sld [smem:$0x3FA2]  }
0x2b: {  	s6 =	sld [smem:$0x3FA3]  }
0x2c: {  	s7 =	sld [smem:$0x3FA4]  }
0x2d: {  	s3 =	simm.s32 $0x108;
	s8 =	sld [smem:$0x3FA5]  }
0x2e: {  	s3 =	simm.s32 @!p0 $0x1082;
	s9 =	sld [smem:$0x3FA6]  }
0x2f: {  	lr =	sadd.s32 s0, s3;
	s0 =	sld [smem:$0x3F9D]  }
0x30: {  	s3 =	sld [smem:$0x3FA0]  }
0x31: {  	[smem:$0x3FA9] =	sst s10  }
0x32: {  	s10 =	sld [smem:$0x3FA7];
	_ =	sdelay $0x3  }
0x33: {  	p0 =	seq.s32 s10, $0x1;
	s10 =	sld [smem:$0x3FA9];
	_ =	sdelay $0x3  }
0x34: {  	[smem:$0x3FA9] =	sst s10  }
0x35: {  	s10 =	sld [smem:$0x3FA8];
	_ =	sdelay $0x3  }
0x36: {  	p1 =	seq.s32 s10, $0x1;
	s10 =	sld [smem:$0x3FA9];
	_ =	sdelay $0x3  }
0x37: {  	[smem:$0x3FA9] =	sst s10  }
0x38: {  	s10 =	sld [smem:$0x3FAA]  }
0x39: {  	_ = 	snop;
	(pc) =	sbr.ind lr, $3  }
0x3a: {  	_ = 	snop  }
0x3b: {  	_ = 	snop  }
0x3c: {  	p2 =	seq.s32 s10, $0x1;
	s10 =	sld [smem:$0x3FA9]  }
0x3d: {  	_ =	shalt  }
0x3e: {  	_ =	shalt  }
0x3f: {  	_ =	shalt  }
0x40: {  	_ =	shalt  }
0x41: {  	_ =	shalt  }
0x42: {  	_ =	shalt  }
0x43: {  	_ =	shalt  }
0x44: {  	_ =	shalt  }
0x45: {  	_ =	shalt  }
0x46: {  	_ =	shalt  }
0x47: {  	_ =	shalt  }
0x48: {  	_ =	shalt  }
0x49: {  	_ =	shalt  }
0x4a: {  	_ =	shalt  }
0x4b: {  	_ =	shalt  }
0x4c: {  	_ =	shalt  }
0x4d: {  	_ =	shalt  }
0x4e: {  	_ =	shalt  }
0x4f: {  	_ =	shalt  }
0x50: {  	_ =	shalt  }
0x51: {  	_ =	shalt  }
0x52: {  	_ =	shalt  }
0x53: {  	_ =	shalt  }
0x54: {  	_ =	shalt  }
0x55: {  	_ =	shalt  }
0x56: {  	_ =	shalt  }
0x57: {  	_ =	shalt  }
0x58: {  	_ =	shalt  }
0x59: {  	_ =	shalt  }
0x5a: {  	_ =	shalt  }
0x5b: {  	_ =	shalt  }
0x5c: {  	_ =	shalt  }
0x5d: {  	_ =	shalt  }
0x5e: {  	_ =	shalt  }
0x5f: {  	_ =	shalt  }
0x60: {  	_ =	shalt  }
0x61: {  	_ =	shalt  }
0x62: {  	_ =	shalt  }
0x63: {  	_ =	shalt  }
0x64: {  	_ =	shalt  }
0x65: {  	_ =	shalt  }
0x66: {  	_ =	shalt  }
0x67: {  	_ =	shalt  }
0x68: {  	_ =	shalt  }
0x69: {  	_ =	shalt  }
0x6a: {  	_ =	shalt  }
0x6b: {  	_ =	shalt  }
0x6c: {  	_ =	shalt  }
0x6d: {  	_ =	shalt  }
0x6e: {  	_ =	shalt  }
0x6f: {  	_ =	shalt  }
0x70: {  	_ =	shalt  }
0x71: {  	_ =	shalt  }
0x72: {  	_ =	shalt  }
0x73: {  	_ =	shalt  }
0x74: {  	_ =	shalt  }
0x75: {  	_ =	shalt  }
0x76: {  	_ =	shalt  }
0x77: {  	_ =	shalt  }
0x78: {  	_ =	shalt  }
0x79: {  	_ =	shalt  }
0x7a: {  	_ =	shalt  }
0x7b: {  	_ =	shalt  }
0x7c: {  	_ =	shalt  }
0x7d: {  	_ =	shalt  }
0x7e: {  	_ =	shalt  }
0x7f: {  	_ =	shalt  }
0x80: {  	_ =	shalt  }
0x81: {  	_ =	shalt  }
0x82: {  	_ =	shalt  }
0x83: {  	_ =	shalt  }
0x84: {  	_ =	shalt  }
0x85: {  	_ =	shalt  }
0x86: {  	_ =	shalt  }
0x87: {  	_ =	shalt  }
.Lfunc_end0:
.L_simem_size_0:
called_computation_lowered:
.L_overlay_start_0:
0x88: {  	s2 =	sld [smem:$0x3FD9]  }
0x89: {  	s3 =	sld [smem:$0x3FFE];
	_ =	sdelay $0x1  }
0x8a: {  	s1 =	srdreg.scid  }
0x8b: {  	s0 =	sand.u32 $0x1, s1  }
0x8c: {  	s17 =	sshll.u32 s0, $0xA;
	s2 =	sadd.s32 s3, s2  }
0x8d: {  	s2 =	sadd.s32 s2, s17  }
0x8e: {  	[smem:$0x3FB5] =	sst s2  }
0x8f: {  	_ = 	snop  }
0x90: {  	(tm) =	ssettm $0x1  }
0x91: {  	s18 =	sld [smem:$0x3FFB];
	_ =	sdelay $0x3  }
0x92: {  	_ =	strace s18  }
0x93: {  	s2 =	sld [smem:$0x3FFC];
	_ =	sdelay $0x3  }
0x94: {  	_ =	strace s2  }
0x95: {  	s2 =	sld [smem:$0x3FFD];
	_ =	sdelay $0x3  }
0x96: {  	_ =	strace s2  }
0x97: {  	_ =	strace $0x8FFFFFFF  }
0x98: {  	s19 =	sld [smem:$0x3FDB];
	_ =	sdelay $0x1  }
0x99: {  	s20 =	simm.s32 $_scs_section_size  }
0x9a: {  	s4 =	simm.s32 $_size__tile_overlayer_lowered;
	s5 =	simm.s32 $_tile_overlayer_lowered  }
0x9b: {  	s6 =	simm.s32 $0x1BFF;
	s21 =	sshll.u32 s5, $0x1;
	s3 =	sadd.s32 s20, s19  }
0x9c: {  	s22 =	simm.s32 $0x0;
	s4 =	sshll.u32 s4, $0x1;
	s5 =	sadd.s32 s21, s3  }
0x9d: {  	[timem:s22], [sflag:s6] =	dma.local [hbm:s5], s4  }
0x9e: {  	_ =	swait.ge [sflag:s6], s4  }
0x9f: {  	s4 =	ssub.s32 $0x0, s4;
	[sflag:s6] =	ssyncset.done $0x0  }
0xa0: {  	[sflag:s6] =	ssyncadd.s32 s4;
	_ =	sdelay $0x1  }
0xa1: {  	s23 =	simm.s32 $0x1B8B  }
0xa2: {  	_ =	swait.ge [sflag:s23], $0x1  }
0xa3: {  	[sflag:s23] =	ssyncset.done $0x0  }
0xa4: {  	[sflag:s23] =	ssyncadd.s32 $0xFFFFFFFF  }
0xa5: {  	s4 =	sld [smem:$0x0]  }
0xa6: {  	s5 =	sand.u32 $0xFFFFFFFE, s1  }
0xa7: {  	p0 =	sne.s32 s1, s5  }
0xa8: {  	s5 =	sshll.u32 @p0 s5, $0xE  }
0xa9: {  	s5 =	sadd.s32 @p0 $0x11B8D, s5;
	s6 =	sshll.u32 @p0 s4, $0x11  }
0xaa: {  	s5 =	sor.u32 @p0 s6, s5  }
0xab: {  	[sflag:s5] =	ssyncadd.remote.s32 @p0 $0x1;
	_ =	sdelay $0x1  }
0xac: {  	s5 =	simm.s32 @p0 $0x1B8D  }
0xad: {  	_ =	swait.eq @p0 [sflag:s5], $0x1  }
0xae: {  	[sflag:s5] =	ssyncadd.s32 @p0 $0xFFFFFFFF  }
0xaf: {  	s6 =	sshll.u32 @!p0 s1, $0xE  }
0xb0: {  	s6 =	sor.u32 @!p0 $0x4000, s6;
	s5 =	simm.s32 @!p0 $0x1B8D  }
0xb1: {  	s4 =	sshll.u32 @!p0 s4, $0x11;
	s6 =	sadd.s32 @!p0 $0x11B8D, s6;
	_ =	swait.eq @!p0 [sflag:s5], $0x1  }
0xb2: {  	s4 =	sor.u32 @!p0 s4, s6;
	[sflag:s5] =	ssyncadd.s32 @!p0 $0xFFFFFFFF  }
0xb3: {  	s25 =	simm.s32 $0x1B8E;
	s24 =	sld [smem:$0x3FFE];
	[sflag:s4] =	ssyncadd.remote.s32 @!p0 $0x1  }
0xb4: {  	s26 =	simm.s32 $execute0_lowered;
	[smem:$0x3FD2] =	sst s25  }
0xb5: {  	s5 =	sshll.u32 s26, $0x1;
	_ =	strace $0x80000049;
	[dreg:$0x1] =	wrdreg $0xFFFFFFFF  }
0xb6: {  	s28 =	simm.s32 $_size_execute0_lowered;
	s3 =	sadd.s32 s3, s5;
	[dreg:$0x0] =	wrdreg $0x0  }
0xb7: {  	s5 =	sshll.u32 s28, $0x1;
	[dreg:$0x2] =	wrdreg s3  }
0xb8: {  	[dreg:$0x3] =	wrdreg s5  }
0xb9: {  	[dreg:$0x4] =	wrdreg $0xC0  }
0xba: {  	_ =	task [dreg:s22], $0x5FFFF  }
0xbb: {  	[dreg:$0x1] =	wrdreg $0xFFFFFFFF  }
0xbc: {  	[dreg:$0x0] =	wrdreg $0x60  }
0xbd: {  	[dreg:$0x2] =	wrdreg s24  }
0xbe: {  	[dreg:$0x3] =	wrdreg $0x68000  }
0xbf: {  	[dreg:$0x4] =	wrdreg $0x9  }
0xc0: {  	_ =	task.clear_ibuf [dreg:s22], $0x5FFFF;
	_ =	strace $0x90000049  }
0xc1: {  	s29 =	simm.s32 $0x9;
	_ =	strace $0x8000004B  }
0xc2: {  	_ =	swait.ge [sflag:s29], $0x1  }
0xc3: {  	[sflag:s29] =	ssyncadd.s32 $0xFFFFFFFF  }
0xc4: {  	_ =	strace $0x9000004B  }
0xc5: {  	_ =	sfence  }
0xc6: {  	s30 =	sld [smem:$0x0];
	_ =	sdelay $0x2  }
0xc7: {  	s31 =	sshll.u32 s1, $0xD;
	s1 =	sshrl.u32 s1, $0x2  }
0xc8: {  	s4 =	sand.u32 $0x4000, s31;
	s1 =	sadd.s32 s1, s30  }
0xc9: {  	s0 =	sor.u32 s4, s0;
	s1 =	sshll.u32 s1, $0x11  }
0xca: {  	s0 =	sor.u32 s1, s0  }
0xcb: {  	s0 =	sadd.s32 $0x8F2B, s0  }
0xcc: {  	[sflag:s0] =	ssyncadd.remote.s32 $0x1  }
0xcd: {  	_ =	sfence.sel $0xFFFF  }
0xce: {  	[dreg:$0x0] =	wrdreg $0xFFFFFFFF;
	(pc) =	sbr.abs _section_cstart, $3  }
0xcf: {  	[dreg:$0x1] =	wrdreg $0xFFFFFFFF  }
0xd0: {  	_ =	task.clear_ibuf [dreg:s22], $0x2FFFF;
	_ =	strace $0x9FFFFFFF  }
0xd1: {  	(tm) =	ssettm $0x7FFFFFFF  }
tec
execute0_lowered:
.L_overlay_start_1:
0x0: {  	(tag) =	ssettag $0x1  }
0x1: {  	s6 =	rddreg [dreg:$0x0]  }
0x2: {  	s1 =	rddreg [dreg:$0x1]  }
0x3: {  	s3 =	srdreg.scid;
	s0 =	rddreg [dreg:$0x2];
	s2 =	simm.s32 $0x0  }
0x4: {  	s15 =	simm.s32 $0x50;
	s16 =	simm.s32 $0x1;
	s17 =	simm.s32 $0x2  }
0x5: {  	s18 =	simm.s32 $0x3;
	s19 =	simm.s32 $0x4;
	s20 =	simm.s32 $0x3E00  }
0x6: {  	s21 =	simm.s32 $0x0;
	s7 =	sand.u32 $0x1, s3;
	[smem:$0x7FF] =	sst s2  }
0x7: {  	s4 =	sadd.s32 $0xB4A00, s6;
	s5 =	sadd.s32 $0x54000, s6;
	s10 =	sadd.s32 $0xB5000, s6  }
0x8: {  	s14 =	sadd.s32 $0x124800, s1;
	s3 =	sshll.u32 s7, $0xB;
	s26 =	ssub.s32 $0x2, s7  }
0x9: {  	s7 =	smul.u32 $0x138800, s7;
	s8 =	sadd.s32 s3, s6;
	s3 =	stileid.u32  }
0xa: {  	_ =	strace $0x8000004A;
	s11 =	sshrl.u32 s26, $0x1;
	s9 =	smul.u32 $0x4E000, s3  }
0xb: {  	s12 =	smul.u32 $0x13800, s3;
	s11 =	ssub.s32 s26, s11;
	s28 =	sshll.u32 s3, $0xC  }
0xc: {  	s30 =	sshrl.u32 s7, $0x3;
	p0 =	seq.s32 s3, $0xF;
	s6 =	sadd.s32 s28, s8  }
0xd: {  	s31 =	sadd.s32 s10, s30;
	s9 =	sshrl.u32 s9, $0x2;
	s29 =	sadd.s32 s12, s7  }
0xe: {  	s6 =	sadd.s32 $0xA4A00, s6;
	s13 =	sadd.s32 s9, s1;
	s8 =	sshrl.u32 s29, $0x3  }
0xf: {  	s9 =	smax.u32 s11, $0x1;
	s11 =	sshll.u32 @!p0 s3, $0x6;
	s7 =	sadd.s32 s10, s8  }
0x10: {  	s8 =	sadd.s32 $0x24900, s31;
	s10 =	sshrl.u32 @p0 s14, $0x3;
	s11 =	sor.u32 @!p0 $0x1C05, s11  }
0x11: {  	s12 =	sshrl.u32 @!p0 s13, $0x3;
	s13 =	simm.s32 $0x4000;
	s14 =	simm.s32 $0x5  }
.LBB2_1:
0x12: {  	s22 =	simm.s32 @p0 $0x1FC5  }
0x13: {  	[spmem:s10], [sflag:s22] =	dma.local @p0 [hbm:s5], $0x2800  }
0x14: {  	s22 =	simm.s32 @p0 $0x5  }
0x15: {  	_ =	swait.ge @p0 [sflag:s22], $0x2800  }
0x16: {  	[sflag:s22] =	ssyncset.done @p0 $0x0  }
0x17: {  	[sflag:s22] =	ssyncadd.s32 @p0 $0xFFFFD800;
	s22 =	simm.s32 @!p0 $0x5  }
0x18: {  	[spmem:s12], [sflag:s11] =	dma.local @!p0 [hbm:s5], $0x2700  }
0x19: {  	_ =	swait.ge @!p0 [sflag:s22], $0x2700  }
0x1a: {  	[sflag:s22] =	ssyncset.done @!p0 $0x0  }
0x1b: {  	[sflag:s22] =	ssyncadd.s32 @!p0 $0xFFFFD900  }
0x1c: {  	[tilespmem:s13], [sflag:$0x5] =	stream.linear.gather [hbm4b:s4+s2], $0x2800, $0x38;
	[tilespmem:$0x1A080] =	vst v63  }
0x1d: {  	_ =	swait.ge [sflag:s14], $0x2800  }
0x1e: {  	[sflag:s14] =	ssyncset.done $0x0  }
0x1f: {  	[sflag:s14] =	ssyncadd.s32 $0xFFFFD800  }
0x20: {  	[tilespmem:s2], [sflag:$0x5] =	stream.linear.gather [hbm4b:s6+s2], $0x3E80, $0x38;
	[tilespmem:$0x1A080] =	vst v63  }
0x21: {  	_ =	swait.ge [sflag:s14], $0x3E80  }
0x22: {  	[sflag:s14] =	ssyncset.done $0x0  }
0x23: {  	[sflag:s14] =	ssyncadd.s32 $0xFFFFC180  }
0x24: {  	s28 =	simm.s32 $0x0;
	[bflag:$0x0] =	sbarrier.arrive $0xFFFF  }
0x25: {  	[spmem:s1] =	stream.indirect.scatter.add.f32 [tilespmem:s13], [sflag:$0x1], $0x80, s28, s15, $0xb8;
	[tilespmem:$0x1A080] =	vst v63  }
0x26: {  	s29 =	simm.s32 $0x80  }
0x27: {  	[spmem:s1] =	stream.indirect.scatter.add.f32 [tilespmem:s13], [sflag:$0x2], $0x80, s29, s15, $0xb8;
	[tilespmem:$0x1A080] =	vst v63  }
0x28: {  	s30 =	simm.s32 $0x100  }
0x29: {  	[spmem:s1] =	stream.indirect.scatter.add.f32 [tilespmem:s13], [sflag:$0x3], $0x80, s30, s15, $0xb8;
	[tilespmem:$0x1A080] =	vst v63  }
0x2a: {  	s31 =	simm.s32 $0x180  }
0x2b: {  	[spmem:s1] =	stream.indirect.scatter.add.f32 [tilespmem:s13], [sflag:$0x4], $0x80, s31, s15, $0xb8;
	[tilespmem:$0x1A080] =	vst v63  }
0x2c: {  	_ =	swait.ge [sflag:s16], $0x2800  }
0x2d: {  	[sflag:s16] =	ssyncset.done $0x0  }
0x2e: {  	[sflag:s16] =	ssyncadd.s32 $0xFFFFD800  }
0x2f: {  	_ =	swait.ge [sflag:s17], $0x2800  }
0x30: {  	[sflag:s17] =	ssyncset.done $0x0  }
0x31: {  	[sflag:s17] =	ssyncadd.s32 $0xFFFFD800  }
0x32: {  	_ =	swait.ge [sflag:s18], $0x2800  }
0x33: {  	[sflag:s18] =	ssyncset.done $0x0  }
0x34: {  	[sflag:s18] =	ssyncadd.s32 $0xFFFFD800  }
0x35: {  	_ =	swait.ge [sflag:s19], $0x2800  }
0x36: {  	s23 =	simm.s32 $0x1000;
	s22 =	simm.s32 $0x800;
	[sflag:s19] =	ssyncset.done $0x0  }
.LBB2_2:
0x37: {  	s24 =	sshra.s32 s22, $0x2  }
0x38: {  	[sflag:s19] =	ssyncadd.s32 $0xFFFFD800;
	s22 =	smov.u32 s23;
	s25 =	sadd.s32 $0x800, s23  }
0x39: {  	[spmem:s1] =	stream.indirect.scatter.add.f32 [tilespmem:s13], [sflag:$0x1], $0x80, s24, s15, $0xb8;
	[tilespmem:$0x1A080] =	vst v63  }
0x3a: {  	p1 =	sne.s32 s23, $0xF000;
	s23 =	sadd.s32 $0x80, s24  }
0x3b: {  	[spmem:s1] =	stream.indirect.scatter.add.f32 [tilespmem:s13], [sflag:$0x2], $0x80, s23, s15, $0xb8;
	[tilespmem:$0x1A080] =	vst v63  }
0x3c: {  	s23 =	sadd.s32 $0x100, s24  }
0x3d: {  	[spmem:s1] =	stream.indirect.scatter.add.f32 [tilespmem:s13], [sflag:$0x3], $0x80, s23, s15, $0xb8;
	[tilespmem:$0x1A080] =	vst v63  }
0x3e: {  	s23 =	sadd.s32 $0x180, s24  }
0x3f: {  	[spmem:s1] =	stream.indirect.scatter.add.f32 [tilespmem:s13], [sflag:$0x4], $0x80, s23, s15, $0xb8;
	[tilespmem:$0x1A080] =	vst v63  }
0x40: {  	_ =	swait.ge [sflag:s16], $0x2800  }
0x41: {  	[sflag:s16] =	ssyncset.done $0x0  }
0x42: {  	[sflag:s16] =	ssyncadd.s32 $0xFFFFD800  }
0x43: {  	_ =	swait.ge [sflag:s17], $0x2800  }
0x44: {  	[sflag:s17] =	ssyncset.done $0x0  }
0x45: {  	[sflag:s17] =	ssyncadd.s32 $0xFFFFD800  }
.Ltmp0:
0x46: {  	_ =	swait.ge [sflag:s18], $0x2800;
	(pc) =	sbr.rel @p1 .LBB2_2-.Ltmp0, $4  }
0x47: {  	[sflag:s18] =	ssyncset.done $0x0  }
0x48: {  	[sflag:s18] =	ssyncadd.s32 $0xFFFFD800  }
0x49: {  	_ =	swait.ge [sflag:s19], $0x2800  }
0x4a: {  	s23 =	smov.u32 s25;
	[sflag:s19] =	ssyncset.done $0x0  }
0x4b: {  	s22 =	sshra.s32 s22, $0x2;
	[sflag:s19] =	ssyncadd.s32 $0xFFFFD800  }
0x4c: {  	[spmem:s1] =	stream.indirect.scatter.add.f32 [tilespmem:s13], [sflag:$0x1], $0x80, s22, s15, $0xb8;
	[tilespmem:$0x1A080] =	vst v63  }
0x4d: {  	s23 =	sadd.s32 $0x80, s22  }
0x4e: {  	[spmem:s1] =	stream.indirect.scatter.add.f32 [tilespmem:s13], [sflag:$0x2], $0x80, s23, s15, $0xb8;
	[tilespmem:$0x1A080] =	vst v63  }
0x4f: {  	s31 =	sadd.s32 $0x100, s22  }
0x50: {  	[spmem:s1] =	stream.indirect.scatter.add.f32 [tilespmem:s13], [sflag:$0x3], $0x80, s31, s15, $0xb8;
	[tilespmem:$0x1A080] =	vst v63  }
0x51: {  	s22 =	sadd.s32 $0x180, s22  }
0x52: {  	[spmem:s1] =	stream.indirect.scatter.add.f32 [tilespmem:s13], [sflag:$0x4], $0x80, s22, s15, $0xb8;
	[tilespmem:$0x1A080] =	vst v63  }
0x53: {  	_ =	swait.ge [sflag:s16], $0x2800  }
0x54: {  	[sflag:s16] =	ssyncset.done $0x0  }
0x55: {  	[sflag:s16] =	ssyncadd.s32 $0xFFFFD800  }
0x56: {  	_ =	swait.ge [sflag:s17], $0x2800  }
0x57: {  	[sflag:s17] =	ssyncset.done $0x0  }
0x58: {  	[sflag:s17] =	ssyncadd.s32 $0xFFFFD800  }
0x59: {  	_ =	swait.ge [sflag:s18], $0x2800  }
0x5a: {  	[sflag:s18] =	ssyncset.done $0x0  }
0x5b: {  	[sflag:s18] =	ssyncadd.s32 $0xFFFFD800  }
0x5c: {  	_ =	swait.ge [sflag:s19], $0x2800  }
0x5d: {  	[sflag:s19] =	ssyncset.done $0x0  }
0x5e: {  	[sflag:s19] =	ssyncadd.s32 $0xFFFFD800  }
0x5f: {  	[spmem:s1] =	stream.indirect.scatter.add.f32 [tilespmem:s13], [sflag:$0x5], $0x80, s20, s15, $0xb8;
	[tilespmem:$0x1A080] =	vst v63  }
0x60: {  	_ =	swait.ge [sflag:s14], $0x2800  }
0x61: {  	[sflag:s14] =	ssyncset.done $0x0  }
0x62: {  	[sflag:s14] =	ssyncadd.s32 $0xFFFFD800  }
0x63: {  	s22 =	simm.s32 @p0 $0x1FC5;
	[bflag:$0x0] =	sbarrier.arrive $0xFFFF  }
0x64: {  	[hbm:s8], [sflag:s22] =	dma.local @p0 [spmem:s10], $0x2800  }
0x65: {  	s22 =	simm.s32 @p0 $0x5  }
0x66: {  	s21 =	sadd.s32 $0x1, s21;
	_ =	swait.ge @p0 [sflag:s22], $0x2800  }
0x67: {  	p1 =	sne.s32 s21, s9;
	[sflag:s22] =	ssyncset.done @p0 $0x0  }
.Ltmp1:
0x68: {  	[sflag:s22] =	ssyncadd.s32 @p0 $0xFFFFD800;
	s22 =	simm.s32 @!p0 $0x5;
	(pc) =	sbr.rel @p1 .LBB2_1-.Ltmp1, $4  }
0x69: {  	[hbm:s7], [sflag:s11] =	dma.local @!p0 [spmem:s12], $0x2700  }
0x6a: {  	_ =	swait.ge @!p0 [sflag:s22], $0x2700  }
0x6b: {  	[sflag:s22] =	ssyncset.done @!p0 $0x0  }
0x6c: {  	[sflag:s22] =	ssyncadd.s32 @!p0 $0xFFFFD900  }
0x6d: {  	_ =	sfence.sel $0x180000  }
0x6e: {  	[bflag:$0x0] =	sbarrier.arrive $0xFFFF  }
0x6f: {  	p0 =	sne.s32 s3, $0x0;
	_ =	strace $0x9000004A  }
0x70: {  	s0 =	sadd.s32 @!p0 $0x100000, s0;
	[bflag:$0x2] =	sbarrier.arrive $0xFFFF  }
0x71: {  	[sflag:s0] =	ssyncadd.tile.s32 @!p0 $0x1;
	_ =	shalt  }
.Lfunc_end2:
_tile_overlayer_lowered:
.L_overlay_start_2:
0x72: {  	(tag) =	ssettag $0x2  }
0x73: {  	s0 =	rddreg [dreg:$0x0];
	s2 =	stileid.u32  }
0x74: {  	s1 =	rddreg [dreg:$0x1];
	p0 =	sne.s32 s2, $0x0  }
0x75: {  	s3 =	rddreg [dreg:$0x2];
	[bflag:$0x3] =	sbarrier.arrive $0xFFFF;
	s2 =	simm.s32 @!p0 $0x1C05  }
0x76: {  	[timem:s3], [sflag:s2] =	dma.local @!p0 [hbm:s0], s1  }
0x77: {  	s0 =	simm.s32 @!p0 $0x5  }
0x78: {  	_ =	swait.ge @!p0 [sflag:s0], s1  }
0x79: {  	s1 =	ssub.s32 @!p0 $0x0, s1;
	[sflag:s0] =	ssyncset.done @!p0 $0x0  }
0x7a: {  	[sflag:s0] =	ssyncadd.s32 @!p0 s1  }
0x7b: {  	[bflag:$0x3] =	sbarrier.arrive $0xFFFF  }
0x7c: {  	_ =	shalt  }

// kernel: kernel.14.cloned.1.call-start
scs
__scs_entry_jumppad:
0x0: {  	(pc) =	sbr.rel $0x88, $3  }
0x1: {  	(tag) =	ssettag $0x0;
	lr =	simm.s32 $0x1  }
0x2: {  	[smem:$0x3F8E] =	sst lr;
	_ =	strace $0xD0000000  }
0x3: {  	_ = 	snop  }
0x4: {  	_ = 	snop  }
0x5: {  	_ = 	snop  }
0x6: {  	_ = 	snop  }
0x7: {  	_ = 	snop  }
__scs_overlays_trampoline_lowered:
0x8: {  	[smem:$0x3F9D] =	sst s0  }
0x9: {  	[smem:$0x3F9E] =	sst s1  }
0xa: {  	[smem:$0x3F9F] =	sst s2  }
0xb: {  	[smem:$0x3FA0] =	sst s3  }
0xc: {  	[smem:$0x3FA1] =	sst s4  }
0xd: {  	[smem:$0x3FA2] =	sst s5  }
0xe: {  	[smem:$0x3FA3] =	sst s6  }
0xf: {  	[smem:$0x3FA4] =	sst s7  }
0x10: {  	[smem:$0x3FA5] =	sst s8  }
0x11: {  	[smem:$0x3FA6] =	sst s9;
	s0 =	simm.s32 @!p0 $0x0  }
0x12: {  	s1 =	sld [smem:$0x3F8C];
	s0 =	simm.s32 @p0 $0x1  }
0x13: {  	[smem:$0x3FA7] =	sst s0;
	s0 =	simm.s32 @!p1 $0x0  }
0x14: {  	s2 =	sld [smem:$0x3F8B];
	s0 =	simm.s32 @p1 $0x1  }
0x15: {  	[smem:$0x3FA8] =	sst s0;
	s0 =	simm.s32 @!p2 $0x0  }
0x16: {  	s3 =	sld [smem:$0x3FDB];
	s0 =	simm.s32 @p2 $0x1  }
0x17: {  	s4 =	simm.s32 $0x1BF5;
	[smem:$0x3FAA] =	sst s0  }
0x18: {  	s0 =	sld [smem:$0x3F8D];
	_ =	swait.ge [sflag:s4], $0x0  }
0x19: {  	s7 =	sld [smem:$0x3F8E]  }
0x1a: {  	s8 =	sadd.s32 $0xFFFFE003, lr  }
0x1b: {  	s9 =	sadd.s32 $0xFFFFFEF7, lr;
	s5 =	simm.s32 $0xFFFFFFFF;
	p2 =	slt.u32 s8, $0xFFFFF086  }
0x1c: {  	p1 =	slt.u32 s9, $0xF7A;
	s5 =	simm.s32 @!p2 $0x0  }
0x1d: {  	s5 =	simm.s32 @p1 $0x1;
	p0 =	seq.s32 s7, s2  }
0x1e: {  	s7 =	smul.u32 @!p0 $0xF7A, s2;
	p2 =	seq.s32 @!p0 s5, $0x0  }
0x1f: {  	s9 =	smul.u32 $0xF7A, s1;
	s8 =	simm.s32 @!p0 $0x1BF5;
	p2 =	por !p2, p0  }
0x20: {  	[sflag:s8] =	ssyncset.s32 @!p0 $0xFFFFF086;
	s6 =	sadd.s32 @!p0 s3, s7;
	s7 =	simm.s32 @!p0 $0x108  }
0x21: {  	s3 =	sadd.s32 s3, s9;
	s6 =	sadd.s32 @!p0 $0x88, s6;
	s7 =	simm.s32 @p2 $0x1082  }
0x22: {  	[simem:s7], [sflag:s8] =	dma.local @!p0 [hbm:s6], $0xF7A  }
0x23: {  	s9 =	sor.u32 $0xD0000000, s2;
	s6 =	simm.s32 $0x108;
	_ =	swait.ge @!p0 [sflag:s8], $0x0  }
0x24: {  	s3 =	sadd.s32 $0x88, s3;
	s6 =	simm.s32 @!p1 $0x1082;
	[sflag:s4] =	ssyncset.s32 $0xFFFFF086  }
0x25: {  	[simem:s6], [sflag:s4] =	dma.local [hbm:s3], $0xF7A  }
0x26: {  	[smem:$0x3F8E] =	sst s1;
	(tag) =	ssettag s2;
	_ =	strace s9  }
0x27: {  	s1 =	sld [smem:$0x3F9E]  }
0x28: {  	s2 =	sld [smem:$0x3F9F]  }
0x29: {  	s4 =	sld [smem:$0x3FA1]  }
0x2a: {  	p0 =	seq.s32 s5, $0x0;
	s5 =	sld [smem:$0x3FA2]  }
0x2b: {  	s6 =	sld [smem:$0x3FA3]  }
0x2c: {  	s7 =	sld [smem:$0x3FA4]  }
0x2d: {  	s3 =	simm.s32 $0x108;
	s8 =	sld [smem:$0x3FA5]  }
0x2e: {  	s3 =	simm.s32 @!p0 $0x1082;
	s9 =	sld [smem:$0x3FA6]  }
0x2f: {  	lr =	sadd.s32 s0, s3;
	s0 =	sld [smem:$0x3F9D]  }
0x30: {  	s3 =	sld [smem:$0x3FA0]  }
0x31: {  	[smem:$0x3FA9] =	sst s10  }
0x32: {  	s10 =	sld [smem:$0x3FA7];
	_ =	sdelay $0x3  }
0x33: {  	p0 =	seq.s32 s10, $0x1;
	s10 =	sld [smem:$0x3FA9];
	_ =	sdelay $0x3  }
0x34: {  	[smem:$0x3FA9] =	sst s10  }
0x35: {  	s10 =	sld [smem:$0x3FA8];
	_ =	sdelay $0x3  }
0x36: {  	p1 =	seq.s32 s10, $0x1;
	s10 =	sld [smem:$0x3FA9];
	_ =	sdelay $0x3  }
0x37: {  	[smem:$0x3FA9] =	sst s10  }
0x38: {  	s10 =	sld [smem:$0x3FAA]  }
0x39: {  	_ = 	snop;
	(pc) =	sbr.ind lr, $3  }
0x3a: {  	_ = 	snop  }
0x3b: {  	_ = 	snop  }
0x3c: {  	p2 =	seq.s32 s10, $0x1;
	s10 =	sld [smem:$0x3FA9]  }
0x3d: {  	_ =	shalt  }
0x3e: {  	_ =	shalt  }
0x3f: {  	_ =	shalt  }
0x40: {  	_ =	shalt  }
0x41: {  	_ =	shalt  }
0x42: {  	_ =	shalt  }
0x43: {  	_ =	shalt  }
0x44: {  	_ =	shalt  }
0x45: {  	_ =	shalt  }
0x46: {  	_ =	shalt  }
0x47: {  	_ =	shalt  }
0x48: {  	_ =	shalt  }
0x49: {  	_ =	shalt  }
0x4a: {  	_ =	shalt  }
0x4b: {  	_ =	shalt  }
0x4c: {  	_ =	shalt  }
0x4d: {  	_ =	shalt  }
0x4e: {  	_ =	shalt  }
0x4f: {  	_ =	shalt  }
0x50: {  	_ =	shalt  }
0x51: {  	_ =	shalt  }
0x52: {  	_ =	shalt  }
0x53: {  	_ =	shalt  }
0x54: {  	_ =	shalt  }
0x55: {  	_ =	shalt  }
0x56: {  	_ =	shalt  }
0x57: {  	_ =	shalt  }
0x58: {  	_ =	shalt  }
0x59: {  	_ =	shalt  }
0x5a: {  	_ =	shalt  }
0x5b: {  	_ =	shalt  }
0x5c: {  	_ =	shalt  }
0x5d: {  	_ =	shalt  }
0x5e: {  	_ =	shalt  }
0x5f: {  	_ =	shalt  }
0x60: {  	_ =	shalt  }
0x61: {  	_ =	shalt  }
0x62: {  	_ =	shalt  }
0x63: {  	_ =	shalt  }
0x64: {  	_ =	shalt  }
0x65: {  	_ =	shalt  }
0x66: {  	_ =	shalt  }
0x67: {  	_ =	shalt  }
0x68: {  	_ =	shalt  }
0x69: {  	_ =	shalt  }
0x6a: {  	_ =	shalt  }
0x6b: {  	_ =	shalt  }
0x6c: {  	_ =	shalt  }
0x6d: {  	_ =	shalt  }
0x6e: {  	_ =	shalt  }
0x6f: {  	_ =	shalt  }
0x70: {  	_ =	shalt  }
0x71: {  	_ =	shalt  }
0x72: {  	_ =	shalt  }
0x73: {  	_ =	shalt  }
0x74: {  	_ =	shalt  }
0x75: {  	_ =	shalt  }
0x76: {  	_ =	shalt  }
0x77: {  	_ =	shalt  }
0x78: {  	_ =	shalt  }
0x79: {  	_ =	shalt  }
0x7a: {  	_ =	shalt  }
0x7b: {  	_ =	shalt  }
0x7c: {  	_ =	shalt  }
0x7d: {  	_ =	shalt  }
0x7e: {  	_ =	shalt  }
0x7f: {  	_ =	shalt  }
0x80: {  	_ =	shalt  }
0x81: {  	_ =	shalt  }
0x82: {  	_ =	shalt  }
0x83: {  	_ =	shalt  }
0x84: {  	_ =	shalt  }
0x85: {  	_ =	shalt  }
0x86: {  	_ =	shalt  }
0x87: {  	_ =	shalt  }
.Lfunc_end0:
.L_simem_size_0:
called_computation.1_lowered:
.L_overlay_start_0:
0x88: {  	s2 =	sld [smem:$0x3FD9]  }
0x89: {  	s3 =	sld [smem:$0x3FFE];
	_ =	sdelay $0x1  }
0x8a: {  	s1 =	srdreg.scid  }
0x8b: {  	s0 =	sand.u32 $0x1, s1  }
0x8c: {  	s16 =	sshll.u32 s0, $0xA;
	s2 =	sadd.s32 s3, s2  }
0x8d: {  	s2 =	sadd.s32 s2, s16  }
0x8e: {  	[smem:$0x3FB5] =	sst s2  }
0x8f: {  	_ = 	snop  }
0x90: {  	(tm) =	ssettm $0x1  }
0x91: {  	s17 =	sld [smem:$0x3FFB];
	_ =	sdelay $0x3  }
0x92: {  	_ =	strace s17  }
0x93: {  	s2 =	sld [smem:$0x3FFC];
	_ =	sdelay $0x3  }
0x94: {  	_ =	strace s2  }
0x95: {  	s2 =	sld [smem:$0x3FFD];
	_ =	sdelay $0x3  }
0x96: {  	_ =	strace s2  }
0x97: {  	_ =	strace $0x8FFFFFFF  }
0x98: {  	s18 =	sld [smem:$0x3FDB];
	_ =	sdelay $0x1  }
0x99: {  	s19 =	simm.s32 $_scs_section_size  }
0x9a: {  	s4 =	simm.s32 $_size__tile_overlayer_lowered;
	s5 =	simm.s32 $_tile_overlayer_lowered  }
0x9b: {  	s22 =	simm.s32 $0x1BFF;
	s21 =	sshll.u32 s5, $0x1;
	s2 =	sadd.s32 s19, s18  }
0x9c: {  	s6 =	simm.s32 $0x0;
	s20 =	sshll.u32 s4, $0x1;
	s4 =	sadd.s32 s21, s2  }
0x9d: {  	[timem:s6], [sflag:s22] =	dma.local [hbm:s4], s20  }
0x9e: {  	_ =	swait.ge [sflag:s22], s20  }
0x9f: {  	s3 =	ssub.s32 $0x0, s20;
	[sflag:s22] =	ssyncset.done $0x0  }
0xa0: {  	[sflag:s22] =	ssyncadd.s32 s3;
	_ =	sdelay $0x1  }
0xa1: {  	s23 =	simm.s32 $0x1B8B  }
0xa2: {  	_ =	swait.ge [sflag:s23], $0x1  }
0xa3: {  	[sflag:s23] =	ssyncset.done $0x0  }
0xa4: {  	s25 =	simm.s32 $0x1B8E;
	s24 =	sld [smem:$0x3FFE];
	[sflag:s23] =	ssyncadd.s32 $0xFFFFFFFF  }
0xa5: {  	s26 =	simm.s32 $execute0_lowered;
	[smem:$0x3FD2] =	sst s25  }
0xa6: {  	s4 =	sshll.u32 s26, $0x1;
	_ =	strace $0x80000046;
	[dreg:$0x1] =	wrdreg $0xFFFFFFFF  }
0xa7: {  	s28 =	simm.s32 $_size_execute0_lowered;
	s2 =	sadd.s32 s2, s4;
	[dreg:$0x0] =	wrdreg $0x0  }
0xa8: {  	s4 =	sshll.u32 s28, $0x1;
	[dreg:$0x2] =	wrdreg s2  }
0xa9: {  	[dreg:$0x3] =	wrdreg s4  }
0xaa: {  	[dreg:$0x4] =	wrdreg $0xC0  }
0xab: {  	_ =	task [dreg:s6], $0x5FFFF  }
0xac: {  	[dreg:$0x1] =	wrdreg $0xFFFFFFFF  }
0xad: {  	[dreg:$0x0] =	wrdreg $0x60  }
0xae: {  	[dreg:$0x2] =	wrdreg s24  }
0xaf: {  	[dreg:$0x3] =	wrdreg $0xC0000  }
0xb0: {  	[dreg:$0x4] =	wrdreg $0xA  }
0xb1: {  	_ =	task.clear_ibuf [dreg:s6], $0x5FFFF;
	_ =	strace $0x90000046  }
0xb2: {  	s29 =	simm.s32 $0xA;
	_ =	strace $0x80000048  }
0xb3: {  	_ =	swait.ge [sflag:s29], $0x1  }
0xb4: {  	[sflag:s29] =	ssyncadd.s32 $0xFFFFFFFF  }
0xb5: {  	_ =	strace $0x90000048  }
0xb6: {  	_ =	sfence  }
0xb7: {  	s30 =	sld [smem:$0x0];
	_ =	sdelay $0x2  }
0xb8: {  	s31 =	sshll.u32 s1, $0xD;
	s1 =	sshrl.u32 s1, $0x2  }
0xb9: {  	s3 =	sand.u32 $0x4000, s31;
	s1 =	sadd.s32 s1, s30  }
0xba: {  	s0 =	sor.u32 s3, s0;
	s1 =	sshll.u32 s1, $0x11  }
0xbb: {  	s0 =	sor.u32 s1, s0  }
0xbc: {  	s0 =	sadd.s32 $0x8F2B, s0  }
0xbd: {  	[sflag:s0] =	ssyncadd.remote.s32 $0x1  }
0xbe: {  	_ =	sfence.sel $0xFFFF  }
0xbf: {  	[dreg:$0x0] =	wrdreg $0xFFFFFFFF;
	(pc) =	sbr.abs _section_cstart, $3  }
0xc0: {  	[dreg:$0x1] =	wrdreg $0xFFFFFFFF  }
0xc1: {  	_ =	task.clear_ibuf [dreg:s6], $0x2FFFF;
	_ =	strace $0x9FFFFFFF  }
0xc2: {  	(tm) =	ssettm $0x7FFFFFFF  }
0xc3: {  	_ =	shalt  }
tec
execute0_lowered:
.L_overlay_start_1:
0x0: {  	(tag) =	ssettag $0x1  }
0x1: {  	s0 =	srdreg.scid;
	s10 =	stileid.u32  }
0x2: {  	s0 =	sand.u32 $0x1, s0;
	s1 =	smul.u32 $0xA000, s10  }
0x3: {  	s3 =	smul.u32 $0x5000, s0  }
0x4: {  	s5 =	rddreg [dreg:$0x0]  }
0x5: {  	s2 =	rddreg [dreg:$0x1];
	s1 =	sadd.s32 s3, s1;
	s3 =	simm.s32 $0x0  }
0x6: {  	s6 =	simm.s32 $0x100;
	[smem:$0x7FF] =	sst s3  }
0x7: {  	s7 =	simm.s32 $0x180;
	_ =	strace $0x80000047;
	[dreg:$0x6] =	wrdreg s6  }
0x8: {  	s8 =	simm.s32 $0x1080;
	[dreg:$0x7] =	wrdreg s7  }
0x9: {  	s9 =	simm.s32 $0x1100;
	[dreg:$0x8] =	wrdreg s8  }
0xa: {  	s11 =	simm.s32 $0x1180;
	[dreg:$0x9] =	wrdreg s9  }
0xb: {  	s12 =	simm.s32 $0x200;
	[dreg:$0xa] =	wrdreg s11  }
0xc: {  	s14 =	simm.s32 $0x280;
	[dreg:$0xb] =	wrdreg s12  }
0xd: {  	s15 =	simm.s32 $0x300;
	[dreg:$0xc] =	wrdreg s14  }
0xe: {  	s16 =	simm.s32 $0x380;
	[dreg:$0xd] =	wrdreg s15  }
0xf: {  	s17 =	simm.s32 $0x1200;
	[dreg:$0xe] =	wrdreg s16  }
0x10: {  	s19 =	simm.s32 $0x1280;
	[dreg:$0xf] =	wrdreg s17  }
0x11: {  	s20 =	simm.s32 $0x1300;
	s21 =	simm.s32 $0x1380;
	[dreg:$0x10] =	wrdreg s19  }
0x12: {  	s23 =	simm.s32 $0x400;
	s24 =	simm.s32 $0x480;
	[dreg:$0x11] =	wrdreg s20  }
0x13: {  	s25 =	simm.s32 $0x500;
	s26 =	simm.s32 $0x580;
	[dreg:$0x12] =	wrdreg s21  }
0x14: {  	s28 =	simm.s32 $0xA80;
	s29 =	simm.s32 $0xB00;
	[dreg:$0x13] =	wrdreg s23  }
0x15: {  	s30 =	simm.s32 $0xB80;
	s31 =	simm.s32 $0x1A00;
	[dreg:$0x14] =	wrdreg s24  }
0x16: {  	s22 =	smul.u32 $0x13800, s10;
	p0 =	seq.s32 s10, $0xF;
	[dreg:$0x15] =	wrdreg s25  }
0x17: {  	s13 =	ssub.s32 $0x2, s0;
	s6 =	sadd.s32 $0x54000, s5;
	[dreg:$0x16] =	wrdreg s26  }
0x18: {  	s0 =	smul.u32 $0x138800, s0;
	s11 =	simm.s32 $0x1400;
	[smem:$0x7EA] =	sst s6  }
0x19: {  	s1 =	sshrl.u32 s1, $0x3;
	s12 =	simm.s32 $0x1480;
	[dreg:$0x17] =	wrdreg s11  }
0x1a: {  	s1 =	sadd.s32 s1, s5;
	s14 =	simm.s32 $0x1580;
	[dreg:$0x18] =	wrdreg s12  }
0x1b: {  	s7 =	sshrl.u32 s13, $0x1;
	s16 =	simm.s32 $0x600;
	[dreg:$0x1a] =	wrdreg s14  }
0x1c: {  	s8 =	smul.u32 $0x4E000, s10;
	s17 =	simm.s32 $0x680;
	[dreg:$0x1b] =	wrdreg s16  }
0x1d: {  	s9 =	sadd.s32 $0x124800, s2;
	s19 =	simm.s32 $0x780;
	[dreg:$0x1c] =	wrdreg s17  }
0x1e: {  	s20 =	simm.s32 $0x1600;
	s21 =	simm.s32 $0x1680;
	[dreg:$0x1e] =	wrdreg s19  }
0x1f: {  	s23 =	simm.s32 $0x1780;
	s24 =	simm.s32 $0x800;
	[dreg:$0x1f] =	wrdreg s20  }
0x20: {  	s25 =	simm.s32 $0x880;
	s26 =	simm.s32 $0x900;
	[smem:$0x7F0] =	sst s21  }
0x21: {  	s4 =	sadd.s32 $0x4E00, s1;
	s1 =	sadd.s32 $0x18E00, s1;
	[smem:$0x7F2] =	sst s23  }
0x22: {  	s6 =	ssub.s32 s13, s7;
	s13 =	simm.s32 $0x1500;
	[smem:$0x7F3] =	sst s24  }
0x23: {  	s12 =	simm.s32 $0x9;
	s14 =	simm.s32 $0x50;
	[smem:$0x7F4] =	sst s25  }
0x24: {  	s16 =	simm.s32 $0x4800;
	s17 =	simm.s32 $0x7000;
	[smem:$0x7F5] =	sst s26  }
0x25: {  	s19 =	simm.s32 $0x1;
	s20 =	simm.s32 $0x2;
	[dreg:$0x3] =	wrdreg s4  }
0x26: {  	s21 =	simm.s32 $0x3;
	s23 =	simm.s32 $0x5;
	[dreg:$0x4] =	wrdreg s1  }
0x27: {  	s24 =	simm.s32 $0x6;
	s4 =	simm.s32 $0x80;
	[dreg:$0x19] =	wrdreg s13  }
0x28: {  	s18 =	sshrl.u32 s8, $0x2;
	s15 =	smax.u32 s6, $0x1;
	[dreg:$0x5] =	wrdreg s4  }
0x29: {  	s8 =	sadd.s32 s22, s0;
	s1 =	sshrl.u32 @p0 s9, $0x3;
	[smem:$0x7ED] =	sst s15  }
0x2a: {  	s22 =	simm.s32 $0x1700;
	s6 =	simm.s32 $0x1880;
	[smem:$0x7EE] =	sst s1  }
0x2b: {  	s9 =	simm.s32 $0xA00;
	s4 =	sadd.s32 $0x2CE00, s5;
	[smem:$0x7F1] =	sst s22  }
0x2c: {  	s5 =	sadd.s32 $0x56800, s5;
	s7 =	sadd.s32 s18, s2;
	[smem:$0x7F8] =	sst s6  }
0x2d: {  	s8 =	sshrl.u32 s8, $0x3;
	s18 =	simm.s32 $0x700;
	[smem:$0x7FB] =	sst s9  }
0x2e: {  	s1 =	sshll.u32 @!p0 s10, $0x6;
	s10 =	simm.s32 $0x0;
	[dreg:$0x1d] =	wrdreg s18  }
0x2f: {  	s25 =	simm.s32 $0x7;
	s8 =	sadd.s32 s5, s8;
	[smem:$0x7FC] =	sst s10  }
0x30: {  	s0 =	sshrl.u32 s0, $0x3;
	s1 =	sor.u32 @!p0 $0x1C09, s1;
	[smem:$0x7EB] =	sst s8  }
0x31: {  	s0 =	sadd.s32 s5, s0;
	s5 =	simm.s32 $0x1800;
	[smem:$0x7EF] =	sst s1  }
0x32: {  	s11 =	sshrl.u32 @!p0 s7, $0x3;
	s7 =	simm.s32 $0x1900;
	[smem:$0x7F7] =	sst s5  }
0x33: {  	s26 =	simm.s32 $0x8;
	s13 =	simm.s32 $0x1000;
	[smem:$0x7F9] =	sst s7  }
0x34: {  	s15 =	simm.s32 $0x2000;
	s0 =	sadd.s32 $0x24900, s0;
	[smem:$0x7FD] =	sst s11  }
0x35: {  	s22 =	simm.s32 $0x4;
	s1 =	simm.s32 $0x980;
	[smem:$0x7EC] =	sst s0  }
0x36: {  	s6 =	simm.s32 $0x1B80;
	s8 =	simm.s32 $0x1980;
	[smem:$0x7F6] =	sst s1  }
0x37: {  	s18 =	simm.s32 $0x9800;
	s7 =	simm.s32 $0xC00;
	[smem:$0x7FA] =	sst s8  }
0x38: {  	s1 =	simm.s32 $0x1A80;
	s0 =	simm.s32 $0x1B00;
	s8 =	simm.s32 $0x1C00  }
.LBB2_1:
0x39: {  	s5 =	sld [smem:$0x7EA]  }
0x3a: {  	s10 =	sld [smem:$0x7EE];
	_ =	sdelay $0x1  }
0x3b: {  	s9 =	simm.s32 @p0 $0x1FC9  }
0x3c: {  	[spmem:s10], [sflag:s9] =	dma.local @p0 [hbm:s5], $0x2800  }
0x3d: {  	s9 =	simm.s32 @p0 $0x9  }
0x3e: {  	_ =	swait.ge @p0 [sflag:s9], $0x2800  }
0x3f: {  	[sflag:s9] =	ssyncset.done @p0 $0x0  }
0x40: {  	[sflag:s9] =	ssyncadd.s32 @p0 $0xFFFFD800;
	s9 =	sld [smem:$0x7EF];
	_ =	sdelay $0x2  }
0x41: {  	[spmem:s11], [sflag:s9] =	dma.local @!p0 [hbm:s5], $0x2700  }
0x42: {  	s9 =	simm.s32 @!p0 $0x9  }
0x43: {  	_ =	swait.ge @!p0 [sflag:s9], $0x2700  }
0x44: {  	[sflag:s9] =	ssyncset.done @!p0 $0x0  }
0x45: {  	[sflag:s9] =	ssyncadd.s32 @!p0 $0xFFFFD900  }
0x46: {  	[bflag:$0x0] =	sbarrier.arrive $0xFFFF  }
0x47: {  	s11 =	rddreg [dreg:$0x4]  }
0x48: {  	s9 =	sadd.s32 $0x0, s11  }
0x49: {  	[tilespmem:s3], [sflag:$0x9] =	stream.linear.gather [hbm4b:s9+s3], $0xC80, $0x38;
	[tilespmem:$0x1F880] =	vst v63  }
0x4a: {  	_ =	swait.ge [sflag:s12], $0xC80  }
0x4b: {  	s5 =	rddreg [dreg:$0x3];
	[sflag:s12] =	ssyncset.done $0x0  }
0x4c: {  	[sflag:s12] =	ssyncadd.s32 $0xFFFFF380;
	s9 =	sadd.s32 $0x0, s5  }
0x4d: {  	[tilespmem:s13], [sflag:$0x9] =	stream.linear.gather [hbm4b:s9+s3], $0xC80, $0x38;
	[tilespmem:$0x1F880] =	vst v63  }
0x4e: {  	_ =	swait.ge [sflag:s12], $0xC80  }
0x4f: {  	[sflag:s12] =	ssyncset.done $0x0  }
0x50: {  	[sflag:s12] =	ssyncadd.s32 $0xFFFFF380  }
0x51: {  	[tilespmem:s15], [sflag:$0x1] =	stream.indirect.gather [hbm4b:s4+s14], $0x80, s3, s14, $0xb8;
	[tilespmem:$0x1F880] =	vst v63  }
0x52: {  	s10 =	rddreg [dreg:$0x5]  }
0x53: {  	[tilespmem:s16], [sflag:$0x2] =	stream.indirect.gather [hbm4b:s4+s14], $0x80, s10, s14, $0xb8;
	[tilespmem:$0x1F880] =	vst v63  }
0x54: {  	s11 =	rddreg [dreg:$0x6]  }
0x55: {  	[tilespmem:s17], [sflag:$0x3] =	stream.indirect.gather [hbm4b:s4+s14], $0x80, s11, s14, $0xb8;
	[tilespmem:$0x1F880] =	vst v63  }
0x56: {  	s5 =	rddreg [dreg:$0x7]  }
0x57: {  	[tilespmem:s18], [sflag:$0x4] =	stream.indirect.gather [hbm4b:s4+s14], $0x80, s5, s14, $0xb8;
	[tilespmem:$0x1F880] =	vst v63  }
0x58: {  	_ =	swait.ge [sflag:s19], $0x2800  }
0x59: {  	[sflag:s19] =	ssyncset.done $0x0  }
0x5a: {  	[sflag:s19] =	ssyncadd.s32 $0xFFFFD800  }
0x5b: {  	[spmem:s2] =	stream.indirect.scatter.add.f32 [tilespmem:s15], [sflag:$0x5], $0x80, s13, s14, $0xb8;
	[tilespmem:$0x1F880] =	vst v63  }
0x5c: {  	_ =	swait.ge [sflag:s20], $0x2800  }
0x5d: {  	[sflag:s20] =	ssyncset.done $0x0  }
0x5e: {  	s11 =	rddreg [dreg:$0x8];
	[sflag:s20] =	ssyncadd.s32 $0xFFFFD800  }
0x5f: {  	[spmem:s2] =	stream.indirect.scatter.add.f32 [tilespmem:s16], [sflag:$0x6], $0x80, s11, s14, $0xb8;
	[tilespmem:$0x1F880] =	vst v63  }
0x60: {  	_ =	swait.ge [sflag:s21], $0x2800  }
0x61: {  	[sflag:s21] =	ssyncset.done $0x0  }
0x62: {  	s5 =	rddreg [dreg:$0x9];
	[sflag:s21] =	ssyncadd.s32 $0xFFFFD800  }
0x63: {  	[spmem:s2] =	stream.indirect.scatter.add.f32 [tilespmem:s17], [sflag:$0x7], $0x80, s5, s14, $0xb8;
	[tilespmem:$0x1F880] =	vst v63  }
0x64: {  	_ =	swait.ge [sflag:s22], $0x2800  }
0x65: {  	[sflag:s22] =	ssyncset.done $0x0  }
0x66: {  	s10 =	rddreg [dreg:$0xa];
	[sflag:s22] =	ssyncadd.s32 $0xFFFFD800  }
0x67: {  	[spmem:s2] =	stream.indirect.scatter.add.f32 [tilespmem:s18], [sflag:$0x8], $0x80, s10, s14, $0xb8;
	[tilespmem:$0x1F880] =	vst v63  }
0x68: {  	_ =	swait.ge [sflag:s23], $0x2800  }
0x69: {  	[sflag:s23] =	ssyncset.done $0x0  }
0x6a: {  	[sflag:s23] =	ssyncadd.s32 $0xFFFFD800  }
0x6b: {  	_ =	swait.ge [sflag:s24], $0x2800  }
0x6c: {  	[sflag:s24] =	ssyncset.done $0x0  }
0x6d: {  	[sflag:s24] =	ssyncadd.s32 $0xFFFFD800  }
0x6e: {  	_ =	swait.ge [sflag:s25], $0x2800  }
0x6f: {  	[sflag:s25] =	ssyncset.done $0x0  }
0x70: {  	[sflag:s25] =	ssyncadd.s32 $0xFFFFD800  }
0x71: {  	_ =	swait.ge [sflag:s26], $0x2800  }
0x72: {  	[sflag:s26] =	ssyncset.done $0x0  }
0x73: {  	s11 =	rddreg [dreg:$0xb];
	[sflag:s26] =	ssyncadd.s32 $0xFFFFD800  }
0x74: {  	[tilespmem:s15], [sflag:$0x1] =	stream.indirect.gather [hbm4b:s4+s14], $0x80, s11, s14, $0xb8;
	[tilespmem:$0x1F880] =	vst v63  }
0x75: {  	s5 =	rddreg [dreg:$0xc]  }
0x76: {  	[tilespmem:s16], [sflag:$0x2] =	stream.indirect.gather [hbm4b:s4+s14], $0x80, s5, s14, $0xb8;
	[tilespmem:$0x1F880] =	vst v63  }
0x77: {  	s11 =	rddreg [dreg:$0xd]  }
0x78: {  	[tilespmem:s17], [sflag:$0x3] =	stream.indirect.gather [hbm4b:s4+s14], $0x80, s11, s14, $0xb8;
	[tilespmem:$0x1F880] =	vst v63  }
0x79: {  	s5 =	rddreg [dreg:$0xe]  }
0x7a: {  	[tilespmem:s18], [sflag:$0x4] =	stream.indirect.gather [hbm4b:s4+s14], $0x80, s5, s14, $0xb8;
	[tilespmem:$0x1F880] =	vst v63  }
0x7b: {  	_ =	swait.ge [sflag:s19], $0x2800  }
0x7c: {  	[sflag:s19] =	ssyncset.done $0x0  }
0x7d: {  	s10 =	rddreg [dreg:$0xf];
	[sflag:s19] =	ssyncadd.s32 $0xFFFFD800  }
0x7e: {  	[spmem:s2] =	stream.indirect.scatter.add.f32 [tilespmem:s15], [sflag:$0x5], $0x80, s10, s14, $0xb8;
	[tilespmem:$0x1F880] =	vst v63  }
0x7f: {  	_ =	swait.ge [sflag:s20], $0x2800  }
0x80: {  	[sflag:s20] =	ssyncset.done $0x0  }
0x81: {  	s11 =	rddreg [dreg:$0x10];
	[sflag:s20] =	ssyncadd.s32 $0xFFFFD800  }
0x82: {  	[spmem:s2] =	stream.indirect.scatter.add.f32 [tilespmem:s16], [sflag:$0x6], $0x80, s11, s14, $0xb8;
	[tilespmem:$0x1F880] =	vst v63  }
0x83: {  	_ =	swait.ge [sflag:s21], $0x2800  }
0x84: {  	[sflag:s21] =	ssyncset.done $0x0  }
0x85: {  	s5 =	rddreg [dreg:$0x11];
	[sflag:s21] =	ssyncadd.s32 $0xFFFFD800  }
0x86: {  	[spmem:s2] =	stream.indirect.scatter.add.f32 [tilespmem:s17], [sflag:$0x7], $0x80, s5, s14, $0xb8;
	[tilespmem:$0x1F880] =	vst v63  }
0x87: {  	_ =	swait.ge [sflag:s22], $0x2800  }
0x88: {  	[sflag:s22] =	ssyncset.done $0x0  }
0x89: {  	s10 =	rddreg [dreg:$0x12];
	[sflag:s22] =	ssyncadd.s32 $0xFFFFD800  }
0x8a: {  	[spmem:s2] =	stream.indirect.scatter.add.f32 [tilespmem:s18], [sflag:$0x8], $0x80, s10, s14, $0xb8;
	[tilespmem:$0x1F880] =	vst v63  }
0x8b: {  	_ =	swait.ge [sflag:s23], $0x2800  }
0x8c: {  	[sflag:s23] =	ssyncset.done $0x0  }
0x8d: {  	[sflag:s23] =	ssyncadd.s32 $0xFFFFD800  }
0x8e: {  	_ =	swait.ge [sflag:s24], $0x2800  }
0x8f: {  	[sflag:s24] =	ssyncset.done $0x0  }
0x90: {  	[sflag:s24] =	ssyncadd.s32 $0xFFFFD800  }
0x91: {  	_ =	swait.ge [sflag:s25], $0x2800  }
0x92: {  	[sflag:s25] =	ssyncset.done $0x0  }
0x93: {  	[sflag:s25] =	ssyncadd.s32 $0xFFFFD800  }
0x94: {  	_ =	swait.ge [sflag:s26], $0x2800  }
0x95: {  	[sflag:s26] =	ssyncset.done $0x0  }
0x96: {  	s11 =	rddreg [dreg:$0x13];
	[sflag:s26] =	ssyncadd.s32 $0xFFFFD800  }
0x97: {  	[tilespmem:s15], [sflag:$0x1] =	stream.indirect.gather [hbm4b:s4+s14], $0x80, s11, s14, $0xb8;
	[tilespmem:$0x1F880] =	vst v63  }
0x98: {  	s5 =	rddreg [dreg:$0x14]  }
0x99: {  	[tilespmem:s16], [sflag:$0x2] =	stream.indirect.gather [hbm4b:s4+s14], $0x80, s5, s14, $0xb8;
	[tilespmem:$0x1F880] =	vst v63  }
0x9a: {  	s11 =	rddreg [dreg:$0x15]  }
0x9b: {  	[tilespmem:s17], [sflag:$0x3] =	stream.indirect.gather [hbm4b:s4+s14], $0x80, s11, s14, $0xb8;
	[tilespmem:$0x1F880] =	vst v63  }
0x9c: {  	s5 =	rddreg [dreg:$0x16]  }
0x9d: {  	[tilespmem:s18], [sflag:$0x4] =	stream.indirect.gather [hbm4b:s4+s14], $0x80, s5, s14, $0xb8;
	[tilespmem:$0x1F880] =	vst v63  }
0x9e: {  	_ =	swait.ge [sflag:s19], $0x2800  }
0x9f: {  	[sflag:s19] =	ssyncset.done $0x0  }
0xa0: {  	s10 =	rddreg [dreg:$0x17];
	[sflag:s19] =	ssyncadd.s32 $0xFFFFD800  }
0xa1: {  	[spmem:s2] =	stream.indirect.scatter.add.f32 [tilespmem:s15], [sflag:$0x5], $0x80, s10, s14, $0xb8;
	[tilespmem:$0x1F880] =	vst v63  }
0xa2: {  	_ =	swait.ge [sflag:s20], $0x2800  }
0xa3: {  	[sflag:s20] =	ssyncset.done $0x0  }
0xa4: {  	s11 =	rddreg [dreg:$0x18];
	[sflag:s20] =	ssyncadd.s32 $0xFFFFD800  }
0xa5: {  	[spmem:s2] =	stream.indirect.scatter.add.f32 [tilespmem:s16], [sflag:$0x6], $0x80, s11, s14, $0xb8;
	[tilespmem:$0x1F880] =	vst v63  }
0xa6: {  	_ =	swait.ge [sflag:s21], $0x2800  }
0xa7: {  	[sflag:s21] =	ssyncset.done $0x0  }
0xa8: {  	s5 =	rddreg [dreg:$0x19];
	[sflag:s21] =	ssyncadd.s32 $0xFFFFD800  }
0xa9: {  	[spmem:s2] =	stream.indirect.scatter.add.f32 [tilespmem:s17], [sflag:$0x7], $0x80, s5, s14, $0xb8;
	[tilespmem:$0x1F880] =	vst v63  }
0xaa: {  	_ =	swait.ge [sflag:s22], $0x2800  }
0xab: {  	[sflag:s22] =	ssyncset.done $0x0  }
0xac: {  	s10 =	rddreg [dreg:$0x1a];
	[sflag:s22] =	ssyncadd.s32 $0xFFFFD800  }
0xad: {  	[spmem:s2] =	stream.indirect.scatter.add.f32 [tilespmem:s18], [sflag:$0x8], $0x80, s10, s14, $0xb8;
	[tilespmem:$0x1F880] =	vst v63  }
0xae: {  	_ =	swait.ge [sflag:s23], $0x2800  }
0xaf: {  	[sflag:s23] =	ssyncset.done $0x0  }
0xb0: {  	[sflag:s23] =	ssyncadd.s32 $0xFFFFD800  }
0xb1: {  	_ =	swait.ge [sflag:s24], $0x2800  }
0xb2: {  	[sflag:s24] =	ssyncset.done $0x0  }
0xb3: {  	[sflag:s24] =	ssyncadd.s32 $0xFFFFD800  }
0xb4: {  	_ =	swait.ge [sflag:s25], $0x2800  }
0xb5: {  	[sflag:s25] =	ssyncset.done $0x0  }
0xb6: {  	[sflag:s25] =	ssyncadd.s32 $0xFFFFD800  }
0xb7: {  	_ =	swait.ge [sflag:s26], $0x2800  }
0xb8: {  	[sflag:s26] =	ssyncset.done $0x0  }
0xb9: {  	s11 =	rddreg [dreg:$0x1b];
	[sflag:s26] =	ssyncadd.s32 $0xFFFFD800  }
0xba: {  	[tilespmem:s15], [sflag:$0x1] =	stream.indirect.gather [hbm4b:s4+s14], $0x80, s11, s14, $0xb8;
	[tilespmem:$0x1F880] =	vst v63  }
0xbb: {  	s5 =	rddreg [dreg:$0x1c]  }
0xbc: {  	[tilespmem:s16], [sflag:$0x2] =	stream.indirect.gather [hbm4b:s4+s14], $0x80, s5, s14, $0xb8;
	[tilespmem:$0x1F880] =	vst v63  }
0xbd: {  	s11 =	rddreg [dreg:$0x1d]  }
0xbe: {  	[tilespmem:s17], [sflag:$0x3] =	stream.indirect.gather [hbm4b:s4+s14], $0x80, s11, s14, $0xb8;
	[tilespmem:$0x1F880] =	vst v63  }
0xbf: {  	s5 =	rddreg [dreg:$0x1e]  }
0xc0: {  	[tilespmem:s18], [sflag:$0x4] =	stream.indirect.gather [hbm4b:s4+s14], $0x80, s5, s14, $0xb8;
	[tilespmem:$0x1F880] =	vst v63  }
0xc1: {  	_ =	swait.ge [sflag:s19], $0x2800  }
0xc2: {  	[sflag:s19] =	ssyncset.done $0x0  }
0xc3: {  	s10 =	rddreg [dreg:$0x1f];
	[sflag:s19] =	ssyncadd.s32 $0xFFFFD800  }
0xc4: {  	[spmem:s2] =	stream.indirect.scatter.add.f32 [tilespmem:s15], [sflag:$0x5], $0x80, s10, s14, $0xb8;
	[tilespmem:$0x1F880] =	vst v63  }
0xc5: {  	_ =	swait.ge [sflag:s20], $0x2800  }
0xc6: {  	s11 =	sld [smem:$0x7F0]  }
0xc7: {  	[sflag:s20] =	ssyncset.done $0x0  }
0xc8: {  	[sflag:s20] =	ssyncadd.s32 $0xFFFFD800  }
0xc9: {  	[spmem:s2] =	stream.indirect.scatter.add.f32 [tilespmem:s16], [sflag:$0x6], $0x80, s11, s14, $0xb8;
	[tilespmem:$0x1F880] =	vst v63  }
0xca: {  	_ =	swait.ge [sflag:s21], $0x2800  }
0xcb: {  	s5 =	sld [smem:$0x7F1]  }
0xcc: {  	[sflag:s21] =	ssyncset.done $0x0  }
0xcd: {  	[sflag:s21] =	ssyncadd.s32 $0xFFFFD800  }
0xce: {  	[spmem:s2] =	stream.indirect.scatter.add.f32 [tilespmem:s17], [sflag:$0x7], $0x80, s5, s14, $0xb8;
	[tilespmem:$0x1F880] =	vst v63  }
0xcf: {  	_ =	swait.ge [sflag:s22], $0x2800  }
0xd0: {  	s10 =	sld [smem:$0x7F2]  }
0xd1: {  	[sflag:s22] =	ssyncset.done $0x0  }
0xd2: {  	[sflag:s22] =	ssyncadd.s32 $0xFFFFD800  }
0xd3: {  	[spmem:s2] =	stream.indirect.scatter.add.f32 [tilespmem:s18], [sflag:$0x8], $0x80, s10, s14, $0xb8;
	[tilespmem:$0x1F880] =	vst v63  }
0xd4: {  	_ =	swait.ge [sflag:s23], $0x2800  }
0xd5: {  	[sflag:s23] =	ssyncset.done $0x0  }
0xd6: {  	[sflag:s23] =	ssyncadd.s32 $0xFFFFD800  }
0xd7: {  	_ =	swait.ge [sflag:s24], $0x2800  }
0xd8: {  	[sflag:s24] =	ssyncset.done $0x0  }
0xd9: {  	[sflag:s24] =	ssyncadd.s32 $0xFFFFD800  }
0xda: {  	_ =	swait.ge [sflag:s25], $0x2800  }
0xdb: {  	[sflag:s25] =	ssyncset.done $0x0  }
0xdc: {  	[sflag:s25] =	ssyncadd.s32 $0xFFFFD800  }
0xdd: {  	_ =	swait.ge [sflag:s26], $0x2800  }
0xde: {  	s11 =	sld [smem:$0x7F3]  }
0xdf: {  	[sflag:s26] =	ssyncset.done $0x0  }
0xe0: {  	s5 =	sld [smem:$0x7F4];
	[sflag:s26] =	ssyncadd.s32 $0xFFFFD800  }
0xe1: {  	[tilespmem:s15], [sflag:$0x1] =	stream.indirect.gather [hbm4b:s4+s14], $0x80, s11, s14, $0xb8;
	[tilespmem:$0x1F880] =	vst v63  }
0xe2: {  	s11 =	sld [smem:$0x7F5]  }
0xe3: {  	[tilespmem:s16], [sflag:$0x2] =	stream.indirect.gather [hbm4b:s4+s14], $0x80, s5, s14, $0xb8;
	[tilespmem:$0x1F880] =	vst v63  }
0xe4: {  	s5 =	sld [smem:$0x7F6]  }
0xe5: {  	[tilespmem:s17], [sflag:$0x3] =	stream.indirect.gather [hbm4b:s4+s14], $0x80, s11, s14, $0xb8;
	[tilespmem:$0x1F880] =	vst v63  }
0xe6: {  	_ = 	snop  }
0xe7: {  	[tilespmem:s18], [sflag:$0x4] =	stream.indirect.gather [hbm4b:s4+s14], $0x80, s5, s14, $0xb8;
	[tilespmem:$0x1F880] =	vst v63  }
0xe8: {  	_ =	swait.ge [sflag:s19], $0x2800  }
0xe9: {  	s10 =	sld [smem:$0x7F7]  }
0xea: {  	[sflag:s19] =	ssyncset.done $0x0  }
0xeb: {  	[sflag:s19] =	ssyncadd.s32 $0xFFFFD800  }
0xec: {  	[spmem:s2] =	stream.indirect.scatter.add.f32 [tilespmem:s15], [sflag:$0x5], $0x80, s10, s14, $0xb8;
	[tilespmem:$0x1F880] =	vst v63  }
0xed: {  	_ =	swait.ge [sflag:s20], $0x2800  }
0xee: {  	s11 =	sld [smem:$0x7F8]  }
0xef: {  	[sflag:s20] =	ssyncset.done $0x0  }
0xf0: {  	[sflag:s20] =	ssyncadd.s32 $0xFFFFD800  }
0xf1: {  	[spmem:s2] =	stream.indirect.scatter.add.f32 [tilespmem:s16], [sflag:$0x6], $0x80, s11, s14, $0xb8;
	[tilespmem:$0x1F880] =	vst v63  }
0xf2: {  	_ =	swait.ge [sflag:s21], $0x2800  }
0xf3: {  	s5 =	sld [smem:$0x7F9]  }
0xf4: {  	[sflag:s21] =	ssyncset.done $0x0  }
0xf5: {  	[sflag:s21] =	ssyncadd.s32 $0xFFFFD800  }
0xf6: {  	[spmem:s2] =	stream.indirect.scatter.add.f32 [tilespmem:s17], [sflag:$0x7], $0x80, s5, s14, $0xb8;
	[tilespmem:$0x1F880] =	vst v63  }
0xf7: {  	_ =	swait.ge [sflag:s22], $0x2800  }
0xf8: {  	s10 =	sld [smem:$0x7FA]  }
0xf9: {  	[sflag:s22] =	ssyncset.done $0x0  }
0xfa: {  	[sflag:s22] =	ssyncadd.s32 $0xFFFFD800  }
0xfb: {  	[spmem:s2] =	stream.indirect.scatter.add.f32 [tilespmem:s18], [sflag:$0x8], $0x80, s10, s14, $0xb8;
	[tilespmem:$0x1F880] =	vst v63  }
0xfc: {  	_ =	swait.ge [sflag:s23], $0x2800  }
0xfd: {  	[sflag:s23] =	ssyncset.done $0x0  }
0xfe: {  	[sflag:s23] =	ssyncadd.s32 $0xFFFFD800  }
0xff: {  	_ =	swait.ge [sflag:s24], $0x2800  }
0x100: {  	[sflag:s24] =	ssyncset.done $0x0  }
0x101: {  	[sflag:s24] =	ssyncadd.s32 $0xFFFFD800  }
0x102: {  	_ =	swait.ge [sflag:s25], $0x2800  }
0x103: {  	[sflag:s25] =	ssyncset.done $0x0  }
0x104: {  	[sflag:s25] =	ssyncadd.s32 $0xFFFFD800  }
0x105: {  	_ =	swait.ge [sflag:s26], $0x2800  }
0x106: {  	s11 =	sld [smem:$0x7FB]  }
0x107: {  	[sflag:s26] =	ssyncset.done $0x0  }
0x108: {  	[sflag:s26] =	ssyncadd.s32 $0xFFFFD800  }
0x109: {  	[tilespmem:s15], [sflag:$0x1] =	stream.indirect.gather [hbm4b:s4+s14], $0x80, s11, s14, $0xb8;
	[tilespmem:$0x1F880] =	vst v63  }
0x10a: {  	_ = 	snop  }
0x10b: {  	[tilespmem:s16], [sflag:$0x2] =	stream.indirect.gather [hbm4b:s4+s14], $0x80, s28, s14, $0xb8;
	[tilespmem:$0x1F880] =	vst v63  }
0x10c: {  	_ = 	snop  }
0x10d: {  	[tilespmem:s17], [sflag:$0x3] =	stream.indirect.gather [hbm4b:s4+s14], $0x80, s29, s14, $0xb8;
	[tilespmem:$0x1F880] =	vst v63  }
0x10e: {  	_ = 	snop  }
0x10f: {  	[tilespmem:s18], [sflag:$0x4] =	stream.indirect.gather [hbm4b:s4+s14], $0x80, s30, s14, $0xb8;
	[tilespmem:$0x1F880] =	vst v63  }
0x110: {  	_ =	swait.ge [sflag:s19], $0x2800  }
0x111: {  	[sflag:s19] =	ssyncset.done $0x0  }
0x112: {  	[sflag:s19] =	ssyncadd.s32 $0xFFFFD800  }
0x113: {  	[spmem:s2] =	stream.indirect.scatter.add.f32 [tilespmem:s15], [sflag:$0x5], $0x80, s31, s14, $0xb8;
	[tilespmem:$0x1F880] =	vst v63  }
0x114: {  	_ =	swait.ge [sflag:s20], $0x2800  }
0x115: {  	[sflag:s20] =	ssyncset.done $0x0  }
0x116: {  	[sflag:s20] =	ssyncadd.s32 $0xFFFFD800  }
0x117: {  	[spmem:s2] =	stream.indirect.scatter.add.f32 [tilespmem:s16], [sflag:$0x6], $0x80, s1, s14, $0xb8;
	[tilespmem:$0x1F880] =	vst v63  }
0x118: {  	_ =	swait.ge [sflag:s21], $0x2800  }
0x119: {  	[sflag:s21] =	ssyncset.done $0x0  }
0x11a: {  	[sflag:s21] =	ssyncadd.s32 $0xFFFFD800  }
0x11b: {  	[spmem:s2] =	stream.indirect.scatter.add.f32 [tilespmem:s17], [sflag:$0x7], $0x80, s0, s14, $0xb8;
	[tilespmem:$0x1F880] =	vst v63  }
0x11c: {  	_ =	swait.ge [sflag:s22], $0x2800  }
0x11d: {  	[sflag:s22] =	ssyncset.done $0x0  }
0x11e: {  	[sflag:s22] =	ssyncadd.s32 $0xFFFFD800  }
0x11f: {  	[spmem:s2] =	stream.indirect.scatter.add.f32 [tilespmem:s18], [sflag:$0x8], $0x80, s6, s14, $0xb8;
	[tilespmem:$0x1F880] =	vst v63  }
0x120: {  	_ =	swait.ge [sflag:s23], $0x2800  }
0x121: {  	[sflag:s23] =	ssyncset.done $0x0  }
0x122: {  	[sflag:s23] =	ssyncadd.s32 $0xFFFFD800  }
0x123: {  	_ =	swait.ge [sflag:s24], $0x2800  }
0x124: {  	[sflag:s24] =	ssyncset.done $0x0  }
0x125: {  	[sflag:s24] =	ssyncadd.s32 $0xFFFFD800  }
0x126: {  	_ =	swait.ge [sflag:s25], $0x2800  }
0x127: {  	[sflag:s25] =	ssyncset.done $0x0  }
0x128: {  	[sflag:s25] =	ssyncadd.s32 $0xFFFFD800  }
0x129: {  	_ =	swait.ge [sflag:s26], $0x2800  }
0x12a: {  	[sflag:s26] =	ssyncset.done $0x0  }
0x12b: {  	[sflag:s26] =	ssyncadd.s32 $0xFFFFD800  }
0x12c: {  	[tilespmem:s15], [sflag:$0x1] =	stream.indirect.gather [hbm4b:s4+s14], $0x80, s7, s14, $0xb8;
	[tilespmem:$0x1F880] =	vst v63  }
0x12d: {  	_ =	swait.ge [sflag:s19], $0x2800  }
0x12e: {  	[sflag:s19] =	ssyncset.done $0x0  }
0x12f: {  	[sflag:s19] =	ssyncadd.s32 $0xFFFFD800  }
0x130: {  	[spmem:s2] =	stream.indirect.scatter.add.f32 [tilespmem:s15], [sflag:$0x9], $0x80, s8, s14, $0xb8;
	[tilespmem:$0x1F880] =	vst v63  }
0x131: {  	s9 =	simm.s32 $0x200;
	_ =	swait.ge [sflag:s12], $0x2800  }
0x132: {  	s10 =	simm.s32 $0x400;
	s11 =	rddreg [dreg:$0x4];
	[sflag:s12] =	ssyncset.done $0x0  }
.LBB2_2:
0x133: {  	[sflag:s12] =	ssyncadd.s32 $0xFFFFD800;
	s11 =	sadd.s32 s9, s11  }
0x134: {  	[tilespmem:s3], [sflag:$0x9] =	stream.linear.gather [hbm4b:s11+s3], $0xC80, $0x38;
	[tilespmem:$0x1F880] =	vst v63  }
0x135: {  	_ =	swait.ge [sflag:s12], $0xC80  }
0x136: {  	s11 =	rddreg [dreg:$0x3];
	[sflag:s12] =	ssyncset.done $0x0  }
0x137: {  	[sflag:s12] =	ssyncadd.s32 $0xFFFFF380;
	s11 =	sadd.s32 s9, s11  }
0x138: {  	[tilespmem:s13], [sflag:$0x9] =	stream.linear.gather [hbm4b:s11+s3], $0xC80, $0x38;
	[tilespmem:$0x1F880] =	vst v63  }
0x139: {  	_ =	swait.ge [sflag:s12], $0xC80  }
0x13a: {  	[sflag:s12] =	ssyncset.done $0x0  }
0x13b: {  	s5 =	smov.u32 s10;
	[sflag:s12] =	ssyncadd.s32 $0xFFFFF380  }
0x13c: {  	[tilespmem:s15], [sflag:$0x1] =	stream.indirect.gather [hbm4b:s4+s14], $0x80, s3, s14, $0xb8;
	[tilespmem:$0x1F880] =	vst v63  }
0x13d: {  	s9 =	smov.u32 s5;
	s5 =	rddreg [dreg:$0x5]  }
0x13e: {  	[tilespmem:s16], [sflag:$0x2] =	stream.indirect.gather [hbm4b:s4+s14], $0x80, s5, s14, $0xb8;
	[tilespmem:$0x1F880] =	vst v63  }
0x13f: {  	s11 =	rddreg [dreg:$0x6]  }
0x140: {  	[tilespmem:s17], [sflag:$0x3] =	stream.indirect.gather [hbm4b:s4+s14], $0x80, s11, s14, $0xb8;
	[tilespmem:$0x1F880] =	vst v63  }
0x141: {  	s5 =	rddreg [dreg:$0x7]  }
0x142: {  	[tilespmem:s18], [sflag:$0x4] =	stream.indirect.gather [hbm4b:s4+s14], $0x80, s5, s14, $0xb8;
	[tilespmem:$0x1F880] =	vst v63  }
0x143: {  	_ =	swait.ge [sflag:s19], $0x2800  }
0x144: {  	[sflag:s19] =	ssyncset.done $0x0  }
0x145: {  	[sflag:s19] =	ssyncadd.s32 $0xFFFFD800  }
0x146: {  	[spmem:s2] =	stream.indirect.scatter.add.f32 [tilespmem:s15], [sflag:$0x5], $0x80, s13, s14, $0xb8;
	[tilespmem:$0x1F880] =	vst v63  }
0x147: {  	_ =	swait.ge [sflag:s20], $0x2800  }
0x148: {  	[sflag:s20] =	ssyncset.done $0x0  }
0x149: {  	s11 =	rddreg [dreg:$0x8];
	[sflag:s20] =	ssyncadd.s32 $0xFFFFD800  }
0x14a: {  	[spmem:s2] =	stream.indirect.scatter.add.f32 [tilespmem:s16], [sflag:$0x6], $0x80, s11, s14, $0xb8;
	[tilespmem:$0x1F880] =	vst v63  }
0x14b: {  	_ =	swait.ge [sflag:s21], $0x2800  }
0x14c: {  	[sflag:s21] =	ssyncset.done $0x0  }
0x14d: {  	s11 =	rddreg [dreg:$0x9];
	[sflag:s21] =	ssyncadd.s32 $0xFFFFD800  }
0x14e: {  	[spmem:s2] =	stream.indirect.scatter.add.f32 [tilespmem:s17], [sflag:$0x7], $0x80, s11, s14, $0xb8;
	[tilespmem:$0x1F880] =	vst v63  }
0x14f: {  	_ =	swait.ge [sflag:s22], $0x2800  }
0x150: {  	[sflag:s22] =	ssyncset.done $0x0  }
0x151: {  	s11 =	rddreg [dreg:$0xa];
	[sflag:s22] =	ssyncadd.s32 $0xFFFFD800  }
0x152: {  	[spmem:s2] =	stream.indirect.scatter.add.f32 [tilespmem:s18], [sflag:$0x8], $0x80, s11, s14, $0xb8;
	[tilespmem:$0x1F880] =	vst v63  }
0x153: {  	_ =	swait.ge [sflag:s23], $0x2800  }
0x154: {  	[sflag:s23] =	ssyncset.done $0x0  }
0x155: {  	[sflag:s23] =	ssyncadd.s32 $0xFFFFD800  }
0x156: {  	_ =	swait.ge [sflag:s24], $0x2800  }
0x157: {  	[sflag:s24] =	ssyncset.done $0x0  }
0x158: {  	[sflag:s24] =	ssyncadd.s32 $0xFFFFD800  }
0x159: {  	_ =	swait.ge [sflag:s25], $0x2800  }
0x15a: {  	[sflag:s25] =	ssyncset.done $0x0  }
0x15b: {  	[sflag:s25] =	ssyncadd.s32 $0xFFFFD800  }
0x15c: {  	_ =	swait.ge [sflag:s26], $0x2800  }
0x15d: {  	[sflag:s26] =	ssyncset.done $0x0  }
0x15e: {  	s5 =	rddreg [dreg:$0xb];
	[sflag:s26] =	ssyncadd.s32 $0xFFFFD800  }
0x15f: {  	[tilespmem:s15], [sflag:$0x1] =	stream.indirect.gather [hbm4b:s4+s14], $0x80, s5, s14, $0xb8;
	[tilespmem:$0x1F880] =	vst v63  }
0x160: {  	s11 =	rddreg [dreg:$0xc]  }
0x161: {  	[tilespmem:s16], [sflag:$0x2] =	stream.indirect.gather [hbm4b:s4+s14], $0x80, s11, s14, $0xb8;
	[tilespmem:$0x1F880] =	vst v63  }
0x162: {  	s5 =	rddreg [dreg:$0xd]  }
0x163: {  	[tilespmem:s17], [sflag:$0x3] =	stream.indirect.gather [hbm4b:s4+s14], $0x80, s5, s14, $0xb8;
	[tilespmem:$0x1F880] =	vst v63  }
0x164: {  	s11 =	rddreg [dreg:$0xe]  }
0x165: {  	[tilespmem:s18], [sflag:$0x4] =	stream.indirect.gather [hbm4b:s4+s14], $0x80, s11, s14, $0xb8;
	[tilespmem:$0x1F880] =	vst v63  }
0x166: {  	_ =	swait.ge [sflag:s19], $0x2800  }
0x167: {  	[sflag:s19] =	ssyncset.done $0x0  }
0x168: {  	s11 =	rddreg [dreg:$0xf];
	[sflag:s19] =	ssyncadd.s32 $0xFFFFD800  }
0x169: {  	[spmem:s2] =	stream.indirect.scatter.add.f32 [tilespmem:s15], [sflag:$0x5], $0x80, s11, s14, $0xb8;
	[tilespmem:$0x1F880] =	vst v63  }
0x16a: {  	_ =	swait.ge [sflag:s20], $0x2800  }
0x16b: {  	[sflag:s20] =	ssyncset.done $0x0  }
0x16c: {  	s11 =	rddreg [dreg:$0x10];
	[sflag:s20] =	ssyncadd.s32 $0xFFFFD800  }
0x16d: {  	[spmem:s2] =	stream.indirect.scatter.add.f32 [tilespmem:s16], [sflag:$0x6], $0x80, s11, s14, $0xb8;
	[tilespmem:$0x1F880] =	vst v63  }
0x16e: {  	_ =	swait.ge [sflag:s21], $0x2800  }
0x16f: {  	[sflag:s21] =	ssyncset.done $0x0  }
0x170: {  	s11 =	rddreg [dreg:$0x11];
	[sflag:s21] =	ssyncadd.s32 $0xFFFFD800  }
0x171: {  	[spmem:s2] =	stream.indirect.scatter.add.f32 [tilespmem:s17], [sflag:$0x7], $0x80, s11, s14, $0xb8;
	[tilespmem:$0x1F880] =	vst v63  }
0x172: {  	_ =	swait.ge [sflag:s22], $0x2800  }
0x173: {  	[sflag:s22] =	ssyncset.done $0x0  }
0x174: {  	s11 =	rddreg [dreg:$0x12];
	[sflag:s22] =	ssyncadd.s32 $0xFFFFD800  }
0x175: {  	[spmem:s2] =	stream.indirect.scatter.add.f32 [tilespmem:s18], [sflag:$0x8], $0x80, s11, s14, $0xb8;
	[tilespmem:$0x1F880] =	vst v63  }
0x176: {  	_ =	swait.ge [sflag:s23], $0x2800  }
0x177: {  	[sflag:s23] =	ssyncset.done $0x0  }
0x178: {  	[sflag:s23] =	ssyncadd.s32 $0xFFFFD800  }
0x179: {  	_ =	swait.ge [sflag:s24], $0x2800  }
0x17a: {  	[sflag:s24] =	ssyncset.done $0x0  }
0x17b: {  	[sflag:s24] =	ssyncadd.s32 $0xFFFFD800  }
0x17c: {  	_ =	swait.ge [sflag:s25], $0x2800  }
0x17d: {  	[sflag:s25] =	ssyncset.done $0x0  }
0x17e: {  	[sflag:s25] =	ssyncadd.s32 $0xFFFFD800  }
0x17f: {  	_ =	swait.ge [sflag:s26], $0x2800  }
0x180: {  	[sflag:s26] =	ssyncset.done $0x0  }
0x181: {  	s5 =	rddreg [dreg:$0x13];
	[sflag:s26] =	ssyncadd.s32 $0xFFFFD800  }
0x182: {  	[tilespmem:s15], [sflag:$0x1] =	stream.indirect.gather [hbm4b:s4+s14], $0x80, s5, s14, $0xb8;
	[tilespmem:$0x1F880] =	vst v63  }
0x183: {  	s11 =	rddreg [dreg:$0x14]  }
0x184: {  	[tilespmem:s16], [sflag:$0x2] =	stream.indirect.gather [hbm4b:s4+s14], $0x80, s11, s14, $0xb8;
	[tilespmem:$0x1F880] =	vst v63  }
0x185: {  	s5 =	rddreg [dreg:$0x15]  }
0x186: {  	[tilespmem:s17], [sflag:$0x3] =	stream.indirect.gather [hbm4b:s4+s14], $0x80, s5, s14, $0xb8;
	[tilespmem:$0x1F880] =	vst v63  }
0x187: {  	s11 =	rddreg [dreg:$0x16]  }
0x188: {  	[tilespmem:s18], [sflag:$0x4] =	stream.indirect.gather [hbm4b:s4+s14], $0x80, s11, s14, $0xb8;
	[tilespmem:$0x1F880] =	vst v63  }
0x189: {  	_ =	swait.ge [sflag:s19], $0x2800  }
0x18a: {  	[sflag:s19] =	ssyncset.done $0x0  }
0x18b: {  	s11 =	rddreg [dreg:$0x17];
	[sflag:s19] =	ssyncadd.s32 $0xFFFFD800  }
0x18c: {  	[spmem:s2] =	stream.indirect.scatter.add.f32 [tilespmem:s15], [sflag:$0x5], $0x80, s11, s14, $0xb8;
	[tilespmem:$0x1F880] =	vst v63  }
0x18d: {  	_ =	swait.ge [sflag:s20], $0x2800  }
0x18e: {  	[sflag:s20] =	ssyncset.done $0x0  }
0x18f: {  	s11 =	rddreg [dreg:$0x18];
	[sflag:s20] =	ssyncadd.s32 $0xFFFFD800  }
0x190: {  	[spmem:s2] =	stream.indirect.scatter.add.f32 [tilespmem:s16], [sflag:$0x6], $0x80, s11, s14, $0xb8;
	[tilespmem:$0x1F880] =	vst v63  }
0x191: {  	_ =	swait.ge [sflag:s21], $0x2800  }
0x192: {  	[sflag:s21] =	ssyncset.done $0x0  }
0x193: {  	s11 =	rddreg [dreg:$0x19];
	[sflag:s21] =	ssyncadd.s32 $0xFFFFD800  }
0x194: {  	[spmem:s2] =	stream.indirect.scatter.add.f32 [tilespmem:s17], [sflag:$0x7], $0x80, s11, s14, $0xb8;
	[tilespmem:$0x1F880] =	vst v63  }
0x195: {  	_ =	swait.ge [sflag:s22], $0x2800  }
0x196: {  	[sflag:s22] =	ssyncset.done $0x0  }
0x197: {  	s11 =	rddreg [dreg:$0x1a];
	[sflag:s22] =	ssyncadd.s32 $0xFFFFD800  }
0x198: {  	[spmem:s2] =	stream.indirect.scatter.add.f32 [tilespmem:s18], [sflag:$0x8], $0x80, s11, s14, $0xb8;
	[tilespmem:$0x1F880] =	vst v63  }
0x199: {  	_ =	swait.ge [sflag:s23], $0x2800  }
0x19a: {  	[sflag:s23] =	ssyncset.done $0x0  }
0x19b: {  	[sflag:s23] =	ssyncadd.s32 $0xFFFFD800  }
0x19c: {  	_ =	swait.ge [sflag:s24], $0x2800  }
0x19d: {  	[sflag:s24] =	ssyncset.done $0x0  }
0x19e: {  	[sflag:s24] =	ssyncadd.s32 $0xFFFFD800  }
0x19f: {  	_ =	swait.ge [sflag:s25], $0x2800  }
0x1a0: {  	[sflag:s25] =	ssyncset.done $0x0  }
0x1a1: {  	[sflag:s25] =	ssyncadd.s32 $0xFFFFD800  }
0x1a2: {  	_ =	swait.ge [sflag:s26], $0x2800  }
0x1a3: {  	[sflag:s26] =	ssyncset.done $0x0  }
0x1a4: {  	s5 =	rddreg [dreg:$0x1b];
	[sflag:s26] =	ssyncadd.s32 $0xFFFFD800  }
0x1a5: {  	[tilespmem:s15], [sflag:$0x1] =	stream.indirect.gather [hbm4b:s4+s14], $0x80, s5, s14, $0xb8;
	[tilespmem:$0x1F880] =	vst v63  }
0x1a6: {  	s11 =	rddreg [dreg:$0x1c]  }
0x1a7: {  	[tilespmem:s16], [sflag:$0x2] =	stream.indirect.gather [hbm4b:s4+s14], $0x80, s11, s14, $0xb8;
	[tilespmem:$0x1F880] =	vst v63  }
0x1a8: {  	s5 =	rddreg [dreg:$0x1d]  }
0x1a9: {  	[tilespmem:s17], [sflag:$0x3] =	stream.indirect.gather [hbm4b:s4+s14], $0x80, s5, s14, $0xb8;
	[tilespmem:$0x1F880] =	vst v63  }
0x1aa: {  	s11 =	rddreg [dreg:$0x1e]  }
0x1ab: {  	[tilespmem:s18], [sflag:$0x4] =	stream.indirect.gather [hbm4b:s4+s14], $0x80, s11, s14, $0xb8;
	[tilespmem:$0x1F880] =	vst v63  }
0x1ac: {  	_ =	swait.ge [sflag:s19], $0x2800  }
0x1ad: {  	[sflag:s19] =	ssyncset.done $0x0  }
0x1ae: {  	s11 =	rddreg [dreg:$0x1f];
	[sflag:s19] =	ssyncadd.s32 $0xFFFFD800  }
0x1af: {  	[spmem:s2] =	stream.indirect.scatter.add.f32 [tilespmem:s15], [sflag:$0x5], $0x80, s11, s14, $0xb8;
	[tilespmem:$0x1F880] =	vst v63  }
0x1b0: {  	_ =	swait.ge [sflag:s20], $0x2800  }
0x1b1: {  	s11 =	sld [smem:$0x7F0]  }
0x1b2: {  	[sflag:s20] =	ssyncset.done $0x0  }
0x1b3: {  	[sflag:s20] =	ssyncadd.s32 $0xFFFFD800  }
0x1b4: {  	[spmem:s2] =	stream.indirect.scatter.add.f32 [tilespmem:s16], [sflag:$0x6], $0x80, s11, s14, $0xb8;
	[tilespmem:$0x1F880] =	vst v63  }
0x1b5: {  	_ =	swait.ge [sflag:s21], $0x2800  }
0x1b6: {  	s11 =	sld [smem:$0x7F1]  }
0x1b7: {  	[sflag:s21] =	ssyncset.done $0x0  }
0x1b8: {  	[sflag:s21] =	ssyncadd.s32 $0xFFFFD800  }
0x1b9: {  	[spmem:s2] =	stream.indirect.scatter.add.f32 [tilespmem:s17], [sflag:$0x7], $0x80, s11, s14, $0xb8;
	[tilespmem:$0x1F880] =	vst v63  }
0x1ba: {  	_ =	swait.ge [sflag:s22], $0x2800  }
0x1bb: {  	s11 =	sld [smem:$0x7F2]  }
0x1bc: {  	[sflag:s22] =	ssyncset.done $0x0  }
0x1bd: {  	[sflag:s22] =	ssyncadd.s32 $0xFFFFD800  }
0x1be: {  	[spmem:s2] =	stream.indirect.scatter.add.f32 [tilespmem:s18], [sflag:$0x8], $0x80, s11, s14, $0xb8;
	[tilespmem:$0x1F880] =	vst v63  }
0x1bf: {  	_ =	swait.ge [sflag:s23], $0x2800  }
0x1c0: {  	[sflag:s23] =	ssyncset.done $0x0  }
0x1c1: {  	[sflag:s23] =	ssyncadd.s32 $0xFFFFD800  }
0x1c2: {  	_ =	swait.ge [sflag:s24], $0x2800  }
0x1c3: {  	[sflag:s24] =	ssyncset.done $0x0  }
0x1c4: {  	[sflag:s24] =	ssyncadd.s32 $0xFFFFD800  }
0x1c5: {  	_ =	swait.ge [sflag:s25], $0x2800  }
0x1c6: {  	[sflag:s25] =	ssyncset.done $0x0  }
0x1c7: {  	[sflag:s25] =	ssyncadd.s32 $0xFFFFD800  }
0x1c8: {  	_ =	swait.ge [sflag:s26], $0x2800  }
0x1c9: {  	s5 =	sld [smem:$0x7F3]  }
0x1ca: {  	[sflag:s26] =	ssyncset.done $0x0  }
0x1cb: {  	s11 =	sld [smem:$0x7F4];
	[sflag:s26] =	ssyncadd.s32 $0xFFFFD800  }
0x1cc: {  	[tilespmem:s15], [sflag:$0x1] =	stream.indirect.gather [hbm4b:s4+s14], $0x80, s5, s14, $0xb8;
	[tilespmem:$0x1F880] =	vst v63  }
0x1cd: {  	s5 =	sld [smem:$0x7F5]  }
0x1ce: {  	[tilespmem:s16], [sflag:$0x2] =	stream.indirect.gather [hbm4b:s4+s14], $0x80, s11, s14, $0xb8;
	[tilespmem:$0x1F880] =	vst v63  }
0x1cf: {  	s11 =	sld [smem:$0x7F6]  }
0x1d0: {  	[tilespmem:s17], [sflag:$0x3] =	stream.indirect.gather [hbm4b:s4+s14], $0x80, s5, s14, $0xb8;
	[tilespmem:$0x1F880] =	vst v63  }
0x1d1: {  	_ = 	snop  }
0x1d2: {  	[tilespmem:s18], [sflag:$0x4] =	stream.indirect.gather [hbm4b:s4+s14], $0x80, s11, s14, $0xb8;
	[tilespmem:$0x1F880] =	vst v63  }
0x1d3: {  	_ =	swait.ge [sflag:s19], $0x2800  }
0x1d4: {  	s11 =	sld [smem:$0x7F7]  }
0x1d5: {  	[sflag:s19] =	ssyncset.done $0x0  }
0x1d6: {  	[sflag:s19] =	ssyncadd.s32 $0xFFFFD800  }
0x1d7: {  	[spmem:s2] =	stream.indirect.scatter.add.f32 [tilespmem:s15], [sflag:$0x5], $0x80, s11, s14, $0xb8;
	[tilespmem:$0x1F880] =	vst v63  }
0x1d8: {  	_ =	swait.ge [sflag:s20], $0x2800  }
0x1d9: {  	s11 =	sld [smem:$0x7F8]  }
0x1da: {  	[sflag:s20] =	ssyncset.done $0x0  }
0x1db: {  	[sflag:s20] =	ssyncadd.s32 $0xFFFFD800  }
0x1dc: {  	[spmem:s2] =	stream.indirect.scatter.add.f32 [tilespmem:s16], [sflag:$0x6], $0x80, s11, s14, $0xb8;
	[tilespmem:$0x1F880] =	vst v63  }
0x1dd: {  	_ =	swait.ge [sflag:s21], $0x2800  }
0x1de: {  	s11 =	sld [smem:$0x7F9]  }
0x1df: {  	[sflag:s21] =	ssyncset.done $0x0  }
0x1e0: {  	[sflag:s21] =	ssyncadd.s32 $0xFFFFD800  }
0x1e1: {  	[spmem:s2] =	stream.indirect.scatter.add.f32 [tilespmem:s17], [sflag:$0x7], $0x80, s11, s14, $0xb8;
	[tilespmem:$0x1F880] =	vst v63  }
0x1e2: {  	_ =	swait.ge [sflag:s22], $0x2800  }
0x1e3: {  	s11 =	sld [smem:$0x7FA]  }
0x1e4: {  	[sflag:s22] =	ssyncset.done $0x0  }
0x1e5: {  	[sflag:s22] =	ssyncadd.s32 $0xFFFFD800  }
0x1e6: {  	[spmem:s2] =	stream.indirect.scatter.add.f32 [tilespmem:s18], [sflag:$0x8], $0x80, s11, s14, $0xb8;
	[tilespmem:$0x1F880] =	vst v63  }
0x1e7: {  	_ =	swait.ge [sflag:s23], $0x2800  }
0x1e8: {  	[sflag:s23] =	ssyncset.done $0x0  }
0x1e9: {  	[sflag:s23] =	ssyncadd.s32 $0xFFFFD800  }
0x1ea: {  	_ =	swait.ge [sflag:s24], $0x2800  }
0x1eb: {  	[sflag:s24] =	ssyncset.done $0x0  }
0x1ec: {  	[sflag:s24] =	ssyncadd.s32 $0xFFFFD800  }
0x1ed: {  	_ =	swait.ge [sflag:s25], $0x2800  }
0x1ee: {  	[sflag:s25] =	ssyncset.done $0x0  }
0x1ef: {  	[sflag:s25] =	ssyncadd.s32 $0xFFFFD800  }
0x1f0: {  	_ =	swait.ge [sflag:s26], $0x2800  }
0x1f1: {  	s11 =	sld [smem:$0x7FB]  }
0x1f2: {  	[sflag:s26] =	ssyncset.done $0x0  }
0x1f3: {  	[sflag:s26] =	ssyncadd.s32 $0xFFFFD800  }
0x1f4: {  	[tilespmem:s15], [sflag:$0x1] =	stream.indirect.gather [hbm4b:s4+s14], $0x80, s11, s14, $0xb8;
	[tilespmem:$0x1F880] =	vst v63  }
0x1f5: {  	_ = 	snop  }
0x1f6: {  	[tilespmem:s16], [sflag:$0x2] =	stream.indirect.gather [hbm4b:s4+s14], $0x80, s28, s14, $0xb8;
	[tilespmem:$0x1F880] =	vst v63  }
0x1f7: {  	_ = 	snop  }
0x1f8: {  	[tilespmem:s17], [sflag:$0x3] =	stream.indirect.gather [hbm4b:s4+s14], $0x80, s29, s14, $0xb8;
	[tilespmem:$0x1F880] =	vst v63  }
0x1f9: {  	_ = 	snop  }
0x1fa: {  	[tilespmem:s18], [sflag:$0x4] =	stream.indirect.gather [hbm4b:s4+s14], $0x80, s30, s14, $0xb8;
	[tilespmem:$0x1F880] =	vst v63  }
0x1fb: {  	_ =	swait.ge [sflag:s19], $0x2800  }
0x1fc: {  	[sflag:s19] =	ssyncset.done $0x0  }
0x1fd: {  	[sflag:s19] =	ssyncadd.s32 $0xFFFFD800  }
0x1fe: {  	[spmem:s2] =	stream.indirect.scatter.add.f32 [tilespmem:s15], [sflag:$0x5], $0x80, s31, s14, $0xb8;
	[tilespmem:$0x1F880] =	vst v63  }
0x1ff: {  	_ =	swait.ge [sflag:s20], $0x2800  }
0x200: {  	[sflag:s20] =	ssyncset.done $0x0  }
0x201: {  	[sflag:s20] =	ssyncadd.s32 $0xFFFFD800  }
0x202: {  	[spmem:s2] =	stream.indirect.scatter.add.f32 [tilespmem:s16], [sflag:$0x6], $0x80, s1, s14, $0xb8;
	[tilespmem:$0x1F880] =	vst v63  }
0x203: {  	_ =	swait.ge [sflag:s21], $0x2800  }
0x204: {  	[sflag:s21] =	ssyncset.done $0x0  }
0x205: {  	[sflag:s21] =	ssyncadd.s32 $0xFFFFD800  }
0x206: {  	[spmem:s2] =	stream.indirect.scatter.add.f32 [tilespmem:s17], [sflag:$0x7], $0x80, s0, s14, $0xb8;
	[tilespmem:$0x1F880] =	vst v63  }
0x207: {  	_ =	swait.ge [sflag:s22], $0x2800  }
0x208: {  	[sflag:s22] =	ssyncset.done $0x0  }
0x209: {  	[sflag:s22] =	ssyncadd.s32 $0xFFFFD800  }
0x20a: {  	[spmem:s2] =	stream.indirect.scatter.add.f32 [tilespmem:s18], [sflag:$0x8], $0x80, s6, s14, $0xb8;
	[tilespmem:$0x1F880] =	vst v63  }
0x20b: {  	_ =	swait.ge [sflag:s23], $0x2800  }
0x20c: {  	[sflag:s23] =	ssyncset.done $0x0  }
0x20d: {  	[sflag:s23] =	ssyncadd.s32 $0xFFFFD800  }
0x20e: {  	_ =	swait.ge [sflag:s24], $0x2800  }
0x20f: {  	[sflag:s24] =	ssyncset.done $0x0  }
0x210: {  	[sflag:s24] =	ssyncadd.s32 $0xFFFFD800  }
0x211: {  	_ =	swait.ge [sflag:s25], $0x2800  }
0x212: {  	[sflag:s25] =	ssyncset.done $0x0  }
0x213: {  	[sflag:s25] =	ssyncadd.s32 $0xFFFFD800  }
0x214: {  	_ =	swait.ge [sflag:s26], $0x2800  }
0x215: {  	[sflag:s26] =	ssyncset.done $0x0  }
0x216: {  	[sflag:s26] =	ssyncadd.s32 $0xFFFFD800  }
0x217: {  	[tilespmem:s15], [sflag:$0x1] =	stream.indirect.gather [hbm4b:s4+s14], $0x80, s7, s14, $0xb8;
	[tilespmem:$0x1F880] =	vst v63  }
0x218: {  	p1 =	sne.s32 s10, $0x800;
	_ =	swait.ge [sflag:s19], $0x2800  }
.Ltmp0:
0x219: {  	[sflag:s19] =	ssyncset.done $0x0;
	(pc) =	sbr.rel @p1 .LBB2_2-.Ltmp0, $4  }
0x21a: {  	[sflag:s19] =	ssyncadd.s32 $0xFFFFD800  }
0x21b: {  	[spmem:s2] =	stream.indirect.scatter.add.f32 [tilespmem:s15], [sflag:$0x9], $0x80, s8, s14, $0xb8;
	[tilespmem:$0x1F880] =	vst v63  }
0x21c: {  	_ =	swait.ge [sflag:s12], $0x2800  }
0x21d: {  	s10 =	sadd.s32 $0x200, s10;
	s11 =	rddreg [dreg:$0x4];
	[sflag:s12] =	ssyncset.done $0x0  }
0x21e: {  	[sflag:s12] =	ssyncadd.s32 $0xFFFFD800;
	s5 =	sadd.s32 s9, s11  }
0x21f: {  	[tilespmem:s3], [sflag:$0x9] =	stream.linear.gather [hbm4b:s5+s3], $0xC80, $0x38;
	[tilespmem:$0x1F880] =	vst v63  }
0x220: {  	_ =	swait.ge [sflag:s12], $0xC80  }
0x221: {  	s11 =	rddreg [dreg:$0x3];
	[sflag:s12] =	ssyncset.done $0x0  }
0x222: {  	[sflag:s12] =	ssyncadd.s32 $0xFFFFF380;
	s5 =	sadd.s32 s9, s11  }
0x223: {  	[tilespmem:s13], [sflag:$0x9] =	stream.linear.gather [hbm4b:s5+s3], $0xC80, $0x38;
	[tilespmem:$0x1F880] =	vst v63  }
0x224: {  	_ =	swait.ge [sflag:s12], $0xC80  }
0x225: {  	[sflag:s12] =	ssyncset.done $0x0  }
0x226: {  	[sflag:s12] =	ssyncadd.s32 $0xFFFFF380  }
0x227: {  	[tilespmem:s15], [sflag:$0x1] =	stream.indirect.gather [hbm4b:s4+s14], $0x80, s3, s14, $0xb8;
	[tilespmem:$0x1F880] =	vst v63  }
0x228: {  	s9 =	rddreg [dreg:$0x5]  }
0x229: {  	[tilespmem:s16], [sflag:$0x2] =	stream.indirect.gather [hbm4b:s4+s14], $0x80, s9, s14, $0xb8;
	[tilespmem:$0x1F880] =	vst v63  }
0x22a: {  	s10 =	rddreg [dreg:$0x6]  }
0x22b: {  	[tilespmem:s17], [sflag:$0x3] =	stream.indirect.gather [hbm4b:s4+s14], $0x80, s10, s14, $0xb8;
	[tilespmem:$0x1F880] =	vst v63  }
0x22c: {  	s11 =	rddreg [dreg:$0x7]  }
0x22d: {  	[tilespmem:s18], [sflag:$0x4] =	stream.indirect.gather [hbm4b:s4+s14], $0x80, s11, s14, $0xb8;
	[tilespmem:$0x1F880] =	vst v63  }
0x22e: {  	_ =	swait.ge [sflag:s19], $0x2800  }
0x22f: {  	[sflag:s19] =	ssyncset.done $0x0  }
0x230: {  	[sflag:s19] =	ssyncadd.s32 $0xFFFFD800  }
0x231: {  	[spmem:s2] =	stream.indirect.scatter.add.f32 [tilespmem:s15], [sflag:$0x5], $0x80, s13, s14, $0xb8;
	[tilespmem:$0x1F880] =	vst v63  }
0x232: {  	_ =	swait.ge [sflag:s20], $0x2800  }
0x233: {  	[sflag:s20] =	ssyncset.done $0x0  }
0x234: {  	s10 =	rddreg [dreg:$0x8];
	[sflag:s20] =	ssyncadd.s32 $0xFFFFD800  }
0x235: {  	[spmem:s2] =	stream.indirect.scatter.add.f32 [tilespmem:s16], [sflag:$0x6], $0x80, s10, s14, $0xb8;
	[tilespmem:$0x1F880] =	vst v63  }
0x236: {  	_ =	swait.ge [sflag:s21], $0x2800  }
0x237: {  	[sflag:s21] =	ssyncset.done $0x0  }
0x238: {  	s11 =	rddreg [dreg:$0x9];
	[sflag:s21] =	ssyncadd.s32 $0xFFFFD800  }
0x239: {  	[spmem:s2] =	stream.indirect.scatter.add.f32 [tilespmem:s17], [sflag:$0x7], $0x80, s11, s14, $0xb8;
	[tilespmem:$0x1F880] =	vst v63  }
0x23a: {  	_ =	swait.ge [sflag:s22], $0x2800  }
0x23b: {  	[sflag:s22] =	ssyncset.done $0x0  }
0x23c: {  	s9 =	rddreg [dreg:$0xa];
	[sflag:s22] =	ssyncadd.s32 $0xFFFFD800  }
0x23d: {  	[spmem:s2] =	stream.indirect.scatter.add.f32 [tilespmem:s18], [sflag:$0x8], $0x80, s9, s14, $0xb8;
	[tilespmem:$0x1F880] =	vst v63  }
0x23e: {  	_ =	swait.ge [sflag:s23], $0x2800  }
0x23f: {  	[sflag:s23] =	ssyncset.done $0x0  }
0x240: {  	[sflag:s23] =	ssyncadd.s32 $0xFFFFD800  }
0x241: {  	_ =	swait.ge [sflag:s24], $0x2800  }
0x242: {  	[sflag:s24] =	ssyncset.done $0x0  }
0x243: {  	[sflag:s24] =	ssyncadd.s32 $0xFFFFD800  }
0x244: {  	_ =	swait.ge [sflag:s25], $0x2800  }
0x245: {  	[sflag:s25] =	ssyncset.done $0x0  }
0x246: {  	[sflag:s25] =	ssyncadd.s32 $0xFFFFD800  }
0x247: {  	_ =	swait.ge [sflag:s26], $0x2800  }
0x248: {  	[sflag:s26] =	ssyncset.done $0x0  }
0x249: {  	s10 =	rddreg [dreg:$0xb];
	[sflag:s26] =	ssyncadd.s32 $0xFFFFD800  }
0x24a: {  	[tilespmem:s15], [sflag:$0x1] =	stream.indirect.gather [hbm4b:s4+s14], $0x80, s10, s14, $0xb8;
	[tilespmem:$0x1F880] =	vst v63  }
0x24b: {  	s11 =	rddreg [dreg:$0xc]  }
0x24c: {  	[tilespmem:s16], [sflag:$0x2] =	stream.indirect.gather [hbm4b:s4+s14], $0x80, s11, s14, $0xb8;
	[tilespmem:$0x1F880] =	vst v63  }
0x24d: {  	s10 =	rddreg [dreg:$0xd]  }
0x24e: {  	[tilespmem:s17], [sflag:$0x3] =	stream.indirect.gather [hbm4b:s4+s14], $0x80, s10, s14, $0xb8;
	[tilespmem:$0x1F880] =	vst v63  }
0x24f: {  	s11 =	rddreg [dreg:$0xe]  }
0x250: {  	[tilespmem:s18], [sflag:$0x4] =	stream.indirect.gather [hbm4b:s4+s14], $0x80, s11, s14, $0xb8;
	[tilespmem:$0x1F880] =	vst v63  }
0x251: {  	_ =	swait.ge [sflag:s19], $0x2800  }
0x252: {  	[sflag:s19] =	ssyncset.done $0x0  }
0x253: {  	s9 =	rddreg [dreg:$0xf];
	[sflag:s19] =	ssyncadd.s32 $0xFFFFD800  }
0x254: {  	[spmem:s2] =	stream.indirect.scatter.add.f32 [tilespmem:s15], [sflag:$0x5], $0x80, s9, s14, $0xb8;
	[tilespmem:$0x1F880] =	vst v63  }
0x255: {  	_ =	swait.ge [sflag:s20], $0x2800  }
0x256: {  	[sflag:s20] =	ssyncset.done $0x0  }
0x257: {  	s10 =	rddreg [dreg:$0x10];
	[sflag:s20] =	ssyncadd.s32 $0xFFFFD800  }
0x258: {  	[spmem:s2] =	stream.indirect.scatter.add.f32 [tilespmem:s16], [sflag:$0x6], $0x80, s10, s14, $0xb8;
	[tilespmem:$0x1F880] =	vst v63  }
0x259: {  	_ =	swait.ge [sflag:s21], $0x2800  }
0x25a: {  	[sflag:s21] =	ssyncset.done $0x0  }
0x25b: {  	s11 =	rddreg [dreg:$0x11];
	[sflag:s21] =	ssyncadd.s32 $0xFFFFD800  }
0x25c: {  	[spmem:s2] =	stream.indirect.scatter.add.f32 [tilespmem:s17], [sflag:$0x7], $0x80, s11, s14, $0xb8;
	[tilespmem:$0x1F880] =	vst v63  }
0x25d: {  	_ =	swait.ge [sflag:s22], $0x2800  }
0x25e: {  	[sflag:s22] =	ssyncset.done $0x0  }
0x25f: {  	s9 =	rddreg [dreg:$0x12];
	[sflag:s22] =	ssyncadd.s32 $0xFFFFD800  }
0x260: {  	[spmem:s2] =	stream.indirect.scatter.add.f32 [tilespmem:s18], [sflag:$0x8], $0x80, s9, s14, $0xb8;
	[tilespmem:$0x1F880] =	vst v63  }
0x261: {  	_ =	swait.ge [sflag:s23], $0x2800  }
0x262: {  	[sflag:s23] =	ssyncset.done $0x0  }
0x263: {  	[sflag:s23] =	ssyncadd.s32 $0xFFFFD800  }
0x264: {  	_ =	swait.ge [sflag:s24], $0x2800  }
0x265: {  	[sflag:s24] =	ssyncset.done $0x0  }
0x266: {  	[sflag:s24] =	ssyncadd.s32 $0xFFFFD800  }
0x267: {  	_ =	swait.ge [sflag:s25], $0x2800  }
0x268: {  	[sflag:s25] =	ssyncset.done $0x0  }
0x269: {  	[sflag:s25] =	ssyncadd.s32 $0xFFFFD800  }
0x26a: {  	_ =	swait.ge [sflag:s26], $0x2800  }
0x26b: {  	[sflag:s26] =	ssyncset.done $0x0  }
0x26c: {  	s10 =	rddreg [dreg:$0x13];
	[sflag:s26] =	ssyncadd.s32 $0xFFFFD800  }
0x26d: {  	[tilespmem:s15], [sflag:$0x1] =	stream.indirect.gather [hbm4b:s4+s14], $0x80, s10, s14, $0xb8;
	[tilespmem:$0x1F880] =	vst v63  }
0x26e: {  	s11 =	rddreg [dreg:$0x14]  }
0x26f: {  	[tilespmem:s16], [sflag:$0x2] =	stream.indirect.gather [hbm4b:s4+s14], $0x80, s11, s14, $0xb8;
	[tilespmem:$0x1F880] =	vst v63  }
0x270: {  	s10 =	rddreg [dreg:$0x15]  }
0x271: {  	[tilespmem:s17], [sflag:$0x3] =	stream.indirect.gather [hbm4b:s4+s14], $0x80, s10, s14, $0xb8;
	[tilespmem:$0x1F880] =	vst v63  }
0x272: {  	s11 =	rddreg [dreg:$0x16]  }
0x273: {  	[tilespmem:s18], [sflag:$0x4] =	stream.indirect.gather [hbm4b:s4+s14], $0x80, s11, s14, $0xb8;
	[tilespmem:$0x1F880] =	vst v63  }
0x274: {  	_ =	swait.ge [sflag:s19], $0x2800  }
0x275: {  	[sflag:s19] =	ssyncset.done $0x0  }
0x276: {  	s9 =	rddreg [dreg:$0x17];
	[sflag:s19] =	ssyncadd.s32 $0xFFFFD800  }
0x277: {  	[spmem:s2] =	stream.indirect.scatter.add.f32 [tilespmem:s15], [sflag:$0x5], $0x80, s9, s14, $0xb8;
	[tilespmem:$0x1F880] =	vst v63  }
0x278: {  	_ =	swait.ge [sflag:s20], $0x2800  }
0x279: {  	[sflag:s20] =	ssyncset.done $0x0  }
0x27a: {  	s10 =	rddreg [dreg:$0x18];
	[sflag:s20] =	ssyncadd.s32 $0xFFFFD800  }
0x27b: {  	[spmem:s2] =	stream.indirect.scatter.add.f32 [tilespmem:s16], [sflag:$0x6], $0x80, s10, s14, $0xb8;
	[tilespmem:$0x1F880] =	vst v63  }
0x27c: {  	_ =	swait.ge [sflag:s21], $0x2800  }
0x27d: {  	[sflag:s21] =	ssyncset.done $0x0  }
0x27e: {  	s11 =	rddreg [dreg:$0x19];
	[sflag:s21] =	ssyncadd.s32 $0xFFFFD800  }
0x27f: {  	[spmem:s2] =	stream.indirect.scatter.add.f32 [tilespmem:s17], [sflag:$0x7], $0x80, s11, s14, $0xb8;
	[tilespmem:$0x1F880] =	vst v63  }
0x280: {  	_ =	swait.ge [sflag:s22], $0x2800  }
0x281: {  	[sflag:s22] =	ssyncset.done $0x0  }
0x282: {  	s9 =	rddreg [dreg:$0x1a];
	[sflag:s22] =	ssyncadd.s32 $0xFFFFD800  }
0x283: {  	[spmem:s2] =	stream.indirect.scatter.add.f32 [tilespmem:s18], [sflag:$0x8], $0x80, s9, s14, $0xb8;
	[tilespmem:$0x1F880] =	vst v63  }
0x284: {  	_ =	swait.ge [sflag:s23], $0x2800  }
0x285: {  	[sflag:s23] =	ssyncset.done $0x0  }
0x286: {  	[sflag:s23] =	ssyncadd.s32 $0xFFFFD800  }
0x287: {  	_ =	swait.ge [sflag:s24], $0x2800  }
0x288: {  	[sflag:s24] =	ssyncset.done $0x0  }
0x289: {  	[sflag:s24] =	ssyncadd.s32 $0xFFFFD800  }
0x28a: {  	_ =	swait.ge [sflag:s25], $0x2800  }
0x28b: {  	[sflag:s25] =	ssyncset.done $0x0  }
0x28c: {  	[sflag:s25] =	ssyncadd.s32 $0xFFFFD800  }
0x28d: {  	_ =	swait.ge [sflag:s26], $0x2800  }
0x28e: {  	[sflag:s26] =	ssyncset.done $0x0  }
0x28f: {  	s10 =	rddreg [dreg:$0x1b];
	[sflag:s26] =	ssyncadd.s32 $0xFFFFD800  }
0x290: {  	[tilespmem:s15], [sflag:$0x1] =	stream.indirect.gather [hbm4b:s4+s14], $0x80, s10, s14, $0xb8;
	[tilespmem:$0x1F880] =	vst v63  }
0x291: {  	s11 =	rddreg [dreg:$0x1c]  }
0x292: {  	[tilespmem:s16], [sflag:$0x2] =	stream.indirect.gather [hbm4b:s4+s14], $0x80, s11, s14, $0xb8;
	[tilespmem:$0x1F880] =	vst v63  }
0x293: {  	s10 =	rddreg [dreg:$0x1d]  }
0x294: {  	[tilespmem:s17], [sflag:$0x3] =	stream.indirect.gather [hbm4b:s4+s14], $0x80, s10, s14, $0xb8;
	[tilespmem:$0x1F880] =	vst v63  }
0x295: {  	s11 =	rddreg [dreg:$0x1e]  }
0x296: {  	[tilespmem:s18], [sflag:$0x4] =	stream.indirect.gather [hbm4b:s4+s14], $0x80, s11, s14, $0xb8;
	[tilespmem:$0x1F880] =	vst v63  }
0x297: {  	_ =	swait.ge [sflag:s19], $0x2800  }
0x298: {  	[sflag:s19] =	ssyncset.done $0x0  }
0x299: {  	s9 =	rddreg [dreg:$0x1f];
	[sflag:s19] =	ssyncadd.s32 $0xFFFFD800  }
0x29a: {  	[spmem:s2] =	stream.indirect.scatter.add.f32 [tilespmem:s15], [sflag:$0x5], $0x80, s9, s14, $0xb8;
	[tilespmem:$0x1F880] =	vst v63  }
0x29b: {  	_ =	swait.ge [sflag:s20], $0x2800  }
0x29c: {  	s10 =	sld [smem:$0x7F0]  }
0x29d: {  	[sflag:s20] =	ssyncset.done $0x0  }
0x29e: {  	[sflag:s20] =	ssyncadd.s32 $0xFFFFD800  }
0x29f: {  	[spmem:s2] =	stream.indirect.scatter.add.f32 [tilespmem:s16], [sflag:$0x6], $0x80, s10, s14, $0xb8;
	[tilespmem:$0x1F880] =	vst v63  }
0x2a0: {  	_ =	swait.ge [sflag:s21], $0x2800  }
0x2a1: {  	s11 =	sld [smem:$0x7F1]  }
0x2a2: {  	[sflag:s21] =	ssyncset.done $0x0  }
0x2a3: {  	[sflag:s21] =	ssyncadd.s32 $0xFFFFD800  }
0x2a4: {  	[spmem:s2] =	stream.indirect.scatter.add.f32 [tilespmem:s17], [sflag:$0x7], $0x80, s11, s14, $0xb8;
	[tilespmem:$0x1F880] =	vst v63  }
0x2a5: {  	_ =	swait.ge [sflag:s22], $0x2800  }
0x2a6: {  	s9 =	sld [smem:$0x7F2]  }
0x2a7: {  	[sflag:s22] =	ssyncset.done $0x0  }
0x2a8: {  	[sflag:s22] =	ssyncadd.s32 $0xFFFFD800  }
0x2a9: {  	[spmem:s2] =	stream.indirect.scatter.add.f32 [tilespmem:s18], [sflag:$0x8], $0x80, s9, s14, $0xb8;
	[tilespmem:$0x1F880] =	vst v63  }
0x2aa: {  	_ =	swait.ge [sflag:s23], $0x2800  }
0x2ab: {  	[sflag:s23] =	ssyncset.done $0x0  }
0x2ac: {  	[sflag:s23] =	ssyncadd.s32 $0xFFFFD800  }
0x2ad: {  	_ =	swait.ge [sflag:s24], $0x2800  }
0x2ae: {  	[sflag:s24] =	ssyncset.done $0x0  }
0x2af: {  	[sflag:s24] =	ssyncadd.s32 $0xFFFFD800  }
0x2b0: {  	_ =	swait.ge [sflag:s25], $0x2800  }
0x2b1: {  	[sflag:s25] =	ssyncset.done $0x0  }
0x2b2: {  	[sflag:s25] =	ssyncadd.s32 $0xFFFFD800  }
0x2b3: {  	_ =	swait.ge [sflag:s26], $0x2800  }
0x2b4: {  	s10 =	sld [smem:$0x7F3]  }
0x2b5: {  	[sflag:s26] =	ssyncset.done $0x0  }
0x2b6: {  	s11 =	sld [smem:$0x7F4];
	[sflag:s26] =	ssyncadd.s32 $0xFFFFD800  }
0x2b7: {  	[tilespmem:s15], [sflag:$0x1] =	stream.indirect.gather [hbm4b:s4+s14], $0x80, s10, s14, $0xb8;
	[tilespmem:$0x1F880] =	vst v63  }
0x2b8: {  	s10 =	sld [smem:$0x7F5]  }
0x2b9: {  	[tilespmem:s16], [sflag:$0x2] =	stream.indirect.gather [hbm4b:s4+s14], $0x80, s11, s14, $0xb8;
	[tilespmem:$0x1F880] =	vst v63  }
0x2ba: {  	s11 =	sld [smem:$0x7F6]  }
0x2bb: {  	[tilespmem:s17], [sflag:$0x3] =	stream.indirect.gather [hbm4b:s4+s14], $0x80, s10, s14, $0xb8;
	[tilespmem:$0x1F880] =	vst v63  }
0x2bc: {  	_ = 	snop  }
0x2bd: {  	[tilespmem:s18], [sflag:$0x4] =	stream.indirect.gather [hbm4b:s4+s14], $0x80, s11, s14, $0xb8;
	[tilespmem:$0x1F880] =	vst v63  }
0x2be: {  	_ =	swait.ge [sflag:s19], $0x2800  }
0x2bf: {  	s10 =	sld [smem:$0x7F7]  }
0x2c0: {  	[sflag:s19] =	ssyncset.done $0x0  }
0x2c1: {  	[sflag:s19] =	ssyncadd.s32 $0xFFFFD800  }
0x2c2: {  	[spmem:s2] =	stream.indirect.scatter.add.f32 [tilespmem:s15], [sflag:$0x5], $0x80, s10, s14, $0xb8;
	[tilespmem:$0x1F880] =	vst v63  }
0x2c3: {  	_ =	swait.ge [sflag:s20], $0x2800  }
0x2c4: {  	s11 =	sld [smem:$0x7F8]  }
0x2c5: {  	[sflag:s20] =	ssyncset.done $0x0  }
0x2c6: {  	[sflag:s20] =	ssyncadd.s32 $0xFFFFD800  }
0x2c7: {  	[spmem:s2] =	stream.indirect.scatter.add.f32 [tilespmem:s16], [sflag:$0x6], $0x80, s11, s14, $0xb8;
	[tilespmem:$0x1F880] =	vst v63  }
0x2c8: {  	_ =	swait.ge [sflag:s21], $0x2800  }
0x2c9: {  	s9 =	sld [smem:$0x7F9]  }
0x2ca: {  	[sflag:s21] =	ssyncset.done $0x0  }
0x2cb: {  	[sflag:s21] =	ssyncadd.s32 $0xFFFFD800  }
0x2cc: {  	[spmem:s2] =	stream.indirect.scatter.add.f32 [tilespmem:s17], [sflag:$0x7], $0x80, s9, s14, $0xb8;
	[tilespmem:$0x1F880] =	vst v63  }
0x2cd: {  	_ =	swait.ge [sflag:s22], $0x2800  }
0x2ce: {  	s10 =	sld [smem:$0x7FA]  }
0x2cf: {  	[sflag:s22] =	ssyncset.done $0x0  }
0x2d0: {  	[sflag:s22] =	ssyncadd.s32 $0xFFFFD800  }
0x2d1: {  	[spmem:s2] =	stream.indirect.scatter.add.f32 [tilespmem:s18], [sflag:$0x8], $0x80, s10, s14, $0xb8;
	[tilespmem:$0x1F880] =	vst v63  }
0x2d2: {  	_ =	swait.ge [sflag:s23], $0x2800  }
0x2d3: {  	[sflag:s23] =	ssyncset.done $0x0  }
0x2d4: {  	[sflag:s23] =	ssyncadd.s32 $0xFFFFD800  }
0x2d5: {  	_ =	swait.ge [sflag:s24], $0x2800  }
0x2d6: {  	[sflag:s24] =	ssyncset.done $0x0  }
0x2d7: {  	[sflag:s24] =	ssyncadd.s32 $0xFFFFD800  }
0x2d8: {  	_ =	swait.ge [sflag:s25], $0x2800  }
0x2d9: {  	[sflag:s25] =	ssyncset.done $0x0  }
0x2da: {  	[sflag:s25] =	ssyncadd.s32 $0xFFFFD800  }
0x2db: {  	_ =	swait.ge [sflag:s26], $0x2800  }
0x2dc: {  	s11 =	sld [smem:$0x7FB]  }
0x2dd: {  	[sflag:s26] =	ssyncset.done $0x0  }
0x2de: {  	[sflag:s26] =	ssyncadd.s32 $0xFFFFD800  }
0x2df: {  	[tilespmem:s15], [sflag:$0x1] =	stream.indirect.gather [hbm4b:s4+s14], $0x80, s11, s14, $0xb8;
	[tilespmem:$0x1F880] =	vst v63  }
0x2e0: {  	_ = 	snop  }
0x2e1: {  	[tilespmem:s16], [sflag:$0x2] =	stream.indirect.gather [hbm4b:s4+s14], $0x80, s28, s14, $0xb8;
	[tilespmem:$0x1F880] =	vst v63  }
0x2e2: {  	_ = 	snop  }
0x2e3: {  	[tilespmem:s17], [sflag:$0x3] =	stream.indirect.gather [hbm4b:s4+s14], $0x80, s29, s14, $0xb8;
	[tilespmem:$0x1F880] =	vst v63  }
0x2e4: {  	_ = 	snop  }
0x2e5: {  	[tilespmem:s18], [sflag:$0x4] =	stream.indirect.gather [hbm4b:s4+s14], $0x80, s30, s14, $0xb8;
	[tilespmem:$0x1F880] =	vst v63  }
0x2e6: {  	_ =	swait.ge [sflag:s19], $0x2800  }
0x2e7: {  	[sflag:s19] =	ssyncset.done $0x0  }
0x2e8: {  	[sflag:s19] =	ssyncadd.s32 $0xFFFFD800  }
0x2e9: {  	[spmem:s2] =	stream.indirect.scatter.add.f32 [tilespmem:s15], [sflag:$0x5], $0x80, s31, s14, $0xb8;
	[tilespmem:$0x1F880] =	vst v63  }
0x2ea: {  	_ =	swait.ge [sflag:s20], $0x2800  }
0x2eb: {  	[sflag:s20] =	ssyncset.done $0x0  }
0x2ec: {  	[sflag:s20] =	ssyncadd.s32 $0xFFFFD800  }
0x2ed: {  	[spmem:s2] =	stream.indirect.scatter.add.f32 [tilespmem:s16], [sflag:$0x6], $0x80, s1, s14, $0xb8;
	[tilespmem:$0x1F880] =	vst v63  }
0x2ee: {  	_ =	swait.ge [sflag:s21], $0x2800  }
0x2ef: {  	[sflag:s21] =	ssyncset.done $0x0  }
0x2f0: {  	[sflag:s21] =	ssyncadd.s32 $0xFFFFD800  }
0x2f1: {  	[spmem:s2] =	stream.indirect.scatter.add.f32 [tilespmem:s17], [sflag:$0x7], $0x80, s0, s14, $0xb8;
	[tilespmem:$0x1F880] =	vst v63  }
0x2f2: {  	_ =	swait.ge [sflag:s22], $0x2800  }
0x2f3: {  	[sflag:s22] =	ssyncset.done $0x0  }
0x2f4: {  	[sflag:s22] =	ssyncadd.s32 $0xFFFFD800  }
0x2f5: {  	[spmem:s2] =	stream.indirect.scatter.add.f32 [tilespmem:s18], [sflag:$0x8], $0x80, s6, s14, $0xb8;
	[tilespmem:$0x1F880] =	vst v63  }
0x2f6: {  	_ =	swait.ge [sflag:s23], $0x2800  }
0x2f7: {  	[sflag:s23] =	ssyncset.done $0x0  }
0x2f8: {  	[sflag:s23] =	ssyncadd.s32 $0xFFFFD800  }
0x2f9: {  	_ =	swait.ge [sflag:s24], $0x2800  }
0x2fa: {  	[sflag:s24] =	ssyncset.done $0x0  }
0x2fb: {  	[sflag:s24] =	ssyncadd.s32 $0xFFFFD800  }
0x2fc: {  	_ =	swait.ge [sflag:s25], $0x2800  }
0x2fd: {  	[sflag:s25] =	ssyncset.done $0x0  }
0x2fe: {  	[sflag:s25] =	ssyncadd.s32 $0xFFFFD800  }
0x2ff: {  	_ =	swait.ge [sflag:s26], $0x2800  }
0x300: {  	[sflag:s26] =	ssyncset.done $0x0  }
0x301: {  	[sflag:s26] =	ssyncadd.s32 $0xFFFFD800  }
0x302: {  	[tilespmem:s15], [sflag:$0x1] =	stream.indirect.gather [hbm4b:s4+s14], $0x80, s7, s14, $0xb8;
	[tilespmem:$0x1F880] =	vst v63  }
0x303: {  	_ =	swait.ge [sflag:s19], $0x2800  }
0x304: {  	[sflag:s19] =	ssyncset.done $0x0  }
0x305: {  	[sflag:s19] =	ssyncadd.s32 $0xFFFFD800  }
0x306: {  	[spmem:s2] =	stream.indirect.scatter.add.f32 [tilespmem:s15], [sflag:$0x9], $0x80, s8, s14, $0xb8;
	[tilespmem:$0x1F880] =	vst v63  }
0x307: {  	_ =	swait.ge [sflag:s12], $0x2800  }
0x308: {  	[sflag:s12] =	ssyncset.done $0x0  }
0x309: {  	[sflag:s12] =	ssyncadd.s32 $0xFFFFD800  }
0x30a: {  	[bflag:$0x0] =	sbarrier.arrive $0xFFFF  }
0x30b: {  	s9 =	sld [smem:$0x7EC]  }
0x30c: {  	s10 =	sld [smem:$0x7EE];
	_ =	sdelay $0x1  }
0x30d: {  	s5 =	simm.s32 @p0 $0x1FC9  }
0x30e: {  	[hbm:s9], [sflag:s5] =	dma.local @p0 [spmem:s10], $0x2800  }
0x30f: {  	s5 =	simm.s32 @p0 $0x9  }
0x310: {  	_ =	swait.ge @p0 [sflag:s5], $0x2800  }
0x311: {  	s9 =	sld [smem:$0x7EF]  }
0x312: {  	[sflag:s5] =	ssyncset.done @p0 $0x0;
	s11 =	sld [smem:$0x7FD]  }
0x313: {  	[sflag:s5] =	ssyncadd.s32 @p0 $0xFFFFD800;
	s5 =	sld [smem:$0x7EB];
	_ =	sdelay $0x2  }
0x314: {  	[hbm:s5], [sflag:s9] =	dma.local @!p0 [spmem:s11], $0x2700  }
0x315: {  	s5 =	simm.s32 @!p0 $0x9  }
0x316: {  	_ =	swait.ge @!p0 [sflag:s5], $0x2700  }
0x317: {  	s9 =	sld [smem:$0x7FC];
	_ =	sdelay $0x2  }
0x318: {  	s10 =	sadd.s32 $0x1, s9;
	s9 =	sld [smem:$0x7ED];
	_ =	sdelay $0x2  }
0x319: {  	p1 =	sne.s32 s10, s9  }
.Ltmp1:
0x31a: {  	_ = 	snop;
	(pc) =	sbr.rel @p1 .LBB2_1-.Ltmp1, $3  }
0x31b: {  	_ =	sdelay $0x1  }
0x31c: {  	[sflag:s5] =	ssyncset.done @!p0 $0x0  }
0x31d: {  	[sflag:s5] =	ssyncadd.s32 @!p0 $0xFFFFD900;
	[smem:$0x7FC] =	sst s10  }
0x31e: {  	_ =	sfence.sel $0x180000  }
0x31f: {  	[bflag:$0x0] =	sbarrier.arrive $0xFFFF  }
0x320: {  	_ =	strace $0x90000047  }
0x321: {  	s0 =	stileid.u32;
	[bflag:$0x2] =	sbarrier.arrive $0xFFFF  }
0x322: {  	p0 =	sne.s32 s0, $0x0;
	s0 =	rddreg [dreg:$0x2]  }
0x323: {  	s0 =	sadd.s32 @!p0 $0x100000, s0  }
0x324: {  	[sflag:s0] =	ssyncadd.tile.s32 @!p0 $0x1;
	_ =	shalt  }
.Lfunc_end2:
_tile_overlayer_lowered:
.L_overlay_start_2:
0x325: {  	(tag) =	ssettag $0x2  }
0x326: {  	s0 =	rddreg [dreg:$0x0];
	s2 =	stileid.u32  }
0x327: {  	s1 =	rddreg [dreg:$0x1];
	p0 =	sne.s32 s2, $0x0  }
0x328: {  	s3 =	rddreg [dreg:$0x2];
	[bflag:$0x3] =	sbarrier.arrive $0xFFFF;
	s2 =	simm.s32 @!p0 $0x1C09  }
0x329: {  	[timem:s3], [sflag:s2] =	dma.local @!p0 [hbm:s0], s1  }
0x32a: {  	s0 =	simm.s32 @!p0 $0x9  }
0x32b: {  	_ =	swait.ge @!p0 [sflag:s0], s1  }
0x32c: {  	s1 =	ssub.s32 @!p0 $0x0, s1;
	[sflag:s0] =	ssyncset.done @!p0 $0x0  }
0x32d: {  	[sflag:s0] =	ssyncadd.s32 @!p0 s1  }
0x32e: {  	[bflag:$0x3] =	sbarrier.arrive $0xFFFF  }
0x32f: {  	_ =	shalt  }

// kernel: kernel.17.cloned.1.call-start
scs
__scs_entry_jumppad:
0x0: {  	(pc) =	sbr.rel $0x88, $3  }
0x1: {  	(tag) =	ssettag $0x0;
	lr =	simm.s32 $0x1  }
0x2: {  	[smem:$0x3F8E] =	sst lr;
	_ =	strace $0xD0000000  }
0x3: {  	_ = 	snop  }
0x4: {  	_ = 	snop  }
0x5: {  	_ = 	snop  }
0x6: {  	_ = 	snop  }
0x7: {  	_ = 	snop  }
__scs_overlays_trampoline_lowered:
0x8: {  	[smem:$0x3F9D] =	sst s0  }
0x9: {  	[smem:$0x3F9E] =	sst s1  }
0xa: {  	[smem:$0x3F9F] =	sst s2  }
0xb: {  	[smem:$0x3FA0] =	sst s3  }
0xc: {  	[smem:$0x3FA1] =	sst s4  }
0xd: {  	[smem:$0x3FA2] =	sst s5  }
0xe: {  	[smem:$0x3FA3] =	sst s6  }
0xf: {  	[smem:$0x3FA4] =	sst s7  }
0x10: {  	[smem:$0x3FA5] =	sst s8  }
0x11: {  	[smem:$0x3FA6] =	sst s9;
	s0 =	simm.s32 @!p0 $0x0  }
0x12: {  	s1 =	sld [smem:$0x3F8C];
	s0 =	simm.s32 @p0 $0x1  }
0x13: {  	[smem:$0x3FA7] =	sst s0;
	s0 =	simm.s32 @!p1 $0x0  }
0x14: {  	s2 =	sld [smem:$0x3F8B];
	s0 =	simm.s32 @p1 $0x1  }
0x15: {  	[smem:$0x3FA8] =	sst s0;
	s0 =	simm.s32 @!p2 $0x0  }
0x16: {  	s3 =	sld [smem:$0x3FDB];
	s0 =	simm.s32 @p2 $0x1  }
0x17: {  	s4 =	simm.s32 $0x1BF5;
	[smem:$0x3FAA] =	sst s0  }
0x18: {  	s0 =	sld [smem:$0x3F8D];
	_ =	swait.ge [sflag:s4], $0x0  }
0x19: {  	s7 =	sld [smem:$0x3F8E]  }
0x1a: {  	s8 =	sadd.s32 $0xFFFFE003, lr  }
0x1b: {  	s9 =	sadd.s32 $0xFFFFFEF7, lr;
	s5 =	simm.s32 $0xFFFFFFFF;
	p2 =	slt.u32 s8, $0xFFFFF086  }
0x1c: {  	p1 =	slt.u32 s9, $0xF7A;
	s5 =	simm.s32 @!p2 $0x0  }
0x1d: {  	s5 =	simm.s32 @p1 $0x1;
	p0 =	seq.s32 s7, s2  }
0x1e: {  	s7 =	smul.u32 @!p0 $0xF7A, s2;
	p2 =	seq.s32 @!p0 s5, $0x0  }
0x1f: {  	s9 =	smul.u32 $0xF7A, s1;
	s8 =	simm.s32 @!p0 $0x1BF5;
	p2 =	por !p2, p0  }
0x20: {  	[sflag:s8] =	ssyncset.s32 @!p0 $0xFFFFF086;
	s6 =	sadd.s32 @!p0 s3, s7;
	s7 =	simm.s32 @!p0 $0x108  }
0x21: {  	s3 =	sadd.s32 s3, s9;
	s6 =	sadd.s32 @!p0 $0x88, s6;
	s7 =	simm.s32 @p2 $0x1082  }
0x22: {  	[simem:s7], [sflag:s8] =	dma.local @!p0 [hbm:s6], $0xF7A  }
0x23: {  	s9 =	sor.u32 $0xD0000000, s2;
	s6 =	simm.s32 $0x108;
	_ =	swait.ge @!p0 [sflag:s8], $0x0  }
0x24: {  	s3 =	sadd.s32 $0x88, s3;
	s6 =	simm.s32 @!p1 $0x1082;
	[sflag:s4] =	ssyncset.s32 $0xFFFFF086  }
0x25: {  	[simem:s6], [sflag:s4] =	dma.local [hbm:s3], $0xF7A  }
0x26: {  	[smem:$0x3F8E] =	sst s1;
	(tag) =	ssettag s2;
	_ =	strace s9  }
0x27: {  	s1 =	sld [smem:$0x3F9E]  }
0x28: {  	s2 =	sld [smem:$0x3F9F]  }
0x29: {  	s4 =	sld [smem:$0x3FA1]  }
0x2a: {  	p0 =	seq.s32 s5, $0x0;
	s5 =	sld [smem:$0x3FA2]  }
0x2b: {  	s6 =	sld [smem:$0x3FA3]  }
0x2c: {  	s7 =	sld [smem:$0x3FA4]  }
0x2d: {  	s3 =	simm.s32 $0x108;
	s8 =	sld [smem:$0x3FA5]  }
0x2e: {  	s3 =	simm.s32 @!p0 $0x1082;
	s9 =	sld [smem:$0x3FA6]  }
0x2f: {  	lr =	sadd.s32 s0, s3;
	s0 =	sld [smem:$0x3F9D]  }
0x30: {  	s3 =	sld [smem:$0x3FA0]  }
0x31: {  	[smem:$0x3FA9] =	sst s10  }
0x32: {  	s10 =	sld [smem:$0x3FA7];
	_ =	sdelay $0x3  }
0x33: {  	p0 =	seq.s32 s10, $0x1;
	s10 =	sld [smem:$0x3FA9];
	_ =	sdelay $0x3  }
0x34: {  	[smem:$0x3FA9] =	sst s10  }
0x35: {  	s10 =	sld [smem:$0x3FA8];
	_ =	sdelay $0x3  }
0x36: {  	p1 =	seq.s32 s10, $0x1;
	s10 =	sld [smem:$0x3FA9];
	_ =	sdelay $0x3  }
0x37: {  	[smem:$0x3FA9] =	sst s10  }
0x38: {  	s10 =	sld [smem:$0x3FAA]  }
0x39: {  	_ = 	snop;
	(pc) =	sbr.ind lr, $3  }
0x3a: {  	_ = 	snop  }
0x3b: {  	_ = 	snop  }
0x3c: {  	p2 =	seq.s32 s10, $0x1;
	s10 =	sld [smem:$0x3FA9]  }
0x3d: {  	_ =	shalt  }
0x3e: {  	_ =	shalt  }
0x3f: {  	_ =	shalt  }
0x40: {  	_ =	shalt  }
0x41: {  	_ =	shalt  }
0x42: {  	_ =	shalt  }
0x43: {  	_ =	shalt  }
0x44: {  	_ =	shalt  }
0x45: {  	_ =	shalt  }
0x46: {  	_ =	shalt  }
0x47: {  	_ =	shalt  }
0x48: {  	_ =	shalt  }
0x49: {  	_ =	shalt  }
0x4a: {  	_ =	shalt  }
0x4b: {  	_ =	shalt  }
0x4c: {  	_ =	shalt  }
0x4d: {  	_ =	shalt  }
0x4e: {  	_ =	shalt  }
0x4f: {  	_ =	shalt  }
0x50: {  	_ =	shalt  }
0x51: {  	_ =	shalt  }
0x52: {  	_ =	shalt  }
0x53: {  	_ =	shalt  }
0x54: {  	_ =	shalt  }
0x55: {  	_ =	shalt  }
0x56: {  	_ =	shalt  }
0x57: {  	_ =	shalt  }
0x58: {  	_ =	shalt  }
0x59: {  	_ =	shalt  }
0x5a: {  	_ =	shalt  }
0x5b: {  	_ =	shalt  }
0x5c: {  	_ =	shalt  }
0x5d: {  	_ =	shalt  }
0x5e: {  	_ =	shalt  }
0x5f: {  	_ =	shalt  }
0x60: {  	_ =	shalt  }
0x61: {  	_ =	shalt  }
0x62: {  	_ =	shalt  }
0x63: {  	_ =	shalt  }
0x64: {  	_ =	shalt  }
0x65: {  	_ =	shalt  }
0x66: {  	_ =	shalt  }
0x67: {  	_ =	shalt  }
0x68: {  	_ =	shalt  }
0x69: {  	_ =	shalt  }
0x6a: {  	_ =	shalt  }
0x6b: {  	_ =	shalt  }
0x6c: {  	_ =	shalt  }
0x6d: {  	_ =	shalt  }
0x6e: {  	_ =	shalt  }
0x6f: {  	_ =	shalt  }
0x70: {  	_ =	shalt  }
0x71: {  	_ =	shalt  }
0x72: {  	_ =	shalt  }
0x73: {  	_ =	shalt  }
0x74: {  	_ =	shalt  }
0x75: {  	_ =	shalt  }
0x76: {  	_ =	shalt  }
0x77: {  	_ =	shalt  }
0x78: {  	_ =	shalt  }
0x79: {  	_ =	shalt  }
0x7a: {  	_ =	shalt  }
0x7b: {  	_ =	shalt  }
0x7c: {  	_ =	shalt  }
0x7d: {  	_ =	shalt  }
0x7e: {  	_ =	shalt  }
0x7f: {  	_ =	shalt  }
0x80: {  	_ =	shalt  }
0x81: {  	_ =	shalt  }
0x82: {  	_ =	shalt  }
0x83: {  	_ =	shalt  }
0x84: {  	_ =	shalt  }
0x85: {  	_ =	shalt  }
0x86: {  	_ =	shalt  }
0x87: {  	_ =	shalt  }
.Lfunc_end0:
.L_simem_size_0:
called_computation.2_lowered:
.L_overlay_start_0:
0x88: {  	s2 =	sld [smem:$0x3FD9]  }
0x89: {  	s3 =	sld [smem:$0x3FFE];
	_ =	sdelay $0x1  }
0x8a: {  	s1 =	srdreg.scid  }
0x8b: {  	s0 =	sand.u32 $0x1, s1  }
0x8c: {  	s16 =	sshll.u32 s0, $0xA;
	s2 =	sadd.s32 s3, s2  }
0x8d: {  	s2 =	sadd.s32 s2, s16  }
0x8e: {  	[smem:$0x3FB5] =	sst s2  }
0x8f: {  	_ = 	snop  }
0x90: {  	(tm) =	ssettm $0x1  }
0x91: {  	s17 =	sld [smem:$0x3FFB];
	_ =	sdelay $0x3  }
0x92: {  	_ =	strace s17  }
0x93: {  	s2 =	sld [smem:$0x3FFC];
	_ =	sdelay $0x3  }
0x94: {  	_ =	strace s2  }
0x95: {  	s2 =	sld [smem:$0x3FFD];
	_ =	sdelay $0x3  }
0x96: {  	_ =	strace s2  }
0x97: {  	_ =	strace $0x8FFFFFFF  }
0x98: {  	s18 =	sld [smem:$0x3FDB];
	_ =	sdelay $0x1  }
0x99: {  	s19 =	simm.s32 $_scs_section_size  }
0x9a: {  	s4 =	simm.s32 $_size__tile_overlayer_lowered;
	s5 =	simm.s32 $_tile_overlayer_lowered  }
0x9b: {  	s22 =	simm.s32 $0x1BFF;
	s21 =	sshll.u32 s5, $0x1;
	s2 =	sadd.s32 s19, s18  }
0x9c: {  	s6 =	simm.s32 $0x0;
	s20 =	sshll.u32 s4, $0x1;
	s4 =	sadd.s32 s21, s2  }
0x9d: {  	[timem:s6], [sflag:s22] =	dma.local [hbm:s4], s20  }
0x9e: {  	_ =	swait.ge [sflag:s22], s20  }
0x9f: {  	s3 =	ssub.s32 $0x0, s20;
	[sflag:s22] =	ssyncset.done $0x0  }
0xa0: {  	[sflag:s22] =	ssyncadd.s32 s3;
	_ =	sdelay $0x1  }
0xa1: {  	s23 =	simm.s32 $0x1B8B  }
0xa2: {  	_ =	swait.ge [sflag:s23], $0x1  }
0xa3: {  	[sflag:s23] =	ssyncset.done $0x0  }
0xa4: {  	s25 =	simm.s32 $0x1B8E;
	s24 =	sld [smem:$0x3FFE];
	[sflag:s23] =	ssyncadd.s32 $0xFFFFFFFF  }
0xa5: {  	s26 =	simm.s32 $execute0_lowered;
	[smem:$0x3FD2] =	sst s25  }
0xa6: {  	s4 =	sshll.u32 s26, $0x1;
	_ =	strace $0x8000004C;
	[dreg:$0x1] =	wrdreg $0xFFFFFFFF  }
0xa7: {  	s28 =	simm.s32 $_size_execute0_lowered;
	s2 =	sadd.s32 s2, s4;
	[dreg:$0x0] =	wrdreg $0x0  }
0xa8: {  	s4 =	sshll.u32 s28, $0x1;
	[dreg:$0x2] =	wrdreg s2  }
0xa9: {  	[dreg:$0x3] =	wrdreg s4  }
0xaa: {  	[dreg:$0x4] =	wrdreg $0xC0  }
0xab: {  	_ =	task [dreg:s6], $0x5FFFF  }
0xac: {  	[dreg:$0x1] =	wrdreg $0xFFFFFFFF  }
0xad: {  	[dreg:$0x0] =	wrdreg $0x60  }
0xae: {  	[dreg:$0x2] =	wrdreg s24  }
0xaf: {  	[dreg:$0x3] =	wrdreg $0xC0000  }
0xb0: {  	[dreg:$0x4] =	wrdreg $0x9  }
0xb1: {  	_ =	task.clear_ibuf [dreg:s6], $0x5FFFF;
	_ =	strace $0x9000004C  }
0xb2: {  	s29 =	simm.s32 $0x9;
	_ =	strace $0x8000004E  }
0xb3: {  	_ =	swait.ge [sflag:s29], $0x1  }
0xb4: {  	[sflag:s29] =	ssyncadd.s32 $0xFFFFFFFF  }
0xb5: {  	_ =	strace $0x9000004E  }
0xb6: {  	_ =	sfence  }
0xb7: {  	s30 =	sld [smem:$0x0];
	_ =	sdelay $0x2  }
0xb8: {  	s31 =	sshll.u32 s1, $0xD;
	s1 =	sshrl.u32 s1, $0x2  }
0xb9: {  	s3 =	sand.u32 $0x4000, s31;
	s1 =	sadd.s32 s1, s30  }
0xba: {  	s0 =	sor.u32 s3, s0;
	s1 =	sshll.u32 s1, $0x11  }
0xbb: {  	s0 =	sor.u32 s1, s0  }
0xbc: {  	s0 =	sadd.s32 $0x8F2B, s0  }
0xbd: {  	[sflag:s0] =	ssyncadd.remote.s32 $0x1  }
0xbe: {  	_ =	sfence.sel $0xFFFF  }
0xbf: {  	[dreg:$0x0] =	wrdreg $0xFFFFFFFF;
	(pc) =	sbr.abs _section_cstart, $3  }
0xc0: {  	[dreg:$0x1] =	wrdreg $0xFFFFFFFF  }
0xc1: {  	_ =	task.clear_ibuf [dreg:s6], $0x2FFFF;
	_ =	strace $0x9FFFFFFF  }
0xc2: {  	(tm) =	ssettm $0x7FFFFFFF  }
0xc3: {  	_ =	shalt  }
tec
execute0_lowered:
.L_overlay_start_1:
0x0: {  	(tag) =	ssettag $0x1  }
0x1: {  	s0 =	srdreg.scid;
	s10 =	stileid.u32  }
0x2: {  	s0 =	sand.u32 $0x1, s0;
	s1 =	smul.u32 $0xA000, s10  }
0x3: {  	s3 =	smul.u32 $0x5000, s0  }
0x4: {  	s5 =	rddreg [dreg:$0x0]  }
0x5: {  	s2 =	rddreg [dreg:$0x1];
	s1 =	sadd.s32 s3, s1;
	s3 =	simm.s32 $0x0  }
0x6: {  	s6 =	simm.s32 $0x100;
	[smem:$0x7FF] =	sst s3  }
0x7: {  	s7 =	simm.s32 $0x180;
	_ =	strace $0x8000004D;
	[dreg:$0x6] =	wrdreg s6  }
0x8: {  	s8 =	simm.s32 $0x1080;
	[dreg:$0x7] =	wrdreg s7  }
0x9: {  	s9 =	simm.s32 $0x1100;
	[dreg:$0x8] =	wrdreg s8  }
0xa: {  	s11 =	simm.s32 $0x1180;
	[dreg:$0x9] =	wrdreg s9  }
0xb: {  	s12 =	simm.s32 $0x200;
	[dreg:$0xa] =	wrdreg s11  }
0xc: {  	s14 =	simm.s32 $0x280;
	[dreg:$0xb] =	wrdreg s12  }
0xd: {  	s15 =	simm.s32 $0x300;
	[dreg:$0xc] =	wrdreg s14  }
0xe: {  	s16 =	simm.s32 $0x380;
	[dreg:$0xd] =	wrdreg s15  }
0xf: {  	s17 =	simm.s32 $0x1200;
	[dreg:$0xe] =	wrdreg s16  }
0x10: {  	s19 =	simm.s32 $0x1280;
	[dreg:$0xf] =	wrdreg s17  }
0x11: {  	s20 =	simm.s32 $0x1300;
	s21 =	simm.s32 $0x1380;
	[dreg:$0x10] =	wrdreg s19  }
0x12: {  	s23 =	simm.s32 $0x400;
	s24 =	simm.s32 $0x480;
	[dreg:$0x11] =	wrdreg s20  }
0x13: {  	s25 =	simm.s32 $0x500;
	s26 =	simm.s32 $0x580;
	[dreg:$0x12] =	wrdreg s21  }
0x14: {  	s28 =	simm.s32 $0xA80;
	s29 =	simm.s32 $0xB00;
	[dreg:$0x13] =	wrdreg s23  }
0x15: {  	s30 =	simm.s32 $0xB80;
	s31 =	simm.s32 $0x1A00;
	[dreg:$0x14] =	wrdreg s24  }
0x16: {  	s22 =	smul.u32 $0x13800, s10;
	p0 =	seq.s32 s10, $0xF;
	[dreg:$0x15] =	wrdreg s25  }
0x17: {  	s13 =	ssub.s32 $0x2, s0;
	s6 =	sadd.s32 $0x54000, s5;
	[dreg:$0x16] =	wrdreg s26  }
0x18: {  	s0 =	smul.u32 $0x138800, s0;
	s11 =	simm.s32 $0x1400;
	[smem:$0x7EA] =	sst s6  }
0x19: {  	s1 =	sshrl.u32 s1, $0x3;
	s12 =	simm.s32 $0x1480;
	[dreg:$0x17] =	wrdreg s11  }
0x1a: {  	s1 =	sadd.s32 s1, s5;
	s14 =	simm.s32 $0x1580;
	[dreg:$0x18] =	wrdreg s12  }
0x1b: {  	s7 =	sshrl.u32 s13, $0x1;
	s16 =	simm.s32 $0x600;
	[dreg:$0x1a] =	wrdreg s14  }
0x1c: {  	s8 =	smul.u32 $0x4E000, s10;
	s17 =	simm.s32 $0x680;
	[dreg:$0x1b] =	wrdreg s16  }
0x1d: {  	s9 =	sadd.s32 $0x124800, s2;
	s19 =	simm.s32 $0x780;
	[dreg:$0x1c] =	wrdreg s17  }
0x1e: {  	s20 =	simm.s32 $0x1600;
	s21 =	simm.s32 $0x1680;
	[dreg:$0x1e] =	wrdreg s19  }
0x1f: {  	s23 =	simm.s32 $0x1780;
	s24 =	simm.s32 $0x800;
	[dreg:$0x1f] =	wrdreg s20  }
0x20: {  	s25 =	simm.s32 $0x880;
	s26 =	simm.s32 $0x900;
	[smem:$0x7F0] =	sst s21  }
0x21: {  	s4 =	sadd.s32 $0x4E00, s1;
	s1 =	sadd.s32 $0x18E00, s1;
	[smem:$0x7F2] =	sst s23  }
0x22: {  	s6 =	ssub.s32 s13, s7;
	s13 =	simm.s32 $0x1500;
	[smem:$0x7F3] =	sst s24  }
0x23: {  	s12 =	simm.s32 $0x9;
	s14 =	simm.s32 $0x50;
	[smem:$0x7F4] =	sst s25  }
0x24: {  	s16 =	simm.s32 $0x4800;
	s17 =	simm.s32 $0x7000;
	[smem:$0x7F5] =	sst s26  }
0x25: {  	s19 =	simm.s32 $0x1;
	s20 =	simm.s32 $0x2;
	[dreg:$0x3] =	wrdreg s4  }
0x26: {  	s21 =	simm.s32 $0x3;
	s23 =	simm.s32 $0x5;
	[dreg:$0x4] =	wrdreg s1  }
0x27: {  	s24 =	simm.s32 $0x6;
	s4 =	simm.s32 $0x80;
	[dreg:$0x19] =	wrdreg s13  }
0x28: {  	s18 =	sshrl.u32 s8, $0x2;
	s15 =	smax.u32 s6, $0x1;
	[dreg:$0x5] =	wrdreg s4  }
0x29: {  	s8 =	sadd.s32 s22, s0;
	s1 =	sshrl.u32 @p0 s9, $0x3;
	[smem:$0x7ED] =	sst s15  }
0x2a: {  	s22 =	simm.s32 $0x1700;
	s6 =	simm.s32 $0x1880;
	[smem:$0x7EE] =	sst s1  }
0x2b: {  	s9 =	simm.s32 $0xA00;
	s4 =	sadd.s32 $0x2CE00, s5;
	[smem:$0x7F1] =	sst s22  }
0x2c: {  	s5 =	sadd.s32 $0x56800, s5;
	s7 =	sadd.s32 s18, s2;
	[smem:$0x7F8] =	sst s6  }
0x2d: {  	s8 =	sshrl.u32 s8, $0x3;
	s18 =	simm.s32 $0x700;
	[smem:$0x7FB] =	sst s9  }
0x2e: {  	s1 =	sshll.u32 @!p0 s10, $0x6;
	s10 =	simm.s32 $0x0;
	[dreg:$0x1d] =	wrdreg s18  }
0x2f: {  	s25 =	simm.s32 $0x7;
	s8 =	sadd.s32 s5, s8;
	[smem:$0x7FC] =	sst s10  }
0x30: {  	s0 =	sshrl.u32 s0, $0x3;
	s1 =	sor.u32 @!p0 $0x1C09, s1;
	[smem:$0x7EB] =	sst s8  }
0x31: {  	s0 =	sadd.s32 s5, s0;
	s5 =	simm.s32 $0x1800;
	[smem:$0x7EF] =	sst s1  }
0x32: {  	s11 =	sshrl.u32 @!p0 s7, $0x3;
	s7 =	simm.s32 $0x1900;
	[smem:$0x7F7] =	sst s5  }
0x33: {  	s26 =	simm.s32 $0x8;
	s13 =	simm.s32 $0x1000;
	[smem:$0x7F9] =	sst s7  }
0x34: {  	s15 =	simm.s32 $0x2000;
	s0 =	sadd.s32 $0x24900, s0;
	[smem:$0x7FD] =	sst s11  }
0x35: {  	s22 =	simm.s32 $0x4;
	s1 =	simm.s32 $0x980;
	[smem:$0x7EC] =	sst s0  }
0x36: {  	s6 =	simm.s32 $0x1B80;
	s8 =	simm.s32 $0x1980;
	[smem:$0x7F6] =	sst s1  }
0x37: {  	s18 =	simm.s32 $0x9800;
	s7 =	simm.s32 $0xC00;
	[smem:$0x7FA] =	sst s8  }
0x38: {  	s1 =	simm.s32 $0x1A80;
	s0 =	simm.s32 $0x1B00;
	s8 =	simm.s32 $0x1C00  }
.LBB2_1:
0x39: {  	s5 =	sld [smem:$0x7EA]  }
0x3a: {  	s10 =	sld [smem:$0x7EE];
	_ =	sdelay $0x1  }
0x3b: {  	s9 =	simm.s32 @p0 $0x1FC9  }
0x3c: {  	[spmem:s10], [sflag:s9] =	dma.local @p0 [hbm:s5], $0x2800  }
0x3d: {  	s9 =	simm.s32 @p0 $0x9  }
0x3e: {  	_ =	swait.ge @p0 [sflag:s9], $0x2800  }
0x3f: {  	[sflag:s9] =	ssyncset.done @p0 $0x0  }
0x40: {  	[sflag:s9] =	ssyncadd.s32 @p0 $0xFFFFD800;
	s9 =	sld [smem:$0x7EF];
	_ =	sdelay $0x2  }
0x41: {  	[spmem:s11], [sflag:s9] =	dma.local @!p0 [hbm:s5], $0x2700  }
0x42: {  	s9 =	simm.s32 @!p0 $0x9  }
0x43: {  	_ =	swait.ge @!p0 [sflag:s9], $0x2700  }
0x44: {  	[sflag:s9] =	ssyncset.done @!p0 $0x0  }
0x45: {  	[sflag:s9] =	ssyncadd.s32 @!p0 $0xFFFFD900  }
0x46: {  	[bflag:$0x0] =	sbarrier.arrive $0xFFFF  }
0x47: {  	s11 =	rddreg [dreg:$0x4]  }
0x48: {  	s9 =	sadd.s32 $0x0, s11  }
0x49: {  	[tilespmem:s3], [sflag:$0x9] =	stream.linear.gather [hbm4b:s9+s3], $0xC80, $0x38;
	[tilespmem:$0x1F880] =	vst v63  }
0x4a: {  	_ =	swait.ge [sflag:s12], $0xC80  }
0x4b: {  	s5 =	rddreg [dreg:$0x3];
	[sflag:s12] =	ssyncset.done $0x0  }
0x4c: {  	[sflag:s12] =	ssyncadd.s32 $0xFFFFF380;
	s9 =	sadd.s32 $0x0, s5  }
0x4d: {  	[tilespmem:s13], [sflag:$0x9] =	stream.linear.gather [hbm4b:s9+s3], $0xC80, $0x38;
	[tilespmem:$0x1F880] =	vst v63  }
0x4e: {  	_ =	swait.ge [sflag:s12], $0xC80  }
0x4f: {  	[sflag:s12] =	ssyncset.done $0x0  }
0x50: {  	[sflag:s12] =	ssyncadd.s32 $0xFFFFF380  }
0x51: {  	[tilespmem:s15], [sflag:$0x1] =	stream.indirect.gather [hbm4b:s4+s14], $0x80, s3, s14, $0xb8;
	[tilespmem:$0x1F880] =	vst v63  }
0x52: {  	s10 =	rddreg [dreg:$0x5]  }
0x53: {  	[tilespmem:s16], [sflag:$0x2] =	stream.indirect.gather [hbm4b:s4+s14], $0x80, s10, s14, $0xb8;
	[tilespmem:$0x1F880] =	vst v63  }
0x54: {  	s11 =	rddreg [dreg:$0x6]  }
0x55: {  	[tilespmem:s17], [sflag:$0x3] =	stream.indirect.gather [hbm4b:s4+s14], $0x80, s11, s14, $0xb8;
	[tilespmem:$0x1F880] =	vst v63  }
0x56: {  	s5 =	rddreg [dreg:$0x7]  }
0x57: {  	[tilespmem:s18], [sflag:$0x4] =	stream.indirect.gather [hbm4b:s4+s14], $0x80, s5, s14, $0xb8;
	[tilespmem:$0x1F880] =	vst v63  }
0x58: {  	_ =	swait.ge [sflag:s19], $0x2800  }
0x59: {  	[sflag:s19] =	ssyncset.done $0x0  }
0x5a: {  	[sflag:s19] =	ssyncadd.s32 $0xFFFFD800  }
0x5b: {  	[spmem:s2] =	stream.indirect.scatter.add.f32 [tilespmem:s15], [sflag:$0x5], $0x80, s13, s14, $0xb8;
	[tilespmem:$0x1F880] =	vst v63  }
0x5c: {  	_ =	swait.ge [sflag:s20], $0x2800  }
0x5d: {  	[sflag:s20] =	ssyncset.done $0x0  }
0x5e: {  	s11 =	rddreg [dreg:$0x8];
	[sflag:s20] =	ssyncadd.s32 $0xFFFFD800  }
0x5f: {  	[spmem:s2] =	stream.indirect.scatter.add.f32 [tilespmem:s16], [sflag:$0x6], $0x80, s11, s14, $0xb8;
	[tilespmem:$0x1F880] =	vst v63  }
0x60: {  	_ =	swait.ge [sflag:s21], $0x2800  }
0x61: {  	[sflag:s21] =	ssyncset.done $0x0  }
0x62: {  	s5 =	rddreg [dreg:$0x9];
	[sflag:s21] =	ssyncadd.s32 $0xFFFFD800  }
0x63: {  	[spmem:s2] =	stream.indirect.scatter.add.f32 [tilespmem:s17], [sflag:$0x7], $0x80, s5, s14, $0xb8;
	[tilespmem:$0x1F880] =	vst v63  }
0x64: {  	_ =	swait.ge [sflag:s22], $0x2800  }
0x65: {  	[sflag:s22] =	ssyncset.done $0x0  }
0x66: {  	s10 =	rddreg [dreg:$0xa];
	[sflag:s22] =	ssyncadd.s32 $0xFFFFD800  }
0x67: {  	[spmem:s2] =	stream.indirect.scatter.add.f32 [tilespmem:s18], [sflag:$0x8], $0x80, s10, s14, $0xb8;
	[tilespmem:$0x1F880] =	vst v63  }
0x68: {  	_ =	swait.ge [sflag:s23], $0x2800  }
0x69: {  	[sflag:s23] =	ssyncset.done $0x0  }
0x6a: {  	[sflag:s23] =	ssyncadd.s32 $0xFFFFD800  }
0x6b: {  	_ =	swait.ge [sflag:s24], $0x2800  }
0x6c: {  	[sflag:s24] =	ssyncset.done $0x0  }
0x6d: {  	[sflag:s24] =	ssyncadd.s32 $0xFFFFD800  }
0x6e: {  	_ =	swait.ge [sflag:s25], $0x2800  }
0x6f: {  	[sflag:s25] =	ssyncset.done $0x0  }
0x70: {  	[sflag:s25] =	ssyncadd.s32 $0xFFFFD800  }
0x71: {  	_ =	swait.ge [sflag:s26], $0x2800  }
0x72: {  	[sflag:s26] =	ssyncset.done $0x0  }
0x73: {  	s11 =	rddreg [dreg:$0xb];
	[sflag:s26] =	ssyncadd.s32 $0xFFFFD800  }
0x74: {  	[tilespmem:s15], [sflag:$0x1] =	stream.indirect.gather [hbm4b:s4+s14], $0x80, s11, s14, $0xb8;
	[tilespmem:$0x1F880] =	vst v63  }
0x75: {  	s5 =	rddreg [dreg:$0xc]  }
0x76: {  	[tilespmem:s16], [sflag:$0x2] =	stream.indirect.gather [hbm4b:s4+s14], $0x80, s5, s14, $0xb8;
	[tilespmem:$0x1F880] =	vst v63  }
0x77: {  	s11 =	rddreg [dreg:$0xd]  }
0x78: {  	[tilespmem:s17], [sflag:$0x3] =	stream.indirect.gather [hbm4b:s4+s14], $0x80, s11, s14, $0xb8;
	[tilespmem:$0x1F880] =	vst v63  }
0x79: {  	s5 =	rddreg [dreg:$0xe]  }
0x7a: {  	[tilespmem:s18], [sflag:$0x4] =	stream.indirect.gather [hbm4b:s4+s14], $0x80, s5, s14, $0xb8;
	[tilespmem:$0x1F880] =	vst v63  }
0x7b: {  	_ =	swait.ge [sflag:s19], $0x2800  }
0x7c: {  	[sflag:s19] =	ssyncset.done $0x0  }
0x7d: {  	s10 =	rddreg [dreg:$0xf];
	[sflag:s19] =	ssyncadd.s32 $0xFFFFD800  }
0x7e: {  	[spmem:s2] =	stream.indirect.scatter.add.f32 [tilespmem:s15], [sflag:$0x5], $0x80, s10, s14, $0xb8;
	[tilespmem:$0x1F880] =	vst v63  }
0x7f: {  	_ =	swait.ge [sflag:s20], $0x2800  }
0x80: {  	[sflag:s20] =	ssyncset.done $0x0  }
0x81: {  	s11 =	rddreg [dreg:$0x10];
	[sflag:s20] =	ssyncadd.s32 $0xFFFFD800  }
0x82: {  	[spmem:s2] =	stream.indirect.scatter.add.f32 [tilespmem:s16], [sflag:$0x6], $0x80, s11, s14, $0xb8;
	[tilespmem:$0x1F880] =	vst v63  }
0x83: {  	_ =	swait.ge [sflag:s21], $0x2800  }
0x84: {  	[sflag:s21] =	ssyncset.done $0x0  }
0x85: {  	s5 =	rddreg [dreg:$0x11];
	[sflag:s21] =	ssyncadd.s32 $0xFFFFD800  }
0x86: {  	[spmem:s2] =	stream.indirect.scatter.add.f32 [tilespmem:s17], [sflag:$0x7], $0x80, s5, s14, $0xb8;
	[tilespmem:$0x1F880] =	vst v63  }
0x87: {  	_ =	swait.ge [sflag:s22], $0x2800  }
0x88: {  	[sflag:s22] =	ssyncset.done $0x0  }
0x89: {  	s10 =	rddreg [dreg:$0x12];
	[sflag:s22] =	ssyncadd.s32 $0xFFFFD800  }
0x8a: {  	[spmem:s2] =	stream.indirect.scatter.add.f32 [tilespmem:s18], [sflag:$0x8], $0x80, s10, s14, $0xb8;
	[tilespmem:$0x1F880] =	vst v63  }
0x8b: {  	_ =	swait.ge [sflag:s23], $0x2800  }
0x8c: {  	[sflag:s23] =	ssyncset.done $0x0  }
0x8d: {  	[sflag:s23] =	ssyncadd.s32 $0xFFFFD800  }
0x8e: {  	_ =	swait.ge [sflag:s24], $0x2800  }
0x8f: {  	[sflag:s24] =	ssyncset.done $0x0  }
0x90: {  	[sflag:s24] =	ssyncadd.s32 $0xFFFFD800  }
0x91: {  	_ =	swait.ge [sflag:s25], $0x2800  }
0x92: {  	[sflag:s25] =	ssyncset.done $0x0  }
0x93: {  	[sflag:s25] =	ssyncadd.s32 $0xFFFFD800  }
0x94: {  	_ =	swait.ge [sflag:s26], $0x2800  }
0x95: {  	[sflag:s26] =	ssyncset.done $0x0  }
0x96: {  	s11 =	rddreg [dreg:$0x13];
	[sflag:s26] =	ssyncadd.s32 $0xFFFFD800  }
0x97: {  	[tilespmem:s15], [sflag:$0x1] =	stream.indirect.gather [hbm4b:s4+s14], $0x80, s11, s14, $0xb8;
	[tilespmem:$0x1F880] =	vst v63  }
0x98: {  	s5 =	rddreg [dreg:$0x14]  }
0x99: {  	[tilespmem:s16], [sflag:$0x2] =	stream.indirect.gather [hbm4b:s4+s14], $0x80, s5, s14, $0xb8;
	[tilespmem:$0x1F880] =	vst v63  }
0x9a: {  	s11 =	rddreg [dreg:$0x15]  }
0x9b: {  	[tilespmem:s17], [sflag:$0x3] =	stream.indirect.gather [hbm4b:s4+s14], $0x80, s11, s14, $0xb8;
	[tilespmem:$0x1F880] =	vst v63  }
0x9c: {  	s5 =	rddreg [dreg:$0x16]  }
0x9d: {  	[tilespmem:s18], [sflag:$0x4] =	stream.indirect.gather [hbm4b:s4+s14], $0x80, s5, s14, $0xb8;
	[tilespmem:$0x1F880] =	vst v63  }
0x9e: {  	_ =	swait.ge [sflag:s19], $0x2800  }
0x9f: {  	[sflag:s19] =	ssyncset.done $0x0  }
0xa0: {  	s10 =	rddreg [dreg:$0x17];
	[sflag:s19] =	ssyncadd.s32 $0xFFFFD800  }
0xa1: {  	[spmem:s2] =	stream.indirect.scatter.add.f32 [tilespmem:s15], [sflag:$0x5], $0x80, s10, s14, $0xb8;
	[tilespmem:$0x1F880] =	vst v63  }
0xa2: {  	_ =	swait.ge [sflag:s20], $0x2800  }
0xa3: {  	[sflag:s20] =	ssyncset.done $0x0  }
0xa4: {  	s11 =	rddreg [dreg:$0x18];
	[sflag:s20] =	ssyncadd.s32 $0xFFFFD800  }
0xa5: {  	[spmem:s2] =	stream.indirect.scatter.add.f32 [tilespmem:s16], [sflag:$0x6], $0x80, s11, s14, $0xb8;
	[tilespmem:$0x1F880] =	vst v63  }
0xa6: {  	_ =	swait.ge [sflag:s21], $0x2800  }
0xa7: {  	[sflag:s21] =	ssyncset.done $0x0  }
0xa8: {  	s5 =	rddreg [dreg:$0x19];
	[sflag:s21] =	ssyncadd.s32 $0xFFFFD800  }
0xa9: {  	[spmem:s2] =	stream.indirect.scatter.add.f32 [tilespmem:s17], [sflag:$0x7], $0x80, s5, s14, $0xb8;
	[tilespmem:$0x1F880] =	vst v63  }
0xaa: {  	_ =	swait.ge [sflag:s22], $0x2800  }
0xab: {  	[sflag:s22] =	ssyncset.done $0x0  }
0xac: {  	s10 =	rddreg [dreg:$0x1a];
	[sflag:s22] =	ssyncadd.s32 $0xFFFFD800  }
0xad: {  	[spmem:s2] =	stream.indirect.scatter.add.f32 [tilespmem:s18], [sflag:$0x8], $0x80, s10, s14, $0xb8;
	[tilespmem:$0x1F880] =	vst v63  }
0xae: {  	_ =	swait.ge [sflag:s23], $0x2800  }
0xaf: {  	[sflag:s23] =	ssyncset.done $0x0  }
0xb0: {  	[sflag:s23] =	ssyncadd.s32 $0xFFFFD800  }
0xb1: {  	_ =	swait.ge [sflag:s24], $0x2800  }
0xb2: {  	[sflag:s24] =	ssyncset.done $0x0  }
0xb3: {  	[sflag:s24] =	ssyncadd.s32 $0xFFFFD800  }
0xb4: {  	_ =	swait.ge [sflag:s25], $0x2800  }
0xb5: {  	[sflag:s25] =	ssyncset.done $0x0  }
0xb6: {  	[sflag:s25] =	ssyncadd.s32 $0xFFFFD800  }
0xb7: {  	_ =	swait.ge [sflag:s26], $0x2800  }
0xb8: {  	[sflag:s26] =	ssyncset.done $0x0  }
0xb9: {  	s11 =	rddreg [dreg:$0x1b];
	[sflag:s26] =	ssyncadd.s32 $0xFFFFD800  }
0xba: {  	[tilespmem:s15], [sflag:$0x1] =	stream.indirect.gather [hbm4b:s4+s14], $0x80, s11, s14, $0xb8;
	[tilespmem:$0x1F880] =	vst v63  }
0xbb: {  	s5 =	rddreg [dreg:$0x1c]  }
0xbc: {  	[tilespmem:s16], [sflag:$0x2] =	stream.indirect.gather [hbm4b:s4+s14], $0x80, s5, s14, $0xb8;
	[tilespmem:$0x1F880] =	vst v63  }
0xbd: {  	s11 =	rddreg [dreg:$0x1d]  }
0xbe: {  	[tilespmem:s17], [sflag:$0x3] =	stream.indirect.gather [hbm4b:s4+s14], $0x80, s11, s14, $0xb8;
	[tilespmem:$0x1F880] =	vst v63  }
0xbf: {  	s5 =	rddreg [dreg:$0x1e]  }
0xc0: {  	[tilespmem:s18], [sflag:$0x4] =	stream.indirect.gather [hbm4b:s4+s14], $0x80, s5, s14, $0xb8;
	[tilespmem:$0x1F880] =	vst v63  }
0xc1: {  	_ =	swait.ge [sflag:s19], $0x2800  }
0xc2: {  	[sflag:s19] =	ssyncset.done $0x0  }
0xc3: {  	s10 =	rddreg [dreg:$0x1f];
	[sflag:s19] =	ssyncadd.s32 $0xFFFFD800  }
0xc4: {  	[spmem:s2] =	stream.indirect.scatter.add.f32 [tilespmem:s15], [sflag:$0x5], $0x80, s10, s14, $0xb8;
	[tilespmem:$0x1F880] =	vst v63  }
0xc5: {  	_ =	swait.ge [sflag:s20], $0x2800  }
0xc6: {  	s11 =	sld [smem:$0x7F0]  }
0xc7: {  	[sflag:s20] =	ssyncset.done $0x0  }
0xc8: {  	[sflag:s20] =	ssyncadd.s32 $0xFFFFD800  }
0xc9: {  	[spmem:s2] =	stream.indirect.scatter.add.f32 [tilespmem:s16], [sflag:$0x6], $0x80, s11, s14, $0xb8;
	[tilespmem:$0x1F880] =	vst v63  }
0xca: {  	_ =	swait.ge [sflag:s21], $0x2800  }
0xcb: {  	s5 =	sld [smem:$0x7F1]  }
0xcc: {  	[sflag:s21] =	ssyncset.done $0x0  }
0xcd: {  	[sflag:s21] =	ssyncadd.s32 $0xFFFFD800  }
0xce: {  	[spmem:s2] =	stream.indirect.scatter.add.f32 [tilespmem:s17], [sflag:$0x7], $0x80, s5, s14, $0xb8;
	[tilespmem:$0x1F880] =	vst v63  }
0xcf: {  	_ =	swait.ge [sflag:s22], $0x2800  }
0xd0: {  	s10 =	sld [smem:$0x7F2]  }
0xd1: {  	[sflag:s22] =	ssyncset.done $0x0  }
0xd2: {  	[sflag:s22] =	ssyncadd.s32 $0xFFFFD800  }
0xd3: {  	[spmem:s2] =	stream.indirect.scatter.add.f32 [tilespmem:s18], [sflag:$0x8], $0x80, s10, s14, $0xb8;
	[tilespmem:$0x1F880] =	vst v63  }
0xd4: {  	_ =	swait.ge [sflag:s23], $0x2800  }
0xd5: {  	[sflag:s23] =	ssyncset.done $0x0  }
0xd6: {  	[sflag:s23] =	ssyncadd.s32 $0xFFFFD800  }
0xd7: {  	_ =	swait.ge [sflag:s24], $0x2800  }
0xd8: {  	[sflag:s24] =	ssyncset.done $0x0  }
0xd9: {  	[sflag:s24] =	ssyncadd.s32 $0xFFFFD800  }
0xda: {  	_ =	swait.ge [sflag:s25], $0x2800  }
0xdb: {  	[sflag:s25] =	ssyncset.done $0x0  }
0xdc: {  	[sflag:s25] =	ssyncadd.s32 $0xFFFFD800  }
0xdd: {  	_ =	swait.ge [sflag:s26], $0x2800  }
0xde: {  	s11 =	sld [smem:$0x7F3]  }
0xdf: {  	[sflag:s26] =	ssyncset.done $0x0  }
0xe0: {  	s5 =	sld [smem:$0x7F4];
	[sflag:s26] =	ssyncadd.s32 $0xFFFFD800  }
0xe1: {  	[tilespmem:s15], [sflag:$0x1] =	stream.indirect.gather [hbm4b:s4+s14], $0x80, s11, s14, $0xb8;
	[tilespmem:$0x1F880] =	vst v63  }
0xe2: {  	s11 =	sld [smem:$0x7F5]  }
0xe3: {  	[tilespmem:s16], [sflag:$0x2] =	stream.indirect.gather [hbm4b:s4+s14], $0x80, s5, s14, $0xb8;
	[tilespmem:$0x1F880] =	vst v63  }
0xe4: {  	s5 =	sld [smem:$0x7F6]  }
0xe5: {  	[tilespmem:s17], [sflag:$0x3] =	stream.indirect.gather [hbm4b:s4+s14], $0x80, s11, s14, $0xb8;
	[tilespmem:$0x1F880] =	vst v63  }
0xe6: {  	_ = 	snop  }
0xe7: {  	[tilespmem:s18], [sflag:$0x4] =	stream.indirect.gather [hbm4b:s4+s14], $0x80, s5, s14, $0xb8;
	[tilespmem:$0x1F880] =	vst v63  }
0xe8: {  	_ =	swait.ge [sflag:s19], $0x2800  }
0xe9: {  	s10 =	sld [smem:$0x7F7]  }
0xea: {  	[sflag:s19] =	ssyncset.done $0x0  }
0xeb: {  	[sflag:s19] =	ssyncadd.s32 $0xFFFFD800  }
0xec: {  	[spmem:s2] =	stream.indirect.scatter.add.f32 [tilespmem:s15], [sflag:$0x5], $0x80, s10, s14, $0xb8;
	[tilespmem:$0x1F880] =	vst v63  }
0xed: {  	_ =	swait.ge [sflag:s20], $0x2800  }
0xee: {  	s11 =	sld [smem:$0x7F8]  }
0xef: {  	[sflag:s20] =	ssyncset.done $0x0  }
0xf0: {  	[sflag:s20] =	ssyncadd.s32 $0xFFFFD800  }
0xf1: {  	[spmem:s2] =	stream.indirect.scatter.add.f32 [tilespmem:s16], [sflag:$0x6], $0x80, s11, s14, $0xb8;
	[tilespmem:$0x1F880] =	vst v63  }
0xf2: {  	_ =	swait.ge [sflag:s21], $0x2800  }
0xf3: {  	s5 =	sld [smem:$0x7F9]  }
0xf4: {  	[sflag:s21] =	ssyncset.done $0x0  }
0xf5: {  	[sflag:s21] =	ssyncadd.s32 $0xFFFFD800  }
0xf6: {  	[spmem:s2] =	stream.indirect.scatter.add.f32 [tilespmem:s17], [sflag:$0x7], $0x80, s5, s14, $0xb8;
	[tilespmem:$0x1F880] =	vst v63  }
0xf7: {  	_ =	swait.ge [sflag:s22], $0x2800  }
0xf8: {  	s10 =	sld [smem:$0x7FA]  }
0xf9: {  	[sflag:s22] =	ssyncset.done $0x0  }
0xfa: {  	[sflag:s22] =	ssyncadd.s32 $0xFFFFD800  }
0xfb: {  	[spmem:s2] =	stream.indirect.scatter.add.f32 [tilespmem:s18], [sflag:$0x8], $0x80, s10, s14, $0xb8;
	[tilespmem:$0x1F880] =	vst v63  }
0xfc: {  	_ =	swait.ge [sflag:s23], $0x2800  }
0xfd: {  	[sflag:s23] =	ssyncset.done $0x0  }
0xfe: {  	[sflag:s23] =	ssyncadd.s32 $0xFFFFD800  }
0xff: {  	_ =	swait.ge [sflag:s24], $0x2800  }
0x100: {  	[sflag:s24] =	ssyncset.done $0x0  }
0x101: {  	[sflag:s24] =	ssyncadd.s32 $0xFFFFD800  }
0x102: {  	_ =	swait.ge [sflag:s25], $0x2800  }
0x103: {  	[sflag:s25] =	ssyncset.done $0x0  }
0x104: {  	[sflag:s25] =	ssyncadd.s32 $0xFFFFD800  }
0x105: {  	_ =	swait.ge [sflag:s26], $0x2800  }
0x106: {  	s11 =	sld [smem:$0x7FB]  }
0x107: {  	[sflag:s26] =	ssyncset.done $0x0  }
0x108: {  	[sflag:s26] =	ssyncadd.s32 $0xFFFFD800  }
0x109: {  	[tilespmem:s15], [sflag:$0x1] =	stream.indirect.gather [hbm4b:s4+s14], $0x80, s11, s14, $0xb8;
	[tilespmem:$0x1F880] =	vst v63  }
0x10a: {  	_ = 	snop  }
0x10b: {  	[tilespmem:s16], [sflag:$0x2] =	stream.indirect.gather [hbm4b:s4+s14], $0x80, s28, s14, $0xb8;
	[tilespmem:$0x1F880] =	vst v63  }
0x10c: {  	_ = 	snop  }
0x10d: {  	[tilespmem:s17], [sflag:$0x3] =	stream.indirect.gather [hbm4b:s4+s14], $0x80, s29, s14, $0xb8;
	[tilespmem:$0x1F880] =	vst v63  }
0x10e: {  	_ = 	snop  }
0x10f: {  	[tilespmem:s18], [sflag:$0x4] =	stream.indirect.gather [hbm4b:s4+s14], $0x80, s30, s14, $0xb8;
	[tilespmem:$0x1F880] =	vst v63  }
0x110: {  	_ =	swait.ge [sflag:s19], $0x2800  }
0x111: {  	[sflag:s19] =	ssyncset.done $0x0  }
0x112: {  	[sflag:s19] =	ssyncadd.s32 $0xFFFFD800  }
0x113: {  	[spmem:s2] =	stream.indirect.scatter.add.f32 [tilespmem:s15], [sflag:$0x5], $0x80, s31, s14, $0xb8;
	[tilespmem:$0x1F880] =	vst v63  }
0x114: {  	_ =	swait.ge [sflag:s20], $0x2800  }
0x115: {  	[sflag:s20] =	ssyncset.done $0x0  }
0x116: {  	[sflag:s20] =	ssyncadd.s32 $0xFFFFD800  }
0x117: {  	[spmem:s2] =	stream.indirect.scatter.add.f32 [tilespmem:s16], [sflag:$0x6], $0x80, s1, s14, $0xb8;
	[tilespmem:$0x1F880] =	vst v63  }
0x118: {  	_ =	swait.ge [sflag:s21], $0x2800  }
0x119: {  	[sflag:s21] =	ssyncset.done $0x0  }
0x11a: {  	[sflag:s21] =	ssyncadd.s32 $0xFFFFD800  }
0x11b: {  	[spmem:s2] =	stream.indirect.scatter.add.f32 [tilespmem:s17], [sflag:$0x7], $0x80, s0, s14, $0xb8;
	[tilespmem:$0x1F880] =	vst v63  }
0x11c: {  	_ =	swait.ge [sflag:s22], $0x2800  }
0x11d: {  	[sflag:s22] =	ssyncset.done $0x0  }
0x11e: {  	[sflag:s22] =	ssyncadd.s32 $0xFFFFD800  }
0x11f: {  	[spmem:s2] =	stream.indirect.scatter.add.f32 [tilespmem:s18], [sflag:$0x8], $0x80, s6, s14, $0xb8;
	[tilespmem:$0x1F880] =	vst v63  }
0x120: {  	_ =	swait.ge [sflag:s23], $0x2800  }
0x121: {  	[sflag:s23] =	ssyncset.done $0x0  }
0x122: {  	[sflag:s23] =	ssyncadd.s32 $0xFFFFD800  }
0x123: {  	_ =	swait.ge [sflag:s24], $0x2800  }
0x124: {  	[sflag:s24] =	ssyncset.done $0x0  }
0x125: {  	[sflag:s24] =	ssyncadd.s32 $0xFFFFD800  }
0x126: {  	_ =	swait.ge [sflag:s25], $0x2800  }
0x127: {  	[sflag:s25] =	ssyncset.done $0x0  }
0x128: {  	[sflag:s25] =	ssyncadd.s32 $0xFFFFD800  }
0x129: {  	_ =	swait.ge [sflag:s26], $0x2800  }
0x12a: {  	[sflag:s26] =	ssyncset.done $0x0  }
0x12b: {  	[sflag:s26] =	ssyncadd.s32 $0xFFFFD800  }
0x12c: {  	[tilespmem:s15], [sflag:$0x1] =	stream.indirect.gather [hbm4b:s4+s14], $0x80, s7, s14, $0xb8;
	[tilespmem:$0x1F880] =	vst v63  }
0x12d: {  	_ =	swait.ge [sflag:s19], $0x2800  }
0x12e: {  	[sflag:s19] =	ssyncset.done $0x0  }
0x12f: {  	[sflag:s19] =	ssyncadd.s32 $0xFFFFD800  }
0x130: {  	[spmem:s2] =	stream.indirect.scatter.add.f32 [tilespmem:s15], [sflag:$0x9], $0x80, s8, s14, $0xb8;
	[tilespmem:$0x1F880] =	vst v63  }
0x131: {  	s9 =	simm.s32 $0x200;
	_ =	swait.ge [sflag:s12], $0x2800  }
0x132: {  	s10 =	simm.s32 $0x400;
	s11 =	rddreg [dreg:$0x4];
	[sflag:s12] =	ssyncset.done $0x0  }
.LBB2_2:
0x133: {  	[sflag:s12] =	ssyncadd.s32 $0xFFFFD800;
	s11 =	sadd.s32 s9, s11  }
0x134: {  	[tilespmem:s3], [sflag:$0x9] =	stream.linear.gather [hbm4b:s11+s3], $0xC80, $0x38;
	[tilespmem:$0x1F880] =	vst v63  }
0x135: {  	_ =	swait.ge [sflag:s12], $0xC80  }
0x136: {  	s11 =	rddreg [dreg:$0x3];
	[sflag:s12] =	ssyncset.done $0x0  }
0x137: {  	[sflag:s12] =	ssyncadd.s32 $0xFFFFF380;
	s11 =	sadd.s32 s9, s11  }
0x138: {  	[tilespmem:s13], [sflag:$0x9] =	stream.linear.gather [hbm4b:s11+s3], $0xC80, $0x38;
	[tilespmem:$0x1F880] =	vst v63  }
0x139: {  	_ =	swait.ge [sflag:s12], $0xC80  }
0x13a: {  	[sflag:s12] =	ssyncset.done $0x0  }
0x13b: {  	s5 =	smov.u32 s10;
	[sflag:s12] =	ssyncadd.s32 $0xFFFFF380  }
0x13c: {  	[tilespmem:s15], [sflag:$0x1] =	stream.indirect.gather [hbm4b:s4+s14], $0x80, s3, s14, $0xb8;
	[tilespmem:$0x1F880] =	vst v63  }
0x13d: {  	s9 =	smov.u32 s5;
	s5 =	rddreg [dreg:$0x5]  }
0x13e: {  	[tilespmem:s16], [sflag:$0x2] =	stream.indirect.gather [hbm4b:s4+s14], $0x80, s5, s14, $0xb8;
	[tilespmem:$0x1F880] =	vst v63  }
0x13f: {  	s11 =	rddreg [dreg:$0x6]  }
0x140: {  	[tilespmem:s17], [sflag:$0x3] =	stream.indirect.gather [hbm4b:s4+s14], $0x80, s11, s14, $0xb8;
	[tilespmem:$0x1F880] =	vst v63  }
0x141: {  	s5 =	rddreg [dreg:$0x7]  }
0x142: {  	[tilespmem:s18], [sflag:$0x4] =	stream.indirect.gather [hbm4b:s4+s14], $0x80, s5, s14, $0xb8;
	[tilespmem:$0x1F880] =	vst v63  }
0x143: {  	_ =	swait.ge [sflag:s19], $0x2800  }
0x144: {  	[sflag:s19] =	ssyncset.done $0x0  }
0x145: {  	[sflag:s19] =	ssyncadd.s32 $0xFFFFD800  }
0x146: {  	[spmem:s2] =	stream.indirect.scatter.add.f32 [tilespmem:s15], [sflag:$0x5], $0x80, s13, s14, $0xb8;
	[tilespmem:$0x1F880] =	vst v63  }
0x147: {  	_ =	swait.ge [sflag:s20], $0x2800  }
0x148: {  	[sflag:s20] =	ssyncset.done $0x0  }
0x149: {  	s11 =	rddreg [dreg:$0x8];
	[sflag:s20] =	ssyncadd.s32 $0xFFFFD800  }
0x14a: {  	[spmem:s2] =	stream.indirect.scatter.add.f32 [tilespmem:s16], [sflag:$0x6], $0x80, s11, s14, $0xb8;
	[tilespmem:$0x1F880] =	vst v63  }
0x14b: {  	_ =	swait.ge [sflag:s21], $0x2800  }
0x14c: {  	[sflag:s21] =	ssyncset.done $0x0  }
0x14d: {  	s11 =	rddreg [dreg:$0x9];
	[sflag:s21] =	ssyncadd.s32 $0xFFFFD800  }
0x14e: {  	[spmem:s2] =	stream.indirect.scatter.add.f32 [tilespmem:s17], [sflag:$0x7], $0x80, s11, s14, $0xb8;
	[tilespmem:$0x1F880] =	vst v63  }
0x14f: {  	_ =	swait.ge [sflag:s22], $0x2800  }
0x150: {  	[sflag:s22] =	ssyncset.done $0x0  }
0x151: {  	s11 =	rddreg [dreg:$0xa];
	[sflag:s22] =	ssyncadd.s32 $0xFFFFD800  }
0x152: {  	[spmem:s2] =	stream.indirect.scatter.add.f32 [tilespmem:s18], [sflag:$0x8], $0x80, s11, s14, $0xb8;
	[tilespmem:$0x1F880] =	vst v63  }
0x153: {  	_ =	swait.ge [sflag:s23], $0x2800  }
0x154: {  	[sflag:s23] =	ssyncset.done $0x0  }
0x155: {  	[sflag:s23] =	ssyncadd.s32 $0xFFFFD800  }
0x156: {  	_ =	swait.ge [sflag:s24], $0x2800  }
0x157: {  	[sflag:s24] =	ssyncset.done $0x0  }
0x158: {  	[sflag:s24] =	ssyncadd.s32 $0xFFFFD800  }
0x159: {  	_ =	swait.ge [sflag:s25], $0x2800  }
0x15a: {  	[sflag:s25] =	ssyncset.done $0x0  }
0x15b: {  	[sflag:s25] =	ssyncadd.s32 $0xFFFFD800  }
0x15c: {  	_ =	swait.ge [sflag:s26], $0x2800  }
0x15d: {  	[sflag:s26] =	ssyncset.done $0x0  }
0x15e: {  	s5 =	rddreg [dreg:$0xb];
	[sflag:s26] =	ssyncadd.s32 $0xFFFFD800  }
0x15f: {  	[tilespmem:s15], [sflag:$0x1] =	stream.indirect.gather [hbm4b:s4+s14], $0x80, s5, s14, $0xb8;
	[tilespmem:$0x1F880] =	vst v63  }
0x160: {  	s11 =	rddreg [dreg:$0xc]  }
0x161: {  	[tilespmem:s16], [sflag:$0x2] =	stream.indirect.gather [hbm4b:s4+s14], $0x80, s11, s14, $0xb8;
	[tilespmem:$0x1F880] =	vst v63  }
0x162: {  	s5 =	rddreg [dreg:$0xd]  }
0x163: {  	[tilespmem:s17], [sflag:$0x3] =	stream.indirect.gather [hbm4b:s4+s14], $0x80, s5, s14, $0xb8;
	[tilespmem:$0x1F880] =	vst v63  }
0x164: {  	s11 =	rddreg [dreg:$0xe]  }
0x165: {  	[tilespmem:s18], [sflag:$0x4] =	stream.indirect.gather [hbm4b:s4+s14], $0x80, s11, s14, $0xb8;
	[tilespmem:$0x1F880] =	vst v63  }
0x166: {  	_ =	swait.ge [sflag:s19], $0x2800  }
0x167: {  	[sflag:s19] =	ssyncset.done $0x0  }
0x168: {  	s11 =	rddreg [dreg:$0xf];
	[sflag:s19] =	ssyncadd.s32 $0xFFFFD800  }
0x169: {  	[spmem:s2] =	stream.indirect.scatter.add.f32 [tilespmem:s15], [sflag:$0x5], $0x80, s11, s14, $0xb8;
	[tilespmem:$0x1F880] =	vst v63  }
0x16a: {  	_ =	swait.ge [sflag:s20], $0x2800  }
0x16b: {  	[sflag:s20] =	ssyncset.done $0x0  }
0x16c: {  	s11 =	rddreg [dreg:$0x10];
	[sflag:s20] =	ssyncadd.s32 $0xFFFFD800  }
0x16d: {  	[spmem:s2] =	stream.indirect.scatter.add.f32 [tilespmem:s16], [sflag:$0x6], $0x80, s11, s14, $0xb8;
	[tilespmem:$0x1F880] =	vst v63  }
0x16e: {  	_ =	swait.ge [sflag:s21], $0x2800  }
0x16f: {  	[sflag:s21] =	ssyncset.done $0x0  }
0x170: {  	s11 =	rddreg [dreg:$0x11];
	[sflag:s21] =	ssyncadd.s32 $0xFFFFD800  }
0x171: {  	[spmem:s2] =	stream.indirect.scatter.add.f32 [tilespmem:s17], [sflag:$0x7], $0x80, s11, s14, $0xb8;
	[tilespmem:$0x1F880] =	vst v63  }
0x172: {  	_ =	swait.ge [sflag:s22], $0x2800  }
0x173: {  	[sflag:s22] =	ssyncset.done $0x0  }
0x174: {  	s11 =	rddreg [dreg:$0x12];
	[sflag:s22] =	ssyncadd.s32 $0xFFFFD800  }
0x175: {  	[spmem:s2] =	stream.indirect.scatter.add.f32 [tilespmem:s18], [sflag:$0x8], $0x80, s11, s14, $0xb8;
	[tilespmem:$0x1F880] =	vst v63  }
0x176: {  	_ =	swait.ge [sflag:s23], $0x2800  }
0x177: {  	[sflag:s23] =	ssyncset.done $0x0  }
0x178: {  	[sflag:s23] =	ssyncadd.s32 $0xFFFFD800  }
0x179: {  	_ =	swait.ge [sflag:s24], $0x2800  }
0x17a: {  	[sflag:s24] =	ssyncset.done $0x0  }
0x17b: {  	[sflag:s24] =	ssyncadd.s32 $0xFFFFD800  }
0x17c: {  	_ =	swait.ge [sflag:s25], $0x2800  }
0x17d: {  	[sflag:s25] =	ssyncset.done $0x0  }
0x17e: {  	[sflag:s25] =	ssyncadd.s32 $0xFFFFD800  }
0x17f: {  	_ =	swait.ge [sflag:s26], $0x2800  }
0x180: {  	[sflag:s26] =	ssyncset.done $0x0  }
0x181: {  	s5 =	rddreg [dreg:$0x13];
	[sflag:s26] =	ssyncadd.s32 $0xFFFFD800  }
0x182: {  	[tilespmem:s15], [sflag:$0x1] =	stream.indirect.gather [hbm4b:s4+s14], $0x80, s5, s14, $0xb8;
	[tilespmem:$0x1F880] =	vst v63  }
0x183: {  	s11 =	rddreg [dreg:$0x14]  }
0x184: {  	[tilespmem:s16], [sflag:$0x2] =	stream.indirect.gather [hbm4b:s4+s14], $0x80, s11, s14, $0xb8;
	[tilespmem:$0x1F880] =	vst v63  }
0x185: {  	s5 =	rddreg [dreg:$0x15]  }
0x186: {  	[tilespmem:s17], [sflag:$0x3] =	stream.indirect.gather [hbm4b:s4+s14], $0x80, s5, s14, $0xb8;
	[tilespmem:$0x1F880] =	vst v63  }
0x187: {  	s11 =	rddreg [dreg:$0x16]  }
0x188: {  	[tilespmem:s18], [sflag:$0x4] =	stream.indirect.gather [hbm4b:s4+s14], $0x80, s11, s14, $0xb8;
	[tilespmem:$0x1F880] =	vst v63  }
0x189: {  	_ =	swait.ge [sflag:s19], $0x2800  }
0x18a: {  	[sflag:s19] =	ssyncset.done $0x0  }
0x18b: {  	s11 =	rddreg [dreg:$0x17];
	[sflag:s19] =	ssyncadd.s32 $0xFFFFD800  }
0x18c: {  	[spmem:s2] =	stream.indirect.scatter.add.f32 [tilespmem:s15], [sflag:$0x5], $0x80, s11, s14, $0xb8;
	[tilespmem:$0x1F880] =	vst v63  }
0x18d: {  	_ =	swait.ge [sflag:s20], $0x2800  }
0x18e: {  	[sflag:s20] =	ssyncset.done $0x0  }
0x18f: {  	s11 =	rddreg [dreg:$0x18];
	[sflag:s20] =	ssyncadd.s32 $0xFFFFD800  }
0x190: {  	[spmem:s2] =	stream.indirect.scatter.add.f32 [tilespmem:s16], [sflag:$0x6], $0x80, s11, s14, $0xb8;
	[tilespmem:$0x1F880] =	vst v63  }
0x191: {  	_ =	swait.ge [sflag:s21], $0x2800  }
0x192: {  	[sflag:s21] =	ssyncset.done $0x0  }
0x193: {  	s11 =	rddreg [dreg:$0x19];
	[sflag:s21] =	ssyncadd.s32 $0xFFFFD800  }
0x194: {  	[spmem:s2] =	stream.indirect.scatter.add.f32 [tilespmem:s17], [sflag:$0x7], $0x80, s11, s14, $0xb8;
	[tilespmem:$0x1F880] =	vst v63  }
0x195: {  	_ =	swait.ge [sflag:s22], $0x2800  }
0x196: {  	[sflag:s22] =	ssyncset.done $0x0  }
0x197: {  	s11 =	rddreg [dreg:$0x1a];
	[sflag:s22] =	ssyncadd.s32 $0xFFFFD800  }
0x198: {  	[spmem:s2] =	stream.indirect.scatter.add.f32 [tilespmem:s18], [sflag:$0x8], $0x80, s11, s14, $0xb8;
	[tilespmem:$0x1F880] =	vst v63  }
0x199: {  	_ =	swait.ge [sflag:s23], $0x2800  }
0x19a: {  	[sflag:s23] =	ssyncset.done $0x0  }
0x19b: {  	[sflag:s23] =	ssyncadd.s32 $0xFFFFD800  }
0x19c: {  	_ =	swait.ge [sflag:s24], $0x2800  }
0x19d: {  	[sflag:s24] =	ssyncset.done $0x0  }
0x19e: {  	[sflag:s24] =	ssyncadd.s32 $0xFFFFD800  }
0x19f: {  	_ =	swait.ge [sflag:s25], $0x2800  }
0x1a0: {  	[sflag:s25] =	ssyncset.done $0x0  }
0x1a1: {  	[sflag:s25] =	ssyncadd.s32 $0xFFFFD800  }
0x1a2: {  	_ =	swait.ge [sflag:s26], $0x2800  }
0x1a3: {  	[sflag:s26] =	ssyncset.done $0x0  }
0x1a4: {  	s5 =	rddreg [dreg:$0x1b];
	[sflag:s26] =	ssyncadd.s32 $0xFFFFD800  }
0x1a5: {  	[tilespmem:s15], [sflag:$0x1] =	stream.indirect.gather [hbm4b:s4+s14], $0x80, s5, s14, $0xb8;
	[tilespmem:$0x1F880] =	vst v63  }
0x1a6: {  	s11 =	rddreg [dreg:$0x1c]  }
0x1a7: {  	[tilespmem:s16], [sflag:$0x2] =	stream.indirect.gather [hbm4b:s4+s14], $0x80, s11, s14, $0xb8;
	[tilespmem:$0x1F880] =	vst v63  }
0x1a8: {  	s5 =	rddreg [dreg:$0x1d]  }
0x1a9: {  	[tilespmem:s17], [sflag:$0x3] =	stream.indirect.gather [hbm4b:s4+s14], $0x80, s5, s14, $0xb8;
	[tilespmem:$0x1F880] =	vst v63  }
0x1aa: {  	s11 =	rddreg [dreg:$0x1e]  }
0x1ab: {  	[tilespmem:s18], [sflag:$0x4] =	stream.indirect.gather [hbm4b:s4+s14], $0x80, s11, s14, $0xb8;
	[tilespmem:$0x1F880] =	vst v63  }
0x1ac: {  	_ =	swait.ge [sflag:s19], $0x2800  }
0x1ad: {  	[sflag:s19] =	ssyncset.done $0x0  }
0x1ae: {  	s11 =	rddreg [dreg:$0x1f];
	[sflag:s19] =	ssyncadd.s32 $0xFFFFD800  }
0x1af: {  	[spmem:s2] =	stream.indirect.scatter.add.f32 [tilespmem:s15], [sflag:$0x5], $0x80, s11, s14, $0xb8;
	[tilespmem:$0x1F880] =	vst v63  }
0x1b0: {  	_ =	swait.ge [sflag:s20], $0x2800  }
0x1b1: {  	s11 =	sld [smem:$0x7F0]  }
0x1b2: {  	[sflag:s20] =	ssyncset.done $0x0  }
0x1b3: {  	[sflag:s20] =	ssyncadd.s32 $0xFFFFD800  }
0x1b4: {  	[spmem:s2] =	stream.indirect.scatter.add.f32 [tilespmem:s16], [sflag:$0x6], $0x80, s11, s14, $0xb8;
	[tilespmem:$0x1F880] =	vst v63  }
0x1b5: {  	_ =	swait.ge [sflag:s21], $0x2800  }
0x1b6: {  	s11 =	sld [smem:$0x7F1]  }
0x1b7: {  	[sflag:s21] =	ssyncset.done $0x0  }
0x1b8: {  	[sflag:s21] =	ssyncadd.s32 $0xFFFFD800  }
0x1b9: {  	[spmem:s2] =	stream.indirect.scatter.add.f32 [tilespmem:s17], [sflag:$0x7], $0x80, s11, s14, $0xb8;
	[tilespmem:$0x1F880] =	vst v63  }
0x1ba: {  	_ =	swait.ge [sflag:s22], $0x2800  }
0x1bb: {  	s11 =	sld [smem:$0x7F2]  }
0x1bc: {  	[sflag:s22] =	ssyncset.done $0x0  }
0x1bd: {  	[sflag:s22] =	ssyncadd.s32 $0xFFFFD800  }
0x1be: {  	[spmem:s2] =	stream.indirect.scatter.add.f32 [tilespmem:s18], [sflag:$0x8], $0x80, s11, s14, $0xb8;
	[tilespmem:$0x1F880] =	vst v63  }
0x1bf: {  	_ =	swait.ge [sflag:s23], $0x2800  }
0x1c0: {  	[sflag:s23] =	ssyncset.done $0x0  }
0x1c1: {  	[sflag:s23] =	ssyncadd.s32 $0xFFFFD800  }
0x1c2: {  	_ =	swait.ge [sflag:s24], $0x2800  }
0x1c3: {  	[sflag:s24] =	ssyncset.done $0x0  }
0x1c4: {  	[sflag:s24] =	ssyncadd.s32 $0xFFFFD800  }
0x1c5: {  	_ =	swait.ge [sflag:s25], $0x2800  }
0x1c6: {  	[sflag:s25] =	ssyncset.done $0x0  }
0x1c7: {  	[sflag:s25] =	ssyncadd.s32 $0xFFFFD800  }
0x1c8: {  	_ =	swait.ge [sflag:s26], $0x2800  }
0x1c9: {  	s5 =	sld [smem:$0x7F3]  }
0x1ca: {  	[sflag:s26] =	ssyncset.done $0x0  }
0x1cb: {  	s11 =	sld [smem:$0x7F4];
	[sflag:s26] =	ssyncadd.s32 $0xFFFFD800  }
0x1cc: {  	[tilespmem:s15], [sflag:$0x1] =	stream.indirect.gather [hbm4b:s4+s14], $0x80, s5, s14, $0xb8;
	[tilespmem:$0x1F880] =	vst v63  }
0x1cd: {  	s5 =	sld [smem:$0x7F5]  }
0x1ce: {  	[tilespmem:s16], [sflag:$0x2] =	stream.indirect.gather [hbm4b:s4+s14], $0x80, s11, s14, $0xb8;
	[tilespmem:$0x1F880] =	vst v63  }
0x1cf: {  	s11 =	sld [smem:$0x7F6]  }
0x1d0: {  	[tilespmem:s17], [sflag:$0x3] =	stream.indirect.gather [hbm4b:s4+s14], $0x80, s5, s14, $0xb8;
	[tilespmem:$0x1F880] =	vst v63  }
0x1d1: {  	_ = 	snop  }
0x1d2: {  	[tilespmem:s18], [sflag:$0x4] =	stream.indirect.gather [hbm4b:s4+s14], $0x80, s11, s14, $0xb8;
	[tilespmem:$0x1F880] =	vst v63  }
0x1d3: {  	_ =	swait.ge [sflag:s19], $0x2800  }
0x1d4: {  	s11 =	sld [smem:$0x7F7]  }
0x1d5: {  	[sflag:s19] =	ssyncset.done $0x0  }
0x1d6: {  	[sflag:s19] =	ssyncadd.s32 $0xFFFFD800  }
0x1d7: {  	[spmem:s2] =	stream.indirect.scatter.add.f32 [tilespmem:s15], [sflag:$0x5], $0x80, s11, s14, $0xb8;
	[tilespmem:$0x1F880] =	vst v63  }
0x1d8: {  	_ =	swait.ge [sflag:s20], $0x2800  }
0x1d9: {  	s11 =	sld [smem:$0x7F8]  }
0x1da: {  	[sflag:s20] =	ssyncset.done $0x0  }
0x1db: {  	[sflag:s20] =	ssyncadd.s32 $0xFFFFD800  }
0x1dc: {  	[spmem:s2] =	stream.indirect.scatter.add.f32 [tilespmem:s16], [sflag:$0x6], $0x80, s11, s14, $0xb8;
	[tilespmem:$0x1F880] =	vst v63  }
0x1dd: {  	_ =	swait.ge [sflag:s21], $0x2800  }
0x1de: {  	s11 =	sld [smem:$0x7F9]  }
0x1df: {  	[sflag:s21] =	ssyncset.done $0x0  }
0x1e0: {  	[sflag:s21] =	ssyncadd.s32 $0xFFFFD800  }
0x1e1: {  	[spmem:s2] =	stream.indirect.scatter.add.f32 [tilespmem:s17], [sflag:$0x7], $0x80, s11, s14, $0xb8;
	[tilespmem:$0x1F880] =	vst v63  }
0x1e2: {  	_ =	swait.ge [sflag:s22], $0x2800  }
0x1e3: {  	s11 =	sld [smem:$0x7FA]  }
0x1e4: {  	[sflag:s22] =	ssyncset.done $0x0  }
0x1e5: {  	[sflag:s22] =	ssyncadd.s32 $0xFFFFD800  }
0x1e6: {  	[spmem:s2] =	stream.indirect.scatter.add.f32 [tilespmem:s18], [sflag:$0x8], $0x80, s11, s14, $0xb8;
	[tilespmem:$0x1F880] =	vst v63  }
0x1e7: {  	_ =	swait.ge [sflag:s23], $0x2800  }
0x1e8: {  	[sflag:s23] =	ssyncset.done $0x0  }
0x1e9: {  	[sflag:s23] =	ssyncadd.s32 $0xFFFFD800  }
0x1ea: {  	_ =	swait.ge [sflag:s24], $0x2800  }
0x1eb: {  	[sflag:s24] =	ssyncset.done $0x0  }
0x1ec: {  	[sflag:s24] =	ssyncadd.s32 $0xFFFFD800  }
0x1ed: {  	_ =	swait.ge [sflag:s25], $0x2800  }
0x1ee: {  	[sflag:s25] =	ssyncset.done $0x0  }
0x1ef: {  	[sflag:s25] =	ssyncadd.s32 $0xFFFFD800  }
0x1f0: {  	_ =	swait.ge [sflag:s26], $0x2800  }
0x1f1: {  	s11 =	sld [smem:$0x7FB]  }
0x1f2: {  	[sflag:s26] =	ssyncset.done $0x0  }
0x1f3: {  	[sflag:s26] =	ssyncadd.s32 $0xFFFFD800  }
0x1f4: {  	[tilespmem:s15], [sflag:$0x1] =	stream.indirect.gather [hbm4b:s4+s14], $0x80, s11, s14, $0xb8;
	[tilespmem:$0x1F880] =	vst v63  }
0x1f5: {  	_ = 	snop  }
0x1f6: {  	[tilespmem:s16], [sflag:$0x2] =	stream.indirect.gather [hbm4b:s4+s14], $0x80, s28, s14, $0xb8;
	[tilespmem:$0x1F880] =	vst v63  }
0x1f7: {  	_ = 	snop  }
0x1f8: {  	[tilespmem:s17], [sflag:$0x3] =	stream.indirect.gather [hbm4b:s4+s14], $0x80, s29, s14, $0xb8;
	[tilespmem:$0x1F880] =	vst v63  }
0x1f9: {  	_ = 	snop  }
0x1fa: {  	[tilespmem:s18], [sflag:$0x4] =	stream.indirect.gather [hbm4b:s4+s14], $0x80, s30, s14, $0xb8;
	[tilespmem:$0x1F880] =	vst v63  }
0x1fb: {  	_ =	swait.ge [sflag:s19], $0x2800  }
0x1fc: {  	[sflag:s19] =	ssyncset.done $0x0  }
0x1fd: {  	[sflag:s19] =	ssyncadd.s32 $0xFFFFD800  }
0x1fe: {  	[spmem:s2] =	stream.indirect.scatter.add.f32 [tilespmem:s15], [sflag:$0x5], $0x80, s31, s14, $0xb8;
	[tilespmem:$0x1F880] =	vst v63  }
0x1ff: {  	_ =	swait.ge [sflag:s20], $0x2800  }
0x200: {  	[sflag:s20] =	ssyncset.done $0x0  }
0x201: {  	[sflag:s20] =	ssyncadd.s32 $0xFFFFD800  }
0x202: {  	[spmem:s2] =	stream.indirect.scatter.add.f32 [tilespmem:s16], [sflag:$0x6], $0x80, s1, s14, $0xb8;
	[tilespmem:$0x1F880] =	vst v63  }
0x203: {  	_ =	swait.ge [sflag:s21], $0x2800  }
0x204: {  	[sflag:s21] =	ssyncset.done $0x0  }
0x205: {  	[sflag:s21] =	ssyncadd.s32 $0xFFFFD800  }
0x206: {  	[spmem:s2] =	stream.indirect.scatter.add.f32 [tilespmem:s17], [sflag:$0x7], $0x80, s0, s14, $0xb8;
	[tilespmem:$0x1F880] =	vst v63  }
0x207: {  	_ =	swait.ge [sflag:s22], $0x2800  }
0x208: {  	[sflag:s22] =	ssyncset.done $0x0  }
0x209: {  	[sflag:s22] =	ssyncadd.s32 $0xFFFFD800  }
0x20a: {  	[spmem:s2] =	stream.indirect.scatter.add.f32 [tilespmem:s18], [sflag:$0x8], $0x80, s6, s14, $0xb8;
	[tilespmem:$0x1F880] =	vst v63  }
0x20b: {  	_ =	swait.ge [sflag:s23], $0x2800  }
0x20c: {  	[sflag:s23] =	ssyncset.done $0x0  }
0x20d: {  	[sflag:s23] =	ssyncadd.s32 $0xFFFFD800  }
0x20e: {  	_ =	swait.ge [sflag:s24], $0x2800  }
0x20f: {  	[sflag:s24] =	ssyncset.done $0x0  }
0x210: {  	[sflag:s24] =	ssyncadd.s32 $0xFFFFD800  }
0x211: {  	_ =	swait.ge [sflag:s25], $0x2800  }
0x212: {  	[sflag:s25] =	ssyncset.done $0x0  }
0x213: {  	[sflag:s25] =	ssyncadd.s32 $0xFFFFD800  }
0x214: {  	_ =	swait.ge [sflag:s26], $0x2800  }
0x215: {  	[sflag:s26] =	ssyncset.done $0x0  }
0x216: {  	[sflag:s26] =	ssyncadd.s32 $0xFFFFD800  }
0x217: {  	[tilespmem:s15], [sflag:$0x1] =	stream.indirect.gather [hbm4b:s4+s14], $0x80, s7, s14, $0xb8;
	[tilespmem:$0x1F880] =	vst v63  }
0x218: {  	p1 =	sne.s32 s10, $0x800;
	_ =	swait.ge [sflag:s19], $0x2800  }
.Ltmp0:
0x219: {  	[sflag:s19] =	ssyncset.done $0x0;
	(pc) =	sbr.rel @p1 .LBB2_2-.Ltmp0, $4  }
0x21a: {  	[sflag:s19] =	ssyncadd.s32 $0xFFFFD800  }
0x21b: {  	[spmem:s2] =	stream.indirect.scatter.add.f32 [tilespmem:s15], [sflag:$0x9], $0x80, s8, s14, $0xb8;
	[tilespmem:$0x1F880] =	vst v63  }
0x21c: {  	_ =	swait.ge [sflag:s12], $0x2800  }
0x21d: {  	s10 =	sadd.s32 $0x200, s10;
	s11 =	rddreg [dreg:$0x4];
	[sflag:s12] =	ssyncset.done $0x0  }
0x21e: {  	[sflag:s12] =	ssyncadd.s32 $0xFFFFD800;
	s5 =	sadd.s32 s9, s11  }
0x21f: {  	[tilespmem:s3], [sflag:$0x9] =	stream.linear.gather [hbm4b:s5+s3], $0xC80, $0x38;
	[tilespmem:$0x1F880] =	vst v63  }
0x220: {  	_ =	swait.ge [sflag:s12], $0xC80  }
0x221: {  	s11 =	rddreg [dreg:$0x3];
	[sflag:s12] =	ssyncset.done $0x0  }
0x222: {  	[sflag:s12] =	ssyncadd.s32 $0xFFFFF380;
	s5 =	sadd.s32 s9, s11  }
0x223: {  	[tilespmem:s13], [sflag:$0x9] =	stream.linear.gather [hbm4b:s5+s3], $0xC80, $0x38;
	[tilespmem:$0x1F880] =	vst v63  }
0x224: {  	_ =	swait.ge [sflag:s12], $0xC80  }
0x225: {  	[sflag:s12] =	ssyncset.done $0x0  }
0x226: {  	[sflag:s12] =	ssyncadd.s32 $0xFFFFF380  }
0x227: {  	[tilespmem:s15], [sflag:$0x1] =	stream.indirect.gather [hbm4b:s4+s14], $0x80, s3, s14, $0xb8;
	[tilespmem:$0x1F880] =	vst v63  }
0x228: {  	s9 =	rddreg [dreg:$0x5]  }
0x229: {  	[tilespmem:s16], [sflag:$0x2] =	stream.indirect.gather [hbm4b:s4+s14], $0x80, s9, s14, $0xb8;
	[tilespmem:$0x1F880] =	vst v63  }
0x22a: {  	s10 =	rddreg [dreg:$0x6]  }
0x22b: {  	[tilespmem:s17], [sflag:$0x3] =	stream.indirect.gather [hbm4b:s4+s14], $0x80, s10, s14, $0xb8;
	[tilespmem:$0x1F880] =	vst v63  }
0x22c: {  	s11 =	rddreg [dreg:$0x7]  }
0x22d: {  	[tilespmem:s18], [sflag:$0x4] =	stream.indirect.gather [hbm4b:s4+s14], $0x80, s11, s14, $0xb8;
	[tilespmem:$0x1F880] =	vst v63  }
0x22e: {  	_ =	swait.ge [sflag:s19], $0x2800  }
0x22f: {  	[sflag:s19] =	ssyncset.done $0x0  }
0x230: {  	[sflag:s19] =	ssyncadd.s32 $0xFFFFD800  }
0x231: {  	[spmem:s2] =	stream.indirect.scatter.add.f32 [tilespmem:s15], [sflag:$0x5], $0x80, s13, s14, $0xb8;
	[tilespmem:$0x1F880] =	vst v63  }
0x232: {  	_ =	swait.ge [sflag:s20], $0x2800  }
0x233: {  	[sflag:s20] =	ssyncset.done $0x0  }
0x234: {  	s10 =	rddreg [dreg:$0x8];
	[sflag:s20] =	ssyncadd.s32 $0xFFFFD800  }
0x235: {  	[spmem:s2] =	stream.indirect.scatter.add.f32 [tilespmem:s16], [sflag:$0x6], $0x80, s10, s14, $0xb8;
	[tilespmem:$0x1F880] =	vst v63  }
0x236: {  	_ =	swait.ge [sflag:s21], $0x2800  }
0x237: {  	[sflag:s21] =	ssyncset.done $0x0  }
0x238: {  	s11 =	rddreg [dreg:$0x9];
	[sflag:s21] =	ssyncadd.s32 $0xFFFFD800  }
0x239: {  	[spmem:s2] =	stream.indirect.scatter.add.f32 [tilespmem:s17], [sflag:$0x7], $0x80, s11, s14, $0xb8;
	[tilespmem:$0x1F880] =	vst v63  }
0x23a: {  	_ =	swait.ge [sflag:s22], $0x2800  }
0x23b: {  	[sflag:s22] =	ssyncset.done $0x0  }
0x23c: {  	s9 =	rddreg [dreg:$0xa];
	[sflag:s22] =	ssyncadd.s32 $0xFFFFD800  }
0x23d: {  	[spmem:s2] =	stream.indirect.scatter.add.f32 [tilespmem:s18], [sflag:$0x8], $0x80, s9, s14, $0xb8;
	[tilespmem:$0x1F880] =	vst v63  }
0x23e: {  	_ =	swait.ge [sflag:s23], $0x2800  }
0x23f: {  	[sflag:s23] =	ssyncset.done $0x0  }
0x240: {  	[sflag:s23] =	ssyncadd.s32 $0xFFFFD800  }
0x241: {  	_ =	swait.ge [sflag:s24], $0x2800  }
0x242: {  	[sflag:s24] =	ssyncset.done $0x0  }
0x243: {  	[sflag:s24] =	ssyncadd.s32 $0xFFFFD800  }
0x244: {  	_ =	swait.ge [sflag:s25], $0x2800  }
0x245: {  	[sflag:s25] =	ssyncset.done $0x0  }
0x246: {  	[sflag:s25] =	ssyncadd.s32 $0xFFFFD800  }
0x247: {  	_ =	swait.ge [sflag:s26], $0x2800  }
0x248: {  	[sflag:s26] =	ssyncset.done $0x0  }
0x249: {  	s10 =	rddreg [dreg:$0xb];
	[sflag:s26] =	ssyncadd.s32 $0xFFFFD800  }
0x24a: {  	[tilespmem:s15], [sflag:$0x1] =	stream.indirect.gather [hbm4b:s4+s14], $0x80, s10, s14, $0xb8;
	[tilespmem:$0x1F880] =	vst v63  }
0x24b: {  	s11 =	rddreg [dreg:$0xc]  }
0x24c: {  	[tilespmem:s16], [sflag:$0x2] =	stream.indirect.gather [hbm4b:s4+s14], $0x80, s11, s14, $0xb8;
	[tilespmem:$0x1F880] =	vst v63  }
0x24d: {  	s10 =	rddreg [dreg:$0xd]  }
0x24e: {  	[tilespmem:s17], [sflag:$0x3] =	stream.indirect.gather [hbm4b:s4+s14], $0x80, s10, s14, $0xb8;
	[tilespmem:$0x1F880] =	vst v63  }
0x24f: {  	s11 =	rddreg [dreg:$0xe]  }
0x250: {  	[tilespmem:s18], [sflag:$0x4] =	stream.indirect.gather [hbm4b:s4+s14], $0x80, s11, s14, $0xb8;
	[tilespmem:$0x1F880] =	vst v63  }
0x251: {  	_ =	swait.ge [sflag:s19], $0x2800  }
0x252: {  	[sflag:s19] =	ssyncset.done $0x0  }
0x253: {  	s9 =	rddreg [dreg:$0xf];
	[sflag:s19] =	ssyncadd.s32 $0xFFFFD800  }
0x254: {  	[spmem:s2] =	stream.indirect.scatter.add.f32 [tilespmem:s15], [sflag:$0x5], $0x80, s9, s14, $0xb8;
	[tilespmem:$0x1F880] =	vst v63  }
0x255: {  	_ =	swait.ge [sflag:s20], $0x2800  }
0x256: {  	[sflag:s20] =	ssyncset.done $0x0  }
0x257: {  	s10 =	rddreg [dreg:$0x10];
	[sflag:s20] =	ssyncadd.s32 $0xFFFFD800  }
0x258: {  	[spmem:s2] =	stream.indirect.scatter.add.f32 [tilespmem:s16], [sflag:$0x6], $0x80, s10, s14, $0xb8;
	[tilespmem:$0x1F880] =	vst v63  }
0x259: {  	_ =	swait.ge [sflag:s21], $0x2800  }
0x25a: {  	[sflag:s21] =	ssyncset.done $0x0  }
0x25b: {  	s11 =	rddreg [dreg:$0x11];
	[sflag:s21] =	ssyncadd.s32 $0xFFFFD800  }
0x25c: {  	[spmem:s2] =	stream.indirect.scatter.add.f32 [tilespmem:s17], [sflag:$0x7], $0x80, s11, s14, $0xb8;
	[tilespmem:$0x1F880] =	vst v63  }
0x25d: {  	_ =	swait.ge [sflag:s22], $0x2800  }
0x25e: {  	[sflag:s22] =	ssyncset.done $0x0  }
0x25f: {  	s9 =	rddreg [dreg:$0x12];
	[sflag:s22] =	ssyncadd.s32 $0xFFFFD800  }
0x260: {  	[spmem:s2] =	stream.indirect.scatter.add.f32 [tilespmem:s18], [sflag:$0x8], $0x80, s9, s14, $0xb8;
	[tilespmem:$0x1F880] =	vst v63  }
0x261: {  	_ =	swait.ge [sflag:s23], $0x2800  }
0x262: {  	[sflag:s23] =	ssyncset.done $0x0  }
0x263: {  	[sflag:s23] =	ssyncadd.s32 $0xFFFFD800  }
0x264: {  	_ =	swait.ge [sflag:s24], $0x2800  }
0x265: {  	[sflag:s24] =	ssyncset.done $0x0  }
0x266: {  	[sflag:s24] =	ssyncadd.s32 $0xFFFFD800  }
0x267: {  	_ =	swait.ge [sflag:s25], $0x2800  }
0x268: {  	[sflag:s25] =	ssyncset.done $0x0  }
0x269: {  	[sflag:s25] =	ssyncadd.s32 $0xFFFFD800  }
0x26a: {  	_ =	swait.ge [sflag:s26], $0x2800  }
0x26b: {  	[sflag:s26] =	ssyncset.done $0x0  }
0x26c: {  	s10 =	rddreg [dreg:$0x13];
	[sflag:s26] =	ssyncadd.s32 $0xFFFFD800  }
0x26d: {  	[tilespmem:s15], [sflag:$0x1] =	stream.indirect.gather [hbm4b:s4+s14], $0x80, s10, s14, $0xb8;
	[tilespmem:$0x1F880] =	vst v63  }
0x26e: {  	s11 =	rddreg [dreg:$0x14]  }
0x26f: {  	[tilespmem:s16], [sflag:$0x2] =	stream.indirect.gather [hbm4b:s4+s14], $0x80, s11, s14, $0xb8;
	[tilespmem:$0x1F880] =	vst v63  }
0x270: {  	s10 =	rddreg [dreg:$0x15]  }
0x271: {  	[tilespmem:s17], [sflag:$0x3] =	stream.indirect.gather [hbm4b:s4+s14], $0x80, s10, s14, $0xb8;
	[tilespmem:$0x1F880] =	vst v63  }
0x272: {  	s11 =	rddreg [dreg:$0x16]  }
0x273: {  	[tilespmem:s18], [sflag:$0x4] =	stream.indirect.gather [hbm4b:s4+s14], $0x80, s11, s14, $0xb8;
	[tilespmem:$0x1F880] =	vst v63  }
0x274: {  	_ =	swait.ge [sflag:s19], $0x2800  }
0x275: {  	[sflag:s19] =	ssyncset.done $0x0  }
0x276: {  	s9 =	rddreg [dreg:$0x17];
	[sflag:s19] =	ssyncadd.s32 $0xFFFFD800  }
0x277: {  	[spmem:s2] =	stream.indirect.scatter.add.f32 [tilespmem:s15], [sflag:$0x5], $0x80, s9, s14, $0xb8;
	[tilespmem:$0x1F880] =	vst v63  }
0x278: {  	_ =	swait.ge [sflag:s20], $0x2800  }
0x279: {  	[sflag:s20] =	ssyncset.done $0x0  }
0x27a: {  	s10 =	rddreg [dreg:$0x18];
	[sflag:s20] =	ssyncadd.s32 $0xFFFFD800  }
0x27b: {  	[spmem:s2] =	stream.indirect.scatter.add.f32 [tilespmem:s16], [sflag:$0x6], $0x80, s10, s14, $0xb8;
	[tilespmem:$0x1F880] =	vst v63  }
0x27c: {  	_ =	swait.ge [sflag:s21], $0x2800  }
0x27d: {  	[sflag:s21] =	ssyncset.done $0x0  }
0x27e: {  	s11 =	rddreg [dreg:$0x19];
	[sflag:s21] =	ssyncadd.s32 $0xFFFFD800  }
0x27f: {  	[spmem:s2] =	stream.indirect.scatter.add.f32 [tilespmem:s17], [sflag:$0x7], $0x80, s11, s14, $0xb8;
	[tilespmem:$0x1F880] =	vst v63  }
0x280: {  	_ =	swait.ge [sflag:s22], $0x2800  }
0x281: {  	[sflag:s22] =	ssyncset.done $0x0  }
0x282: {  	s9 =	rddreg [dreg:$0x1a];
	[sflag:s22] =	ssyncadd.s32 $0xFFFFD800  }
0x283: {  	[spmem:s2] =	stream.indirect.scatter.add.f32 [tilespmem:s18], [sflag:$0x8], $0x80, s9, s14, $0xb8;
	[tilespmem:$0x1F880] =	vst v63  }
0x284: {  	_ =	swait.ge [sflag:s23], $0x2800  }
0x285: {  	[sflag:s23] =	ssyncset.done $0x0  }
0x286: {  	[sflag:s23] =	ssyncadd.s32 $0xFFFFD800  }
0x287: {  	_ =	swait.ge [sflag:s24], $0x2800  }
0x288: {  	[sflag:s24] =	ssyncset.done $0x0  }
0x289: {  	[sflag:s24] =	ssyncadd.s32 $0xFFFFD800  }
0x28a: {  	_ =	swait.ge [sflag:s25], $0x2800  }
0x28b: {  	[sflag:s25] =	ssyncset.done $0x0  }
0x28c: {  	[sflag:s25] =	ssyncadd.s32 $0xFFFFD800  }
0x28d: {  	_ =	swait.ge [sflag:s26], $0x2800  }
0x28e: {  	[sflag:s26] =	ssyncset.done $0x0  }
0x28f: {  	s10 =	rddreg [dreg:$0x1b];
	[sflag:s26] =	ssyncadd.s32 $0xFFFFD800  }
0x290: {  	[tilespmem:s15], [sflag:$0x1] =	stream.indirect.gather [hbm4b:s4+s14], $0x80, s10, s14, $0xb8;
	[tilespmem:$0x1F880] =	vst v63  }
0x291: {  	s11 =	rddreg [dreg:$0x1c]  }
0x292: {  	[tilespmem:s16], [sflag:$0x2] =	stream.indirect.gather [hbm4b:s4+s14], $0x80, s11, s14, $0xb8;
	[tilespmem:$0x1F880] =	vst v63  }
0x293: {  	s10 =	rddreg [dreg:$0x1d]  }
0x294: {  	[tilespmem:s17], [sflag:$0x3] =	stream.indirect.gather [hbm4b:s4+s14], $0x80, s10, s14, $0xb8;
	[tilespmem:$0x1F880] =	vst v63  }
0x295: {  	s11 =	rddreg [dreg:$0x1e]  }
0x296: {  	[tilespmem:s18], [sflag:$0x4] =	stream.indirect.gather [hbm4b:s4+s14], $0x80, s11, s14, $0xb8;
	[tilespmem:$0x1F880] =	vst v63  }
0x297: {  	_ =	swait.ge [sflag:s19], $0x2800  }
0x298: {  	[sflag:s19] =	ssyncset.done $0x0  }
0x299: {  	s9 =	rddreg [dreg:$0x1f];
	[sflag:s19] =	ssyncadd.s32 $0xFFFFD800  }
0x29a: {  	[spmem:s2] =	stream.indirect.scatter.add.f32 [tilespmem:s15], [sflag:$0x5], $0x80, s9, s14, $0xb8;
	[tilespmem:$0x1F880] =	vst v63  }
0x29b: {  	_ =	swait.ge [sflag:s20], $0x2800  }
0x29c: {  	s10 =	sld [smem:$0x7F0]  }
0x29d: {  	[sflag:s20] =	ssyncset.done $0x0  }
0x29e: {  	[sflag:s20] =	ssyncadd.s32 $0xFFFFD800  }
0x29f: {  	[spmem:s2] =	stream.indirect.scatter.add.f32 [tilespmem:s16], [sflag:$0x6], $0x80, s10, s14, $0xb8;
	[tilespmem:$0x1F880] =	vst v63  }
0x2a0: {  	_ =	swait.ge [sflag:s21], $0x2800  }
0x2a1: {  	s11 =	sld [smem:$0x7F1]  }
0x2a2: {  	[sflag:s21] =	ssyncset.done $0x0  }
0x2a3: {  	[sflag:s21] =	ssyncadd.s32 $0xFFFFD800  }
0x2a4: {  	[spmem:s2] =	stream.indirect.scatter.add.f32 [tilespmem:s17], [sflag:$0x7], $0x80, s11, s14, $0xb8;
	[tilespmem:$0x1F880] =	vst v63  }
0x2a5: {  	_ =	swait.ge [sflag:s22], $0x2800  }
0x2a6: {  	s9 =	sld [smem:$0x7F2]  }
0x2a7: {  	[sflag:s22] =	ssyncset.done $0x0  }
0x2a8: {  	[sflag:s22] =	ssyncadd.s32 $0xFFFFD800  }
0x2a9: {  	[spmem:s2] =	stream.indirect.scatter.add.f32 [tilespmem:s18], [sflag:$0x8], $0x80, s9, s14, $0xb8;
	[tilespmem:$0x1F880] =	vst v63  }
0x2aa: {  	_ =	swait.ge [sflag:s23], $0x2800  }
0x2ab: {  	[sflag:s23] =	ssyncset.done $0x0  }
0x2ac: {  	[sflag:s23] =	ssyncadd.s32 $0xFFFFD800  }
0x2ad: {  	_ =	swait.ge [sflag:s24], $0x2800  }
0x2ae: {  	[sflag:s24] =	ssyncset.done $0x0  }
0x2af: {  	[sflag:s24] =	ssyncadd.s32 $0xFFFFD800  }
0x2b0: {  	_ =	swait.ge [sflag:s25], $0x2800  }
0x2b1: {  	[sflag:s25] =	ssyncset.done $0x0  }
0x2b2: {  	[sflag:s25] =	ssyncadd.s32 $0xFFFFD800  }
0x2b3: {  	_ =	swait.ge [sflag:s26], $0x2800  }
0x2b4: {  	s10 =	sld [smem:$0x7F3]  }
0x2b5: {  	[sflag:s26] =	ssyncset.done $0x0  }
0x2b6: {  	s11 =	sld [smem:$0x7F4];
	[sflag:s26] =	ssyncadd.s32 $0xFFFFD800  }
0x2b7: {  	[tilespmem:s15], [sflag:$0x1] =	stream.indirect.gather [hbm4b:s4+s14], $0x80, s10, s14, $0xb8;
	[tilespmem:$0x1F880] =	vst v63  }
0x2b8: {  	s10 =	sld [smem:$0x7F5]  }
0x2b9: {  	[tilespmem:s16], [sflag:$0x2] =	stream.indirect.gather [hbm4b:s4+s14], $0x80, s11, s14, $0xb8;
	[tilespmem:$0x1F880] =	vst v63  }
0x2ba: {  	s11 =	sld [smem:$0x7F6]  }
0x2bb: {  	[tilespmem:s17], [sflag:$0x3] =	stream.indirect.gather [hbm4b:s4+s14], $0x80, s10, s14, $0xb8;
	[tilespmem:$0x1F880] =	vst v63  }
0x2bc: {  	_ = 	snop  }
0x2bd: {  	[tilespmem:s18], [sflag:$0x4] =	stream.indirect.gather [hbm4b:s4+s14], $0x80, s11, s14, $0xb8;
	[tilespmem:$0x1F880] =	vst v63  }
0x2be: {  	_ =	swait.ge [sflag:s19], $0x2800  }
0x2bf: {  	s10 =	sld [smem:$0x7F7]  }
0x2c0: {  	[sflag:s19] =	ssyncset.done $0x0  }
0x2c1: {  	[sflag:s19] =	ssyncadd.s32 $0xFFFFD800  }
0x2c2: {  	[spmem:s2] =	stream.indirect.scatter.add.f32 [tilespmem:s15], [sflag:$0x5], $0x80, s10, s14, $0xb8;
	[tilespmem:$0x1F880] =	vst v63  }
0x2c3: {  	_ =	swait.ge [sflag:s20], $0x2800  }
0x2c4: {  	s11 =	sld [smem:$0x7F8]  }
0x2c5: {  	[sflag:s20] =	ssyncset.done $0x0  }
0x2c6: {  	[sflag:s20] =	ssyncadd.s32 $0xFFFFD800  }
0x2c7: {  	[spmem:s2] =	stream.indirect.scatter.add.f32 [tilespmem:s16], [sflag:$0x6], $0x80, s11, s14, $0xb8;
	[tilespmem:$0x1F880] =	vst v63  }
0x2c8: {  	_ =	swait.ge [sflag:s21], $0x2800  }
0x2c9: {  	s9 =	sld [smem:$0x7F9]  }
0x2ca: {  	[sflag:s21] =	ssyncset.done $0x0  }
0x2cb: {  	[sflag:s21] =	ssyncadd.s32 $0xFFFFD800  }
0x2cc: {  	[spmem:s2] =	stream.indirect.scatter.add.f32 [tilespmem:s17], [sflag:$0x7], $0x80, s9, s14, $0xb8;
	[tilespmem:$0x1F880] =	vst v63  }
0x2cd: {  	_ =	swait.ge [sflag:s22], $0x2800  }
0x2ce: {  	s10 =	sld [smem:$0x7FA]  }
0x2cf: {  	[sflag:s22] =	ssyncset.done $0x0  }
0x2d0: {  	[sflag:s22] =	ssyncadd.s32 $0xFFFFD800  }
0x2d1: {  	[spmem:s2] =	stream.indirect.scatter.add.f32 [tilespmem:s18], [sflag:$0x8], $0x80, s10, s14, $0xb8;
	[tilespmem:$0x1F880] =	vst v63  }
0x2d2: {  	_ =	swait.ge [sflag:s23], $0x2800  }
0x2d3: {  	[sflag:s23] =	ssyncset.done $0x0  }
0x2d4: {  	[sflag:s23] =	ssyncadd.s32 $0xFFFFD800  }
0x2d5: {  	_ =	swait.ge [sflag:s24], $0x2800  }
0x2d6: {  	[sflag:s24] =	ssyncset.done $0x0  }
0x2d7: {  	[sflag:s24] =	ssyncadd.s32 $0xFFFFD800  }
0x2d8: {  	_ =	swait.ge [sflag:s25], $0x2800  }
0x2d9: {  	[sflag:s25] =	ssyncset.done $0x0  }
0x2da: {  	[sflag:s25] =	ssyncadd.s32 $0xFFFFD800  }
0x2db: {  	_ =	swait.ge [sflag:s26], $0x2800  }
0x2dc: {  	s11 =	sld [smem:$0x7FB]  }
0x2dd: {  	[sflag:s26] =	ssyncset.done $0x0  }
0x2de: {  	[sflag:s26] =	ssyncadd.s32 $0xFFFFD800  }
0x2df: {  	[tilespmem:s15], [sflag:$0x1] =	stream.indirect.gather [hbm4b:s4+s14], $0x80, s11, s14, $0xb8;
	[tilespmem:$0x1F880] =	vst v63  }
0x2e0: {  	_ = 	snop  }
0x2e1: {  	[tilespmem:s16], [sflag:$0x2] =	stream.indirect.gather [hbm4b:s4+s14], $0x80, s28, s14, $0xb8;
	[tilespmem:$0x1F880] =	vst v63  }
0x2e2: {  	_ = 	snop  }
0x2e3: {  	[tilespmem:s17], [sflag:$0x3] =	stream.indirect.gather [hbm4b:s4+s14], $0x80, s29, s14, $0xb8;
	[tilespmem:$0x1F880] =	vst v63  }
0x2e4: {  	_ = 	snop  }
0x2e5: {  	[tilespmem:s18], [sflag:$0x4] =	stream.indirect.gather [hbm4b:s4+s14], $0x80, s30, s14, $0xb8;
	[tilespmem:$0x1F880] =	vst v63  }
0x2e6: {  	_ =	swait.ge [sflag:s19], $0x2800  }
0x2e7: {  	[sflag:s19] =	ssyncset.done $0x0  }
0x2e8: {  	[sflag:s19] =	ssyncadd.s32 $0xFFFFD800  }
0x2e9: {  	[spmem:s2] =	stream.indirect.scatter.add.f32 [tilespmem:s15], [sflag:$0x5], $0x80, s31, s14, $0xb8;
	[tilespmem:$0x1F880] =	vst v63  }
0x2ea: {  	_ =	swait.ge [sflag:s20], $0x2800  }
0x2eb: {  	[sflag:s20] =	ssyncset.done $0x0  }
0x2ec: {  	[sflag:s20] =	ssyncadd.s32 $0xFFFFD800  }
0x2ed: {  	[spmem:s2] =	stream.indirect.scatter.add.f32 [tilespmem:s16], [sflag:$0x6], $0x80, s1, s14, $0xb8;
	[tilespmem:$0x1F880] =	vst v63  }
0x2ee: {  	_ =	swait.ge [sflag:s21], $0x2800  }
0x2ef: {  	[sflag:s21] =	ssyncset.done $0x0  }
0x2f0: {  	[sflag:s21] =	ssyncadd.s32 $0xFFFFD800  }
0x2f1: {  	[spmem:s2] =	stream.indirect.scatter.add.f32 [tilespmem:s17], [sflag:$0x7], $0x80, s0, s14, $0xb8;
	[tilespmem:$0x1F880] =	vst v63  }
0x2f2: {  	_ =	swait.ge [sflag:s22], $0x2800  }
0x2f3: {  	[sflag:s22] =	ssyncset.done $0x0  }
0x2f4: {  	[sflag:s22] =	ssyncadd.s32 $0xFFFFD800  }
0x2f5: {  	[spmem:s2] =	stream.indirect.scatter.add.f32 [tilespmem:s18], [sflag:$0x8], $0x80, s6, s14, $0xb8;
	[tilespmem:$0x1F880] =	vst v63  }
0x2f6: {  	_ =	swait.ge [sflag:s23], $0x2800  }
0x2f7: {  	[sflag:s23] =	ssyncset.done $0x0  }
0x2f8: {  	[sflag:s23] =	ssyncadd.s32 $0xFFFFD800  }
0x2f9: {  	_ =	swait.ge [sflag:s24], $0x2800  }
0x2fa: {  	[sflag:s24] =	ssyncset.done $0x0  }
0x2fb: {  	[sflag:s24] =	ssyncadd.s32 $0xFFFFD800  }
0x2fc: {  	_ =	swait.ge [sflag:s25], $0x2800  }
0x2fd: {  	[sflag:s25] =	ssyncset.done $0x0  }
0x2fe: {  	[sflag:s25] =	ssyncadd.s32 $0xFFFFD800  }
0x2ff: {  	_ =	swait.ge [sflag:s26], $0x2800  }
0x300: {  	[sflag:s26] =	ssyncset.done $0x0  }
0x301: {  	[sflag:s26] =	ssyncadd.s32 $0xFFFFD800  }
0x302: {  	[tilespmem:s15], [sflag:$0x1] =	stream.indirect.gather [hbm4b:s4+s14], $0x80, s7, s14, $0xb8;
	[tilespmem:$0x1F880] =	vst v63  }
0x303: {  	_ =	swait.ge [sflag:s19], $0x2800  }
0x304: {  	[sflag:s19] =	ssyncset.done $0x0  }
0x305: {  	[sflag:s19] =	ssyncadd.s32 $0xFFFFD800  }
0x306: {  	[spmem:s2] =	stream.indirect.scatter.add.f32 [tilespmem:s15], [sflag:$0x9], $0x80, s8, s14, $0xb8;
	[tilespmem:$0x1F880] =	vst v63  }
0x307: {  	_ =	swait.ge [sflag:s12], $0x2800  }
0x308: {  	[sflag:s12] =	ssyncset.done $0x0  }
0x309: {  	[sflag:s12] =	ssyncadd.s32 $0xFFFFD800  }
0x30a: {  	[bflag:$0x0] =	sbarrier.arrive $0xFFFF  }
0x30b: {  	s9 =	sld [smem:$0x7EC]  }
0x30c: {  	s10 =	sld [smem:$0x7EE];
	_ =	sdelay $0x1  }
0x30d: {  	s5 =	simm.s32 @p0 $0x1FC9  }
0x30e: {  	[hbm:s9], [sflag:s5] =	dma.local @p0 [spmem:s10], $0x2800  }
0x30f: {  	s5 =	simm.s32 @p0 $0x9  }
0x310: {  	_ =	swait.ge @p0 [sflag:s5], $0x2800  }
0x311: {  	s9 =	sld [smem:$0x7EF]  }
0x312: {  	[sflag:s5] =	ssyncset.done @p0 $0x0;
	s11 =	sld [smem:$0x7FD]  }
0x313: {  	[sflag:s5] =	ssyncadd.s32 @p0 $0xFFFFD800;
	s5 =	sld [smem:$0x7EB];
	_ =	sdelay $0x2  }
0x314: {  	[hbm:s5], [sflag:s9] =	dma.local @!p0 [spmem:s11], $0x2700  }
0x315: {  	s5 =	simm.s32 @!p0 $0x9  }
0x316: {  	_ =	swait.ge @!p0 [sflag:s5], $0x2700  }
0x317: {  	s9 =	sld [smem:$0x7FC];
	_ =	sdelay $0x2  }
0x318: {  	s10 =	sadd.s32 $0x1, s9;
	s9 =	sld [smem:$0x7ED];
	_ =	sdelay $0x2  }
0x319: {  	p1 =	sne.s32 s10, s9  }
.Ltmp1:
0x31a: {  	_ = 	snop;
	(pc) =	sbr.rel @p1 .LBB2_1-.Ltmp1, $3  }
0x31b: {  	_ =	sdelay $0x1  }
0x31c: {  	[sflag:s5] =	ssyncset.done @!p0 $0x0  }
0x31d: {  	[sflag:s5] =	ssyncadd.s32 @!p0 $0xFFFFD900;
	[smem:$0x7FC] =	sst s10  }
0x31e: {  	_ =	sfence.sel $0x180000  }
0x31f: {  	[bflag:$0x0] =	sbarrier.arrive $0xFFFF  }
0x320: {  	_ =	strace $0x9000004D  }
0x321: {  	s0 =	stileid.u32;
	[bflag:$0x2] =	sbarrier.arrive $0xFFFF  }
0x322: {  	p0 =	sne.s32 s0, $0x0;
	s0 =	rddreg [dreg:$0x2]  }
0x323: {  	s0 =	sadd.s32 @!p0 $0x100000, s0  }
0x324: {  	[sflag:s0] =	ssyncadd.tile.s32 @!p0 $0x1;
	_ =	shalt  }
.Lfunc_end2:
_tile_overlayer_lowered:
.L_overlay_start_2:
0x325: {  	(tag) =	ssettag $0x2  }
0x326: {  	s0 =	rddreg [dreg:$0x0];
	s2 =	stileid.u32  }
0x327: {  	s1 =	rddreg [dreg:$0x1];
	p0 =	sne.s32 s2, $0x0  }
0x328: {  	s3 =	rddreg [dreg:$0x2];
	[bflag:$0x3] =	sbarrier.arrive $0xFFFF;
	s2 =	simm.s32 @!p0 $0x1C09  }
0x329: {  	[timem:s3], [sflag:s2] =	dma.local @!p0 [hbm:s0], s1  }
0x32a: {  	s0 =	simm.s32 @!p0 $0x9  }
0x32b: {  	_ =	swait.ge @!p0 [sflag:s0], s1  }
0x32c: {  	s1 =	ssub.s32 @!p0 $0x0, s1;
	[sflag:s0] =	ssyncset.done @!p0 $0x0  }
0x32d: {  	[sflag:s0] =	ssyncadd.s32 @!p0 s1  }
0x32e: {  	[bflag:$0x3] =	sbarrier.arrive $0xFFFF  }
0x32f: {  	_ =	shalt  }

// kernel: kernel.20.cloned.1.call-start
scs
__scs_entry_jumppad:
0x0: {  	(pc) =	sbr.rel $0x88, $3  }
0x1: {  	(tag) =	ssettag $0x0;
	lr =	simm.s32 $0x1  }
0x2: {  	[smem:$0x3F8E] =	sst lr;
	_ =	strace $0xD0000000  }
0x3: {  	_ = 	snop  }
0x4: {  	_ = 	snop  }
0x5: {  	_ = 	snop  }
0x6: {  	_ = 	snop  }
0x7: {  	_ = 	snop  }
__scs_overlays_trampoline_lowered:
0x8: {  	[smem:$0x3F9D] =	sst s0  }
0x9: {  	[smem:$0x3F9E] =	sst s1  }
0xa: {  	[smem:$0x3F9F] =	sst s2  }
0xb: {  	[smem:$0x3FA0] =	sst s3  }
0xc: {  	[smem:$0x3FA1] =	sst s4  }
0xd: {  	[smem:$0x3FA2] =	sst s5  }
0xe: {  	[smem:$0x3FA3] =	sst s6  }
0xf: {  	[smem:$0x3FA4] =	sst s7  }
0x10: {  	[smem:$0x3FA5] =	sst s8  }
0x11: {  	[smem:$0x3FA6] =	sst s9;
	s0 =	simm.s32 @!p0 $0x0  }
0x12: {  	s1 =	sld [smem:$0x3F8C];
	s0 =	simm.s32 @p0 $0x1  }
0x13: {  	[smem:$0x3FA7] =	sst s0;
	s0 =	simm.s32 @!p1 $0x0  }
0x14: {  	s2 =	sld [smem:$0x3F8B];
	s0 =	simm.s32 @p1 $0x1  }
0x15: {  	[smem:$0x3FA8] =	sst s0;
	s0 =	simm.s32 @!p2 $0x0  }
0x16: {  	s3 =	sld [smem:$0x3FDB];
	s0 =	simm.s32 @p2 $0x1  }
0x17: {  	s4 =	simm.s32 $0x1BF5;
	[smem:$0x3FAA] =	sst s0  }
0x18: {  	s0 =	sld [smem:$0x3F8D];
	_ =	swait.ge [sflag:s4], $0x0  }
0x19: {  	s7 =	sld [smem:$0x3F8E]  }
0x1a: {  	s8 =	sadd.s32 $0xFFFFE003, lr  }
0x1b: {  	s9 =	sadd.s32 $0xFFFFFEF7, lr;
	s5 =	simm.s32 $0xFFFFFFFF;
	p2 =	slt.u32 s8, $0xFFFFF086  }
0x1c: {  	p1 =	slt.u32 s9, $0xF7A;
	s5 =	simm.s32 @!p2 $0x0  }
0x1d: {  	s5 =	simm.s32 @p1 $0x1;
	p0 =	seq.s32 s7, s2  }
0x1e: {  	s7 =	smul.u32 @!p0 $0xF7A, s2;
	p2 =	seq.s32 @!p0 s5, $0x0  }
0x1f: {  	s9 =	smul.u32 $0xF7A, s1;
	s8 =	simm.s32 @!p0 $0x1BF5;
	p2 =	por !p2, p0  }
0x20: {  	[sflag:s8] =	ssyncset.s32 @!p0 $0xFFFFF086;
	s6 =	sadd.s32 @!p0 s3, s7;
	s7 =	simm.s32 @!p0 $0x108  }
0x21: {  	s3 =	sadd.s32 s3, s9;
	s6 =	sadd.s32 @!p0 $0x88, s6;
	s7 =	simm.s32 @p2 $0x1082  }
0x22: {  	[simem:s7], [sflag:s8] =	dma.local @!p0 [hbm:s6], $0xF7A  }
0x23: {  	s9 =	sor.u32 $0xD0000000, s2;
	s6 =	simm.s32 $0x108;
	_ =	swait.ge @!p0 [sflag:s8], $0x0  }
0x24: {  	s3 =	sadd.s32 $0x88, s3;
	s6 =	simm.s32 @!p1 $0x1082;
	[sflag:s4] =	ssyncset.s32 $0xFFFFF086  }
0x25: {  	[simem:s6], [sflag:s4] =	dma.local [hbm:s3], $0xF7A  }
0x26: {  	[smem:$0x3F8E] =	sst s1;
	(tag) =	ssettag s2;
	_ =	strace s9  }
0x27: {  	s1 =	sld [smem:$0x3F9E]  }
0x28: {  	s2 =	sld [smem:$0x3F9F]  }
0x29: {  	s4 =	sld [smem:$0x3FA1]  }
0x2a: {  	p0 =	seq.s32 s5, $0x0;
	s5 =	sld [smem:$0x3FA2]  }
0x2b: {  	s6 =	sld [smem:$0x3FA3]  }
0x2c: {  	s7 =	sld [smem:$0x3FA4]  }
0x2d: {  	s3 =	simm.s32 $0x108;
	s8 =	sld [smem:$0x3FA5]  }
0x2e: {  	s3 =	simm.s32 @!p0 $0x1082;
	s9 =	sld [smem:$0x3FA6]  }
0x2f: {  	lr =	sadd.s32 s0, s3;
	s0 =	sld [smem:$0x3F9D]  }
0x30: {  	s3 =	sld [smem:$0x3FA0]  }
0x31: {  	[smem:$0x3FA9] =	sst s10  }
0x32: {  	s10 =	sld [smem:$0x3FA7];
	_ =	sdelay $0x3  }
0x33: {  	p0 =	seq.s32 s10, $0x1;
	s10 =	sld [smem:$0x3FA9];
	_ =	sdelay $0x3  }
0x34: {  	[smem:$0x3FA9] =	sst s10  }
0x35: {  	s10 =	sld [smem:$0x3FA8];
	_ =	sdelay $0x3  }
0x36: {  	p1 =	seq.s32 s10, $0x1;
	s10 =	sld [smem:$0x3FA9];
	_ =	sdelay $0x3  }
0x37: {  	[smem:$0x3FA9] =	sst s10  }
0x38: {  	s10 =	sld [smem:$0x3FAA]  }
0x39: {  	_ = 	snop;
	(pc) =	sbr.ind lr, $3  }
0x3a: {  	_ = 	snop  }
0x3b: {  	_ = 	snop  }
0x3c: {  	p2 =	seq.s32 s10, $0x1;
	s10 =	sld [smem:$0x3FA9]  }
0x3d: {  	_ =	shalt  }
0x3e: {  	_ =	shalt  }
0x3f: {  	_ =	shalt  }
0x40: {  	_ =	shalt  }
0x41: {  	_ =	shalt  }
0x42: {  	_ =	shalt  }
0x43: {  	_ =	shalt  }
0x44: {  	_ =	shalt  }
0x45: {  	_ =	shalt  }
0x46: {  	_ =	shalt  }
0x47: {  	_ =	shalt  }
0x48: {  	_ =	shalt  }
0x49: {  	_ =	shalt  }
0x4a: {  	_ =	shalt  }
0x4b: {  	_ =	shalt  }
0x4c: {  	_ =	shalt  }
0x4d: {  	_ =	shalt  }
0x4e: {  	_ =	shalt  }
0x4f: {  	_ =	shalt  }
0x50: {  	_ =	shalt  }
0x51: {  	_ =	shalt  }
0x52: {  	_ =	shalt  }
0x53: {  	_ =	shalt  }
0x54: {  	_ =	shalt  }
0x55: {  	_ =	shalt  }
0x56: {  	_ =	shalt  }
0x57: {  	_ =	shalt  }
0x58: {  	_ =	shalt  }
0x59: {  	_ =	shalt  }
0x5a: {  	_ =	shalt  }
0x5b: {  	_ =	shalt  }
0x5c: {  	_ =	shalt  }
0x5d: {  	_ =	shalt  }
0x5e: {  	_ =	shalt  }
0x5f: {  	_ =	shalt  }
0x60: {  	_ =	shalt  }
0x61: {  	_ =	shalt  }
0x62: {  	_ =	shalt  }
0x63: {  	_ =	shalt  }
0x64: {  	_ =	shalt  }
0x65: {  	_ =	shalt  }
0x66: {  	_ =	shalt  }
0x67: {  	_ =	shalt  }
0x68: {  	_ =	shalt  }
0x69: {  	_ =	shalt  }
0x6a: {  	_ =	shalt  }
0x6b: {  	_ =	shalt  }
0x6c: {  	_ =	shalt  }
0x6d: {  	_ =	shalt  }
0x6e: {  	_ =	shalt  }
0x6f: {  	_ =	shalt  }
0x70: {  	_ =	shalt  }
0x71: {  	_ =	shalt  }
0x72: {  	_ =	shalt  }
0x73: {  	_ =	shalt  }
0x74: {  	_ =	shalt  }
0x75: {  	_ =	shalt  }
0x76: {  	_ =	shalt  }
0x77: {  	_ =	shalt  }
0x78: {  	_ =	shalt  }
0x79: {  	_ =	shalt  }
0x7a: {  	_ =	shalt  }
0x7b: {  	_ =	shalt  }
0x7c: {  	_ =	shalt  }
0x7d: {  	_ =	shalt  }
0x7e: {  	_ =	shalt  }
0x7f: {  	_ =	shalt  }
0x80: {  	_ =	shalt  }
0x81: {  	_ =	shalt  }
0x82: {  	_ =	shalt  }
0x83: {  	_ =	shalt  }
0x84: {  	_ =	shalt  }
0x85: {  	_ =	shalt  }
0x86: {  	_ =	shalt  }
0x87: {  	_ =	shalt  }
.Lfunc_end0:
.L_simem_size_0:
called_computation.3_lowered:
.L_overlay_start_0:
0x88: {  	s2 =	sld [smem:$0x3FD9]  }
0x89: {  	s3 =	sld [smem:$0x3FFE];
	_ =	sdelay $0x1  }
0x8a: {  	s1 =	srdreg.scid  }
0x8b: {  	s0 =	sand.u32 $0x1, s1  }
0x8c: {  	s16 =	sshll.u32 s0, $0xA;
	s2 =	sadd.s32 s3, s2  }
0x8d: {  	s2 =	sadd.s32 s2, s16  }
0x8e: {  	[smem:$0x3FB5] =	sst s2  }
0x8f: {  	_ = 	snop  }
0x90: {  	(tm) =	ssettm $0x1  }
0x91: {  	s17 =	sld [smem:$0x3FFB];
	_ =	sdelay $0x3  }
0x92: {  	_ =	strace s17  }
0x93: {  	s2 =	sld [smem:$0x3FFC];
	_ =	sdelay $0x3  }
0x94: {  	_ =	strace s2  }
0x95: {  	s2 =	sld [smem:$0x3FFD];
	_ =	sdelay $0x3  }
0x96: {  	_ =	strace s2  }
0x97: {  	_ =	strace $0x8FFFFFFF  }
0x98: {  	s18 =	sld [smem:$0x3FDB];
	_ =	sdelay $0x1  }
0x99: {  	s19 =	simm.s32 $_scs_section_size  }
0x9a: {  	s4 =	simm.s32 $_size__tile_overlayer_lowered;
	s5 =	simm.s32 $_tile_overlayer_lowered  }
0x9b: {  	s22 =	simm.s32 $0x1BFF;
	s21 =	sshll.u32 s5, $0x1;
	s2 =	sadd.s32 s19, s18  }
0x9c: {  	s6 =	simm.s32 $0x0;
	s20 =	sshll.u32 s4, $0x1;
	s4 =	sadd.s32 s21, s2  }
0x9d: {  	[timem:s6], [sflag:s22] =	dma.local [hbm:s4], s20  }
0x9e: {  	_ =	swait.ge [sflag:s22], s20  }
0x9f: {  	s3 =	ssub.s32 $0x0, s20;
	[sflag:s22] =	ssyncset.done $0x0  }
0xa0: {  	[sflag:s22] =	ssyncadd.s32 s3;
	_ =	sdelay $0x1  }
0xa1: {  	s23 =	simm.s32 $0x1B8B  }
0xa2: {  	_ =	swait.ge [sflag:s23], $0x1  }
0xa3: {  	[sflag:s23] =	ssyncset.done $0x0  }
0xa4: {  	s25 =	simm.s32 $0x1B8E;
	s24 =	sld [smem:$0x3FFE];
	[sflag:s23] =	ssyncadd.s32 $0xFFFFFFFF  }
0xa5: {  	s26 =	simm.s32 $execute0_lowered;
	[smem:$0x3FD2] =	sst s25  }
0xa6: {  	s4 =	sshll.u32 s26, $0x1;
	_ =	strace $0x8000004F;
	[dreg:$0x1] =	wrdreg $0xFFFFFFFF  }
0xa7: {  	s28 =	simm.s32 $_size_execute0_lowered;
	s2 =	sadd.s32 s2, s4;
	[dreg:$0x0] =	wrdreg $0x0  }
0xa8: {  	s4 =	sshll.u32 s28, $0x1;
	[dreg:$0x2] =	wrdreg s2  }
0xa9: {  	[dreg:$0x3] =	wrdreg s4  }
0xaa: {  	[dreg:$0x4] =	wrdreg $0xC0  }
0xab: {  	_ =	task [dreg:s6], $0x5FFFF  }
0xac: {  	[dreg:$0x1] =	wrdreg $0xFFFFFFFF  }
0xad: {  	[dreg:$0x0] =	wrdreg $0x60  }
0xae: {  	[dreg:$0x2] =	wrdreg s24  }
0xaf: {  	[dreg:$0x3] =	wrdreg $0xC0000  }
0xb0: {  	[dreg:$0x4] =	wrdreg $0x9  }
0xb1: {  	_ =	task.clear_ibuf [dreg:s6], $0x5FFFF;
	_ =	strace $0x9000004F  }
0xb2: {  	s29 =	simm.s32 $0x9;
	_ =	strace $0x80000051  }
0xb3: {  	_ =	swait.ge [sflag:s29], $0x1  }
0xb4: {  	[sflag:s29] =	ssyncadd.s32 $0xFFFFFFFF  }
0xb5: {  	_ =	strace $0x90000051  }
0xb6: {  	_ =	sfence  }
0xb7: {  	s30 =	sld [smem:$0x0];
	_ =	sdelay $0x2  }
0xb8: {  	s31 =	sshll.u32 s1, $0xD;
	s1 =	sshrl.u32 s1, $0x2  }
0xb9: {  	s3 =	sand.u32 $0x4000, s31;
	s1 =	sadd.s32 s1, s30  }
0xba: {  	s0 =	sor.u32 s3, s0;
	s1 =	sshll.u32 s1, $0x11  }
0xbb: {  	s0 =	sor.u32 s1, s0  }
0xbc: {  	s0 =	sadd.s32 $0x8F2B, s0  }
0xbd: {  	[sflag:s0] =	ssyncadd.remote.s32 $0x1  }
0xbe: {  	_ =	sfence.sel $0xFFFF  }
0xbf: {  	[dreg:$0x0] =	wrdreg $0xFFFFFFFF;
	(pc) =	sbr.abs _section_cstart, $3  }
0xc0: {  	[dreg:$0x1] =	wrdreg $0xFFFFFFFF  }
0xc1: {  	_ =	task.clear_ibuf [dreg:s6], $0x2FFFF;
	_ =	strace $0x9FFFFFFF  }
0xc2: {  	(tm) =	ssettm $0x7FFFFFFF  }
0xc3: {  	_ =	shalt  }
tec
execute0_lowered:
.L_overlay_start_1:
0x0: {  	(tag) =	ssettag $0x1  }
0x1: {  	s0 =	srdreg.scid;
	s10 =	stileid.u32  }
0x2: {  	s0 =	sand.u32 $0x1, s0;
	s1 =	smul.u32 $0xA000, s10  }
0x3: {  	s3 =	smul.u32 $0x5000, s0  }
0x4: {  	s5 =	rddreg [dreg:$0x0]  }
0x5: {  	s2 =	rddreg [dreg:$0x1];
	s1 =	sadd.s32 s3, s1;
	s3 =	simm.s32 $0x0  }
0x6: {  	s6 =	simm.s32 $0x100;
	[smem:$0x7FF] =	sst s3  }
0x7: {  	s7 =	simm.s32 $0x180;
	_ =	strace $0x80000050;
	[dreg:$0x6] =	wrdreg s6  }
0x8: {  	s8 =	simm.s32 $0x1080;
	[dreg:$0x7] =	wrdreg s7  }
0x9: {  	s9 =	simm.s32 $0x1100;
	[dreg:$0x8] =	wrdreg s8  }
0xa: {  	s11 =	simm.s32 $0x1180;
	[dreg:$0x9] =	wrdreg s9  }
0xb: {  	s12 =	simm.s32 $0x200;
	[dreg:$0xa] =	wrdreg s11  }
0xc: {  	s14 =	simm.s32 $0x280;
	[dreg:$0xb] =	wrdreg s12  }
0xd: {  	s15 =	simm.s32 $0x300;
	[dreg:$0xc] =	wrdreg s14  }
0xe: {  	s16 =	simm.s32 $0x380;
	[dreg:$0xd] =	wrdreg s15  }
0xf: {  	s17 =	simm.s32 $0x1200;
	[dreg:$0xe] =	wrdreg s16  }
0x10: {  	s19 =	simm.s32 $0x1280;
	[dreg:$0xf] =	wrdreg s17  }
0x11: {  	s20 =	simm.s32 $0x1300;
	s21 =	simm.s32 $0x1380;
	[dreg:$0x10] =	wrdreg s19  }
0x12: {  	s23 =	simm.s32 $0x400;
	s24 =	simm.s32 $0x480;
	[dreg:$0x11] =	wrdreg s20  }
0x13: {  	s25 =	simm.s32 $0x500;
	s26 =	simm.s32 $0x580;
	[dreg:$0x12] =	wrdreg s21  }
0x14: {  	s28 =	simm.s32 $0xA80;
	s29 =	simm.s32 $0xB00;
	[dreg:$0x13] =	wrdreg s23  }
0x15: {  	s30 =	simm.s32 $0xB80;
	s31 =	simm.s32 $0x1A00;
	[dreg:$0x14] =	wrdreg s24  }
0x16: {  	s22 =	smul.u32 $0x13800, s10;
	p0 =	seq.s32 s10, $0xF;
	[dreg:$0x15] =	wrdreg s25  }
0x17: {  	s13 =	ssub.s32 $0x2, s0;
	s6 =	sadd.s32 $0x54000, s5;
	[dreg:$0x16] =	wrdreg s26  }
0x18: {  	s0 =	smul.u32 $0x138800, s0;
	s11 =	simm.s32 $0x1400;
	[smem:$0x7EA] =	sst s6  }
0x19: {  	s1 =	sshrl.u32 s1, $0x3;
	s12 =	simm.s32 $0x1480;
	[dreg:$0x17] =	wrdreg s11  }
0x1a: {  	s1 =	sadd.s32 s1, s5;
	s14 =	simm.s32 $0x1580;
	[dreg:$0x18] =	wrdreg s12  }
0x1b: {  	s7 =	sshrl.u32 s13, $0x1;
	s16 =	simm.s32 $0x600;
	[dreg:$0x1a] =	wrdreg s14  }
0x1c: {  	s8 =	smul.u32 $0x4E000, s10;
	s17 =	simm.s32 $0x680;
	[dreg:$0x1b] =	wrdreg s16  }
0x1d: {  	s9 =	sadd.s32 $0x124800, s2;
	s19 =	simm.s32 $0x780;
	[dreg:$0x1c] =	wrdreg s17  }
0x1e: {  	s20 =	simm.s32 $0x1600;
	s21 =	simm.s32 $0x1680;
	[dreg:$0x1e] =	wrdreg s19  }
0x1f: {  	s23 =	simm.s32 $0x1780;
	s24 =	simm.s32 $0x800;
	[dreg:$0x1f] =	wrdreg s20  }
0x20: {  	s25 =	simm.s32 $0x880;
	s26 =	simm.s32 $0x900;
	[smem:$0x7F0] =	sst s21  }
0x21: {  	s4 =	sadd.s32 $0x4E00, s1;
	s1 =	sadd.s32 $0x18E00, s1;
	[smem:$0x7F2] =	sst s23  }
0x22: {  	s6 =	ssub.s32 s13, s7;
	s13 =	simm.s32 $0x1500;
	[smem:$0x7F3] =	sst s24  }
0x23: {  	s12 =	simm.s32 $0x9;
	s14 =	simm.s32 $0x50;
	[smem:$0x7F4] =	sst s25  }
0x24: {  	s16 =	simm.s32 $0x4800;
	s17 =	simm.s32 $0x7000;
	[smem:$0x7F5] =	sst s26  }
0x25: {  	s19 =	simm.s32 $0x1;
	s20 =	simm.s32 $0x2;
	[dreg:$0x3] =	wrdreg s4  }
0x26: {  	s21 =	simm.s32 $0x3;
	s23 =	simm.s32 $0x5;
	[dreg:$0x4] =	wrdreg s1  }
0x27: {  	s24 =	simm.s32 $0x6;
	s4 =	simm.s32 $0x80;
	[dreg:$0x19] =	wrdreg s13  }
0x28: {  	s18 =	sshrl.u32 s8, $0x2;
	s15 =	smax.u32 s6, $0x1;
	[dreg:$0x5] =	wrdreg s4  }
0x29: {  	s8 =	sadd.s32 s22, s0;
	s1 =	sshrl.u32 @p0 s9, $0x3;
	[smem:$0x7ED] =	sst s15  }
0x2a: {  	s22 =	simm.s32 $0x1700;
	s6 =	simm.s32 $0x1880;
	[smem:$0x7EE] =	sst s1  }
0x2b: {  	s9 =	simm.s32 $0xA00;
	s4 =	sadd.s32 $0x2CE00, s5;
	[smem:$0x7F1] =	sst s22  }
0x2c: {  	s5 =	sadd.s32 $0x56800, s5;
	s7 =	sadd.s32 s18, s2;
	[smem:$0x7F8] =	sst s6  }
0x2d: {  	s8 =	sshrl.u32 s8, $0x3;
	s18 =	simm.s32 $0x700;
	[smem:$0x7FB] =	sst s9  }
0x2e: {  	s1 =	sshll.u32 @!p0 s10, $0x6;
	s10 =	simm.s32 $0x0;
	[dreg:$0x1d] =	wrdreg s18  }
0x2f: {  	s25 =	simm.s32 $0x7;
	s8 =	sadd.s32 s5, s8;
	[smem:$0x7FC] =	sst s10  }
0x30: {  	s0 =	sshrl.u32 s0, $0x3;
	s1 =	sor.u32 @!p0 $0x1C09, s1;
	[smem:$0x7EB] =	sst s8  }
0x31: {  	s0 =	sadd.s32 s5, s0;
	s5 =	simm.s32 $0x1800;
	[smem:$0x7EF] =	sst s1  }
0x32: {  	s11 =	sshrl.u32 @!p0 s7, $0x3;
	s7 =	simm.s32 $0x1900;
	[smem:$0x7F7] =	sst s5  }
0x33: {  	s26 =	simm.s32 $0x8;
	s13 =	simm.s32 $0x1000;
	[smem:$0x7F9] =	sst s7  }
0x34: {  	s15 =	simm.s32 $0x2000;
	s0 =	sadd.s32 $0x24900, s0;
	[smem:$0x7FD] =	sst s11  }
0x35: {  	s22 =	simm.s32 $0x4;
	s1 =	simm.s32 $0x980;
	[smem:$0x7EC] =	sst s0  }
0x36: {  	s6 =	simm.s32 $0x1B80;
	s8 =	simm.s32 $0x1980;
	[smem:$0x7F6] =	sst s1  }
0x37: {  	s18 =	simm.s32 $0x9800;
	s7 =	simm.s32 $0xC00;
	[smem:$0x7FA] =	sst s8  }
0x38: {  	s1 =	simm.s32 $0x1A80;
	s0 =	simm.s32 $0x1B00;
	s8 =	simm.s32 $0x1C00  }
.LBB2_1:
0x39: {  	s5 =	sld [smem:$0x7EA]  }
0x3a: {  	s10 =	sld [smem:$0x7EE];
	_ =	sdelay $0x1  }
0x3b: {  	s9 =	simm.s32 @p0 $0x1FC9  }
0x3c: {  	[spmem:s10], [sflag:s9] =	dma.local @p0 [hbm:s5], $0x2800  }
0x3d: {  	s9 =	simm.s32 @p0 $0x9  }
0x3e: {  	_ =	swait.ge @p0 [sflag:s9], $0x2800  }
0x3f: {  	[sflag:s9] =	ssyncset.done @p0 $0x0  }
0x40: {  	[sflag:s9] =	ssyncadd.s32 @p0 $0xFFFFD800;
	s9 =	sld [smem:$0x7EF];
	_ =	sdelay $0x2  }
0x41: {  	[spmem:s11], [sflag:s9] =	dma.local @!p0 [hbm:s5], $0x2700  }
0x42: {  	s9 =	simm.s32 @!p0 $0x9  }
0x43: {  	_ =	swait.ge @!p0 [sflag:s9], $0x2700  }
0x44: {  	[sflag:s9] =	ssyncset.done @!p0 $0x0  }
0x45: {  	[sflag:s9] =	ssyncadd.s32 @!p0 $0xFFFFD900  }
0x46: {  	[bflag:$0x0] =	sbarrier.arrive $0xFFFF  }
0x47: {  	s11 =	rddreg [dreg:$0x4]  }
0x48: {  	s9 =	sadd.s32 $0x0, s11  }
0x49: {  	[tilespmem:s3], [sflag:$0x9] =	stream.linear.gather [hbm4b:s9+s3], $0xC80, $0x38;
	[tilespmem:$0x1F880] =	vst v63  }
0x4a: {  	_ =	swait.ge [sflag:s12], $0xC80  }
0x4b: {  	s5 =	rddreg [dreg:$0x3];
	[sflag:s12] =	ssyncset.done $0x0  }
0x4c: {  	[sflag:s12] =	ssyncadd.s32 $0xFFFFF380;
	s9 =	sadd.s32 $0x0, s5  }
0x4d: {  	[tilespmem:s13], [sflag:$0x9] =	stream.linear.gather [hbm4b:s9+s3], $0xC80, $0x38;
	[tilespmem:$0x1F880] =	vst v63  }
0x4e: {  	_ =	swait.ge [sflag:s12], $0xC80  }
0x4f: {  	[sflag:s12] =	ssyncset.done $0x0  }
0x50: {  	[sflag:s12] =	ssyncadd.s32 $0xFFFFF380  }
0x51: {  	[tilespmem:s15], [sflag:$0x1] =	stream.indirect.gather [hbm4b:s4+s14], $0x80, s3, s14, $0xb8;
	[tilespmem:$0x1F880] =	vst v63  }
0x52: {  	s10 =	rddreg [dreg:$0x5]  }
0x53: {  	[tilespmem:s16], [sflag:$0x2] =	stream.indirect.gather [hbm4b:s4+s14], $0x80, s10, s14, $0xb8;
	[tilespmem:$0x1F880] =	vst v63  }
0x54: {  	s11 =	rddreg [dreg:$0x6]  }
0x55: {  	[tilespmem:s17], [sflag:$0x3] =	stream.indirect.gather [hbm4b:s4+s14], $0x80, s11, s14, $0xb8;
	[tilespmem:$0x1F880] =	vst v63  }
0x56: {  	s5 =	rddreg [dreg:$0x7]  }
0x57: {  	[tilespmem:s18], [sflag:$0x4] =	stream.indirect.gather [hbm4b:s4+s14], $0x80, s5, s14, $0xb8;
	[tilespmem:$0x1F880] =	vst v63  }
0x58: {  	_ =	swait.ge [sflag:s19], $0x2800  }
0x59: {  	[sflag:s19] =	ssyncset.done $0x0  }
0x5a: {  	[sflag:s19] =	ssyncadd.s32 $0xFFFFD800  }
0x5b: {  	[spmem:s2] =	stream.indirect.scatter.add.f32 [tilespmem:s15], [sflag:$0x5], $0x80, s13, s14, $0xb8;
	[tilespmem:$0x1F880] =	vst v63  }
0x5c: {  	_ =	swait.ge [sflag:s20], $0x2800  }
0x5d: {  	[sflag:s20] =	ssyncset.done $0x0  }
0x5e: {  	s11 =	rddreg [dreg:$0x8];
	[sflag:s20] =	ssyncadd.s32 $0xFFFFD800  }
0x5f: {  	[spmem:s2] =	stream.indirect.scatter.add.f32 [tilespmem:s16], [sflag:$0x6], $0x80, s11, s14, $0xb8;
	[tilespmem:$0x1F880] =	vst v63  }
0x60: {  	_ =	swait.ge [sflag:s21], $0x2800  }
0x61: {  	[sflag:s21] =	ssyncset.done $0x0  }
0x62: {  	s5 =	rddreg [dreg:$0x9];
	[sflag:s21] =	ssyncadd.s32 $0xFFFFD800  }
0x63: {  	[spmem:s2] =	stream.indirect.scatter.add.f32 [tilespmem:s17], [sflag:$0x7], $0x80, s5, s14, $0xb8;
	[tilespmem:$0x1F880] =	vst v63  }
0x64: {  	_ =	swait.ge [sflag:s22], $0x2800  }
0x65: {  	[sflag:s22] =	ssyncset.done $0x0  }
0x66: {  	s10 =	rddreg [dreg:$0xa];
	[sflag:s22] =	ssyncadd.s32 $0xFFFFD800  }
0x67: {  	[spmem:s2] =	stream.indirect.scatter.add.f32 [tilespmem:s18], [sflag:$0x8], $0x80, s10, s14, $0xb8;
	[tilespmem:$0x1F880] =	vst v63  }
0x68: {  	_ =	swait.ge [sflag:s23], $0x2800  }
0x69: {  	[sflag:s23] =	ssyncset.done $0x0  }
0x6a: {  	[sflag:s23] =	ssyncadd.s32 $0xFFFFD800  }
0x6b: {  	_ =	swait.ge [sflag:s24], $0x2800  }
0x6c: {  	[sflag:s24] =	ssyncset.done $0x0  }
0x6d: {  	[sflag:s24] =	ssyncadd.s32 $0xFFFFD800  }
0x6e: {  	_ =	swait.ge [sflag:s25], $0x2800  }
0x6f: {  	[sflag:s25] =	ssyncset.done $0x0  }
0x70: {  	[sflag:s25] =	ssyncadd.s32 $0xFFFFD800  }
0x71: {  	_ =	swait.ge [sflag:s26], $0x2800  }
0x72: {  	[sflag:s26] =	ssyncset.done $0x0  }
0x73: {  	s11 =	rddreg [dreg:$0xb];
	[sflag:s26] =	ssyncadd.s32 $0xFFFFD800  }
0x74: {  	[tilespmem:s15], [sflag:$0x1] =	stream.indirect.gather [hbm4b:s4+s14], $0x80, s11, s14, $0xb8;
	[tilespmem:$0x1F880] =	vst v63  }
0x75: {  	s5 =	rddreg [dreg:$0xc]  }
0x76: {  	[tilespmem:s16], [sflag:$0x2] =	stream.indirect.gather [hbm4b:s4+s14], $0x80, s5, s14, $0xb8;
	[tilespmem:$0x1F880] =	vst v63  }
0x77: {  	s11 =	rddreg [dreg:$0xd]  }
0x78: {  	[tilespmem:s17], [sflag:$0x3] =	stream.indirect.gather [hbm4b:s4+s14], $0x80, s11, s14, $0xb8;
	[tilespmem:$0x1F880] =	vst v63  }
0x79: {  	s5 =	rddreg [dreg:$0xe]  }
0x7a: {  	[tilespmem:s18], [sflag:$0x4] =	stream.indirect.gather [hbm4b:s4+s14], $0x80, s5, s14, $0xb8;
	[tilespmem:$0x1F880] =	vst v63  }
0x7b: {  	_ =	swait.ge [sflag:s19], $0x2800  }
0x7c: {  	[sflag:s19] =	ssyncset.done $0x0  }
0x7d: {  	s10 =	rddreg [dreg:$0xf];
	[sflag:s19] =	ssyncadd.s32 $0xFFFFD800  }
0x7e: {  	[spmem:s2] =	stream.indirect.scatter.add.f32 [tilespmem:s15], [sflag:$0x5], $0x80, s10, s14, $0xb8;
	[tilespmem:$0x1F880] =	vst v63  }
0x7f: {  	_ =	swait.ge [sflag:s20], $0x2800  }
0x80: {  	[sflag:s20] =	ssyncset.done $0x0  }
0x81: {  	s11 =	rddreg [dreg:$0x10];
	[sflag:s20] =	ssyncadd.s32 $0xFFFFD800  }
0x82: {  	[spmem:s2] =	stream.indirect.scatter.add.f32 [tilespmem:s16], [sflag:$0x6], $0x80, s11, s14, $0xb8;
	[tilespmem:$0x1F880] =	vst v63  }
0x83: {  	_ =	swait.ge [sflag:s21], $0x2800  }
0x84: {  	[sflag:s21] =	ssyncset.done $0x0  }
0x85: {  	s5 =	rddreg [dreg:$0x11];
	[sflag:s21] =	ssyncadd.s32 $0xFFFFD800  }
0x86: {  	[spmem:s2] =	stream.indirect.scatter.add.f32 [tilespmem:s17], [sflag:$0x7], $0x80, s5, s14, $0xb8;
	[tilespmem:$0x1F880] =	vst v63  }
0x87: {  	_ =	swait.ge [sflag:s22], $0x2800  }
0x88: {  	[sflag:s22] =	ssyncset.done $0x0  }
0x89: {  	s10 =	rddreg [dreg:$0x12];
	[sflag:s22] =	ssyncadd.s32 $0xFFFFD800  }
0x8a: {  	[spmem:s2] =	stream.indirect.scatter.add.f32 [tilespmem:s18], [sflag:$0x8], $0x80, s10, s14, $0xb8;
	[tilespmem:$0x1F880] =	vst v63  }
0x8b: {  	_ =	swait.ge [sflag:s23], $0x2800  }
0x8c: {  	[sflag:s23] =	ssyncset.done $0x0  }
0x8d: {  	[sflag:s23] =	ssyncadd.s32 $0xFFFFD800  }
0x8e: {  	_ =	swait.ge [sflag:s24], $0x2800  }
0x8f: {  	[sflag:s24] =	ssyncset.done $0x0  }
0x90: {  	[sflag:s24] =	ssyncadd.s32 $0xFFFFD800  }
0x91: {  	_ =	swait.ge [sflag:s25], $0x2800  }
0x92: {  	[sflag:s25] =	ssyncset.done $0x0  }
0x93: {  	[sflag:s25] =	ssyncadd.s32 $0xFFFFD800  }
0x94: {  	_ =	swait.ge [sflag:s26], $0x2800  }
0x95: {  	[sflag:s26] =	ssyncset.done $0x0  }
0x96: {  	s11 =	rddreg [dreg:$0x13];
	[sflag:s26] =	ssyncadd.s32 $0xFFFFD800  }
0x97: {  	[tilespmem:s15], [sflag:$0x1] =	stream.indirect.gather [hbm4b:s4+s14], $0x80, s11, s14, $0xb8;
	[tilespmem:$0x1F880] =	vst v63  }
0x98: {  	s5 =	rddreg [dreg:$0x14]  }
0x99: {  	[tilespmem:s16], [sflag:$0x2] =	stream.indirect.gather [hbm4b:s4+s14], $0x80, s5, s14, $0xb8;
	[tilespmem:$0x1F880] =	vst v63  }
0x9a: {  	s11 =	rddreg [dreg:$0x15]  }
0x9b: {  	[tilespmem:s17], [sflag:$0x3] =	stream.indirect.gather [hbm4b:s4+s14], $0x80, s11, s14, $0xb8;
	[tilespmem:$0x1F880] =	vst v63  }
0x9c: {  	s5 =	rddreg [dreg:$0x16]  }
0x9d: {  	[tilespmem:s18], [sflag:$0x4] =	stream.indirect.gather [hbm4b:s4+s14], $0x80, s5, s14, $0xb8;
	[tilespmem:$0x1F880] =	vst v63  }
0x9e: {  	_ =	swait.ge [sflag:s19], $0x2800  }
0x9f: {  	[sflag:s19] =	ssyncset.done $0x0  }
0xa0: {  	s10 =	rddreg [dreg:$0x17];
	[sflag:s19] =	ssyncadd.s32 $0xFFFFD800  }
0xa1: {  	[spmem:s2] =	stream.indirect.scatter.add.f32 [tilespmem:s15], [sflag:$0x5], $0x80, s10, s14, $0xb8;
	[tilespmem:$0x1F880] =	vst v63  }
0xa2: {  	_ =	swait.ge [sflag:s20], $0x2800  }
0xa3: {  	[sflag:s20] =	ssyncset.done $0x0  }
0xa4: {  	s11 =	rddreg [dreg:$0x18];
	[sflag:s20] =	ssyncadd.s32 $0xFFFFD800  }
0xa5: {  	[spmem:s2] =	stream.indirect.scatter.add.f32 [tilespmem:s16], [sflag:$0x6], $0x80, s11, s14, $0xb8;
	[tilespmem:$0x1F880] =	vst v63  }
0xa6: {  	_ =	swait.ge [sflag:s21], $0x2800  }
0xa7: {  	[sflag:s21] =	ssyncset.done $0x0  }
0xa8: {  	s5 =	rddreg [dreg:$0x19];
	[sflag:s21] =	ssyncadd.s32 $0xFFFFD800  }
0xa9: {  	[spmem:s2] =	stream.indirect.scatter.add.f32 [tilespmem:s17], [sflag:$0x7], $0x80, s5, s14, $0xb8;
	[tilespmem:$0x1F880] =	vst v63  }
0xaa: {  	_ =	swait.ge [sflag:s22], $0x2800  }
0xab: {  	[sflag:s22] =	ssyncset.done $0x0  }
0xac: {  	s10 =	rddreg [dreg:$0x1a];
	[sflag:s22] =	ssyncadd.s32 $0xFFFFD800  }
0xad: {  	[spmem:s2] =	stream.indirect.scatter.add.f32 [tilespmem:s18], [sflag:$0x8], $0x80, s10, s14, $0xb8;
	[tilespmem:$0x1F880] =	vst v63  }
0xae: {  	_ =	swait.ge [sflag:s23], $0x2800  }
0xaf: {  	[sflag:s23] =	ssyncset.done $0x0  }
0xb0: {  	[sflag:s23] =	ssyncadd.s32 $0xFFFFD800  }
0xb1: {  	_ =	swait.ge [sflag:s24], $0x2800  }
0xb2: {  	[sflag:s24] =	ssyncset.done $0x0  }
0xb3: {  	[sflag:s24] =	ssyncadd.s32 $0xFFFFD800  }
0xb4: {  	_ =	swait.ge [sflag:s25], $0x2800  }
0xb5: {  	[sflag:s25] =	ssyncset.done $0x0  }
0xb6: {  	[sflag:s25] =	ssyncadd.s32 $0xFFFFD800  }
0xb7: {  	_ =	swait.ge [sflag:s26], $0x2800  }
0xb8: {  	[sflag:s26] =	ssyncset.done $0x0  }
0xb9: {  	s11 =	rddreg [dreg:$0x1b];
	[sflag:s26] =	ssyncadd.s32 $0xFFFFD800  }
0xba: {  	[tilespmem:s15], [sflag:$0x1] =	stream.indirect.gather [hbm4b:s4+s14], $0x80, s11, s14, $0xb8;
	[tilespmem:$0x1F880] =	vst v63  }
0xbb: {  	s5 =	rddreg [dreg:$0x1c]  }
0xbc: {  	[tilespmem:s16], [sflag:$0x2] =	stream.indirect.gather [hbm4b:s4+s14], $0x80, s5, s14, $0xb8;
	[tilespmem:$0x1F880] =	vst v63  }
0xbd: {  	s11 =	rddreg [dreg:$0x1d]  }
0xbe: {  	[tilespmem:s17], [sflag:$0x3] =	stream.indirect.gather [hbm4b:s4+s14], $0x80, s11, s14, $0xb8;
	[tilespmem:$0x1F880] =	vst v63  }
0xbf: {  	s5 =	rddreg [dreg:$0x1e]  }
0xc0: {  	[tilespmem:s18], [sflag:$0x4] =	stream.indirect.gather [hbm4b:s4+s14], $0x80, s5, s14, $0xb8;
	[tilespmem:$0x1F880] =	vst v63  }
0xc1: {  	_ =	swait.ge [sflag:s19], $0x2800  }
0xc2: {  	[sflag:s19] =	ssyncset.done $0x0  }
0xc3: {  	s10 =	rddreg [dreg:$0x1f];
	[sflag:s19] =	ssyncadd.s32 $0xFFFFD800  }
0xc4: {  	[spmem:s2] =	stream.indirect.scatter.add.f32 [tilespmem:s15], [sflag:$0x5], $0x80, s10, s14, $0xb8;
	[tilespmem:$0x1F880] =	vst v63  }
0xc5: {  	_ =	swait.ge [sflag:s20], $0x2800  }
0xc6: {  	s11 =	sld [smem:$0x7F0]  }
0xc7: {  	[sflag:s20] =	ssyncset.done $0x0  }
0xc8: {  	[sflag:s20] =	ssyncadd.s32 $0xFFFFD800  }
0xc9: {  	[spmem:s2] =	stream.indirect.scatter.add.f32 [tilespmem:s16], [sflag:$0x6], $0x80, s11, s14, $0xb8;
	[tilespmem:$0x1F880] =	vst v63  }
0xca: {  	_ =	swait.ge [sflag:s21], $0x2800  }
0xcb: {  	s5 =	sld [smem:$0x7F1]  }
0xcc: {  	[sflag:s21] =	ssyncset.done $0x0  }
0xcd: {  	[sflag:s21] =	ssyncadd.s32 $0xFFFFD800  }
0xce: {  	[spmem:s2] =	stream.indirect.scatter.add.f32 [tilespmem:s17], [sflag:$0x7], $0x80, s5, s14, $0xb8;
	[tilespmem:$0x1F880] =	vst v63  }
0xcf: {  	_ =	swait.ge [sflag:s22], $0x2800  }
0xd0: {  	s10 =	sld [smem:$0x7F2]  }
0xd1: {  	[sflag:s22] =	ssyncset.done $0x0  }
0xd2: {  	[sflag:s22] =	ssyncadd.s32 $0xFFFFD800  }
0xd3: {  	[spmem:s2] =	stream.indirect.scatter.add.f32 [tilespmem:s18], [sflag:$0x8], $0x80, s10, s14, $0xb8;
	[tilespmem:$0x1F880] =	vst v63  }
0xd4: {  	_ =	swait.ge [sflag:s23], $0x2800  }
0xd5: {  	[sflag:s23] =	ssyncset.done $0x0  }
0xd6: {  	[sflag:s23] =	ssyncadd.s32 $0xFFFFD800  }
0xd7: {  	_ =	swait.ge [sflag:s24], $0x2800  }
0xd8: {  	[sflag:s24] =	ssyncset.done $0x0  }
0xd9: {  	[sflag:s24] =	ssyncadd.s32 $0xFFFFD800  }
0xda: {  	_ =	swait.ge [sflag:s25], $0x2800  }
0xdb: {  	[sflag:s25] =	ssyncset.done $0x0  }
0xdc: {  	[sflag:s25] =	ssyncadd.s32 $0xFFFFD800  }
0xdd: {  	_ =	swait.ge [sflag:s26], $0x2800  }
0xde: {  	s11 =	sld [smem:$0x7F3]  }
0xdf: {  	[sflag:s26] =	ssyncset.done $0x0  }
0xe0: {  	s5 =	sld [smem:$0x7F4];
	[sflag:s26] =	ssyncadd.s32 $0xFFFFD800  }
0xe1: {  	[tilespmem:s15], [sflag:$0x1] =	stream.indirect.gather [hbm4b:s4+s14], $0x80, s11, s14, $0xb8;
	[tilespmem:$0x1F880] =	vst v63  }
0xe2: {  	s11 =	sld [smem:$0x7F5]  }
0xe3: {  	[tilespmem:s16], [sflag:$0x2] =	stream.indirect.gather [hbm4b:s4+s14], $0x80, s5, s14, $0xb8;
	[tilespmem:$0x1F880] =	vst v63  }
0xe4: {  	s5 =	sld [smem:$0x7F6]  }
0xe5: {  	[tilespmem:s17], [sflag:$0x3] =	stream.indirect.gather [hbm4b:s4+s14], $0x80, s11, s14, $0xb8;
	[tilespmem:$0x1F880] =	vst v63  }
0xe6: {  	_ = 	snop  }
0xe7: {  	[tilespmem:s18], [sflag:$0x4] =	stream.indirect.gather [hbm4b:s4+s14], $0x80, s5, s14, $0xb8;
	[tilespmem:$0x1F880] =	vst v63  }
0xe8: {  	_ =	swait.ge [sflag:s19], $0x2800  }
0xe9: {  	s10 =	sld [smem:$0x7F7]  }
0xea: {  	[sflag:s19] =	ssyncset.done $0x0  }
0xeb: {  	[sflag:s19] =	ssyncadd.s32 $0xFFFFD800  }
0xec: {  	[spmem:s2] =	stream.indirect.scatter.add.f32 [tilespmem:s15], [sflag:$0x5], $0x80, s10, s14, $0xb8;
	[tilespmem:$0x1F880] =	vst v63  }
0xed: {  	_ =	swait.ge [sflag:s20], $0x2800  }
0xee: {  	s11 =	sld [smem:$0x7F8]  }
0xef: {  	[sflag:s20] =	ssyncset.done $0x0  }
0xf0: {  	[sflag:s20] =	ssyncadd.s32 $0xFFFFD800  }
0xf1: {  	[spmem:s2] =	stream.indirect.scatter.add.f32 [tilespmem:s16], [sflag:$0x6], $0x80, s11, s14, $0xb8;
	[tilespmem:$0x1F880] =	vst v63  }
0xf2: {  	_ =	swait.ge [sflag:s21], $0x2800  }
0xf3: {  	s5 =	sld [smem:$0x7F9]  }
0xf4: {  	[sflag:s21] =	ssyncset.done $0x0  }
0xf5: {  	[sflag:s21] =	ssyncadd.s32 $0xFFFFD800  }
0xf6: {  	[spmem:s2] =	stream.indirect.scatter.add.f32 [tilespmem:s17], [sflag:$0x7], $0x80, s5, s14, $0xb8;
	[tilespmem:$0x1F880] =	vst v63  }
0xf7: {  	_ =	swait.ge [sflag:s22], $0x2800  }
0xf8: {  	s10 =	sld [smem:$0x7FA]  }
0xf9: {  	[sflag:s22] =	ssyncset.done $0x0  }
0xfa: {  	[sflag:s22] =	ssyncadd.s32 $0xFFFFD800  }
0xfb: {  	[spmem:s2] =	stream.indirect.scatter.add.f32 [tilespmem:s18], [sflag:$0x8], $0x80, s10, s14, $0xb8;
	[tilespmem:$0x1F880] =	vst v63  }
0xfc: {  	_ =	swait.ge [sflag:s23], $0x2800  }
0xfd: {  	[sflag:s23] =	ssyncset.done $0x0  }
0xfe: {  	[sflag:s23] =	ssyncadd.s32 $0xFFFFD800  }
0xff: {  	_ =	swait.ge [sflag:s24], $0x2800  }
0x100: {  	[sflag:s24] =	ssyncset.done $0x0  }
0x101: {  	[sflag:s24] =	ssyncadd.s32 $0xFFFFD800  }
0x102: {  	_ =	swait.ge [sflag:s25], $0x2800  }
0x103: {  	[sflag:s25] =	ssyncset.done $0x0  }
0x104: {  	[sflag:s25] =	ssyncadd.s32 $0xFFFFD800  }
0x105: {  	_ =	swait.ge [sflag:s26], $0x2800  }
0x106: {  	s11 =	sld [smem:$0x7FB]  }
0x107: {  	[sflag:s26] =	ssyncset.done $0x0  }
0x108: {  	[sflag:s26] =	ssyncadd.s32 $0xFFFFD800  }
0x109: {  	[tilespmem:s15], [sflag:$0x1] =	stream.indirect.gather [hbm4b:s4+s14], $0x80, s11, s14, $0xb8;
	[tilespmem:$0x1F880] =	vst v63  }
0x10a: {  	_ = 	snop  }
0x10b: {  	[tilespmem:s16], [sflag:$0x2] =	stream.indirect.gather [hbm4b:s4+s14], $0x80, s28, s14, $0xb8;
	[tilespmem:$0x1F880] =	vst v63  }
0x10c: {  	_ = 	snop  }
0x10d: {  	[tilespmem:s17], [sflag:$0x3] =	stream.indirect.gather [hbm4b:s4+s14], $0x80, s29, s14, $0xb8;
	[tilespmem:$0x1F880] =	vst v63  }
0x10e: {  	_ = 	snop  }
0x10f: {  	[tilespmem:s18], [sflag:$0x4] =	stream.indirect.gather [hbm4b:s4+s14], $0x80, s30, s14, $0xb8;
	[tilespmem:$0x1F880] =	vst v63  }
0x110: {  	_ =	swait.ge [sflag:s19], $0x2800  }
0x111: {  	[sflag:s19] =	ssyncset.done $0x0  }
0x112: {  	[sflag:s19] =	ssyncadd.s32 $0xFFFFD800  }
0x113: {  	[spmem:s2] =	stream.indirect.scatter.add.f32 [tilespmem:s15], [sflag:$0x5], $0x80, s31, s14, $0xb8;
	[tilespmem:$0x1F880] =	vst v63  }
0x114: {  	_ =	swait.ge [sflag:s20], $0x2800  }
0x115: {  	[sflag:s20] =	ssyncset.done $0x0  }
0x116: {  	[sflag:s20] =	ssyncadd.s32 $0xFFFFD800  }
0x117: {  	[spmem:s2] =	stream.indirect.scatter.add.f32 [tilespmem:s16], [sflag:$0x6], $0x80, s1, s14, $0xb8;
	[tilespmem:$0x1F880] =	vst v63  }
0x118: {  	_ =	swait.ge [sflag:s21], $0x2800  }
0x119: {  	[sflag:s21] =	ssyncset.done $0x0  }
0x11a: {  	[sflag:s21] =	ssyncadd.s32 $0xFFFFD800  }
0x11b: {  	[spmem:s2] =	stream.indirect.scatter.add.f32 [tilespmem:s17], [sflag:$0x7], $0x80, s0, s14, $0xb8;
	[tilespmem:$0x1F880] =	vst v63  }
0x11c: {  	_ =	swait.ge [sflag:s22], $0x2800  }
0x11d: {  	[sflag:s22] =	ssyncset.done $0x0  }
0x11e: {  	[sflag:s22] =	ssyncadd.s32 $0xFFFFD800  }
0x11f: {  	[spmem:s2] =	stream.indirect.scatter.add.f32 [tilespmem:s18], [sflag:$0x8], $0x80, s6, s14, $0xb8;
	[tilespmem:$0x1F880] =	vst v63  }
0x120: {  	_ =	swait.ge [sflag:s23], $0x2800  }
0x121: {  	[sflag:s23] =	ssyncset.done $0x0  }
0x122: {  	[sflag:s23] =	ssyncadd.s32 $0xFFFFD800  }
0x123: {  	_ =	swait.ge [sflag:s24], $0x2800  }
0x124: {  	[sflag:s24] =	ssyncset.done $0x0  }
0x125: {  	[sflag:s24] =	ssyncadd.s32 $0xFFFFD800  }
0x126: {  	_ =	swait.ge [sflag:s25], $0x2800  }
0x127: {  	[sflag:s25] =	ssyncset.done $0x0  }
0x128: {  	[sflag:s25] =	ssyncadd.s32 $0xFFFFD800  }
0x129: {  	_ =	swait.ge [sflag:s26], $0x2800  }
0x12a: {  	[sflag:s26] =	ssyncset.done $0x0  }
0x12b: {  	[sflag:s26] =	ssyncadd.s32 $0xFFFFD800  }
0x12c: {  	[tilespmem:s15], [sflag:$0x1] =	stream.indirect.gather [hbm4b:s4+s14], $0x80, s7, s14, $0xb8;
	[tilespmem:$0x1F880] =	vst v63  }
0x12d: {  	_ =	swait.ge [sflag:s19], $0x2800  }
0x12e: {  	[sflag:s19] =	ssyncset.done $0x0  }
0x12f: {  	[sflag:s19] =	ssyncadd.s32 $0xFFFFD800  }
0x130: {  	[spmem:s2] =	stream.indirect.scatter.add.f32 [tilespmem:s15], [sflag:$0x9], $0x80, s8, s14, $0xb8;
	[tilespmem:$0x1F880] =	vst v63  }
0x131: {  	s9 =	simm.s32 $0x200;
	_ =	swait.ge [sflag:s12], $0x2800  }
0x132: {  	s10 =	simm.s32 $0x400;
	s11 =	rddreg [dreg:$0x4];
	[sflag:s12] =	ssyncset.done $0x0  }
.LBB2_2:
0x133: {  	[sflag:s12] =	ssyncadd.s32 $0xFFFFD800;
	s11 =	sadd.s32 s9, s11  }
0x134: {  	[tilespmem:s3], [sflag:$0x9] =	stream.linear.gather [hbm4b:s11+s3], $0xC80, $0x38;
	[tilespmem:$0x1F880] =	vst v63  }
0x135: {  	_ =	swait.ge [sflag:s12], $0xC80  }
0x136: {  	s11 =	rddreg [dreg:$0x3];
	[sflag:s12] =	ssyncset.done $0x0  }
0x137: {  	[sflag:s12] =	ssyncadd.s32 $0xFFFFF380;
	s11 =	sadd.s32 s9, s11  }
0x138: {  	[tilespmem:s13], [sflag:$0x9] =	stream.linear.gather [hbm4b:s11+s3], $0xC80, $0x38;
	[tilespmem:$0x1F880] =	vst v63  }
0x139: {  	_ =	swait.ge [sflag:s12], $0xC80  }
0x13a: {  	[sflag:s12] =	ssyncset.done $0x0  }
0x13b: {  	s5 =	smov.u32 s10;
	[sflag:s12] =	ssyncadd.s32 $0xFFFFF380  }
0x13c: {  	[tilespmem:s15], [sflag:$0x1] =	stream.indirect.gather [hbm4b:s4+s14], $0x80, s3, s14, $0xb8;
	[tilespmem:$0x1F880] =	vst v63  }
0x13d: {  	s9 =	smov.u32 s5;
	s5 =	rddreg [dreg:$0x5]  }
0x13e: {  	[tilespmem:s16], [sflag:$0x2] =	stream.indirect.gather [hbm4b:s4+s14], $0x80, s5, s14, $0xb8;
	[tilespmem:$0x1F880] =	vst v63  }
0x13f: {  	s11 =	rddreg [dreg:$0x6]  }
0x140: {  	[tilespmem:s17], [sflag:$0x3] =	stream.indirect.gather [hbm4b:s4+s14], $0x80, s11, s14, $0xb8;
	[tilespmem:$0x1F880] =	vst v63  }
0x141: {  	s5 =	rddreg [dreg:$0x7]  }
0x142: {  	[tilespmem:s18], [sflag:$0x4] =	stream.indirect.gather [hbm4b:s4+s14], $0x80, s5, s14, $0xb8;
	[tilespmem:$0x1F880] =	vst v63  }
0x143: {  	_ =	swait.ge [sflag:s19], $0x2800  }
0x144: {  	[sflag:s19] =	ssyncset.done $0x0  }
0x145: {  	[sflag:s19] =	ssyncadd.s32 $0xFFFFD800  }
0x146: {  	[spmem:s2] =	stream.indirect.scatter.add.f32 [tilespmem:s15], [sflag:$0x5], $0x80, s13, s14, $0xb8;
	[tilespmem:$0x1F880] =	vst v63  }
0x147: {  	_ =	swait.ge [sflag:s20], $0x2800  }
0x148: {  	[sflag:s20] =	ssyncset.done $0x0  }
0x149: {  	s11 =	rddreg [dreg:$0x8];
	[sflag:s20] =	ssyncadd.s32 $0xFFFFD800  }
0x14a: {  	[spmem:s2] =	stream.indirect.scatter.add.f32 [tilespmem:s16], [sflag:$0x6], $0x80, s11, s14, $0xb8;
	[tilespmem:$0x1F880] =	vst v63  }
0x14b: {  	_ =	swait.ge [sflag:s21], $0x2800  }
0x14c: {  	[sflag:s21] =	ssyncset.done $0x0  }
0x14d: {  	s11 =	rddreg [dreg:$0x9];
	[sflag:s21] =	ssyncadd.s32 $0xFFFFD800  }
0x14e: {  	[spmem:s2] =	stream.indirect.scatter.add.f32 [tilespmem:s17], [sflag:$0x7], $0x80, s11, s14, $0xb8;
	[tilespmem:$0x1F880] =	vst v63  }
0x14f: {  	_ =	swait.ge [sflag:s22], $0x2800  }
0x150: {  	[sflag:s22] =	ssyncset.done $0x0  }
0x151: {  	s11 =	rddreg [dreg:$0xa];
	[sflag:s22] =	ssyncadd.s32 $0xFFFFD800  }
0x152: {  	[spmem:s2] =	stream.indirect.scatter.add.f32 [tilespmem:s18], [sflag:$0x8], $0x80, s11, s14, $0xb8;
	[tilespmem:$0x1F880] =	vst v63  }
0x153: {  	_ =	swait.ge [sflag:s23], $0x2800  }
0x154: {  	[sflag:s23] =	ssyncset.done $0x0  }
0x155: {  	[sflag:s23] =	ssyncadd.s32 $0xFFFFD800  }
0x156: {  	_ =	swait.ge [sflag:s24], $0x2800  }
0x157: {  	[sflag:s24] =	ssyncset.done $0x0  }
0x158: {  	[sflag:s24] =	ssyncadd.s32 $0xFFFFD800  }
0x159: {  	_ =	swait.ge [sflag:s25], $0x2800  }
0x15a: {  	[sflag:s25] =	ssyncset.done $0x0  }
0x15b: {  	[sflag:s25] =	ssyncadd.s32 $0xFFFFD800  }
0x15c: {  	_ =	swait.ge [sflag:s26], $0x2800  }
0x15d: {  	[sflag:s26] =	ssyncset.done $0x0  }
0x15e: {  	s5 =	rddreg [dreg:$0xb];
	[sflag:s26] =	ssyncadd.s32 $0xFFFFD800  }
0x15f: {  	[tilespmem:s15], [sflag:$0x1] =	stream.indirect.gather [hbm4b:s4+s14], $0x80, s5, s14, $0xb8;
	[tilespmem:$0x1F880] =	vst v63  }
0x160: {  	s11 =	rddreg [dreg:$0xc]  }
0x161: {  	[tilespmem:s16], [sflag:$0x2] =	stream.indirect.gather [hbm4b:s4+s14], $0x80, s11, s14, $0xb8;
	[tilespmem:$0x1F880] =	vst v63  }
0x162: {  	s5 =	rddreg [dreg:$0xd]  }
0x163: {  	[tilespmem:s17], [sflag:$0x3] =	stream.indirect.gather [hbm4b:s4+s14], $0x80, s5, s14, $0xb8;
	[tilespmem:$0x1F880] =	vst v63  }
0x164: {  	s11 =	rddreg [dreg:$0xe]  }
0x165: {  	[tilespmem:s18], [sflag:$0x4] =	stream.indirect.gather [hbm4b:s4+s14], $0x80, s11, s14, $0xb8;
	[tilespmem:$0x1F880] =	vst v63  }
0x166: {  	_ =	swait.ge [sflag:s19], $0x2800  }
0x167: {  	[sflag:s19] =	ssyncset.done $0x0  }
0x168: {  	s11 =	rddreg [dreg:$0xf];
	[sflag:s19] =	ssyncadd.s32 $0xFFFFD800  }
0x169: {  	[spmem:s2] =	stream.indirect.scatter.add.f32 [tilespmem:s15], [sflag:$0x5], $0x80, s11, s14, $0xb8;
	[tilespmem:$0x1F880] =	vst v63  }
0x16a: {  	_ =	swait.ge [sflag:s20], $0x2800  }
0x16b: {  	[sflag:s20] =	ssyncset.done $0x0  }
0x16c: {  	s11 =	rddreg [dreg:$0x10];
	[sflag:s20] =	ssyncadd.s32 $0xFFFFD800  }
0x16d: {  	[spmem:s2] =	stream.indirect.scatter.add.f32 [tilespmem:s16], [sflag:$0x6], $0x80, s11, s14, $0xb8;
	[tilespmem:$0x1F880] =	vst v63  }
0x16e: {  	_ =	swait.ge [sflag:s21], $0x2800  }
0x16f: {  	[sflag:s21] =	ssyncset.done $0x0  }
0x170: {  	s11 =	rddreg [dreg:$0x11];
	[sflag:s21] =	ssyncadd.s32 $0xFFFFD800  }
0x171: {  	[spmem:s2] =	stream.indirect.scatter.add.f32 [tilespmem:s17], [sflag:$0x7], $0x80, s11, s14, $0xb8;
	[tilespmem:$0x1F880] =	vst v63  }
0x172: {  	_ =	swait.ge [sflag:s22], $0x2800  }
0x173: {  	[sflag:s22] =	ssyncset.done $0x0  }
0x174: {  	s11 =	rddreg [dreg:$0x12];
	[sflag:s22] =	ssyncadd.s32 $0xFFFFD800  }
0x175: {  	[spmem:s2] =	stream.indirect.scatter.add.f32 [tilespmem:s18], [sflag:$0x8], $0x80, s11, s14, $0xb8;
	[tilespmem:$0x1F880] =	vst v63  }
0x176: {  	_ =	swait.ge [sflag:s23], $0x2800  }
0x177: {  	[sflag:s23] =	ssyncset.done $0x0  }
0x178: {  	[sflag:s23] =	ssyncadd.s32 $0xFFFFD800  }
0x179: {  	_ =	swait.ge [sflag:s24], $0x2800  }
0x17a: {  	[sflag:s24] =	ssyncset.done $0x0  }
0x17b: {  	[sflag:s24] =	ssyncadd.s32 $0xFFFFD800  }
0x17c: {  	_ =	swait.ge [sflag:s25], $0x2800  }
0x17d: {  	[sflag:s25] =	ssyncset.done $0x0  }
0x17e: {  	[sflag:s25] =	ssyncadd.s32 $0xFFFFD800  }
0x17f: {  	_ =	swait.ge [sflag:s26], $0x2800  }
0x180: {  	[sflag:s26] =	ssyncset.done $0x0  }
0x181: {  	s5 =	rddreg [dreg:$0x13];
	[sflag:s26] =	ssyncadd.s32 $0xFFFFD800  }
0x182: {  	[tilespmem:s15], [sflag:$0x1] =	stream.indirect.gather [hbm4b:s4+s14], $0x80, s5, s14, $0xb8;
	[tilespmem:$0x1F880] =	vst v63  }
0x183: {  	s11 =	rddreg [dreg:$0x14]  }
0x184: {  	[tilespmem:s16], [sflag:$0x2] =	stream.indirect.gather [hbm4b:s4+s14], $0x80, s11, s14, $0xb8;
	[tilespmem:$0x1F880] =	vst v63  }
0x185: {  	s5 =	rddreg [dreg:$0x15]  }
0x186: {  	[tilespmem:s17], [sflag:$0x3] =	stream.indirect.gather [hbm4b:s4+s14], $0x80, s5, s14, $0xb8;
	[tilespmem:$0x1F880] =	vst v63  }
0x187: {  	s11 =	rddreg [dreg:$0x16]  }
0x188: {  	[tilespmem:s18], [sflag:$0x4] =	stream.indirect.gather [hbm4b:s4+s14], $0x80, s11, s14, $0xb8;
	[tilespmem:$0x1F880] =	vst v63  }
0x189: {  	_ =	swait.ge [sflag:s19], $0x2800  }
0x18a: {  	[sflag:s19] =	ssyncset.done $0x0  }
0x18b: {  	s11 =	rddreg [dreg:$0x17];
	[sflag:s19] =	ssyncadd.s32 $0xFFFFD800  }
0x18c: {  	[spmem:s2] =	stream.indirect.scatter.add.f32 [tilespmem:s15], [sflag:$0x5], $0x80, s11, s14, $0xb8;
	[tilespmem:$0x1F880] =	vst v63  }
0x18d: {  	_ =	swait.ge [sflag:s20], $0x2800  }
0x18e: {  	[sflag:s20] =	ssyncset.done $0x0  }
0x18f: {  	s11 =	rddreg [dreg:$0x18];
	[sflag:s20] =	ssyncadd.s32 $0xFFFFD800  }
0x190: {  	[spmem:s2] =	stream.indirect.scatter.add.f32 [tilespmem:s16], [sflag:$0x6], $0x80, s11, s14, $0xb8;
	[tilespmem:$0x1F880] =	vst v63  }
0x191: {  	_ =	swait.ge [sflag:s21], $0x2800  }
0x192: {  	[sflag:s21] =	ssyncset.done $0x0  }
0x193: {  	s11 =	rddreg [dreg:$0x19];
	[sflag:s21] =	ssyncadd.s32 $0xFFFFD800  }
0x194: {  	[spmem:s2] =	stream.indirect.scatter.add.f32 [tilespmem:s17], [sflag:$0x7], $0x80, s11, s14, $0xb8;
	[tilespmem:$0x1F880] =	vst v63  }
0x195: {  	_ =	swait.ge [sflag:s22], $0x2800  }
0x196: {  	[sflag:s22] =	ssyncset.done $0x0  }
0x197: {  	s11 =	rddreg [dreg:$0x1a];
	[sflag:s22] =	ssyncadd.s32 $0xFFFFD800  }
0x198: {  	[spmem:s2] =	stream.indirect.scatter.add.f32 [tilespmem:s18], [sflag:$0x8], $0x80, s11, s14, $0xb8;
	[tilespmem:$0x1F880] =	vst v63  }
0x199: {  	_ =	swait.ge [sflag:s23], $0x2800  }
0x19a: {  	[sflag:s23] =	ssyncset.done $0x0  }
0x19b: {  	[sflag:s23] =	ssyncadd.s32 $0xFFFFD800  }
0x19c: {  	_ =	swait.ge [sflag:s24], $0x2800  }
0x19d: {  	[sflag:s24] =	ssyncset.done $0x0  }
0x19e: {  	[sflag:s24] =	ssyncadd.s32 $0xFFFFD800  }
0x19f: {  	_ =	swait.ge [sflag:s25], $0x2800  }
0x1a0: {  	[sflag:s25] =	ssyncset.done $0x0  }
0x1a1: {  	[sflag:s25] =	ssyncadd.s32 $0xFFFFD800  }
0x1a2: {  	_ =	swait.ge [sflag:s26], $0x2800  }
0x1a3: {  	[sflag:s26] =	ssyncset.done $0x0  }
0x1a4: {  	s5 =	rddreg [dreg:$0x1b];
	[sflag:s26] =	ssyncadd.s32 $0xFFFFD800  }
0x1a5: {  	[tilespmem:s15], [sflag:$0x1] =	stream.indirect.gather [hbm4b:s4+s14], $0x80, s5, s14, $0xb8;
	[tilespmem:$0x1F880] =	vst v63  }
0x1a6: {  	s11 =	rddreg [dreg:$0x1c]  }
0x1a7: {  	[tilespmem:s16], [sflag:$0x2] =	stream.indirect.gather [hbm4b:s4+s14], $0x80, s11, s14, $0xb8;
	[tilespmem:$0x1F880] =	vst v63  }
0x1a8: {  	s5 =	rddreg [dreg:$0x1d]  }
0x1a9: {  	[tilespmem:s17], [sflag:$0x3] =	stream.indirect.gather [hbm4b:s4+s14], $0x80, s5, s14, $0xb8;
	[tilespmem:$0x1F880] =	vst v63  }
0x1aa: {  	s11 =	rddreg [dreg:$0x1e]  }
0x1ab: {  	[tilespmem:s18], [sflag:$0x4] =	stream.indirect.gather [hbm4b:s4+s14], $0x80, s11, s14, $0xb8;
	[tilespmem:$0x1F880] =	vst v63  }
0x1ac: {  	_ =	swait.ge [sflag:s19], $0x2800  }
0x1ad: {  	[sflag:s19] =	ssyncset.done $0x0  }
0x1ae: {  	s11 =	rddreg [dreg:$0x1f];
	[sflag:s19] =	ssyncadd.s32 $0xFFFFD800  }
0x1af: {  	[spmem:s2] =	stream.indirect.scatter.add.f32 [tilespmem:s15], [sflag:$0x5], $0x80, s11, s14, $0xb8;
	[tilespmem:$0x1F880] =	vst v63  }
0x1b0: {  	_ =	swait.ge [sflag:s20], $0x2800  }
0x1b1: {  	s11 =	sld [smem:$0x7F0]  }
0x1b2: {  	[sflag:s20] =	ssyncset.done $0x0  }
0x1b3: {  	[sflag:s20] =	ssyncadd.s32 $0xFFFFD800  }
0x1b4: {  	[spmem:s2] =	stream.indirect.scatter.add.f32 [tilespmem:s16], [sflag:$0x6], $0x80, s11, s14, $0xb8;
	[tilespmem:$0x1F880] =	vst v63  }
0x1b5: {  	_ =	swait.ge [sflag:s21], $0x2800  }
0x1b6: {  	s11 =	sld [smem:$0x7F1]  }
0x1b7: {  	[sflag:s21] =	ssyncset.done $0x0  }
0x1b8: {  	[sflag:s21] =	ssyncadd.s32 $0xFFFFD800  }
0x1b9: {  	[spmem:s2] =	stream.indirect.scatter.add.f32 [tilespmem:s17], [sflag:$0x7], $0x80, s11, s14, $0xb8;
	[tilespmem:$0x1F880] =	vst v63  }
0x1ba: {  	_ =	swait.ge [sflag:s22], $0x2800  }
0x1bb: {  	s11 =	sld [smem:$0x7F2]  }
0x1bc: {  	[sflag:s22] =	ssyncset.done $0x0  }
0x1bd: {  	[sflag:s22] =	ssyncadd.s32 $0xFFFFD800  }
0x1be: {  	[spmem:s2] =	stream.indirect.scatter.add.f32 [tilespmem:s18], [sflag:$0x8], $0x80, s11, s14, $0xb8;
	[tilespmem:$0x1F880] =	vst v63  }
0x1bf: {  	_ =	swait.ge [sflag:s23], $0x2800  }
0x1c0: {  	[sflag:s23] =	ssyncset.done $0x0  }
0x1c1: {  	[sflag:s23] =	ssyncadd.s32 $0xFFFFD800  }
0x1c2: {  	_ =	swait.ge [sflag:s24], $0x2800  }
0x1c3: {  	[sflag:s24] =	ssyncset.done $0x0  }
0x1c4: {  	[sflag:s24] =	ssyncadd.s32 $0xFFFFD800  }
0x1c5: {  	_ =	swait.ge [sflag:s25], $0x2800  }
0x1c6: {  	[sflag:s25] =	ssyncset.done $0x0  }
0x1c7: {  	[sflag:s25] =	ssyncadd.s32 $0xFFFFD800  }
0x1c8: {  	_ =	swait.ge [sflag:s26], $0x2800  }
0x1c9: {  	s5 =	sld [smem:$0x7F3]  }
0x1ca: {  	[sflag:s26] =	ssyncset.done $0x0  }
0x1cb: {  	s11 =	sld [smem:$0x7F4];
	[sflag:s26] =	ssyncadd.s32 $0xFFFFD800  }
0x1cc: {  	[tilespmem:s15], [sflag:$0x1] =	stream.indirect.gather [hbm4b:s4+s14], $0x80, s5, s14, $0xb8;
	[tilespmem:$0x1F880] =	vst v63  }
0x1cd: {  	s5 =	sld [smem:$0x7F5]  }
0x1ce: {  	[tilespmem:s16], [sflag:$0x2] =	stream.indirect.gather [hbm4b:s4+s14], $0x80, s11, s14, $0xb8;
	[tilespmem:$0x1F880] =	vst v63  }
0x1cf: {  	s11 =	sld [smem:$0x7F6]  }
0x1d0: {  	[tilespmem:s17], [sflag:$0x3] =	stream.indirect.gather [hbm4b:s4+s14], $0x80, s5, s14, $0xb8;
	[tilespmem:$0x1F880] =	vst v63  }
0x1d1: {  	_ = 	snop  }
0x1d2: {  	[tilespmem:s18], [sflag:$0x4] =	stream.indirect.gather [hbm4b:s4+s14], $0x80, s11, s14, $0xb8;
	[tilespmem:$0x1F880] =	vst v63  }
0x1d3: {  	_ =	swait.ge [sflag:s19], $0x2800  }
0x1d4: {  	s11 =	sld [smem:$0x7F7]  }
0x1d5: {  	[sflag:s19] =	ssyncset.done $0x0  }
0x1d6: {  	[sflag:s19] =	ssyncadd.s32 $0xFFFFD800  }
0x1d7: {  	[spmem:s2] =	stream.indirect.scatter.add.f32 [tilespmem:s15], [sflag:$0x5], $0x80, s11, s14, $0xb8;
	[tilespmem:$0x1F880] =	vst v63  }
0x1d8: {  	_ =	swait.ge [sflag:s20], $0x2800  }
0x1d9: {  	s11 =	sld [smem:$0x7F8]  }
0x1da: {  	[sflag:s20] =	ssyncset.done $0x0  }
0x1db: {  	[sflag:s20] =	ssyncadd.s32 $0xFFFFD800  }
0x1dc: {  	[spmem:s2] =	stream.indirect.scatter.add.f32 [tilespmem:s16], [sflag:$0x6], $0x80, s11, s14, $0xb8;
	[tilespmem:$0x1F880] =	vst v63  }
0x1dd: {  	_ =	swait.ge [sflag:s21], $0x2800  }
0x1de: {  	s11 =	sld [smem:$0x7F9]  }
0x1df: {  	[sflag:s21] =	ssyncset.done $0x0  }
0x1e0: {  	[sflag:s21] =	ssyncadd.s32 $0xFFFFD800  }
0x1e1: {  	[spmem:s2] =	stream.indirect.scatter.add.f32 [tilespmem:s17], [sflag:$0x7], $0x80, s11, s14, $0xb8;
	[tilespmem:$0x1F880] =	vst v63  }
0x1e2: {  	_ =	swait.ge [sflag:s22], $0x2800  }
0x1e3: {  	s11 =	sld [smem:$0x7FA]  }
0x1e4: {  	[sflag:s22] =	ssyncset.done $0x0  }
0x1e5: {  	[sflag:s22] =	ssyncadd.s32 $0xFFFFD800  }
0x1e6: {  	[spmem:s2] =	stream.indirect.scatter.add.f32 [tilespmem:s18], [sflag:$0x8], $0x80, s11, s14, $0xb8;
	[tilespmem:$0x1F880] =	vst v63  }
0x1e7: {  	_ =	swait.ge [sflag:s23], $0x2800  }
0x1e8: {  	[sflag:s23] =	ssyncset.done $0x0  }
0x1e9: {  	[sflag:s23] =	ssyncadd.s32 $0xFFFFD800  }
0x1ea: {  	_ =	swait.ge [sflag:s24], $0x2800  }
0x1eb: {  	[sflag:s24] =	ssyncset.done $0x0  }
0x1ec: {  	[sflag:s24] =	ssyncadd.s32 $0xFFFFD800  }
0x1ed: {  	_ =	swait.ge [sflag:s25], $0x2800  }
0x1ee: {  	[sflag:s25] =	ssyncset.done $0x0  }
0x1ef: {  	[sflag:s25] =	ssyncadd.s32 $0xFFFFD800  }
0x1f0: {  	_ =	swait.ge [sflag:s26], $0x2800  }
0x1f1: {  	s11 =	sld [smem:$0x7FB]  }
0x1f2: {  	[sflag:s26] =	ssyncset.done $0x0  }
0x1f3: {  	[sflag:s26] =	ssyncadd.s32 $0xFFFFD800  }
0x1f4: {  	[tilespmem:s15], [sflag:$0x1] =	stream.indirect.gather [hbm4b:s4+s14], $0x80, s11, s14, $0xb8;
	[tilespmem:$0x1F880] =	vst v63  }
0x1f5: {  	_ = 	snop  }
0x1f6: {  	[tilespmem:s16], [sflag:$0x2] =	stream.indirect.gather [hbm4b:s4+s14], $0x80, s28, s14, $0xb8;
	[tilespmem:$0x1F880] =	vst v63  }
0x1f7: {  	_ = 	snop  }
0x1f8: {  	[tilespmem:s17], [sflag:$0x3] =	stream.indirect.gather [hbm4b:s4+s14], $0x80, s29, s14, $0xb8;
	[tilespmem:$0x1F880] =	vst v63  }
0x1f9: {  	_ = 	snop  }
0x1fa: {  	[tilespmem:s18], [sflag:$0x4] =	stream.indirect.gather [hbm4b:s4+s14], $0x80, s30, s14, $0xb8;
	[tilespmem:$0x1F880] =	vst v63  }
0x1fb: {  	_ =	swait.ge [sflag:s19], $0x2800  }
0x1fc: {  	[sflag:s19] =	ssyncset.done $0x0  }
0x1fd: {  	[sflag:s19] =	ssyncadd.s32 $0xFFFFD800  }
0x1fe: {  	[spmem:s2] =	stream.indirect.scatter.add.f32 [tilespmem:s15], [sflag:$0x5], $0x80, s31, s14, $0xb8;
	[tilespmem:$0x1F880] =	vst v63  }
0x1ff: {  	_ =	swait.ge [sflag:s20], $0x2800  }
0x200: {  	[sflag:s20] =	ssyncset.done $0x0  }
0x201: {  	[sflag:s20] =	ssyncadd.s32 $0xFFFFD800  }
0x202: {  	[spmem:s2] =	stream.indirect.scatter.add.f32 [tilespmem:s16], [sflag:$0x6], $0x80, s1, s14, $0xb8;
	[tilespmem:$0x1F880] =	vst v63  }
0x203: {  	_ =	swait.ge [sflag:s21], $0x2800  }
0x204: {  	[sflag:s21] =	ssyncset.done $0x0  }
0x205: {  	[sflag:s21] =	ssyncadd.s32 $0xFFFFD800  }
0x206: {  	[spmem:s2] =	stream.indirect.scatter.add.f32 [tilespmem:s17], [sflag:$0x7], $0x80, s0, s14, $0xb8;
	[tilespmem:$0x1F880] =	vst v63  }
0x207: {  	_ =	swait.ge [sflag:s22], $0x2800  }
0x208: {  	[sflag:s22] =	ssyncset.done $0x0  }
0x209: {  	[sflag:s22] =	ssyncadd.s32 $0xFFFFD800  }
0x20a: {  	[spmem:s2] =	stream.indirect.scatter.add.f32 [tilespmem:s18], [sflag:$0x8], $0x80, s6, s14, $0xb8;
	[tilespmem:$0x1F880] =	vst v63  }
0x20b: {  	_ =	swait.ge [sflag:s23], $0x2800  }
0x20c: {  	[sflag:s23] =	ssyncset.done $0x0  }
0x20d: {  	[sflag:s23] =	ssyncadd.s32 $0xFFFFD800  }
0x20e: {  	_ =	swait.ge [sflag:s24], $0x2800  }
0x20f: {  	[sflag:s24] =	ssyncset.done $0x0  }
0x210: {  	[sflag:s24] =	ssyncadd.s32 $0xFFFFD800  }
0x211: {  	_ =	swait.ge [sflag:s25], $0x2800  }
0x212: {  	[sflag:s25] =	ssyncset.done $0x0  }
0x213: {  	[sflag:s25] =	ssyncadd.s32 $0xFFFFD800  }
0x214: {  	_ =	swait.ge [sflag:s26], $0x2800  }
0x215: {  	[sflag:s26] =	ssyncset.done $0x0  }
0x216: {  	[sflag:s26] =	ssyncadd.s32 $0xFFFFD800  }
0x217: {  	[tilespmem:s15], [sflag:$0x1] =	stream.indirect.gather [hbm4b:s4+s14], $0x80, s7, s14, $0xb8;
	[tilespmem:$0x1F880] =	vst v63  }
0x218: {  	p1 =	sne.s32 s10, $0x800;
	_ =	swait.ge [sflag:s19], $0x2800  }
.Ltmp0:
0x219: {  	[sflag:s19] =	ssyncset.done $0x0;
	(pc) =	sbr.rel @p1 .LBB2_2-.Ltmp0, $4  }
0x21a: {  	[sflag:s19] =	ssyncadd.s32 $0xFFFFD800  }
0x21b: {  	[spmem:s2] =	stream.indirect.scatter.add.f32 [tilespmem:s15], [sflag:$0x9], $0x80, s8, s14, $0xb8;
	[tilespmem:$0x1F880] =	vst v63  }
0x21c: {  	_ =	swait.ge [sflag:s12], $0x2800  }
0x21d: {  	s10 =	sadd.s32 $0x200, s10;
	s11 =	rddreg [dreg:$0x4];
	[sflag:s12] =	ssyncset.done $0x0  }
0x21e: {  	[sflag:s12] =	ssyncadd.s32 $0xFFFFD800;
	s5 =	sadd.s32 s9, s11  }
0x21f: {  	[tilespmem:s3], [sflag:$0x9] =	stream.linear.gather [hbm4b:s5+s3], $0xC80, $0x38;
	[tilespmem:$0x1F880] =	vst v63  }
0x220: {  	_ =	swait.ge [sflag:s12], $0xC80  }
0x221: {  	s11 =	rddreg [dreg:$0x3];
	[sflag:s12] =	ssyncset.done $0x0  }
0x222: {  	[sflag:s12] =	ssyncadd.s32 $0xFFFFF380;
	s5 =	sadd.s32 s9, s11  }
0x223: {  	[tilespmem:s13], [sflag:$0x9] =	stream.linear.gather [hbm4b:s5+s3], $0xC80, $0x38;
	[tilespmem:$0x1F880] =	vst v63  }
0x224: {  	_ =	swait.ge [sflag:s12], $0xC80  }
0x225: {  	[sflag:s12] =	ssyncset.done $0x0  }
0x226: {  	[sflag:s12] =	ssyncadd.s32 $0xFFFFF380  }
0x227: {  	[tilespmem:s15], [sflag:$0x1] =	stream.indirect.gather [hbm4b:s4+s14], $0x80, s3, s14, $0xb8;
	[tilespmem:$0x1F880] =	vst v63  }
0x228: {  	s9 =	rddreg [dreg:$0x5]  }
0x229: {  	[tilespmem:s16], [sflag:$0x2] =	stream.indirect.gather [hbm4b:s4+s14], $0x80, s9, s14, $0xb8;
	[tilespmem:$0x1F880] =	vst v63  }
0x22a: {  	s10 =	rddreg [dreg:$0x6]  }
0x22b: {  	[tilespmem:s17], [sflag:$0x3] =	stream.indirect.gather [hbm4b:s4+s14], $0x80, s10, s14, $0xb8;
	[tilespmem:$0x1F880] =	vst v63  }
0x22c: {  	s11 =	rddreg [dreg:$0x7]  }
0x22d: {  	[tilespmem:s18], [sflag:$0x4] =	stream.indirect.gather [hbm4b:s4+s14], $0x80, s11, s14, $0xb8;
	[tilespmem:$0x1F880] =	vst v63  }
0x22e: {  	_ =	swait.ge [sflag:s19], $0x2800  }
0x22f: {  	[sflag:s19] =	ssyncset.done $0x0  }
0x230: {  	[sflag:s19] =	ssyncadd.s32 $0xFFFFD800  }
0x231: {  	[spmem:s2] =	stream.indirect.scatter.add.f32 [tilespmem:s15], [sflag:$0x5], $0x80, s13, s14, $0xb8;
	[tilespmem:$0x1F880] =	vst v63  }
0x232: {  	_ =	swait.ge [sflag:s20], $0x2800  }
0x233: {  	[sflag:s20] =	ssyncset.done $0x0  }
0x234: {  	s10 =	rddreg [dreg:$0x8];
	[sflag:s20] =	ssyncadd.s32 $0xFFFFD800  }
0x235: {  	[spmem:s2] =	stream.indirect.scatter.add.f32 [tilespmem:s16], [sflag:$0x6], $0x80, s10, s14, $0xb8;
	[tilespmem:$0x1F880] =	vst v63  }
0x236: {  	_ =	swait.ge [sflag:s21], $0x2800  }
0x237: {  	[sflag:s21] =	ssyncset.done $0x0  }
0x238: {  	s11 =	rddreg [dreg:$0x9];
	[sflag:s21] =	ssyncadd.s32 $0xFFFFD800  }
0x239: {  	[spmem:s2] =	stream.indirect.scatter.add.f32 [tilespmem:s17], [sflag:$0x7], $0x80, s11, s14, $0xb8;
	[tilespmem:$0x1F880] =	vst v63  }
0x23a: {  	_ =	swait.ge [sflag:s22], $0x2800  }
0x23b: {  	[sflag:s22] =	ssyncset.done $0x0  }
0x23c: {  	s9 =	rddreg [dreg:$0xa];
	[sflag:s22] =	ssyncadd.s32 $0xFFFFD800  }
0x23d: {  	[spmem:s2] =	stream.indirect.scatter.add.f32 [tilespmem:s18], [sflag:$0x8], $0x80, s9, s14, $0xb8;
	[tilespmem:$0x1F880] =	vst v63  }
0x23e: {  	_ =	swait.ge [sflag:s23], $0x2800  }
0x23f: {  	[sflag:s23] =	ssyncset.done $0x0  }
0x240: {  	[sflag:s23] =	ssyncadd.s32 $0xFFFFD800  }
0x241: {  	_ =	swait.ge [sflag:s24], $0x2800  }
0x242: {  	[sflag:s24] =	ssyncset.done $0x0  }
0x243: {  	[sflag:s24] =	ssyncadd.s32 $0xFFFFD800  }
0x244: {  	_ =	swait.ge [sflag:s25], $0x2800  }
0x245: {  	[sflag:s25] =	ssyncset.done $0x0  }
0x246: {  	[sflag:s25] =	ssyncadd.s32 $0xFFFFD800  }
0x247: {  	_ =	swait.ge [sflag:s26], $0x2800  }
0x248: {  	[sflag:s26] =	ssyncset.done $0x0  }
0x249: {  	s10 =	rddreg [dreg:$0xb];
	[sflag:s26] =	ssyncadd.s32 $0xFFFFD800  }
0x24a: {  	[tilespmem:s15], [sflag:$0x1] =	stream.indirect.gather [hbm4b:s4+s14], $0x80, s10, s14, $0xb8;
	[tilespmem:$0x1F880] =	vst v63  }
0x24b: {  	s11 =	rddreg [dreg:$0xc]  }
0x24c: {  	[tilespmem:s16], [sflag:$0x2] =	stream.indirect.gather [hbm4b:s4+s14], $0x80, s11, s14, $0xb8;
	[tilespmem:$0x1F880] =	vst v63  }
0x24d: {  	s10 =	rddreg [dreg:$0xd]  }
0x24e: {  	[tilespmem:s17], [sflag:$0x3] =	stream.indirect.gather [hbm4b:s4+s14], $0x80, s10, s14, $0xb8;
	[tilespmem:$0x1F880] =	vst v63  }
0x24f: {  	s11 =	rddreg [dreg:$0xe]  }
0x250: {  	[tilespmem:s18], [sflag:$0x4] =	stream.indirect.gather [hbm4b:s4+s14], $0x80, s11, s14, $0xb8;
	[tilespmem:$0x1F880] =	vst v63  }
0x251: {  	_ =	swait.ge [sflag:s19], $0x2800  }
0x252: {  	[sflag:s19] =	ssyncset.done $0x0  }
0x253: {  	s9 =	rddreg [dreg:$0xf];
	[sflag:s19] =	ssyncadd.s32 $0xFFFFD800  }
0x254: {  	[spmem:s2] =	stream.indirect.scatter.add.f32 [tilespmem:s15], [sflag:$0x5], $0x80, s9, s14, $0xb8;
	[tilespmem:$0x1F880] =	vst v63  }
0x255: {  	_ =	swait.ge [sflag:s20], $0x2800  }
0x256: {  	[sflag:s20] =	ssyncset.done $0x0  }
0x257: {  	s10 =	rddreg [dreg:$0x10];
	[sflag:s20] =	ssyncadd.s32 $0xFFFFD800  }
0x258: {  	[spmem:s2] =	stream.indirect.scatter.add.f32 [tilespmem:s16], [sflag:$0x6], $0x80, s10, s14, $0xb8;
	[tilespmem:$0x1F880] =	vst v63  }
0x259: {  	_ =	swait.ge [sflag:s21], $0x2800  }
0x25a: {  	[sflag:s21] =	ssyncset.done $0x0  }
0x25b: {  	s11 =	rddreg [dreg:$0x11];
	[sflag:s21] =	ssyncadd.s32 $0xFFFFD800  }
0x25c: {  	[spmem:s2] =	stream.indirect.scatter.add.f32 [tilespmem:s17], [sflag:$0x7], $0x80, s11, s14, $0xb8;
	[tilespmem:$0x1F880] =	vst v63  }
0x25d: {  	_ =	swait.ge [sflag:s22], $0x2800  }
0x25e: {  	[sflag:s22] =	ssyncset.done $0x0  }
0x25f: {  	s9 =	rddreg [dreg:$0x12];
	[sflag:s22] =	ssyncadd.s32 $0xFFFFD800  }
0x260: {  	[spmem:s2] =	stream.indirect.scatter.add.f32 [tilespmem:s18], [sflag:$0x8], $0x80, s9, s14, $0xb8;
	[tilespmem:$0x1F880] =	vst v63  }
0x261: {  	_ =	swait.ge [sflag:s23], $0x2800  }
0x262: {  	[sflag:s23] =	ssyncset.done $0x0  }
0x263: {  	[sflag:s23] =	ssyncadd.s32 $0xFFFFD800  }
0x264: {  	_ =	swait.ge [sflag:s24], $0x2800  }
0x265: {  	[sflag:s24] =	ssyncset.done $0x0  }
0x266: {  	[sflag:s24] =	ssyncadd.s32 $0xFFFFD800  }
0x267: {  	_ =	swait.ge [sflag:s25], $0x2800  }
0x268: {  	[sflag:s25] =	ssyncset.done $0x0  }
0x269: {  	[sflag:s25] =	ssyncadd.s32 $0xFFFFD800  }
0x26a: {  	_ =	swait.ge [sflag:s26], $0x2800  }
0x26b: {  	[sflag:s26] =	ssyncset.done $0x0  }
0x26c: {  	s10 =	rddreg [dreg:$0x13];
	[sflag:s26] =	ssyncadd.s32 $0xFFFFD800  }
0x26d: {  	[tilespmem:s15], [sflag:$0x1] =	stream.indirect.gather [hbm4b:s4+s14], $0x80, s10, s14, $0xb8;
	[tilespmem:$0x1F880] =	vst v63  }
0x26e: {  	s11 =	rddreg [dreg:$0x14]  }
0x26f: {  	[tilespmem:s16], [sflag:$0x2] =	stream.indirect.gather [hbm4b:s4+s14], $0x80, s11, s14, $0xb8;
	[tilespmem:$0x1F880] =	vst v63  }
0x270: {  	s10 =	rddreg [dreg:$0x15]  }
0x271: {  	[tilespmem:s17], [sflag:$0x3] =	stream.indirect.gather [hbm4b:s4+s14], $0x80, s10, s14, $0xb8;
	[tilespmem:$0x1F880] =	vst v63  }
0x272: {  	s11 =	rddreg [dreg:$0x16]  }
0x273: {  	[tilespmem:s18], [sflag:$0x4] =	stream.indirect.gather [hbm4b:s4+s14], $0x80, s11, s14, $0xb8;
	[tilespmem:$0x1F880] =	vst v63  }
0x274: {  	_ =	swait.ge [sflag:s19], $0x2800  }
0x275: {  	[sflag:s19] =	ssyncset.done $0x0  }
0x276: {  	s9 =	rddreg [dreg:$0x17];
	[sflag:s19] =	ssyncadd.s32 $0xFFFFD800  }
0x277: {  	[spmem:s2] =	stream.indirect.scatter.add.f32 [tilespmem:s15], [sflag:$0x5], $0x80, s9, s14, $0xb8;
	[tilespmem:$0x1F880] =	vst v63  }
0x278: {  	_ =	swait.ge [sflag:s20], $0x2800  }
0x279: {  	[sflag:s20] =	ssyncset.done $0x0  }
0x27a: {  	s10 =	rddreg [dreg:$0x18];
	[sflag:s20] =	ssyncadd.s32 $0xFFFFD800  }
0x27b: {  	[spmem:s2] =	stream.indirect.scatter.add.f32 [tilespmem:s16], [sflag:$0x6], $0x80, s10, s14, $0xb8;
	[tilespmem:$0x1F880] =	vst v63  }
0x27c: {  	_ =	swait.ge [sflag:s21], $0x2800  }
0x27d: {  	[sflag:s21] =	ssyncset.done $0x0  }
0x27e: {  	s11 =	rddreg [dreg:$0x19];
	[sflag:s21] =	ssyncadd.s32 $0xFFFFD800  }
0x27f: {  	[spmem:s2] =	stream.indirect.scatter.add.f32 [tilespmem:s17], [sflag:$0x7], $0x80, s11, s14, $0xb8;
	[tilespmem:$0x1F880] =	vst v63  }
0x280: {  	_ =	swait.ge [sflag:s22], $0x2800  }
0x281: {  	[sflag:s22] =	ssyncset.done $0x0  }
0x282: {  	s9 =	rddreg [dreg:$0x1a];
	[sflag:s22] =	ssyncadd.s32 $0xFFFFD800  }
0x283: {  	[spmem:s2] =	stream.indirect.scatter.add.f32 [tilespmem:s18], [sflag:$0x8], $0x80, s9, s14, $0xb8;
	[tilespmem:$0x1F880] =	vst v63  }
0x284: {  	_ =	swait.ge [sflag:s23], $0x2800  }
0x285: {  	[sflag:s23] =	ssyncset.done $0x0  }
0x286: {  	[sflag:s23] =	ssyncadd.s32 $0xFFFFD800  }
0x287: {  	_ =	swait.ge [sflag:s24], $0x2800  }
0x288: {  	[sflag:s24] =	ssyncset.done $0x0  }
0x289: {  	[sflag:s24] =	ssyncadd.s32 $0xFFFFD800  }
0x28a: {  	_ =	swait.ge [sflag:s25], $0x2800  }
0x28b: {  	[sflag:s25] =	ssyncset.done $0x0  }
0x28c: {  	[sflag:s25] =	ssyncadd.s32 $0xFFFFD800  }
0x28d: {  	_ =	swait.ge [sflag:s26], $0x2800  }
0x28e: {  	[sflag:s26] =	ssyncset.done $0x0  }
0x28f: {  	s10 =	rddreg [dreg:$0x1b];
	[sflag:s26] =	ssyncadd.s32 $0xFFFFD800  }
0x290: {  	[tilespmem:s15], [sflag:$0x1] =	stream.indirect.gather [hbm4b:s4+s14], $0x80, s10, s14, $0xb8;
	[tilespmem:$0x1F880] =	vst v63  }
0x291: {  	s11 =	rddreg [dreg:$0x1c]  }
0x292: {  	[tilespmem:s16], [sflag:$0x2] =	stream.indirect.gather [hbm4b:s4+s14], $0x80, s11, s14, $0xb8;
	[tilespmem:$0x1F880] =	vst v63  }
0x293: {  	s10 =	rddreg [dreg:$0x1d]  }
0x294: {  	[tilespmem:s17], [sflag:$0x3] =	stream.indirect.gather [hbm4b:s4+s14], $0x80, s10, s14, $0xb8;
	[tilespmem:$0x1F880] =	vst v63  }
0x295: {  	s11 =	rddreg [dreg:$0x1e]  }
0x296: {  	[tilespmem:s18], [sflag:$0x4] =	stream.indirect.gather [hbm4b:s4+s14], $0x80, s11, s14, $0xb8;
	[tilespmem:$0x1F880] =	vst v63  }
0x297: {  	_ =	swait.ge [sflag:s19], $0x2800  }
0x298: {  	[sflag:s19] =	ssyncset.done $0x0  }
0x299: {  	s9 =	rddreg [dreg:$0x1f];
	[sflag:s19] =	ssyncadd.s32 $0xFFFFD800  }
0x29a: {  	[spmem:s2] =	stream.indirect.scatter.add.f32 [tilespmem:s15], [sflag:$0x5], $0x80, s9, s14, $0xb8;
	[tilespmem:$0x1F880] =	vst v63  }
0x29b: {  	_ =	swait.ge [sflag:s20], $0x2800  }
0x29c: {  	s10 =	sld [smem:$0x7F0]  }
0x29d: {  	[sflag:s20] =	ssyncset.done $0x0  }
0x29e: {  	[sflag:s20] =	ssyncadd.s32 $0xFFFFD800  }
0x29f: {  	[spmem:s2] =	stream.indirect.scatter.add.f32 [tilespmem:s16], [sflag:$0x6], $0x80, s10, s14, $0xb8;
	[tilespmem:$0x1F880] =	vst v63  }
0x2a0: {  	_ =	swait.ge [sflag:s21], $0x2800  }
0x2a1: {  	s11 =	sld [smem:$0x7F1]  }
0x2a2: {  	[sflag:s21] =	ssyncset.done $0x0  }
0x2a3: {  	[sflag:s21] =	ssyncadd.s32 $0xFFFFD800  }
0x2a4: {  	[spmem:s2] =	stream.indirect.scatter.add.f32 [tilespmem:s17], [sflag:$0x7], $0x80, s11, s14, $0xb8;
	[tilespmem:$0x1F880] =	vst v63  }
0x2a5: {  	_ =	swait.ge [sflag:s22], $0x2800  }
0x2a6: {  	s9 =	sld [smem:$0x7F2]  }
0x2a7: {  	[sflag:s22] =	ssyncset.done $0x0  }
0x2a8: {  	[sflag:s22] =	ssyncadd.s32 $0xFFFFD800  }
0x2a9: {  	[spmem:s2] =	stream.indirect.scatter.add.f32 [tilespmem:s18], [sflag:$0x8], $0x80, s9, s14, $0xb8;
	[tilespmem:$0x1F880] =	vst v63  }
0x2aa: {  	_ =	swait.ge [sflag:s23], $0x2800  }
0x2ab: {  	[sflag:s23] =	ssyncset.done $0x0  }
0x2ac: {  	[sflag:s23] =	ssyncadd.s32 $0xFFFFD800  }
0x2ad: {  	_ =	swait.ge [sflag:s24], $0x2800  }
0x2ae: {  	[sflag:s24] =	ssyncset.done $0x0  }
0x2af: {  	[sflag:s24] =	ssyncadd.s32 $0xFFFFD800  }
0x2b0: {  	_ =	swait.ge [sflag:s25], $0x2800  }
0x2b1: {  	[sflag:s25] =	ssyncset.done $0x0  }
0x2b2: {  	[sflag:s25] =	ssyncadd.s32 $0xFFFFD800  }
0x2b3: {  	_ =	swait.ge [sflag:s26], $0x2800  }
0x2b4: {  	s10 =	sld [smem:$0x7F3]  }
0x2b5: {  	[sflag:s26] =	ssyncset.done $0x0  }
0x2b6: {  	s11 =	sld [smem:$0x7F4];
	[sflag:s26] =	ssyncadd.s32 $0xFFFFD800  }
0x2b7: {  	[tilespmem:s15], [sflag:$0x1] =	stream.indirect.gather [hbm4b:s4+s14], $0x80, s10, s14, $0xb8;
	[tilespmem:$0x1F880] =	vst v63  }
0x2b8: {  	s10 =	sld [smem:$0x7F5]  }
0x2b9: {  	[tilespmem:s16], [sflag:$0x2] =	stream.indirect.gather [hbm4b:s4+s14], $0x80, s11, s14, $0xb8;
	[tilespmem:$0x1F880] =	vst v63  }
0x2ba: {  	s11 =	sld [smem:$0x7F6]  }
0x2bb: {  	[tilespmem:s17], [sflag:$0x3] =	stream.indirect.gather [hbm4b:s4+s14], $0x80, s10, s14, $0xb8;
	[tilespmem:$0x1F880] =	vst v63  }
0x2bc: {  	_ = 	snop  }
0x2bd: {  	[tilespmem:s18], [sflag:$0x4] =	stream.indirect.gather [hbm4b:s4+s14], $0x80, s11, s14, $0xb8;
	[tilespmem:$0x1F880] =	vst v63  }
0x2be: {  	_ =	swait.ge [sflag:s19], $0x2800  }
0x2bf: {  	s10 =	sld [smem:$0x7F7]  }
0x2c0: {  	[sflag:s19] =	ssyncset.done $0x0  }
0x2c1: {  	[sflag:s19] =	ssyncadd.s32 $0xFFFFD800  }
0x2c2: {  	[spmem:s2] =	stream.indirect.scatter.add.f32 [tilespmem:s15], [sflag:$0x5], $0x80, s10, s14, $0xb8;
	[tilespmem:$0x1F880] =	vst v63  }
0x2c3: {  	_ =	swait.ge [sflag:s20], $0x2800  }
0x2c4: {  	s11 =	sld [smem:$0x7F8]  }
0x2c5: {  	[sflag:s20] =	ssyncset.done $0x0  }
0x2c6: {  	[sflag:s20] =	ssyncadd.s32 $0xFFFFD800  }
0x2c7: {  	[spmem:s2] =	stream.indirect.scatter.add.f32 [tilespmem:s16], [sflag:$0x6], $0x80, s11, s14, $0xb8;
	[tilespmem:$0x1F880] =	vst v63  }
0x2c8: {  	_ =	swait.ge [sflag:s21], $0x2800  }
0x2c9: {  	s9 =	sld [smem:$0x7F9]  }
0x2ca: {  	[sflag:s21] =	ssyncset.done $0x0  }
0x2cb: {  	[sflag:s21] =	ssyncadd.s32 $0xFFFFD800  }
0x2cc: {  	[spmem:s2] =	stream.indirect.scatter.add.f32 [tilespmem:s17], [sflag:$0x7], $0x80, s9, s14, $0xb8;
	[tilespmem:$0x1F880] =	vst v63  }
0x2cd: {  	_ =	swait.ge [sflag:s22], $0x2800  }
0x2ce: {  	s10 =	sld [smem:$0x7FA]  }
0x2cf: {  	[sflag:s22] =	ssyncset.done $0x0  }
0x2d0: {  	[sflag:s22] =	ssyncadd.s32 $0xFFFFD800  }
0x2d1: {  	[spmem:s2] =	stream.indirect.scatter.add.f32 [tilespmem:s18], [sflag:$0x8], $0x80, s10, s14, $0xb8;
	[tilespmem:$0x1F880] =	vst v63  }
0x2d2: {  	_ =	swait.ge [sflag:s23], $0x2800  }
0x2d3: {  	[sflag:s23] =	ssyncset.done $0x0  }
0x2d4: {  	[sflag:s23] =	ssyncadd.s32 $0xFFFFD800  }
0x2d5: {  	_ =	swait.ge [sflag:s24], $0x2800  }
0x2d6: {  	[sflag:s24] =	ssyncset.done $0x0  }
0x2d7: {  	[sflag:s24] =	ssyncadd.s32 $0xFFFFD800  }
0x2d8: {  	_ =	swait.ge [sflag:s25], $0x2800  }
0x2d9: {  	[sflag:s25] =	ssyncset.done $0x0  }
0x2da: {  	[sflag:s25] =	ssyncadd.s32 $0xFFFFD800  }
0x2db: {  	_ =	swait.ge [sflag:s26], $0x2800  }
0x2dc: {  	s11 =	sld [smem:$0x7FB]  }
0x2dd: {  	[sflag:s26] =	ssyncset.done $0x0  }
0x2de: {  	[sflag:s26] =	ssyncadd.s32 $0xFFFFD800  }
0x2df: {  	[tilespmem:s15], [sflag:$0x1] =	stream.indirect.gather [hbm4b:s4+s14], $0x80, s11, s14, $0xb8;
	[tilespmem:$0x1F880] =	vst v63  }
0x2e0: {  	_ = 	snop  }
0x2e1: {  	[tilespmem:s16], [sflag:$0x2] =	stream.indirect.gather [hbm4b:s4+s14], $0x80, s28, s14, $0xb8;
	[tilespmem:$0x1F880] =	vst v63  }
0x2e2: {  	_ = 	snop  }
0x2e3: {  	[tilespmem:s17], [sflag:$0x3] =	stream.indirect.gather [hbm4b:s4+s14], $0x80, s29, s14, $0xb8;
	[tilespmem:$0x1F880] =	vst v63  }
0x2e4: {  	_ = 	snop  }
0x2e5: {  	[tilespmem:s18], [sflag:$0x4] =	stream.indirect.gather [hbm4b:s4+s14], $0x80, s30, s14, $0xb8;
	[tilespmem:$0x1F880] =	vst v63  }
0x2e6: {  	_ =	swait.ge [sflag:s19], $0x2800  }
0x2e7: {  	[sflag:s19] =	ssyncset.done $0x0  }
0x2e8: {  	[sflag:s19] =	ssyncadd.s32 $0xFFFFD800  }
0x2e9: {  	[spmem:s2] =	stream.indirect.scatter.add.f32 [tilespmem:s15], [sflag:$0x5], $0x80, s31, s14, $0xb8;
	[tilespmem:$0x1F880] =	vst v63  }
0x2ea: {  	_ =	swait.ge [sflag:s20], $0x2800  }
0x2eb: {  	[sflag:s20] =	ssyncset.done $0x0  }
0x2ec: {  	[sflag:s20] =	ssyncadd.s32 $0xFFFFD800  }
0x2ed: {  	[spmem:s2] =	stream.indirect.scatter.add.f32 [tilespmem:s16], [sflag:$0x6], $0x80, s1, s14, $0xb8;
	[tilespmem:$0x1F880] =	vst v63  }
0x2ee: {  	_ =	swait.ge [sflag:s21], $0x2800  }
0x2ef: {  	[sflag:s21] =	ssyncset.done $0x0  }
0x2f0: {  	[sflag:s21] =	ssyncadd.s32 $0xFFFFD800  }
0x2f1: {  	[spmem:s2] =	stream.indirect.scatter.add.f32 [tilespmem:s17], [sflag:$0x7], $0x80, s0, s14, $0xb8;
	[tilespmem:$0x1F880] =	vst v63  }
0x2f2: {  	_ =	swait.ge [sflag:s22], $0x2800  }
0x2f3: {  	[sflag:s22] =	ssyncset.done $0x0  }
0x2f4: {  	[sflag:s22] =	ssyncadd.s32 $0xFFFFD800  }
0x2f5: {  	[spmem:s2] =	stream.indirect.scatter.add.f32 [tilespmem:s18], [sflag:$0x8], $0x80, s6, s14, $0xb8;
	[tilespmem:$0x1F880] =	vst v63  }
0x2f6: {  	_ =	swait.ge [sflag:s23], $0x2800  }
0x2f7: {  	[sflag:s23] =	ssyncset.done $0x0  }
0x2f8: {  	[sflag:s23] =	ssyncadd.s32 $0xFFFFD800  }
0x2f9: {  	_ =	swait.ge [sflag:s24], $0x2800  }
0x2fa: {  	[sflag:s24] =	ssyncset.done $0x0  }
0x2fb: {  	[sflag:s24] =	ssyncadd.s32 $0xFFFFD800  }
0x2fc: {  	_ =	swait.ge [sflag:s25], $0x2800  }
0x2fd: {  	[sflag:s25] =	ssyncset.done $0x0  }
0x2fe: {  	[sflag:s25] =	ssyncadd.s32 $0xFFFFD800  }
0x2ff: {  	_ =	swait.ge [sflag:s26], $0x2800  }
0x300: {  	[sflag:s26] =	ssyncset.done $0x0  }
0x301: {  	[sflag:s26] =	ssyncadd.s32 $0xFFFFD800  }
0x302: {  	[tilespmem:s15], [sflag:$0x1] =	stream.indirect.gather [hbm4b:s4+s14], $0x80, s7, s14, $0xb8;
	[tilespmem:$0x1F880] =	vst v63  }
0x303: {  	_ =	swait.ge [sflag:s19], $0x2800  }
0x304: {  	[sflag:s19] =	ssyncset.done $0x0  }
0x305: {  	[sflag:s19] =	ssyncadd.s32 $0xFFFFD800  }
0x306: {  	[spmem:s2] =	stream.indirect.scatter.add.f32 [tilespmem:s15], [sflag:$0x9], $0x80, s8, s14, $0xb8;
	[tilespmem:$0x1F880] =	vst v63  }
0x307: {  	_ =	swait.ge [sflag:s12], $0x2800  }
0x308: {  	[sflag:s12] =	ssyncset.done $0x0  }
0x309: {  	[sflag:s12] =	ssyncadd.s32 $0xFFFFD800  }
0x30a: {  	[bflag:$0x0] =	sbarrier.arrive $0xFFFF  }
0x30b: {  	s9 =	sld [smem:$0x7EC]  }
0x30c: {  	s10 =	sld [smem:$0x7EE];
	_ =	sdelay $0x1  }
0x30d: {  	s5 =	simm.s32 @p0 $0x1FC9  }
0x30e: {  	[hbm:s9], [sflag:s5] =	dma.local @p0 [spmem:s10], $0x2800  }
0x30f: {  	s5 =	simm.s32 @p0 $0x9  }
0x310: {  	_ =	swait.ge @p0 [sflag:s5], $0x2800  }
0x311: {  	s9 =	sld [smem:$0x7EF]  }
0x312: {  	[sflag:s5] =	ssyncset.done @p0 $0x0;
	s11 =	sld [smem:$0x7FD]  }
0x313: {  	[sflag:s5] =	ssyncadd.s32 @p0 $0xFFFFD800;
	s5 =	sld [smem:$0x7EB];
	_ =	sdelay $0x2  }
0x314: {  	[hbm:s5], [sflag:s9] =	dma.local @!p0 [spmem:s11], $0x2700  }
0x315: {  	s5 =	simm.s32 @!p0 $0x9  }
0x316: {  	_ =	swait.ge @!p0 [sflag:s5], $0x2700  }
0x317: {  	s9 =	sld [smem:$0x7FC];
	_ =	sdelay $0x2  }
0x318: {  	s10 =	sadd.s32 $0x1, s9;
	s9 =	sld [smem:$0x7ED];
	_ =	sdelay $0x2  }
0x319: {  	p1 =	sne.s32 s10, s9  }
.Ltmp1:
0x31a: {  	_ = 	snop;
	(pc) =	sbr.rel @p1 .LBB2_1-.Ltmp1, $3  }
0x31b: {  	_ =	sdelay $0x1  }
0x31c: {  	[sflag:s5] =	ssyncset.done @!p0 $0x0  }
0x31d: {  	[sflag:s5] =	ssyncadd.s32 @!p0 $0xFFFFD900;
	[smem:$0x7FC] =	sst s10  }
0x31e: {  	_ =	sfence.sel $0x180000  }
0x31f: {  	[bflag:$0x0] =	sbarrier.arrive $0xFFFF  }
0x320: {  	_ =	strace $0x90000050  }
0x321: {  	s0 =	stileid.u32;
	[bflag:$0x2] =	sbarrier.arrive $0xFFFF  }
0x322: {  	p0 =	sne.s32 s0, $0x0;
	s0 =	rddreg [dreg:$0x2]  }
0x323: {  	s0 =	sadd.s32 @!p0 $0x100000, s0  }
0x324: {  	[sflag:s0] =	ssyncadd.tile.s32 @!p0 $0x1;
	_ =	shalt  }
.Lfunc_end2:
_tile_overlayer_lowered:
.L_overlay_start_2:
0x325: {  	(tag) =	ssettag $0x2  }
0x326: {  	s0 =	rddreg [dreg:$0x0];
	s2 =	stileid.u32  }
0x327: {  	s1 =	rddreg [dreg:$0x1];
	p0 =	sne.s32 s2, $0x0  }
0x328: {  	s3 =	rddreg [dreg:$0x2];
	[bflag:$0x3] =	sbarrier.arrive $0xFFFF;
	s2 =	simm.s32 @!p0 $0x1C09  }
0x329: {  	[timem:s3], [sflag:s2] =	dma.local @!p0 [hbm:s0], s1  }
0x32a: {  	s0 =	simm.s32 @!p0 $0x9  }
0x32b: {  	_ =	swait.ge @!p0 [sflag:s0], s1  }
0x32c: {  	s1 =	ssub.s32 @!p0 $0x0, s1;
	[sflag:s0] =	ssyncset.done @!p0 $0x0  }
0x32d: {  	[sflag:s0] =	ssyncadd.s32 @!p0 s1  }
0x32e: {  	[bflag:$0x3] =	sbarrier.arrive $0xFFFF  }
0x32f: {  	_ =	shalt  }

</sc_bundles>
